<compile_context>
chip_gen: v7x
topology: tpu7x:2x2x1
jax: 0.10.2.dev20260603
libtpu: 0.0.44.dev20260713+nightly
codegen_flags: <defaults>
</compile_context>

<pallas_src>
import functools

import jax
import jax.numpy as jnp
from jax import lax
from jax.experimental import pallas as pl
from jax.experimental.pallas import tpu as pltpu
from jax.experimental.pallas import tpu_sc as plsc

NUM_CLASSES = 100000
FEAT_DIM = 64
BATCH = 16384

NC = 2
NS = 16
L = 16
NW = NC * NS
DPW = FEAT_DIM // NW
BCHUNK = 4096
NBCH = BATCH // BCHUNK
UNROLL = 4
HALF_A = 50048
HALF_B = NUM_CLASSES - HALF_A


def _body(feat_hbm, lab_hbm, cent_hbm, out_hbm, ta_v, tb_v, lab_v, f_v,
          acc_v, tsema, tsemb, lsem, fsem0, fsem1):
    c = lax.axis_index("c")
    s = lax.axis_index("s")
    wid = s * NC + c
    fsems = (fsem0, fsem1)

    seq = [(d, p, ch) for d in range(DPW) for p in range(2)
           for ch in range(NBCH)]

    def issue_f(k):
        d, _, ch = seq[k]
        return pltpu.async_copy(
            feat_hbm.at[wid * DPW + d, pl.ds(ch * BCHUNK, BCHUNK)],
            f_v.at[k % 2], fsems[k % 2])

    def issue_ta(d):
        return pltpu.async_copy(cent_hbm.at[wid * DPW + d, pl.ds(0, HALF_A)],
                                ta_v, tsema)

    def issue_tb(d):
        return pltpu.async_copy(
            cent_hbm.at[wid * DPW + d, pl.ds(HALF_A, HALF_B)], tb_v, tsemb)

    tda = issue_ta(0)
    lb = pltpu.async_copy(lab_hbm, lab_v, lsem)
    fdesc = {0: issue_f(0), 1: issue_f(1)}
    tdb = issue_tb(0)
    lb.wait()

    zero = jnp.zeros((L,), jnp.float32)
    accs = (zero,) * UNROLL

    for k, (d, p, ch) in enumerate(seq):
        if p == 0 and ch == 0:
            tda.wait()
        if p == 1 and ch == 0:
            tdb.wait()
        fdesc[k].wait()
        cbase = ch * BCHUNK
        fb = k % 2

        def group(g, carry):
            out = []
            for u in range(UNROLL):
                off = (g * UNROLL + u) * L
                idx = lab_v[pl.ds(cbase + off, L)]
                fv = f_v[fb, pl.ds(off, L)]
                if p == 0:
                    m = idx < HALF_A
                    tv = plsc.load_gather(ta_v, [idx], mask=m)
                else:
                    m = idx >= HALF_A
                    tv = plsc.load_gather(tb_v, [idx - HALF_A], mask=m)
                dd = fv - tv
                out.append(carry[u] + jnp.where(m, dd * dd, 0.0))
            return tuple(out)

        accs = lax.fori_loop(0, BCHUNK // (L * UNROLL), group, accs)

        if k + 2 < len(seq):
            fdesc[k + 2] = issue_f(k + 2)
        if d == 0 and p == 0 and ch == NBCH - 1 and DPW > 1:
            tda = issue_ta(1)
        if d == 0 and p == 1 and ch == NBCH - 1 and DPW > 1:
            tdb = issue_tb(1)

    acc_v[...] = (accs[0] + accs[1]) + (accs[2] + accs[3])
    pltpu.sync_copy(acc_v, out_hbm.at[wid])


_partials = functools.partial(
    pl.kernel,
    out_type=jax.ShapeDtypeStruct((NW, L), jnp.float32),
    mesh=plsc.VectorSubcoreMesh(core_axis_name="c", subcore_axis_name="s",
                                num_cores=NC, num_subcores=NS),
    scratch_types=[
        pltpu.VMEM((HALF_A,), jnp.float32),
        pltpu.VMEM((HALF_B,), jnp.float32),
        pltpu.VMEM((BATCH,), jnp.int32),
        pltpu.VMEM((2, BCHUNK), jnp.float32),
        pltpu.VMEM((L,), jnp.float32),
        pltpu.SemaphoreType.DMA,
        pltpu.SemaphoreType.DMA,
        pltpu.SemaphoreType.DMA,
        pltpu.SemaphoreType.DMA,
        pltpu.SemaphoreType.DMA,
    ],
    compiler_params=pltpu.CompilerParams(needs_layout_passes=False),
)(_body)


@jax.jit
def kernel(features, labels, centers):
    batch_size = features.shape[0]
    partials = _partials(features.T, labels.astype(jnp.int32), centers.T)
    return jnp.sum(partials) / (2.0 * batch_size)

# --- scband reference (transcript-rebuilt; emitter-appended) ---
"""Pipeline reference for scband-center-loss-29970281791912 (READ-ONLY COPY).

The authoritative reference and input builder live on the scoring server;
editing this copy changes nothing except your own understanding.
"""

import jax, jax.numpy as jnp
import numpy as np

NUM_CLASSES = 100000
FEAT_DIM = 64
BATCH = 16384

def setup_inputs(seed: int = 0) -> dict:
    key = jax.random.key(seed)
    k1, k2, k3 = jax.random.split(key, 3)
    features = jax.random.normal(k1, (BATCH, FEAT_DIM), dtype=jnp.float32)
    labels = jax.random.randint(k2, (BATCH,), 0, NUM_CLASSES, dtype=jnp.int64 if jax.config.jax_enable_x64 else jnp.int32)
    centers = jax.random.normal(k3, (NUM_CLASSES, FEAT_DIM), dtype=jnp.float32)
    return {"features": features, "labels": labels, "centers": centers}

def reference(features, labels, centers):
    batch_size = features.shape[0]
    centers_batch = jnp.take(centers, labels, axis=0)
    loss = jnp.sum((features - centers_batch) ** 2) / (2.0 * batch_size)
    return loss

if __name__ == "__main__":
    import jax
    _d = setup_inputs()
    print(jax.jit(kernel)(*tuple(_d.values())))

</pallas_src>

<mosaic_0001>
#map = affine_map<(d0, d1) -> (0, 0)>
#map1 = affine_map<(d0, d1) -> (0)>
module attributes {stable_mosaic.version = 14 : i64} {
  func.func @_body(%arg0: i32, %arg1: i32, %arg2: memref<64x16384xf32, #tpu.memory_space<hbm>>, %arg3: memref<16384xi32, #tpu.memory_space<hbm>>, %arg4: memref<64x100000xf32, #tpu.memory_space<hbm>>, %arg5: memref<32x16xf32, #tpu.memory_space<hbm>>, %arg6: memref<50048xf32, #tpu.memory_space<vmem>>, %arg7: memref<49952xf32, #tpu.memory_space<vmem>>, %arg8: memref<16384xi32, #tpu.memory_space<vmem>>, %arg9: memref<2x4096xf32, #tpu.memory_space<vmem>>, %arg10: memref<16xf32, #tpu.memory_space<vmem>>, %arg11: memref<!tpu.dma_semaphore, #tpu.memory_space<semaphore_mem>>, %arg12: memref<!tpu.dma_semaphore, #tpu.memory_space<semaphore_mem>>, %arg13: memref<!tpu.dma_semaphore, #tpu.memory_space<semaphore_mem>>, %arg14: memref<!tpu.dma_semaphore, #tpu.memory_space<semaphore_mem>>, %arg15: memref<!tpu.dma_semaphore, #tpu.memory_space<semaphore_mem>>) attributes {dimension_semantics = [#tpu.dimension_semantics<core_parallel>, #tpu.dimension_semantics<subcore_parallel>], iteration_bounds = array<i64: 2, 16>, scalar_prefetch = 0 : i64, scratch_operands = 10 : i64, tpu.core_type = #tpu.core_type<sc_vector_subcore>, window_params = [{transform_indices = #map}, {transform_indices = #map1}, {transform_indices = #map}, {transform_indices = #map}]} {
    %mul3A = arith.constant 2 : i32
    %mul3A_0 = arith.muli %arg1, %mul3A : i32
    %add3A = arith.addi %mul3A_0, %arg0 : i32
    %mul3A_1 = arith.constant 2 : i32
    %mul3A_2 = arith.muli %add3A, %mul3A_1 : i32
    %add3A_3 = arith.constant 0 : i32
    %add3A_4 = arith.addi %mul3A_2, %add3A_3 : i32
    %dma_start3A = arith.constant 0 : i32
    %dma_start3A_5 = tpu.memref_slice %arg4[%add3A_4, %dma_start3A] : memref<64x100000xf32, #tpu.memory_space<hbm>> -> memref<1x50048xf32, #tpu.memory_space<hbm>>
    %dma_start3A_6 = tpu.memref_squeeze %dma_start3A_5 : memref<1x50048xf32, #tpu.memory_space<hbm>> -> memref<50048xf32, #tpu.memory_space<hbm>>
    %dma_start3A_7 = arith.constant 0 : i32
    %dma_start3A_8 = tpu.memref_slice %arg4[%add3A_4, %dma_start3A_7] : memref<64x100000xf32, #tpu.memory_space<hbm>> -> memref<1x50048xf32, #tpu.memory_space<hbm>>
    %dma_start3A_9 = tpu.memref_squeeze %dma_start3A_8 : memref<1x50048xf32, #tpu.memory_space<hbm>> -> memref<50048xf32, #tpu.memory_space<hbm>>
    tpu.enqueue_dma source(%dma_start3A_9 : memref<50048xf32, #tpu.memory_space<hbm>>) target(%arg6 : memref<50048xf32, #tpu.memory_space<vmem>>) target_semaphore(%arg11 : memref<!tpu.dma_semaphore, #tpu.memory_space<semaphore_mem>>)
    tpu.enqueue_dma source(%arg3 : memref<16384xi32, #tpu.memory_space<hbm>>) target(%arg8 : memref<16384xi32, #tpu.memory_space<vmem>>) target_semaphore(%arg13 : memref<!tpu.dma_semaphore, #tpu.memory_space<semaphore_mem>>)
    %mul3A_10 = arith.constant 2 : i32
    %mul3A_11 = arith.muli %add3A, %mul3A_10 : i32
    %add3A_12 = arith.constant 0 : i32
    %add3A_13 = arith.addi %mul3A_11, %add3A_12 : i32
    %dma_start3A_14 = arith.constant 0 : i32
    %dma_start3A_15 = arith.constant 0 : i32
    %dma_start3A_16 = tpu.memref_slice %arg9[%dma_start3A_14, %dma_start3A_15] : memref<2x4096xf32, #tpu.memory_space<vmem>> -> memref<1x4096xf32, #tpu.memory_space<vmem>>
    %dma_start3A_17 = tpu.memref_squeeze %dma_start3A_16 : memref<1x4096xf32, #tpu.memory_space<vmem>> -> memref<4096xf32, #tpu.memory_space<vmem>>
    %dma_start3A_18 = arith.constant 0 : i32
    %dma_start3A_19 = tpu.memref_slice %arg2[%add3A_13, %dma_start3A_18] : memref<64x16384xf32, #tpu.memory_space<hbm>> -> memref<1x4096xf32, #tpu.memory_space<hbm>>
    %dma_start3A_20 = tpu.memref_squeeze %dma_start3A_19 : memref<1x4096xf32, #tpu.memory_space<hbm>> -> memref<4096xf32, #tpu.memory_space<hbm>>
    %dma_start3A_21 = arith.constant 0 : i32
    %dma_start3A_22 = tpu.memref_slice %arg9[%dma_start3A_14, %dma_start3A_21] : memref<2x4096xf32, #tpu.memory_space<vmem>> -> memref<1x4096xf32, #tpu.memory_space<vmem>>
    %dma_start3A_23 = tpu.memref_squeeze %dma_start3A_22 : memref<1x4096xf32, #tpu.memory_space<vmem>> -> memref<4096xf32, #tpu.memory_space<vmem>>
    %dma_start3A_24 = arith.constant 0 : i32
    %dma_start3A_25 = tpu.memref_slice %arg2[%add3A_13, %dma_start3A_24] : memref<64x16384xf32, #tpu.memory_space<hbm>> -> memref<1x4096xf32, #tpu.memory_space<hbm>>
    %dma_start3A_26 = tpu.memref_squeeze %dma_start3A_25 : memref<1x4096xf32, #tpu.memory_space<hbm>> -> memref<4096xf32, #tpu.memory_space<hbm>>
    tpu.enqueue_dma source(%dma_start3A_26 : memref<4096xf32, #tpu.memory_space<hbm>>) target(%dma_start3A_23 : memref<4096xf32, #tpu.memory_space<vmem>>) target_semaphore(%arg14 : memref<!tpu.dma_semaphore, #tpu.memory_space<semaphore_mem>>)
    %mul3A_27 = arith.constant 2 : i32
    %mul3A_28 = arith.muli %add3A, %mul3A_27 : i32
    %add3A_29 = arith.constant 0 : i32
    %add3A_30 = arith.addi %mul3A_28, %add3A_29 : i32
    %dma_start3A_31 = arith.constant 1 : i32
    %dma_start3A_32 = arith.constant 0 : i32
    %dma_start3A_33 = tpu.memref_slice %arg9[%dma_start3A_31, %dma_start3A_32] : memref<2x4096xf32, #tpu.memory_space<vmem>> -> memref<1x4096xf32, #tpu.memory_space<vmem>>
    %dma_start3A_34 = tpu.memref_squeeze %dma_start3A_33 : memref<1x4096xf32, #tpu.memory_space<vmem>> -> memref<4096xf32, #tpu.memory_space<vmem>>
    %dma_start3A_35 = arith.constant 4096 : i32
    %dma_start3A_36 = tpu.memref_slice %arg2[%add3A_30, %dma_start3A_35] : memref<64x16384xf32, #tpu.memory_space<hbm>> -> memref<1x4096xf32, #tpu.memory_space<hbm>>
    %dma_start3A_37 = tpu.memref_squeeze %dma_start3A_36 : memref<1x4096xf32, #tpu.memory_space<hbm>> -> memref<4096xf32, #tpu.memory_space<hbm>>
    %dma_start3A_38 = arith.constant 0 : i32
    %dma_start3A_39 = tpu.memref_slice %arg9[%dma_start3A_31, %dma_start3A_38] : memref<2x4096xf32, #tpu.memory_space<vmem>> -> memref<1x4096xf32, #tpu.memory_space<vmem>>
    %dma_start3A_40 = tpu.memref_squeeze %dma_start3A_39 : memref<1x4096xf32, #tpu.memory_space<vmem>> -> memref<4096xf32, #tpu.memory_space<vmem>>
    %dma_start3A_41 = arith.constant 4096 : i32
    %dma_start3A_42 = tpu.memref_slice %arg2[%add3A_30, %dma_start3A_41] : memref<64x16384xf32, #tpu.memory_space<hbm>> -> memref<1x4096xf32, #tpu.memory_space<hbm>>
    %dma_start3A_43 = tpu.memref_squeeze %dma_start3A_42 : memref<1x4096xf32, #tpu.memory_space<hbm>> -> memref<4096xf32, #tpu.memory_space<hbm>>
    tpu.enqueue_dma source(%dma_start3A_43 : memref<4096xf32, #tpu.memory_space<hbm>>) target(%dma_start3A_40 : memref<4096xf32, #tpu.memory_space<vmem>>) target_semaphore(%arg15 : memref<!tpu.dma_semaphore, #tpu.memory_space<semaphore_mem>>)
    %mul3A_44 = arith.constant 2 : i32
    %mul3A_45 = arith.muli %add3A, %mul3A_44 : i32
    %add3A_46 = arith.constant 0 : i32
    %add3A_47 = arith.addi %mul3A_45, %add3A_46 : i32
    %dma_start3A_48 = arith.constant 50048 : i32
    %dma_start3A_49 = tpu.memref_slice %arg4[%add3A_47, %dma_start3A_48] : memref<64x100000xf32, #tpu.memory_space<hbm>> -> memref<1x49952xf32, #tpu.memory_space<hbm>>
    %dma_start3A_50 = tpu.memref_squeeze %dma_start3A_49 : memref<1x49952xf32, #tpu.memory_space<hbm>> -> memref<49952xf32, #tpu.memory_space<hbm>>
    %dma_start3A_51 = arith.constant 50048 : i32
    %dma_start3A_52 = tpu.memref_slice %arg4[%add3A_47, %dma_start3A_51] : memref<64x100000xf32, #tpu.memory_space<hbm>> -> memref<1x49952xf32, #tpu.memory_space<hbm>>
    %dma_start3A_53 = tpu.memref_squeeze %dma_start3A_52 : memref<1x49952xf32, #tpu.memory_space<hbm>> -> memref<49952xf32, #tpu.memory_space<hbm>>
    tpu.enqueue_dma source(%dma_start3A_53 : memref<49952xf32, #tpu.memory_space<hbm>>) target(%arg7 : memref<49952xf32, #tpu.memory_space<vmem>>) target_semaphore(%arg12 : memref<!tpu.dma_semaphore, #tpu.memory_space<semaphore_mem>>)
    tpu.wait_dma2 semaphore(%arg13 : memref<!tpu.dma_semaphore, #tpu.memory_space<semaphore_mem>>) src(%arg3 : memref<16384xi32, #tpu.memory_space<hbm>>) dst(%arg8 : memref<16384xi32, #tpu.memory_space<vmem>>)
    %broadcast_in_dim3A = arith.constant 0.000000e+00 : f32
    %broadcast_in_dim3A_54 = vector.broadcast %broadcast_in_dim3A : f32 to vector<16xf32>
    %dma_wait3A = arith.constant 0 : i32
    %dma_wait3A_55 = tpu.memref_slice %arg4[%add3A_4, %dma_wait3A] : memref<64x100000xf32, #tpu.memory_space<hbm>> -> memref<1x50048xf32, #tpu.memory_space<hbm>>
    %dma_wait3A_56 = tpu.memref_squeeze %dma_wait3A_55 : memref<1x50048xf32, #tpu.memory_space<hbm>> -> memref<50048xf32, #tpu.memory_space<hbm>>
    %dma_wait3A_57 = arith.constant 0 : i32
    %dma_wait3A_58 = tpu.memref_slice %arg4[%add3A_4, %dma_wait3A_57] : memref<64x100000xf32, #tpu.memory_space<hbm>> -> memref<1x50048xf32, #tpu.memory_space<hbm>>
    %dma_wait3A_59 = tpu.memref_squeeze %dma_wait3A_58 : memref<1x50048xf32, #tpu.memory_space<hbm>> -> memref<50048xf32, #tpu.memory_space<hbm>>
    tpu.wait_dma2 semaphore(%arg11 : memref<!tpu.dma_semaphore, #tpu.memory_space<semaphore_mem>>) src(%dma_wait3A_59 : memref<50048xf32, #tpu.memory_space<hbm>>) dst(%arg6 : memref<50048xf32, #tpu.memory_space<vmem>>)
    %dma_wait3A_60 = arith.constant 0 : i32
    %dma_wait3A_61 = arith.constant 0 : i32
    %dma_wait3A_62 = tpu.memref_slice %arg9[%dma_wait3A_60, %dma_wait3A_61] : memref<2x4096xf32, #tpu.memory_space<vmem>> -> memref<1x4096xf32, #tpu.memory_space<vmem>>
    %dma_wait3A_63 = tpu.memref_squeeze %dma_wait3A_62 : memref<1x4096xf32, #tpu.memory_space<vmem>> -> memref<4096xf32, #tpu.memory_space<vmem>>
    %dma_wait3A_64 = arith.constant 0 : i32
    %dma_wait3A_65 = tpu.memref_slice %arg2[%add3A_13, %dma_wait3A_64] : memref<64x16384xf32, #tpu.memory_space<hbm>> -> memref<1x4096xf32, #tpu.memory_space<hbm>>
    %dma_wait3A_66 = tpu.memref_squeeze %dma_wait3A_65 : memref<1x4096xf32, #tpu.memory_space<hbm>> -> memref<4096xf32, #tpu.memory_space<hbm>>
    %dma_wait3A_67 = arith.constant 0 : i32
    %dma_wait3A_68 = tpu.memref_slice %arg9[%dma_wait3A_60, %dma_wait3A_67] : memref<2x4096xf32, #tpu.memory_space<vmem>> -> memref<1x4096xf32, #tpu.memory_space<vmem>>
    %dma_wait3A_69 = tpu.memref_squeeze %dma_wait3A_68 : memref<1x4096xf32, #tpu.memory_space<vmem>> -> memref<4096xf32, #tpu.memory_space<vmem>>
    %dma_wait3A_70 = arith.constant 0 : i32
    %dma_wait3A_71 = tpu.memref_slice %arg2[%add3A_13, %dma_wait3A_70] : memref<64x16384xf32, #tpu.memory_space<hbm>> -> memref<1x4096xf32, #tpu.memory_space<hbm>>
    %dma_wait3A_72 = tpu.memref_squeeze %dma_wait3A_71 : memref<1x4096xf32, #tpu.memory_space<hbm>> -> memref<4096xf32, #tpu.memory_space<hbm>>
    tpu.wait_dma2 semaphore(%arg14 : memref<!tpu.dma_semaphore, #tpu.memory_space<semaphore_mem>>) src(%dma_wait3A_72 : memref<4096xf32, #tpu.memory_space<hbm>>) dst(%dma_wait3A_69 : memref<4096xf32, #tpu.memory_space<vmem>>)
    %scan3A = arith.constant 0 : i32
    %scan3A_73 = arith.constant 64 : i32
    %scan3A_74 = arith.addi %scan3A, %scan3A_73 : i32
    %scan3A_75 = arith.constant 1 : i32
    %scan3A_76:4 = scf.for %scan3A_643 = %scan3A to %scan3A_74 step %scan3A_75 iter_args(%scan3A_644 = %broadcast_in_dim3A_54, %scan3A_645 = %broadcast_in_dim3A_54, %scan3A_646 = %broadcast_in_dim3A_54, %scan3A_647 = %broadcast_in_dim3A_54) -> (vector<16xf32>, vector<16xf32>, vector<16xf32>, vector<16xf32>)  : i32 {
      %mul3A_648 = arith.constant 4 : i32
      %mul3A_649 = arith.muli %scan3A_643, %mul3A_648 : i32
      %add3A_650 = arith.constant 0 : i32
      %add3A_651 = arith.addi %mul3A_649, %add3A_650 : i32
      %mul3A_652 = arith.constant 16 : i32
      %mul3A_653 = arith.muli %add3A_651, %mul3A_652 : i32
      %add3A_654 = arith.constant 0 : i32
      %add3A_655 = arith.addi %add3A_654, %mul3A_653 : i32
      %get3A = arith.index_cast %add3A_655 : i32 to index
      %get3A_656 = tpu.vector_load %arg8[%get3A] {strides = array<i32>} : memref<16384xi32, #tpu.memory_space<vmem>>, vector<16xi32>,
      %get3A_657 = arith.constant 0 : i32
      %get3A_658 = arith.index_cast %get3A_657 : i32 to index
      %get3A_659 = arith.index_cast %mul3A_653 : i32 to index
      %get3A_660 = tpu.vector_load %arg9[%get3A_658, %get3A_659] {strides = array<i32>} : memref<2x4096xf32, #tpu.memory_space<vmem>>, vector<16xf32>,
      %lt3A = arith.constant 50048 : i32
      %lt3A_661 = vector.broadcast %lt3A : i32 to vector<16xi32>
      %lt3A_662 = arith.cmpi slt, %get3A_656, %lt3A_661 : vector<16xi32>
      %gather3A = tpu.vector_load_idx %arg6[%get3A_656] masked %lt3A_662 : memref<50048xf32, #tpu.memory_space<vmem>>[vector<16xi32>], vector<16xf32>, vector<16xi1>
      %sub3A = arith.subf %get3A_660, %gather3A : vector<16xf32>
      %mul3A_663 = arith.mulf %sub3A, %sub3A : vector<16xf32>
      %jit3A = arith.constant 0.000000e+00 : f32
      %broadcast_in_dim3A_664 = vector.broadcast %jit3A : f32 to vector<16xf32>
      %select_n3A = arith.select %lt3A_662, %mul3A_663, %broadcast_in_dim3A_664 : vector<16xi1>, vector<16xf32>
      %add3A_665 = arith.addf %scan3A_644, %select_n3A : vector<16xf32>
      %mul3A_666 = arith.constant 4 : i32
      %mul3A_667 = arith.muli %scan3A_643, %mul3A_666 : i32
      %add3A_668 = arith.constant 1 : i32
      %add3A_669 = arith.addi %mul3A_667, %add3A_668 : i32
      %mul3A_670 = arith.constant 16 : i32
      %mul3A_671 = arith.muli %add3A_669, %mul3A_670 : i32
      %add3A_672 = arith.constant 0 : i32
      %add3A_673 = arith.addi %add3A_672, %mul3A_671 : i32
      %get3A_674 = arith.index_cast %add3A_673 : i32 to index
      %get3A_675 = tpu.vector_load %arg8[%get3A_674] {strides = array<i32>} : memref<16384xi32, #tpu.memory_space<vmem>>, vector<16xi32>,
      %get3A_676 = arith.constant 0 : i32
      %get3A_677 = arith.index_cast %get3A_676 : i32 to index
      %get3A_678 = arith.index_cast %mul3A_671 : i32 to index
      %get3A_679 = tpu.vector_load %arg9[%get3A_677, %get3A_678] {strides = array<i32>} : memref<2x4096xf32, #tpu.memory_space<vmem>>, vector<16xf32>,
      %lt3A_680 = arith.constant 50048 : i32
      %lt3A_681 = vector.broadcast %lt3A_680 : i32 to vector<16xi32>
      %lt3A_682 = arith.cmpi slt, %get3A_675, %lt3A_681 : vector<16xi32>
      %gather3A_683 = tpu.vector_load_idx %arg6[%get3A_675] masked %lt3A_682 : memref<50048xf32, #tpu.memory_space<vmem>>[vector<16xi32>], vector<16xf32>, vector<16xi1>
      %sub3A_684 = arith.subf %get3A_679, %gather3A_683 : vector<16xf32>
      %mul3A_685 = arith.mulf %sub3A_684, %sub3A_684 : vector<16xf32>
      %jit3A_686 = arith.constant 0.000000e+00 : f32
      %broadcast_in_dim3A_687 = vector.broadcast %jit3A_686 : f32 to vector<16xf32>
      %select_n3A_688 = arith.select %lt3A_682, %mul3A_685, %broadcast_in_dim3A_687 : vector<16xi1>, vector<16xf32>
      %add3A_689 = arith.addf %scan3A_645, %select_n3A_688 : vector<16xf32>
      %mul3A_690 = arith.constant 4 : i32
      %mul3A_691 = arith.muli %scan3A_643, %mul3A_690 : i32
      %add3A_692 = arith.constant 2 : i32
      %add3A_693 = arith.addi %mul3A_691, %add3A_692 : i32
      %mul3A_694 = arith.constant 16 : i32
      %mul3A_695 = arith.muli %add3A_693, %mul3A_694 : i32
      %add3A_696 = arith.constant 0 : i32
      %add3A_697 = arith.addi %add3A_696, %mul3A_695 : i32
      %get3A_698 = arith.index_cast %add3A_697 : i32 to index
      %get3A_699 = tpu.vector_load %arg8[%get3A_698] {strides = array<i32>} : memref<16384xi32, #tpu.memory_space<vmem>>, vector<16xi32>,
      %get3A_700 = arith.constant 0 : i32
      %get3A_701 = arith.index_cast %get3A_700 : i32 to index
      %get3A_702 = arith.index_cast %mul3A_695 : i32 to index
      %get3A_703 = tpu.vector_load %arg9[%get3A_701, %get3A_702] {strides = array<i32>} : memref<2x4096xf32, #tpu.memory_space<vmem>>, vector<16xf32>,
      %lt3A_704 = arith.constant 50048 : i32
      %lt3A_705 = vector.broadcast %lt3A_704 : i32 to vector<16xi32>
      %lt3A_706 = arith.cmpi slt, %get3A_699, %lt3A_705 : vector<16xi32>
      %gather3A_707 = tpu.vector_load_idx %arg6[%get3A_699] masked %lt3A_706 : memref<50048xf32, #tpu.memory_space<vmem>>[vector<16xi32>], vector<16xf32>, vector<16xi1>
      %sub3A_708 = arith.subf %get3A_703, %gather3A_707 : vector<16xf32>
      %mul3A_709 = arith.mulf %sub3A_708, %sub3A_708 : vector<16xf32>
      %jit3A_710 = arith.constant 0.000000e+00 : f32
      %broadcast_in_dim3A_711 = vector.broadcast %jit3A_710 : f32 to vector<16xf32>
      %select_n3A_712 = arith.select %lt3A_706, %mul3A_709, %broadcast_in_dim3A_711 : vector<16xi1>, vector<16xf32>
      %add3A_713 = arith.addf %scan3A_646, %select_n3A_712 : vector<16xf32>
      %mul3A_714 = arith.constant 4 : i32
      %mul3A_715 = arith.muli %scan3A_643, %mul3A_714 : i32
      %add3A_716 = arith.constant 3 : i32
      %add3A_717 = arith.addi %mul3A_715, %add3A_716 : i32
      %mul3A_718 = arith.constant 16 : i32
      %mul3A_719 = arith.muli %add3A_717, %mul3A_718 : i32
      %add3A_720 = arith.constant 0 : i32
      %add3A_721 = arith.addi %add3A_720, %mul3A_719 : i32
      %get3A_722 = arith.index_cast %add3A_721 : i32 to index
      %get3A_723 = tpu.vector_load %arg8[%get3A_722] {strides = array<i32>} : memref<16384xi32, #tpu.memory_space<vmem>>, vector<16xi32>,
      %get3A_724 = arith.constant 0 : i32
      %get3A_725 = arith.index_cast %get3A_724 : i32 to index
      %get3A_726 = arith.index_cast %mul3A_719 : i32 to index
      %get3A_727 = tpu.vector_load %arg9[%get3A_725, %get3A_726] {strides = array<i32>} : memref<2x4096xf32, #tpu.memory_space<vmem>>, vector<16xf32>,
      %lt3A_728 = arith.constant 50048 : i32
      %lt3A_729 = vector.broadcast %lt3A_728 : i32 to vector<16xi32>
      %lt3A_730 = arith.cmpi slt, %get3A_723, %lt3A_729 : vector<16xi32>
      %gather3A_731 = tpu.vector_load_idx %arg6[%get3A_723] masked %lt3A_730 : memref<50048xf32, #tpu.memory_space<vmem>>[vector<16xi32>], vector<16xf32>, vector<16xi1>
      %sub3A_732 = arith.subf %get3A_727, %gather3A_731 : vector<16xf32>
      %mul3A_733 = arith.mulf %sub3A_732, %sub3A_732 : vector<16xf32>
      %jit3A_734 = arith.constant 0.000000e+00 : f32
      %broadcast_in_dim3A_735 = vector.broadcast %jit3A_734 : f32 to vector<16xf32>
      %select_n3A_736 = arith.select %lt3A_730, %mul3A_733, %broadcast_in_dim3A_735 : vector<16xi1>, vector<16xf32>
      %add3A_737 = arith.addf %scan3A_647, %select_n3A_736 : vector<16xf32>
      scf.yield %add3A_665, %add3A_689, %add3A_713, %add3A_737 : vector<16xf32>, vector<16xf32>, vector<16xf32>, vector<16xf32>
    }
    %scan3A_77 = arith.constant 64 : i32
    %mul3A_78 = arith.constant 2 : i32
    %mul3A_79 = arith.muli %add3A, %mul3A_78 : i32
    %add3A_80 = arith.constant 0 : i32
    %add3A_81 = arith.addi %mul3A_79, %add3A_80 : i32
    %dma_start3A_82 = arith.constant 0 : i32
    %dma_start3A_83 = arith.constant 0 : i32
    %dma_start3A_84 = tpu.memref_slice %arg9[%dma_start3A_82, %dma_start3A_83] : memref<2x4096xf32, #tpu.memory_space<vmem>> -> memref<1x4096xf32, #tpu.memory_space<vmem>>
    %dma_start3A_85 = tpu.memref_squeeze %dma_start3A_84 : memref<1x4096xf32, #tpu.memory_space<vmem>> -> memref<4096xf32, #tpu.memory_space<vmem>>
    %dma_start3A_86 = arith.constant 8192 : i32
    %dma_start3A_87 = tpu.memref_slice %arg2[%add3A_81, %dma_start3A_86] : memref<64x16384xf32, #tpu.memory_space<hbm>> -> memref<1x4096xf32, #tpu.memory_space<hbm>>
    %dma_start3A_88 = tpu.memref_squeeze %dma_start3A_87 : memref<1x4096xf32, #tpu.memory_space<hbm>> -> memref<4096xf32, #tpu.memory_space<hbm>>
    %dma_start3A_89 = arith.constant 0 : i32
    %dma_start3A_90 = tpu.memref_slice %arg9[%dma_start3A_82, %dma_start3A_89] : memref<2x4096xf32, #tpu.memory_space<vmem>> -> memref<1x4096xf32, #tpu.memory_space<vmem>>
    %dma_start3A_91 = tpu.memref_squeeze %dma_start3A_90 : memref<1x4096xf32, #tpu.memory_space<vmem>> -> memref<4096xf32, #tpu.memory_space<vmem>>
    %dma_start3A_92 = arith.constant 8192 : i32
    %dma_start3A_93 = tpu.memref_slice %arg2[%add3A_81, %dma_start3A_92] : memref<64x16384xf32, #tpu.memory_space<hbm>> -> memref<1x4096xf32, #tpu.memory_space<hbm>>
    %dma_start3A_94 = tpu.memref_squeeze %dma_start3A_93 : memref<1x4096xf32, #tpu.memory_space<hbm>> -> memref<4096xf32, #tpu.memory_space<hbm>>
    tpu.enqueue_dma source(%dma_start3A_94 : memref<4096xf32, #tpu.memory_space<hbm>>) target(%dma_start3A_91 : memref<4096xf32, #tpu.memory_space<vmem>>) target_semaphore(%arg14 : memref<!tpu.dma_semaphore, #tpu.memory_space<semaphore_mem>>)
    %dma_wait3A_95 = arith.constant 1 : i32
    %dma_wait3A_96 = arith.constant 0 : i32
    %dma_wait3A_97 = tpu.memref_slice %arg9[%dma_wait3A_95, %dma_wait3A_96] : memref<2x4096xf32, #tpu.memory_space<vmem>> -> memref<1x4096xf32, #tpu.memory_space<vmem>>
    %dma_wait3A_98 = tpu.memref_squeeze %dma_wait3A_97 : memref<1x4096xf32, #tpu.memory_space<vmem>> -> memref<4096xf32, #tpu.memory_space<vmem>>
    %dma_wait3A_99 = arith.constant 4096 : i32
    %dma_wait3A_100 = tpu.memref_slice %arg2[%add3A_30, %dma_wait3A_99] : memref<64x16384xf32, #tpu.memory_space<hbm>> -> memref<1x4096xf32, #tpu.memory_space<hbm>>
    %dma_wait3A_101 = tpu.memref_squeeze %dma_wait3A_100 : memref<1x4096xf32, #tpu.memory_space<hbm>> -> memref<4096xf32, #tpu.memory_space<hbm>>
    %dma_wait3A_102 = arith.constant 0 : i32
    %dma_wait3A_103 = tpu.memref_slice %arg9[%dma_wait3A_95, %dma_wait3A_102] : memref<2x4096xf32, #tpu.memory_space<vmem>> -> memref<1x4096xf32, #tpu.memory_space<vmem>>
    %dma_wait3A_104 = tpu.memref_squeeze %dma_wait3A_103 : memref<1x4096xf32, #tpu.memory_space<vmem>> -> memref<4096xf32, #tpu.memory_space<vmem>>
    %dma_wait3A_105 = arith.constant 4096 : i32
    %dma_wait3A_106 = tpu.memref_slice %arg2[%add3A_30, %dma_wait3A_105] : memref<64x16384xf32, #tpu.memory_space<hbm>> -> memref<1x4096xf32, #tpu.memory_space<hbm>>
    %dma_wait3A_107 = tpu.memref_squeeze %dma_wait3A_106 : memref<1x4096xf32, #tpu.memory_space<hbm>> -> memref<4096xf32, #tpu.memory_space<hbm>>
    tpu.wait_dma2 semaphore(%arg15 : memref<!tpu.dma_semaphore, #tpu.memory_space<semaphore_mem>>) src(%dma_wait3A_107 : memref<4096xf32, #tpu.memory_space<hbm>>) dst(%dma_wait3A_104 : memref<4096xf32, #tpu.memory_space<vmem>>)
    %scan3A_108 = arith.constant 0 : i32
    %scan3A_109 = arith.constant 64 : i32
    %scan3A_110 = arith.addi %scan3A_108, %scan3A_109 : i32
    %scan3A_111 = arith.constant 1 : i32
    %scan3A_112:4 = scf.for %scan3A_643 = %scan3A_108 to %scan3A_110 step %scan3A_111 iter_args(%scan3A_644 = %scan3A_76#0, %scan3A_645 = %scan3A_76#1, %scan3A_646 = %scan3A_76#2, %scan3A_647 = %scan3A_76#3) -> (vector<16xf32>, vector<16xf32>, vector<16xf32>, vector<16xf32>)  : i32 {
      %mul3A_648 = arith.constant 4 : i32
      %mul3A_649 = arith.muli %scan3A_643, %mul3A_648 : i32
      %add3A_650 = arith.constant 0 : i32
      %add3A_651 = arith.addi %mul3A_649, %add3A_650 : i32
      %mul3A_652 = arith.constant 16 : i32
      %mul3A_653 = arith.muli %add3A_651, %mul3A_652 : i32
      %add3A_654 = arith.constant 4096 : i32
      %add3A_655 = arith.addi %add3A_654, %mul3A_653 : i32
      %get3A = arith.index_cast %add3A_655 : i32 to index
      %get3A_656 = tpu.vector_load %arg8[%get3A] {strides = array<i32>} : memref<16384xi32, #tpu.memory_space<vmem>>, vector<16xi32>,
      %get3A_657 = arith.constant 1 : i32
      %get3A_658 = arith.index_cast %get3A_657 : i32 to index
      %get3A_659 = arith.index_cast %mul3A_653 : i32 to index
      %get3A_660 = tpu.vector_load %arg9[%get3A_658, %get3A_659] {strides = array<i32>} : memref<2x4096xf32, #tpu.memory_space<vmem>>, vector<16xf32>,
      %lt3A = arith.constant 50048 : i32
      %lt3A_661 = vector.broadcast %lt3A : i32 to vector<16xi32>
      %lt3A_662 = arith.cmpi slt, %get3A_656, %lt3A_661 : vector<16xi32>
      %gather3A = tpu.vector_load_idx %arg6[%get3A_656] masked %lt3A_662 : memref<50048xf32, #tpu.memory_space<vmem>>[vector<16xi32>], vector<16xf32>, vector<16xi1>
      %sub3A = arith.subf %get3A_660, %gather3A : vector<16xf32>
      %mul3A_663 = arith.mulf %sub3A, %sub3A : vector<16xf32>
      %jit3A = arith.constant 0.000000e+00 : f32
      %broadcast_in_dim3A_664 = vector.broadcast %jit3A : f32 to vector<16xf32>
      %select_n3A = arith.select %lt3A_662, %mul3A_663, %broadcast_in_dim3A_664 : vector<16xi1>, vector<16xf32>
      %add3A_665 = arith.addf %scan3A_644, %select_n3A : vector<16xf32>
      %mul3A_666 = arith.constant 4 : i32
      %mul3A_667 = arith.muli %scan3A_643, %mul3A_666 : i32
      %add3A_668 = arith.constant 1 : i32
      %add3A_669 = arith.addi %mul3A_667, %add3A_668 : i32
      %mul3A_670 = arith.constant 16 : i32
      %mul3A_671 = arith.muli %add3A_669, %mul3A_670 : i32
      %add3A_672 = arith.constant 4096 : i32
      %add3A_673 = arith.addi %add3A_672, %mul3A_671 : i32
      %get3A_674 = arith.index_cast %add3A_673 : i32 to index
      %get3A_675 = tpu.vector_load %arg8[%get3A_674] {strides = array<i32>} : memref<16384xi32, #tpu.memory_space<vmem>>, vector<16xi32>,
      %get3A_676 = arith.constant 1 : i32
      %get3A_677 = arith.index_cast %get3A_676 : i32 to index
      %get3A_678 = arith.index_cast %mul3A_671 : i32 to index
      %get3A_679 = tpu.vector_load %arg9[%get3A_677, %get3A_678] {strides = array<i32>} : memref<2x4096xf32, #tpu.memory_space<vmem>>, vector<16xf32>,
      %lt3A_680 = arith.constant 50048 : i32
      %lt3A_681 = vector.broadcast %lt3A_680 : i32 to vector<16xi32>
      %lt3A_682 = arith.cmpi slt, %get3A_675, %lt3A_681 : vector<16xi32>
      %gather3A_683 = tpu.vector_load_idx %arg6[%get3A_675] masked %lt3A_682 : memref<50048xf32, #tpu.memory_space<vmem>>[vector<16xi32>], vector<16xf32>, vector<16xi1>
      %sub3A_684 = arith.subf %get3A_679, %gather3A_683 : vector<16xf32>
      %mul3A_685 = arith.mulf %sub3A_684, %sub3A_684 : vector<16xf32>
      %jit3A_686 = arith.constant 0.000000e+00 : f32
      %broadcast_in_dim3A_687 = vector.broadcast %jit3A_686 : f32 to vector<16xf32>
      %select_n3A_688 = arith.select %lt3A_682, %mul3A_685, %broadcast_in_dim3A_687 : vector<16xi1>, vector<16xf32>
      %add3A_689 = arith.addf %scan3A_645, %select_n3A_688 : vector<16xf32>
      %mul3A_690 = arith.constant 4 : i32
      %mul3A_691 = arith.muli %scan3A_643, %mul3A_690 : i32
      %add3A_692 = arith.constant 2 : i32
      %add3A_693 = arith.addi %mul3A_691, %add3A_692 : i32
      %mul3A_694 = arith.constant 16 : i32
      %mul3A_695 = arith.muli %add3A_693, %mul3A_694 : i32
      %add3A_696 = arith.constant 4096 : i32
      %add3A_697 = arith.addi %add3A_696, %mul3A_695 : i32
      %get3A_698 = arith.index_cast %add3A_697 : i32 to index
      %get3A_699 = tpu.vector_load %arg8[%get3A_698] {strides = array<i32>} : memref<16384xi32, #tpu.memory_space<vmem>>, vector<16xi32>,
      %get3A_700 = arith.constant 1 : i32
      %get3A_701 = arith.index_cast %get3A_700 : i32 to index
      %get3A_702 = arith.index_cast %mul3A_695 : i32 to index
      %get3A_703 = tpu.vector_load %arg9[%get3A_701, %get3A_702] {strides = array<i32>} : memref<2x4096xf32, #tpu.memory_space<vmem>>, vector<16xf32>,
      %lt3A_704 = arith.constant 50048 : i32
      %lt3A_705 = vector.broadcast %lt3A_704 : i32 to vector<16xi32>
      %lt3A_706 = arith.cmpi slt, %get3A_699, %lt3A_705 : vector<16xi32>
      %gather3A_707 = tpu.vector_load_idx %arg6[%get3A_699] masked %lt3A_706 : memref<50048xf32, #tpu.memory_space<vmem>>[vector<16xi32>], vector<16xf32>, vector<16xi1>
      %sub3A_708 = arith.subf %get3A_703, %gather3A_707 : vector<16xf32>
      %mul3A_709 = arith.mulf %sub3A_708, %sub3A_708 : vector<16xf32>
      %jit3A_710 = arith.constant 0.000000e+00 : f32
      %broadcast_in_dim3A_711 = vector.broadcast %jit3A_710 : f32 to vector<16xf32>
      %select_n3A_712 = arith.select %lt3A_706, %mul3A_709, %broadcast_in_dim3A_711 : vector<16xi1>, vector<16xf32>
      %add3A_713 = arith.addf %scan3A_646, %select_n3A_712 : vector<16xf32>
      %mul3A_714 = arith.constant 4 : i32
      %mul3A_715 = arith.muli %scan3A_643, %mul3A_714 : i32
      %add3A_716 = arith.constant 3 : i32
      %add3A_717 = arith.addi %mul3A_715, %add3A_716 : i32
      %mul3A_718 = arith.constant 16 : i32
      %mul3A_719 = arith.muli %add3A_717, %mul3A_718 : i32
      %add3A_720 = arith.constant 4096 : i32
      %add3A_721 = arith.addi %add3A_720, %mul3A_719 : i32
      %get3A_722 = arith.index_cast %add3A_721 : i32 to index
      %get3A_723 = tpu.vector_load %arg8[%get3A_722] {strides = array<i32>} : memref<16384xi32, #tpu.memory_space<vmem>>, vector<16xi32>,
      %get3A_724 = arith.constant 1 : i32
      %get3A_725 = arith.index_cast %get3A_724 : i32 to index
      %get3A_726 = arith.index_cast %mul3A_719 : i32 to index
      %get3A_727 = tpu.vector_load %arg9[%get3A_725, %get3A_726] {strides = array<i32>} : memref<2x4096xf32, #tpu.memory_space<vmem>>, vector<16xf32>,
      %lt3A_728 = arith.constant 50048 : i32
      %lt3A_729 = vector.broadcast %lt3A_728 : i32 to vector<16xi32>
      %lt3A_730 = arith.cmpi slt, %get3A_723, %lt3A_729 : vector<16xi32>
      %gather3A_731 = tpu.vector_load_idx %arg6[%get3A_723] masked %lt3A_730 : memref<50048xf32, #tpu.memory_space<vmem>>[vector<16xi32>], vector<16xf32>, vector<16xi1>
      %sub3A_732 = arith.subf %get3A_727, %gather3A_731 : vector<16xf32>
      %mul3A_733 = arith.mulf %sub3A_732, %sub3A_732 : vector<16xf32>
      %jit3A_734 = arith.constant 0.000000e+00 : f32
      %broadcast_in_dim3A_735 = vector.broadcast %jit3A_734 : f32 to vector<16xf32>
      %select_n3A_736 = arith.select %lt3A_730, %mul3A_733, %broadcast_in_dim3A_735 : vector<16xi1>, vector<16xf32>
      %add3A_737 = arith.addf %scan3A_647, %select_n3A_736 : vector<16xf32>
      scf.yield %add3A_665, %add3A_689, %add3A_713, %add3A_737 : vector<16xf32>, vector<16xf32>, vector<16xf32>, vector<16xf32>
    }
    %scan3A_113 = arith.constant 64 : i32
    %mul3A_114 = arith.constant 2 : i32
    %mul3A_115 = arith.muli %add3A, %mul3A_114 : i32
    %add3A_116 = arith.constant 0 : i32
    %add3A_117 = arith.addi %mul3A_115, %add3A_116 : i32
    %dma_start3A_118 = arith.constant 1 : i32
    %dma_start3A_119 = arith.constant 0 : i32
    %dma_start3A_120 = tpu.memref_slice %arg9[%dma_start3A_118, %dma_start3A_119] : memref<2x4096xf32, #tpu.memory_space<vmem>> -> memref<1x4096xf32, #tpu.memory_space<vmem>>
    %dma_start3A_121 = tpu.memref_squeeze %dma_start3A_120 : memref<1x4096xf32, #tpu.memory_space<vmem>> -> memref<4096xf32, #tpu.memory_space<vmem>>
    %dma_start3A_122 = arith.constant 12288 : i32
    %dma_start3A_123 = tpu.memref_slice %arg2[%add3A_117, %dma_start3A_122] : memref<64x16384xf32, #tpu.memory_space<hbm>> -> memref<1x4096xf32, #tpu.memory_space<hbm>>
    %dma_start3A_124 = tpu.memref_squeeze %dma_start3A_123 : memref<1x4096xf32, #tpu.memory_space<hbm>> -> memref<4096xf32, #tpu.memory_space<hbm>>
    %dma_start3A_125 = arith.constant 0 : i32
    %dma_start3A_126 = tpu.memref_slice %arg9[%dma_start3A_118, %dma_start3A_125] : memref<2x4096xf32, #tpu.memory_space<vmem>> -> memref<1x4096xf32, #tpu.memory_space<vmem>>
    %dma_start3A_127 = tpu.memref_squeeze %dma_start3A_126 : memref<1x4096xf32, #tpu.memory_space<vmem>> -> memref<4096xf32, #tpu.memory_space<vmem>>
    %dma_start3A_128 = arith.constant 12288 : i32
    %dma_start3A_129 = tpu.memref_slice %arg2[%add3A_117, %dma_start3A_128] : memref<64x16384xf32, #tpu.memory_space<hbm>> -> memref<1x4096xf32, #tpu.memory_space<hbm>>
    %dma_start3A_130 = tpu.memref_squeeze %dma_start3A_129 : memref<1x4096xf32, #tpu.memory_space<hbm>> -> memref<4096xf32, #tpu.memory_space<hbm>>
    tpu.enqueue_dma source(%dma_start3A_130 : memref<4096xf32, #tpu.memory_space<hbm>>) target(%dma_start3A_127 : memref<4096xf32, #tpu.memory_space<vmem>>) target_semaphore(%arg15 : memref<!tpu.dma_semaphore, #tpu.memory_space<semaphore_mem>>)
    %dma_wait3A_131 = arith.constant 0 : i32
    %dma_wait3A_132 = arith.constant 0 : i32
    %dma_wait3A_133 = tpu.memref_slice %arg9[%dma_wait3A_131, %dma_wait3A_132] : memref<2x4096xf32, #tpu.memory_space<vmem>> -> memref<1x4096xf32, #tpu.memory_space<vmem>>
    %dma_wait3A_134 = tpu.memref_squeeze %dma_wait3A_133 : memref<1x4096xf32, #tpu.memory_space<vmem>> -> memref<4096xf32, #tpu.memory_space<vmem>>
    %dma_wait3A_135 = arith.constant 8192 : i32
    %dma_wait3A_136 = tpu.memref_slice %arg2[%add3A_81, %dma_wait3A_135] : memref<64x16384xf32, #tpu.memory_space<hbm>> -> memref<1x4096xf32, #tpu.memory_space<hbm>>
    %dma_wait3A_137 = tpu.memref_squeeze %dma_wait3A_136 : memref<1x4096xf32, #tpu.memory_space<hbm>> -> memref<4096xf32, #tpu.memory_space<hbm>>
    %dma_wait3A_138 = arith.constant 0 : i32
    %dma_wait3A_139 = tpu.memref_slice %arg9[%dma_wait3A_131, %dma_wait3A_138] : memref<2x4096xf32, #tpu.memory_space<vmem>> -> memref<1x4096xf32, #tpu.memory_space<vmem>>
    %dma_wait3A_140 = tpu.memref_squeeze %dma_wait3A_139 : memref<1x4096xf32, #tpu.memory_space<vmem>> -> memref<4096xf32, #tpu.memory_space<vmem>>
    %dma_wait3A_141 = arith.constant 8192 : i32
    %dma_wait3A_142 = tpu.memref_slice %arg2[%add3A_81, %dma_wait3A_141] : memref<64x16384xf32, #tpu.memory_space<hbm>> -> memref<1x4096xf32, #tpu.memory_space<hbm>>
    %dma_wait3A_143 = tpu.memref_squeeze %dma_wait3A_142 : memref<1x4096xf32, #tpu.memory_space<hbm>> -> memref<4096xf32, #tpu.memory_space<hbm>>
    tpu.wait_dma2 semaphore(%arg14 : memref<!tpu.dma_semaphore, #tpu.memory_space<semaphore_mem>>) src(%dma_wait3A_143 : memref<4096xf32, #tpu.memory_space<hbm>>) dst(%dma_wait3A_140 : memref<4096xf32, #tpu.memory_space<vmem>>)
    %scan3A_144 = arith.constant 0 : i32
    %scan3A_145 = arith.constant 64 : i32
    %scan3A_146 = arith.addi %scan3A_144, %scan3A_145 : i32
    %scan3A_147 = arith.constant 1 : i32
    %scan3A_148:4 = scf.for %scan3A_643 = %scan3A_144 to %scan3A_146 step %scan3A_147 iter_args(%scan3A_644 = %scan3A_112#0, %scan3A_645 = %scan3A_112#1, %scan3A_646 = %scan3A_112#2, %scan3A_647 = %scan3A_112#3) -> (vector<16xf32>, vector<16xf32>, vector<16xf32>, vector<16xf32>)  : i32 {
      %mul3A_648 = arith.constant 4 : i32
      %mul3A_649 = arith.muli %scan3A_643, %mul3A_648 : i32
      %add3A_650 = arith.constant 0 : i32
      %add3A_651 = arith.addi %mul3A_649, %add3A_650 : i32
      %mul3A_652 = arith.constant 16 : i32
      %mul3A_653 = arith.muli %add3A_651, %mul3A_652 : i32
      %add3A_654 = arith.constant 8192 : i32
      %add3A_655 = arith.addi %add3A_654, %mul3A_653 : i32
      %get3A = arith.index_cast %add3A_655 : i32 to index
      %get3A_656 = tpu.vector_load %arg8[%get3A] {strides = array<i32>} : memref<16384xi32, #tpu.memory_space<vmem>>, vector<16xi32>,
      %get3A_657 = arith.constant 0 : i32
      %get3A_658 = arith.index_cast %get3A_657 : i32 to index
      %get3A_659 = arith.index_cast %mul3A_653 : i32 to index
      %get3A_660 = tpu.vector_load %arg9[%get3A_658, %get3A_659] {strides = array<i32>} : memref<2x4096xf32, #tpu.memory_space<vmem>>, vector<16xf32>,
      %lt3A = arith.constant 50048 : i32
      %lt3A_661 = vector.broadcast %lt3A : i32 to vector<16xi32>
      %lt3A_662 = arith.cmpi slt, %get3A_656, %lt3A_661 : vector<16xi32>
      %gather3A = tpu.vector_load_idx %arg6[%get3A_656] masked %lt3A_662 : memref<50048xf32, #tpu.memory_space<vmem>>[vector<16xi32>], vector<16xf32>, vector<16xi1>
      %sub3A = arith.subf %get3A_660, %gather3A : vector<16xf32>
      %mul3A_663 = arith.mulf %sub3A, %sub3A : vector<16xf32>
      %jit3A = arith.constant 0.000000e+00 : f32
      %broadcast_in_dim3A_664 = vector.broadcast %jit3A : f32 to vector<16xf32>
      %select_n3A = arith.select %lt3A_662, %mul3A_663, %broadcast_in_dim3A_664 : vector<16xi1>, vector<16xf32>
      %add3A_665 = arith.addf %scan3A_644, %select_n3A : vector<16xf32>
      %mul3A_666 = arith.constant 4 : i32
      %mul3A_667 = arith.muli %scan3A_643, %mul3A_666 : i32
      %add3A_668 = arith.constant 1 : i32
      %add3A_669 = arith.addi %mul3A_667, %add3A_668 : i32
      %mul3A_670 = arith.constant 16 : i32
      %mul3A_671 = arith.muli %add3A_669, %mul3A_670 : i32
      %add3A_672 = arith.constant 8192 : i32
      %add3A_673 = arith.addi %add3A_672, %mul3A_671 : i32
      %get3A_674 = arith.index_cast %add3A_673 : i32 to index
      %get3A_675 = tpu.vector_load %arg8[%get3A_674] {strides = array<i32>} : memref<16384xi32, #tpu.memory_space<vmem>>, vector<16xi32>,
      %get3A_676 = arith.constant 0 : i32
      %get3A_677 = arith.index_cast %get3A_676 : i32 to index
      %get3A_678 = arith.index_cast %mul3A_671 : i32 to index
      %get3A_679 = tpu.vector_load %arg9[%get3A_677, %get3A_678] {strides = array<i32>} : memref<2x4096xf32, #tpu.memory_space<vmem>>, vector<16xf32>,
      %lt3A_680 = arith.constant 50048 : i32
      %lt3A_681 = vector.broadcast %lt3A_680 : i32 to vector<16xi32>
      %lt3A_682 = arith.cmpi slt, %get3A_675, %lt3A_681 : vector<16xi32>
      %gather3A_683 = tpu.vector_load_idx %arg6[%get3A_675] masked %lt3A_682 : memref<50048xf32, #tpu.memory_space<vmem>>[vector<16xi32>], vector<16xf32>, vector<16xi1>
      %sub3A_684 = arith.subf %get3A_679, %gather3A_683 : vector<16xf32>
      %mul3A_685 = arith.mulf %sub3A_684, %sub3A_684 : vector<16xf32>
      %jit3A_686 = arith.constant 0.000000e+00 : f32
      %broadcast_in_dim3A_687 = vector.broadcast %jit3A_686 : f32 to vector<16xf32>
      %select_n3A_688 = arith.select %lt3A_682, %mul3A_685, %broadcast_in_dim3A_687 : vector<16xi1>, vector<16xf32>
      %add3A_689 = arith.addf %scan3A_645, %select_n3A_688 : vector<16xf32>
      %mul3A_690 = arith.constant 4 : i32
      %mul3A_691 = arith.muli %scan3A_643, %mul3A_690 : i32
      %add3A_692 = arith.constant 2 : i32
      %add3A_693 = arith.addi %mul3A_691, %add3A_692 : i32
      %mul3A_694 = arith.constant 16 : i32
      %mul3A_695 = arith.muli %add3A_693, %mul3A_694 : i32
      %add3A_696 = arith.constant 8192 : i32
      %add3A_697 = arith.addi %add3A_696, %mul3A_695 : i32
      %get3A_698 = arith.index_cast %add3A_697 : i32 to index
      %get3A_699 = tpu.vector_load %arg8[%get3A_698] {strides = array<i32>} : memref<16384xi32, #tpu.memory_space<vmem>>, vector<16xi32>,
      %get3A_700 = arith.constant 0 : i32
      %get3A_701 = arith.index_cast %get3A_700 : i32 to index
      %get3A_702 = arith.index_cast %mul3A_695 : i32 to index
      %get3A_703 = tpu.vector_load %arg9[%get3A_701, %get3A_702] {strides = array<i32>} : memref<2x4096xf32, #tpu.memory_space<vmem>>, vector<16xf32>,
      %lt3A_704 = arith.constant 50048 : i32
      %lt3A_705 = vector.broadcast %lt3A_704 : i32 to vector<16xi32>
      %lt3A_706 = arith.cmpi slt, %get3A_699, %lt3A_705 : vector<16xi32>
      %gather3A_707 = tpu.vector_load_idx %arg6[%get3A_699] masked %lt3A_706 : memref<50048xf32, #tpu.memory_space<vmem>>[vector<16xi32>], vector<16xf32>, vector<16xi1>
      %sub3A_708 = arith.subf %get3A_703, %gather3A_707 : vector<16xf32>
      %mul3A_709 = arith.mulf %sub3A_708, %sub3A_708 : vector<16xf32>
      %jit3A_710 = arith.constant 0.000000e+00 : f32
      %broadcast_in_dim3A_711 = vector.broadcast %jit3A_710 : f32 to vector<16xf32>
      %select_n3A_712 = arith.select %lt3A_706, %mul3A_709, %broadcast_in_dim3A_711 : vector<16xi1>, vector<16xf32>
      %add3A_713 = arith.addf %scan3A_646, %select_n3A_712 : vector<16xf32>
      %mul3A_714 = arith.constant 4 : i32
      %mul3A_715 = arith.muli %scan3A_643, %mul3A_714 : i32
      %add3A_716 = arith.constant 3 : i32
      %add3A_717 = arith.addi %mul3A_715, %add3A_716 : i32
      %mul3A_718 = arith.constant 16 : i32
      %mul3A_719 = arith.muli %add3A_717, %mul3A_718 : i32
      %add3A_720 = arith.constant 8192 : i32
      %add3A_721 = arith.addi %add3A_720, %mul3A_719 : i32
      %get3A_722 = arith.index_cast %add3A_721 : i32 to index
      %get3A_723 = tpu.vector_load %arg8[%get3A_722] {strides = array<i32>} : memref<16384xi32, #tpu.memory_space<vmem>>, vector<16xi32>,
      %get3A_724 = arith.constant 0 : i32
      %get3A_725 = arith.index_cast %get3A_724 : i32 to index
      %get3A_726 = arith.index_cast %mul3A_719 : i32 to index
      %get3A_727 = tpu.vector_load %arg9[%get3A_725, %get3A_726] {strides = array<i32>} : memref<2x4096xf32, #tpu.memory_space<vmem>>, vector<16xf32>,
      %lt3A_728 = arith.constant 50048 : i32
      %lt3A_729 = vector.broadcast %lt3A_728 : i32 to vector<16xi32>
      %lt3A_730 = arith.cmpi slt, %get3A_723, %lt3A_729 : vector<16xi32>
      %gather3A_731 = tpu.vector_load_idx %arg6[%get3A_723] masked %lt3A_730 : memref<50048xf32, #tpu.memory_space<vmem>>[vector<16xi32>], vector<16xf32>, vector<16xi1>
      %sub3A_732 = arith.subf %get3A_727, %gather3A_731 : vector<16xf32>
      %mul3A_733 = arith.mulf %sub3A_732, %sub3A_732 : vector<16xf32>
      %jit3A_734 = arith.constant 0.000000e+00 : f32
      %broadcast_in_dim3A_735 = vector.broadcast %jit3A_734 : f32 to vector<16xf32>
      %select_n3A_736 = arith.select %lt3A_730, %mul3A_733, %broadcast_in_dim3A_735 : vector<16xi1>, vector<16xf32>
      %add3A_737 = arith.addf %scan3A_647, %select_n3A_736 : vector<16xf32>
      scf.yield %add3A_665, %add3A_689, %add3A_713, %add3A_737 : vector<16xf32>, vector<16xf32>, vector<16xf32>, vector<16xf32>
    }
    %scan3A_149 = arith.constant 64 : i32
    %mul3A_150 = arith.constant 2 : i32
    %mul3A_151 = arith.muli %add3A, %mul3A_150 : i32
    %add3A_152 = arith.constant 0 : i32
    %add3A_153 = arith.addi %mul3A_151, %add3A_152 : i32
    %dma_start3A_154 = arith.constant 0 : i32
    %dma_start3A_155 = arith.constant 0 : i32
    %dma_start3A_156 = tpu.memref_slice %arg9[%dma_start3A_154, %dma_start3A_155] : memref<2x4096xf32, #tpu.memory_space<vmem>> -> memref<1x4096xf32, #tpu.memory_space<vmem>>
    %dma_start3A_157 = tpu.memref_squeeze %dma_start3A_156 : memref<1x4096xf32, #tpu.memory_space<vmem>> -> memref<4096xf32, #tpu.memory_space<vmem>>
    %dma_start3A_158 = arith.constant 0 : i32
    %dma_start3A_159 = tpu.memref_slice %arg2[%add3A_153, %dma_start3A_158] : memref<64x16384xf32, #tpu.memory_space<hbm>> -> memref<1x4096xf32, #tpu.memory_space<hbm>>
    %dma_start3A_160 = tpu.memref_squeeze %dma_start3A_159 : memref<1x4096xf32, #tpu.memory_space<hbm>> -> memref<4096xf32, #tpu.memory_space<hbm>>
    %dma_start3A_161 = arith.constant 0 : i32
    %dma_start3A_162 = tpu.memref_slice %arg9[%dma_start3A_154, %dma_start3A_161] : memref<2x4096xf32, #tpu.memory_space<vmem>> -> memref<1x4096xf32, #tpu.memory_space<vmem>>
    %dma_start3A_163 = tpu.memref_squeeze %dma_start3A_162 : memref<1x4096xf32, #tpu.memory_space<vmem>> -> memref<4096xf32, #tpu.memory_space<vmem>>
    %dma_start3A_164 = arith.constant 0 : i32
    %dma_start3A_165 = tpu.memref_slice %arg2[%add3A_153, %dma_start3A_164] : memref<64x16384xf32, #tpu.memory_space<hbm>> -> memref<1x4096xf32, #tpu.memory_space<hbm>>
    %dma_start3A_166 = tpu.memref_squeeze %dma_start3A_165 : memref<1x4096xf32, #tpu.memory_space<hbm>> -> memref<4096xf32, #tpu.memory_space<hbm>>
    tpu.enqueue_dma source(%dma_start3A_166 : memref<4096xf32, #tpu.memory_space<hbm>>) target(%dma_start3A_163 : memref<4096xf32, #tpu.memory_space<vmem>>) target_semaphore(%arg14 : memref<!tpu.dma_semaphore, #tpu.memory_space<semaphore_mem>>)
    %dma_wait3A_167 = arith.constant 1 : i32
    %dma_wait3A_168 = arith.constant 0 : i32
    %dma_wait3A_169 = tpu.memref_slice %arg9[%dma_wait3A_167, %dma_wait3A_168] : memref<2x4096xf32, #tpu.memory_space<vmem>> -> memref<1x4096xf32, #tpu.memory_space<vmem>>
    %dma_wait3A_170 = tpu.memref_squeeze %dma_wait3A_169 : memref<1x4096xf32, #tpu.memory_space<vmem>> -> memref<4096xf32, #tpu.memory_space<vmem>>
    %dma_wait3A_171 = arith.constant 12288 : i32
    %dma_wait3A_172 = tpu.memref_slice %arg2[%add3A_117, %dma_wait3A_171] : memref<64x16384xf32, #tpu.memory_space<hbm>> -> memref<1x4096xf32, #tpu.memory_space<hbm>>
    %dma_wait3A_173 = tpu.memref_squeeze %dma_wait3A_172 : memref<1x4096xf32, #tpu.memory_space<hbm>> -> memref<4096xf32, #tpu.memory_space<hbm>>
    %dma_wait3A_174 = arith.constant 0 : i32
    %dma_wait3A_175 = tpu.memref_slice %arg9[%dma_wait3A_167, %dma_wait3A_174] : memref<2x4096xf32, #tpu.memory_space<vmem>> -> memref<1x4096xf32, #tpu.memory_space<vmem>>
    %dma_wait3A_176 = tpu.memref_squeeze %dma_wait3A_175 : memref<1x4096xf32, #tpu.memory_space<vmem>> -> memref<4096xf32, #tpu.memory_space<vmem>>
    %dma_wait3A_177 = arith.constant 12288 : i32
    %dma_wait3A_178 = tpu.memref_slice %arg2[%add3A_117, %dma_wait3A_177] : memref<64x16384xf32, #tpu.memory_space<hbm>> -> memref<1x4096xf32, #tpu.memory_space<hbm>>
    %dma_wait3A_179 = tpu.memref_squeeze %dma_wait3A_178 : memref<1x4096xf32, #tpu.memory_space<hbm>> -> memref<4096xf32, #tpu.memory_space<hbm>>
    tpu.wait_dma2 semaphore(%arg15 : memref<!tpu.dma_semaphore, #tpu.memory_space<semaphore_mem>>) src(%dma_wait3A_179 : memref<4096xf32, #tpu.memory_space<hbm>>) dst(%dma_wait3A_176 : memref<4096xf32, #tpu.memory_space<vmem>>)
    %scan3A_180 = arith.constant 0 : i32
    %scan3A_181 = arith.constant 64 : i32
    %scan3A_182 = arith.addi %scan3A_180, %scan3A_181 : i32
    %scan3A_183 = arith.constant 1 : i32
    %scan3A_184:4 = scf.for %scan3A_643 = %scan3A_180 to %scan3A_182 step %scan3A_183 iter_args(%scan3A_644 = %scan3A_148#0, %scan3A_645 = %scan3A_148#1, %scan3A_646 = %scan3A_148#2, %scan3A_647 = %scan3A_148#3) -> (vector<16xf32>, vector<16xf32>, vector<16xf32>, vector<16xf32>)  : i32 {
      %mul3A_648 = arith.constant 4 : i32
      %mul3A_649 = arith.muli %scan3A_643, %mul3A_648 : i32
      %add3A_650 = arith.constant 0 : i32
      %add3A_651 = arith.addi %mul3A_649, %add3A_650 : i32
      %mul3A_652 = arith.constant 16 : i32
      %mul3A_653 = arith.muli %add3A_651, %mul3A_652 : i32
      %add3A_654 = arith.constant 12288 : i32
      %add3A_655 = arith.addi %add3A_654, %mul3A_653 : i32
      %get3A = arith.index_cast %add3A_655 : i32 to index
      %get3A_656 = tpu.vector_load %arg8[%get3A] {strides = array<i32>} : memref<16384xi32, #tpu.memory_space<vmem>>, vector<16xi32>,
      %get3A_657 = arith.constant 1 : i32
      %get3A_658 = arith.index_cast %get3A_657 : i32 to index
      %get3A_659 = arith.index_cast %mul3A_653 : i32 to index
      %get3A_660 = tpu.vector_load %arg9[%get3A_658, %get3A_659] {strides = array<i32>} : memref<2x4096xf32, #tpu.memory_space<vmem>>, vector<16xf32>,
      %lt3A = arith.constant 50048 : i32
      %lt3A_661 = vector.broadcast %lt3A : i32 to vector<16xi32>
      %lt3A_662 = arith.cmpi slt, %get3A_656, %lt3A_661 : vector<16xi32>
      %gather3A = tpu.vector_load_idx %arg6[%get3A_656] masked %lt3A_662 : memref<50048xf32, #tpu.memory_space<vmem>>[vector<16xi32>], vector<16xf32>, vector<16xi1>
      %sub3A = arith.subf %get3A_660, %gather3A : vector<16xf32>
      %mul3A_663 = arith.mulf %sub3A, %sub3A : vector<16xf32>
      %jit3A = arith.constant 0.000000e+00 : f32
      %broadcast_in_dim3A_664 = vector.broadcast %jit3A : f32 to vector<16xf32>
      %select_n3A = arith.select %lt3A_662, %mul3A_663, %broadcast_in_dim3A_664 : vector<16xi1>, vector<16xf32>
      %add3A_665 = arith.addf %scan3A_644, %select_n3A : vector<16xf32>
      %mul3A_666 = arith.constant 4 : i32
      %mul3A_667 = arith.muli %scan3A_643, %mul3A_666 : i32
      %add3A_668 = arith.constant 1 : i32
      %add3A_669 = arith.addi %mul3A_667, %add3A_668 : i32
      %mul3A_670 = arith.constant 16 : i32
      %mul3A_671 = arith.muli %add3A_669, %mul3A_670 : i32
      %add3A_672 = arith.constant 12288 : i32
      %add3A_673 = arith.addi %add3A_672, %mul3A_671 : i32
      %get3A_674 = arith.index_cast %add3A_673 : i32 to index
      %get3A_675 = tpu.vector_load %arg8[%get3A_674] {strides = array<i32>} : memref<16384xi32, #tpu.memory_space<vmem>>, vector<16xi32>,
      %get3A_676 = arith.constant 1 : i32
      %get3A_677 = arith.index_cast %get3A_676 : i32 to index
      %get3A_678 = arith.index_cast %mul3A_671 : i32 to index
      %get3A_679 = tpu.vector_load %arg9[%get3A_677, %get3A_678] {strides = array<i32>} : memref<2x4096xf32, #tpu.memory_space<vmem>>, vector<16xf32>,
      %lt3A_680 = arith.constant 50048 : i32
      %lt3A_681 = vector.broadcast %lt3A_680 : i32 to vector<16xi32>
      %lt3A_682 = arith.cmpi slt, %get3A_675, %lt3A_681 : vector<16xi32>
      %gather3A_683 = tpu.vector_load_idx %arg6[%get3A_675] masked %lt3A_682 : memref<50048xf32, #tpu.memory_space<vmem>>[vector<16xi32>], vector<16xf32>, vector<16xi1>
      %sub3A_684 = arith.subf %get3A_679, %gather3A_683 : vector<16xf32>
      %mul3A_685 = arith.mulf %sub3A_684, %sub3A_684 : vector<16xf32>
      %jit3A_686 = arith.constant 0.000000e+00 : f32
      %broadcast_in_dim3A_687 = vector.broadcast %jit3A_686 : f32 to vector<16xf32>
      %select_n3A_688 = arith.select %lt3A_682, %mul3A_685, %broadcast_in_dim3A_687 : vector<16xi1>, vector<16xf32>
      %add3A_689 = arith.addf %scan3A_645, %select_n3A_688 : vector<16xf32>
      %mul3A_690 = arith.constant 4 : i32
      %mul3A_691 = arith.muli %scan3A_643, %mul3A_690 : i32
      %add3A_692 = arith.constant 2 : i32
      %add3A_693 = arith.addi %mul3A_691, %add3A_692 : i32
      %mul3A_694 = arith.constant 16 : i32
      %mul3A_695 = arith.muli %add3A_693, %mul3A_694 : i32
      %add3A_696 = arith.constant 12288 : i32
      %add3A_697 = arith.addi %add3A_696, %mul3A_695 : i32
      %get3A_698 = arith.index_cast %add3A_697 : i32 to index
      %get3A_699 = tpu.vector_load %arg8[%get3A_698] {strides = array<i32>} : memref<16384xi32, #tpu.memory_space<vmem>>, vector<16xi32>,
      %get3A_700 = arith.constant 1 : i32
      %get3A_701 = arith.index_cast %get3A_700 : i32 to index
      %get3A_702 = arith.index_cast %mul3A_695 : i32 to index
      %get3A_703 = tpu.vector_load %arg9[%get3A_701, %get3A_702] {strides = array<i32>} : memref<2x4096xf32, #tpu.memory_space<vmem>>, vector<16xf32>,
      %lt3A_704 = arith.constant 50048 : i32
      %lt3A_705 = vector.broadcast %lt3A_704 : i32 to vector<16xi32>
      %lt3A_706 = arith.cmpi slt, %get3A_699, %lt3A_705 : vector<16xi32>
      %gather3A_707 = tpu.vector_load_idx %arg6[%get3A_699] masked %lt3A_706 : memref<50048xf32, #tpu.memory_space<vmem>>[vector<16xi32>], vector<16xf32>, vector<16xi1>
      %sub3A_708 = arith.subf %get3A_703, %gather3A_707 : vector<16xf32>
      %mul3A_709 = arith.mulf %sub3A_708, %sub3A_708 : vector<16xf32>
      %jit3A_710 = arith.constant 0.000000e+00 : f32
      %broadcast_in_dim3A_711 = vector.broadcast %jit3A_710 : f32 to vector<16xf32>
      %select_n3A_712 = arith.select %lt3A_706, %mul3A_709, %broadcast_in_dim3A_711 : vector<16xi1>, vector<16xf32>
      %add3A_713 = arith.addf %scan3A_646, %select_n3A_712 : vector<16xf32>
      %mul3A_714 = arith.constant 4 : i32
      %mul3A_715 = arith.muli %scan3A_643, %mul3A_714 : i32
      %add3A_716 = arith.constant 3 : i32
      %add3A_717 = arith.addi %mul3A_715, %add3A_716 : i32
      %mul3A_718 = arith.constant 16 : i32
      %mul3A_719 = arith.muli %add3A_717, %mul3A_718 : i32
      %add3A_720 = arith.constant 12288 : i32
      %add3A_721 = arith.addi %add3A_720, %mul3A_719 : i32
      %get3A_722 = arith.index_cast %add3A_721 : i32 to index
      %get3A_723 = tpu.vector_load %arg8[%get3A_722] {strides = array<i32>} : memref<16384xi32, #tpu.memory_space<vmem>>, vector<16xi32>,
      %get3A_724 = arith.constant 1 : i32
      %get3A_725 = arith.index_cast %get3A_724 : i32 to index
      %get3A_726 = arith.index_cast %mul3A_719 : i32 to index
      %get3A_727 = tpu.vector_load %arg9[%get3A_725, %get3A_726] {strides = array<i32>} : memref<2x4096xf32, #tpu.memory_space<vmem>>, vector<16xf32>,
      %lt3A_728 = arith.constant 50048 : i32
      %lt3A_729 = vector.broadcast %lt3A_728 : i32 to vector<16xi32>
      %lt3A_730 = arith.cmpi slt, %get3A_723, %lt3A_729 : vector<16xi32>
      %gather3A_731 = tpu.vector_load_idx %arg6[%get3A_723] masked %lt3A_730 : memref<50048xf32, #tpu.memory_space<vmem>>[vector<16xi32>], vector<16xf32>, vector<16xi1>
      %sub3A_732 = arith.subf %get3A_727, %gather3A_731 : vector<16xf32>
      %mul3A_733 = arith.mulf %sub3A_732, %sub3A_732 : vector<16xf32>
      %jit3A_734 = arith.constant 0.000000e+00 : f32
      %broadcast_in_dim3A_735 = vector.broadcast %jit3A_734 : f32 to vector<16xf32>
      %select_n3A_736 = arith.select %lt3A_730, %mul3A_733, %broadcast_in_dim3A_735 : vector<16xi1>, vector<16xf32>
      %add3A_737 = arith.addf %scan3A_647, %select_n3A_736 : vector<16xf32>
      scf.yield %add3A_665, %add3A_689, %add3A_713, %add3A_737 : vector<16xf32>, vector<16xf32>, vector<16xf32>, vector<16xf32>
    }
    %scan3A_185 = arith.constant 64 : i32
    %mul3A_186 = arith.constant 2 : i32
    %mul3A_187 = arith.muli %add3A, %mul3A_186 : i32
    %add3A_188 = arith.constant 0 : i32
    %add3A_189 = arith.addi %mul3A_187, %add3A_188 : i32
    %dma_start3A_190 = arith.constant 1 : i32
    %dma_start3A_191 = arith.constant 0 : i32
    %dma_start3A_192 = tpu.memref_slice %arg9[%dma_start3A_190, %dma_start3A_191] : memref<2x4096xf32, #tpu.memory_space<vmem>> -> memref<1x4096xf32, #tpu.memory_space<vmem>>
    %dma_start3A_193 = tpu.memref_squeeze %dma_start3A_192 : memref<1x4096xf32, #tpu.memory_space<vmem>> -> memref<4096xf32, #tpu.memory_space<vmem>>
    %dma_start3A_194 = arith.constant 4096 : i32
    %dma_start3A_195 = tpu.memref_slice %arg2[%add3A_189, %dma_start3A_194] : memref<64x16384xf32, #tpu.memory_space<hbm>> -> memref<1x4096xf32, #tpu.memory_space<hbm>>
    %dma_start3A_196 = tpu.memref_squeeze %dma_start3A_195 : memref<1x4096xf32, #tpu.memory_space<hbm>> -> memref<4096xf32, #tpu.memory_space<hbm>>
    %dma_start3A_197 = arith.constant 0 : i32
    %dma_start3A_198 = tpu.memref_slice %arg9[%dma_start3A_190, %dma_start3A_197] : memref<2x4096xf32, #tpu.memory_space<vmem>> -> memref<1x4096xf32, #tpu.memory_space<vmem>>
    %dma_start3A_199 = tpu.memref_squeeze %dma_start3A_198 : memref<1x4096xf32, #tpu.memory_space<vmem>> -> memref<4096xf32, #tpu.memory_space<vmem>>
    %dma_start3A_200 = arith.constant 4096 : i32
    %dma_start3A_201 = tpu.memref_slice %arg2[%add3A_189, %dma_start3A_200] : memref<64x16384xf32, #tpu.memory_space<hbm>> -> memref<1x4096xf32, #tpu.memory_space<hbm>>
    %dma_start3A_202 = tpu.memref_squeeze %dma_start3A_201 : memref<1x4096xf32, #tpu.memory_space<hbm>> -> memref<4096xf32, #tpu.memory_space<hbm>>
    tpu.enqueue_dma source(%dma_start3A_202 : memref<4096xf32, #tpu.memory_space<hbm>>) target(%dma_start3A_199 : memref<4096xf32, #tpu.memory_space<vmem>>) target_semaphore(%arg15 : memref<!tpu.dma_semaphore, #tpu.memory_space<semaphore_mem>>)
    %mul3A_203 = arith.constant 2 : i32
    %mul3A_204 = arith.muli %add3A, %mul3A_203 : i32
    %add3A_205 = arith.constant 1 : i32
    %add3A_206 = arith.addi %mul3A_204, %add3A_205 : i32
    %dma_start3A_207 = arith.constant 0 : i32
    %dma_start3A_208 = tpu.memref_slice %arg4[%add3A_206, %dma_start3A_207] : memref<64x100000xf32, #tpu.memory_space<hbm>> -> memref<1x50048xf32, #tpu.memory_space<hbm>>
    %dma_start3A_209 = tpu.memref_squeeze %dma_start3A_208 : memref<1x50048xf32, #tpu.memory_space<hbm>> -> memref<50048xf32, #tpu.memory_space<hbm>>
    %dma_start3A_210 = arith.constant 0 : i32
    %dma_start3A_211 = tpu.memref_slice %arg4[%add3A_206, %dma_start3A_210] : memref<64x100000xf32, #tpu.memory_space<hbm>> -> memref<1x50048xf32, #tpu.memory_space<hbm>>
    %dma_start3A_212 = tpu.memref_squeeze %dma_start3A_211 : memref<1x50048xf32, #tpu.memory_space<hbm>> -> memref<50048xf32, #tpu.memory_space<hbm>>
    tpu.enqueue_dma source(%dma_start3A_212 : memref<50048xf32, #tpu.memory_space<hbm>>) target(%arg6 : memref<50048xf32, #tpu.memory_space<vmem>>) target_semaphore(%arg11 : memref<!tpu.dma_semaphore, #tpu.memory_space<semaphore_mem>>)
    %dma_wait3A_213 = arith.constant 50048 : i32
    %dma_wait3A_214 = tpu.memref_slice %arg4[%add3A_47, %dma_wait3A_213] : memref<64x100000xf32, #tpu.memory_space<hbm>> -> memref<1x49952xf32, #tpu.memory_space<hbm>>
    %dma_wait3A_215 = tpu.memref_squeeze %dma_wait3A_214 : memref<1x49952xf32, #tpu.memory_space<hbm>> -> memref<49952xf32, #tpu.memory_space<hbm>>
    %dma_wait3A_216 = arith.constant 50048 : i32
    %dma_wait3A_217 = tpu.memref_slice %arg4[%add3A_47, %dma_wait3A_216] : memref<64x100000xf32, #tpu.memory_space<hbm>> -> memref<1x49952xf32, #tpu.memory_space<hbm>>
    %dma_wait3A_218 = tpu.memref_squeeze %dma_wait3A_217 : memref<1x49952xf32, #tpu.memory_space<hbm>> -> memref<49952xf32, #tpu.memory_space<hbm>>
    tpu.wait_dma2 semaphore(%arg12 : memref<!tpu.dma_semaphore, #tpu.memory_space<semaphore_mem>>) src(%dma_wait3A_218 : memref<49952xf32, #tpu.memory_space<hbm>>) dst(%arg7 : memref<49952xf32, #tpu.memory_space<vmem>>)
    %dma_wait3A_219 = arith.constant 0 : i32
    %dma_wait3A_220 = arith.constant 0 : i32
    %dma_wait3A_221 = tpu.memref_slice %arg9[%dma_wait3A_219, %dma_wait3A_220] : memref<2x4096xf32, #tpu.memory_space<vmem>> -> memref<1x4096xf32, #tpu.memory_space<vmem>>
    %dma_wait3A_222 = tpu.memref_squeeze %dma_wait3A_221 : memref<1x4096xf32, #tpu.memory_space<vmem>> -> memref<4096xf32, #tpu.memory_space<vmem>>
    %dma_wait3A_223 = arith.constant 0 : i32
    %dma_wait3A_224 = tpu.memref_slice %arg2[%add3A_153, %dma_wait3A_223] : memref<64x16384xf32, #tpu.memory_space<hbm>> -> memref<1x4096xf32, #tpu.memory_space<hbm>>
    %dma_wait3A_225 = tpu.memref_squeeze %dma_wait3A_224 : memref<1x4096xf32, #tpu.memory_space<hbm>> -> memref<4096xf32, #tpu.memory_space<hbm>>
    %dma_wait3A_226 = arith.constant 0 : i32
    %dma_wait3A_227 = tpu.memref_slice %arg9[%dma_wait3A_219, %dma_wait3A_226] : memref<2x4096xf32, #tpu.memory_space<vmem>> -> memref<1x4096xf32, #tpu.memory_space<vmem>>
    %dma_wait3A_228 = tpu.memref_squeeze %dma_wait3A_227 : memref<1x4096xf32, #tpu.memory_space<vmem>> -> memref<4096xf32, #tpu.memory_space<vmem>>
    %dma_wait3A_229 = arith.constant 0 : i32
    %dma_wait3A_230 = tpu.memref_slice %arg2[%add3A_153, %dma_wait3A_229] : memref<64x16384xf32, #tpu.memory_space<hbm>> -> memref<1x4096xf32, #tpu.memory_space<hbm>>
    %dma_wait3A_231 = tpu.memref_squeeze %dma_wait3A_230 : memref<1x4096xf32, #tpu.memory_space<hbm>> -> memref<4096xf32, #tpu.memory_space<hbm>>
    tpu.wait_dma2 semaphore(%arg14 : memref<!tpu.dma_semaphore, #tpu.memory_space<semaphore_mem>>) src(%dma_wait3A_231 : memref<4096xf32, #tpu.memory_space<hbm>>) dst(%dma_wait3A_228 : memref<4096xf32, #tpu.memory_space<vmem>>)
    %scan3A_232 = arith.constant 0 : i32
    %scan3A_233 = arith.constant 64 : i32
    %scan3A_234 = arith.addi %scan3A_232, %scan3A_233 : i32
    %scan3A_235 = arith.constant 1 : i32
    %scan3A_236:4 = scf.for %scan3A_643 = %scan3A_232 to %scan3A_234 step %scan3A_235 iter_args(%scan3A_644 = %scan3A_184#0, %scan3A_645 = %scan3A_184#1, %scan3A_646 = %scan3A_184#2, %scan3A_647 = %scan3A_184#3) -> (vector<16xf32>, vector<16xf32>, vector<16xf32>, vector<16xf32>)  : i32 {
      %mul3A_648 = arith.constant 4 : i32
      %mul3A_649 = arith.muli %scan3A_643, %mul3A_648 : i32
      %add3A_650 = arith.constant 0 : i32
      %add3A_651 = arith.addi %mul3A_649, %add3A_650 : i32
      %mul3A_652 = arith.constant 16 : i32
      %mul3A_653 = arith.muli %add3A_651, %mul3A_652 : i32
      %add3A_654 = arith.constant 0 : i32
      %add3A_655 = arith.addi %add3A_654, %mul3A_653 : i32
      %get3A = arith.index_cast %add3A_655 : i32 to index
      %get3A_656 = tpu.vector_load %arg8[%get3A] {strides = array<i32>} : memref<16384xi32, #tpu.memory_space<vmem>>, vector<16xi32>,
      %get3A_657 = arith.constant 0 : i32
      %get3A_658 = arith.index_cast %get3A_657 : i32 to index
      %get3A_659 = arith.index_cast %mul3A_653 : i32 to index
      %get3A_660 = tpu.vector_load %arg9[%get3A_658, %get3A_659] {strides = array<i32>} : memref<2x4096xf32, #tpu.memory_space<vmem>>, vector<16xf32>,
      %ge3A = arith.constant 50048 : i32
      %ge3A_661 = vector.broadcast %ge3A : i32 to vector<16xi32>
      %ge3A_662 = arith.cmpi sge, %get3A_656, %ge3A_661 : vector<16xi32>
      %sub3A = arith.constant 50048 : i32
      %sub3A_663 = vector.broadcast %sub3A : i32 to vector<16xi32>
      %sub3A_664 = arith.subi %get3A_656, %sub3A_663 : vector<16xi32>
      %gather3A = tpu.vector_load_idx %arg7[%sub3A_664] masked %ge3A_662 : memref<49952xf32, #tpu.memory_space<vmem>>[vector<16xi32>], vector<16xf32>, vector<16xi1>
      %sub3A_665 = arith.subf %get3A_660, %gather3A : vector<16xf32>
      %mul3A_666 = arith.mulf %sub3A_665, %sub3A_665 : vector<16xf32>
      %jit3A = arith.constant 0.000000e+00 : f32
      %broadcast_in_dim3A_667 = vector.broadcast %jit3A : f32 to vector<16xf32>
      %select_n3A = arith.select %ge3A_662, %mul3A_666, %broadcast_in_dim3A_667 : vector<16xi1>, vector<16xf32>
      %add3A_668 = arith.addf %scan3A_644, %select_n3A : vector<16xf32>
      %mul3A_669 = arith.constant 4 : i32
      %mul3A_670 = arith.muli %scan3A_643, %mul3A_669 : i32
      %add3A_671 = arith.constant 1 : i32
      %add3A_672 = arith.addi %mul3A_670, %add3A_671 : i32
      %mul3A_673 = arith.constant 16 : i32
      %mul3A_674 = arith.muli %add3A_672, %mul3A_673 : i32
      %add3A_675 = arith.constant 0 : i32
      %add3A_676 = arith.addi %add3A_675, %mul3A_674 : i32
      %get3A_677 = arith.index_cast %add3A_676 : i32 to index
      %get3A_678 = tpu.vector_load %arg8[%get3A_677] {strides = array<i32>} : memref<16384xi32, #tpu.memory_space<vmem>>, vector<16xi32>,
      %get3A_679 = arith.constant 0 : i32
      %get3A_680 = arith.index_cast %get3A_679 : i32 to index
      %get3A_681 = arith.index_cast %mul3A_674 : i32 to index
      %get3A_682 = tpu.vector_load %arg9[%get3A_680, %get3A_681] {strides = array<i32>} : memref<2x4096xf32, #tpu.memory_space<vmem>>, vector<16xf32>,
      %ge3A_683 = arith.constant 50048 : i32
      %ge3A_684 = vector.broadcast %ge3A_683 : i32 to vector<16xi32>
      %ge3A_685 = arith.cmpi sge, %get3A_678, %ge3A_684 : vector<16xi32>
      %sub3A_686 = arith.constant 50048 : i32
      %sub3A_687 = vector.broadcast %sub3A_686 : i32 to vector<16xi32>
      %sub3A_688 = arith.subi %get3A_678, %sub3A_687 : vector<16xi32>
      %gather3A_689 = tpu.vector_load_idx %arg7[%sub3A_688] masked %ge3A_685 : memref<49952xf32, #tpu.memory_space<vmem>>[vector<16xi32>], vector<16xf32>, vector<16xi1>
      %sub3A_690 = arith.subf %get3A_682, %gather3A_689 : vector<16xf32>
      %mul3A_691 = arith.mulf %sub3A_690, %sub3A_690 : vector<16xf32>
      %jit3A_692 = arith.constant 0.000000e+00 : f32
      %broadcast_in_dim3A_693 = vector.broadcast %jit3A_692 : f32 to vector<16xf32>
      %select_n3A_694 = arith.select %ge3A_685, %mul3A_691, %broadcast_in_dim3A_693 : vector<16xi1>, vector<16xf32>
      %add3A_695 = arith.addf %scan3A_645, %select_n3A_694 : vector<16xf32>
      %mul3A_696 = arith.constant 4 : i32
      %mul3A_697 = arith.muli %scan3A_643, %mul3A_696 : i32
      %add3A_698 = arith.constant 2 : i32
      %add3A_699 = arith.addi %mul3A_697, %add3A_698 : i32
      %mul3A_700 = arith.constant 16 : i32
      %mul3A_701 = arith.muli %add3A_699, %mul3A_700 : i32
      %add3A_702 = arith.constant 0 : i32
      %add3A_703 = arith.addi %add3A_702, %mul3A_701 : i32
      %get3A_704 = arith.index_cast %add3A_703 : i32 to index
      %get3A_705 = tpu.vector_load %arg8[%get3A_704] {strides = array<i32>} : memref<16384xi32, #tpu.memory_space<vmem>>, vector<16xi32>,
      %get3A_706 = arith.constant 0 : i32
      %get3A_707 = arith.index_cast %get3A_706 : i32 to index
      %get3A_708 = arith.index_cast %mul3A_701 : i32 to index
      %get3A_709 = tpu.vector_load %arg9[%get3A_707, %get3A_708] {strides = array<i32>} : memref<2x4096xf32, #tpu.memory_space<vmem>>, vector<16xf32>,
      %ge3A_710 = arith.constant 50048 : i32
      %ge3A_711 = vector.broadcast %ge3A_710 : i32 to vector<16xi32>
      %ge3A_712 = arith.cmpi sge, %get3A_705, %ge3A_711 : vector<16xi32>
      %sub3A_713 = arith.constant 50048 : i32
      %sub3A_714 = vector.broadcast %sub3A_713 : i32 to vector<16xi32>
      %sub3A_715 = arith.subi %get3A_705, %sub3A_714 : vector<16xi32>
      %gather3A_716 = tpu.vector_load_idx %arg7[%sub3A_715] masked %ge3A_712 : memref<49952xf32, #tpu.memory_space<vmem>>[vector<16xi32>], vector<16xf32>, vector<16xi1>
      %sub3A_717 = arith.subf %get3A_709, %gather3A_716 : vector<16xf32>
      %mul3A_718 = arith.mulf %sub3A_717, %sub3A_717 : vector<16xf32>
      %jit3A_719 = arith.constant 0.000000e+00 : f32
      %broadcast_in_dim3A_720 = vector.broadcast %jit3A_719 : f32 to vector<16xf32>
      %select_n3A_721 = arith.select %ge3A_712, %mul3A_718, %broadcast_in_dim3A_720 : vector<16xi1>, vector<16xf32>
      %add3A_722 = arith.addf %scan3A_646, %select_n3A_721 : vector<16xf32>
      %mul3A_723 = arith.constant 4 : i32
      %mul3A_724 = arith.muli %scan3A_643, %mul3A_723 : i32
      %add3A_725 = arith.constant 3 : i32
      %add3A_726 = arith.addi %mul3A_724, %add3A_725 : i32
      %mul3A_727 = arith.constant 16 : i32
      %mul3A_728 = arith.muli %add3A_726, %mul3A_727 : i32
      %add3A_729 = arith.constant 0 : i32
      %add3A_730 = arith.addi %add3A_729, %mul3A_728 : i32
      %get3A_731 = arith.index_cast %add3A_730 : i32 to index
      %get3A_732 = tpu.vector_load %arg8[%get3A_731] {strides = array<i32>} : memref<16384xi32, #tpu.memory_space<vmem>>, vector<16xi32>,
      %get3A_733 = arith.constant 0 : i32
      %get3A_734 = arith.index_cast %get3A_733 : i32 to index
      %get3A_735 = arith.index_cast %mul3A_728 : i32 to index
      %get3A_736 = tpu.vector_load %arg9[%get3A_734, %get3A_735] {strides = array<i32>} : memref<2x4096xf32, #tpu.memory_space<vmem>>, vector<16xf32>,
      %ge3A_737 = arith.constant 50048 : i32
      %ge3A_738 = vector.broadcast %ge3A_737 : i32 to vector<16xi32>
      %ge3A_739 = arith.cmpi sge, %get3A_732, %ge3A_738 : vector<16xi32>
      %sub3A_740 = arith.constant 50048 : i32
      %sub3A_741 = vector.broadcast %sub3A_740 : i32 to vector<16xi32>
      %sub3A_742 = arith.subi %get3A_732, %sub3A_741 : vector<16xi32>
      %gather3A_743 = tpu.vector_load_idx %arg7[%sub3A_742] masked %ge3A_739 : memref<49952xf32, #tpu.memory_space<vmem>>[vector<16xi32>], vector<16xf32>, vector<16xi1>
      %sub3A_744 = arith.subf %get3A_736, %gather3A_743 : vector<16xf32>
      %mul3A_745 = arith.mulf %sub3A_744, %sub3A_744 : vector<16xf32>
      %jit3A_746 = arith.constant 0.000000e+00 : f32
      %broadcast_in_dim3A_747 = vector.broadcast %jit3A_746 : f32 to vector<16xf32>
      %select_n3A_748 = arith.select %ge3A_739, %mul3A_745, %broadcast_in_dim3A_747 : vector<16xi1>, vector<16xf32>
      %add3A_749 = arith.addf %scan3A_647, %select_n3A_748 : vector<16xf32>
      scf.yield %add3A_668, %add3A_695, %add3A_722, %add3A_749 : vector<16xf32>, vector<16xf32>, vector<16xf32>, vector<16xf32>
    }
    %scan3A_237 = arith.constant 64 : i32
    %mul3A_238 = arith.constant 2 : i32
    %mul3A_239 = arith.muli %add3A, %mul3A_238 : i32
    %add3A_240 = arith.constant 0 : i32
    %add3A_241 = arith.addi %mul3A_239, %add3A_240 : i32
    %dma_start3A_242 = arith.constant 0 : i32
    %dma_start3A_243 = arith.constant 0 : i32
    %dma_start3A_244 = tpu.memref_slice %arg9[%dma_start3A_242, %dma_start3A_243] : memref<2x4096xf32, #tpu.memory_space<vmem>> -> memref<1x4096xf32, #tpu.memory_space<vmem>>
    %dma_start3A_245 = tpu.memref_squeeze %dma_start3A_244 : memref<1x4096xf32, #tpu.memory_space<vmem>> -> memref<4096xf32, #tpu.memory_space<vmem>>
    %dma_start3A_246 = arith.constant 8192 : i32
    %dma_start3A_247 = tpu.memref_slice %arg2[%add3A_241, %dma_start3A_246] : memref<64x16384xf32, #tpu.memory_space<hbm>> -> memref<1x4096xf32, #tpu.memory_space<hbm>>
    %dma_start3A_248 = tpu.memref_squeeze %dma_start3A_247 : memref<1x4096xf32, #tpu.memory_space<hbm>> -> memref<4096xf32, #tpu.memory_space<hbm>>
    %dma_start3A_249 = arith.constant 0 : i32
    %dma_start3A_250 = tpu.memref_slice %arg9[%dma_start3A_242, %dma_start3A_249] : memref<2x4096xf32, #tpu.memory_space<vmem>> -> memref<1x4096xf32, #tpu.memory_space<vmem>>
    %dma_start3A_251 = tpu.memref_squeeze %dma_start3A_250 : memref<1x4096xf32, #tpu.memory_space<vmem>> -> memref<4096xf32, #tpu.memory_space<vmem>>
    %dma_start3A_252 = arith.constant 8192 : i32
    %dma_start3A_253 = tpu.memref_slice %arg2[%add3A_241, %dma_start3A_252] : memref<64x16384xf32, #tpu.memory_space<hbm>> -> memref<1x4096xf32, #tpu.memory_space<hbm>>
    %dma_start3A_254 = tpu.memref_squeeze %dma_start3A_253 : memref<1x4096xf32, #tpu.memory_space<hbm>> -> memref<4096xf32, #tpu.memory_space<hbm>>
    tpu.enqueue_dma source(%dma_start3A_254 : memref<4096xf32, #tpu.memory_space<hbm>>) target(%dma_start3A_251 : memref<4096xf32, #tpu.memory_space<vmem>>) target_semaphore(%arg14 : memref<!tpu.dma_semaphore, #tpu.memory_space<semaphore_mem>>)
    %dma_wait3A_255 = arith.constant 1 : i32
    %dma_wait3A_256 = arith.constant 0 : i32
    %dma_wait3A_257 = tpu.memref_slice %arg9[%dma_wait3A_255, %dma_wait3A_256] : memref<2x4096xf32, #tpu.memory_space<vmem>> -> memref<1x4096xf32, #tpu.memory_space<vmem>>
    %dma_wait3A_258 = tpu.memref_squeeze %dma_wait3A_257 : memref<1x4096xf32, #tpu.memory_space<vmem>> -> memref<4096xf32, #tpu.memory_space<vmem>>
    %dma_wait3A_259 = arith.constant 4096 : i32
    %dma_wait3A_260 = tpu.memref_slice %arg2[%add3A_189, %dma_wait3A_259] : memref<64x16384xf32, #tpu.memory_space<hbm>> -> memref<1x4096xf32, #tpu.memory_space<hbm>>
    %dma_wait3A_261 = tpu.memref_squeeze %dma_wait3A_260 : memref<1x4096xf32, #tpu.memory_space<hbm>> -> memref<4096xf32, #tpu.memory_space<hbm>>
    %dma_wait3A_262 = arith.constant 0 : i32
    %dma_wait3A_263 = tpu.memref_slice %arg9[%dma_wait3A_255, %dma_wait3A_262] : memref<2x4096xf32, #tpu.memory_space<vmem>> -> memref<1x4096xf32, #tpu.memory_space<vmem>>
    %dma_wait3A_264 = tpu.memref_squeeze %dma_wait3A_263 : memref<1x4096xf32, #tpu.memory_space<vmem>> -> memref<4096xf32, #tpu.memory_space<vmem>>
    %dma_wait3A_265 = arith.constant 4096 : i32
    %dma_wait3A_266 = tpu.memref_slice %arg2[%add3A_189, %dma_wait3A_265] : memref<64x16384xf32, #tpu.memory_space<hbm>> -> memref<1x4096xf32, #tpu.memory_space<hbm>>
    %dma_wait3A_267 = tpu.memref_squeeze %dma_wait3A_266 : memref<1x4096xf32, #tpu.memory_space<hbm>> -> memref<4096xf32, #tpu.memory_space<hbm>>
    tpu.wait_dma2 semaphore(%arg15 : memref<!tpu.dma_semaphore, #tpu.memory_space<semaphore_mem>>) src(%dma_wait3A_267 : memref<4096xf32, #tpu.memory_space<hbm>>) dst(%dma_wait3A_264 : memref<4096xf32, #tpu.memory_space<vmem>>)
    %scan3A_268 = arith.constant 0 : i32
    %scan3A_269 = arith.constant 64 : i32
    %scan3A_270 = arith.addi %scan3A_268, %scan3A_269 : i32
    %scan3A_271 = arith.constant 1 : i32
    %scan3A_272:4 = scf.for %scan3A_643 = %scan3A_268 to %scan3A_270 step %scan3A_271 iter_args(%scan3A_644 = %scan3A_236#0, %scan3A_645 = %scan3A_236#1, %scan3A_646 = %scan3A_236#2, %scan3A_647 = %scan3A_236#3) -> (vector<16xf32>, vector<16xf32>, vector<16xf32>, vector<16xf32>)  : i32 {
      %mul3A_648 = arith.constant 4 : i32
      %mul3A_649 = arith.muli %scan3A_643, %mul3A_648 : i32
      %add3A_650 = arith.constant 0 : i32
      %add3A_651 = arith.addi %mul3A_649, %add3A_650 : i32
      %mul3A_652 = arith.constant 16 : i32
      %mul3A_653 = arith.muli %add3A_651, %mul3A_652 : i32
      %add3A_654 = arith.constant 4096 : i32
      %add3A_655 = arith.addi %add3A_654, %mul3A_653 : i32
      %get3A = arith.index_cast %add3A_655 : i32 to index
      %get3A_656 = tpu.vector_load %arg8[%get3A] {strides = array<i32>} : memref<16384xi32, #tpu.memory_space<vmem>>, vector<16xi32>,
      %get3A_657 = arith.constant 1 : i32
      %get3A_658 = arith.index_cast %get3A_657 : i32 to index
      %get3A_659 = arith.index_cast %mul3A_653 : i32 to index
      %get3A_660 = tpu.vector_load %arg9[%get3A_658, %get3A_659] {strides = array<i32>} : memref<2x4096xf32, #tpu.memory_space<vmem>>, vector<16xf32>,
      %ge3A = arith.constant 50048 : i32
      %ge3A_661 = vector.broadcast %ge3A : i32 to vector<16xi32>
      %ge3A_662 = arith.cmpi sge, %get3A_656, %ge3A_661 : vector<16xi32>
      %sub3A = arith.constant 50048 : i32
      %sub3A_663 = vector.broadcast %sub3A : i32 to vector<16xi32>
      %sub3A_664 = arith.subi %get3A_656, %sub3A_663 : vector<16xi32>
      %gather3A = tpu.vector_load_idx %arg7[%sub3A_664] masked %ge3A_662 : memref<49952xf32, #tpu.memory_space<vmem>>[vector<16xi32>], vector<16xf32>, vector<16xi1>
      %sub3A_665 = arith.subf %get3A_660, %gather3A : vector<16xf32>
      %mul3A_666 = arith.mulf %sub3A_665, %sub3A_665 : vector<16xf32>
      %jit3A = arith.constant 0.000000e+00 : f32
      %broadcast_in_dim3A_667 = vector.broadcast %jit3A : f32 to vector<16xf32>
      %select_n3A = arith.select %ge3A_662, %mul3A_666, %broadcast_in_dim3A_667 : vector<16xi1>, vector<16xf32>
      %add3A_668 = arith.addf %scan3A_644, %select_n3A : vector<16xf32>
      %mul3A_669 = arith.constant 4 : i32
      %mul3A_670 = arith.muli %scan3A_643, %mul3A_669 : i32
      %add3A_671 = arith.constant 1 : i32
      %add3A_672 = arith.addi %mul3A_670, %add3A_671 : i32
      %mul3A_673 = arith.constant 16 : i32
      %mul3A_674 = arith.muli %add3A_672, %mul3A_673 : i32
      %add3A_675 = arith.constant 4096 : i32
      %add3A_676 = arith.addi %add3A_675, %mul3A_674 : i32
      %get3A_677 = arith.index_cast %add3A_676 : i32 to index
      %get3A_678 = tpu.vector_load %arg8[%get3A_677] {strides = array<i32>} : memref<16384xi32, #tpu.memory_space<vmem>>, vector<16xi32>,
      %get3A_679 = arith.constant 1 : i32
      %get3A_680 = arith.index_cast %get3A_679 : i32 to index
      %get3A_681 = arith.index_cast %mul3A_674 : i32 to index
      %get3A_682 = tpu.vector_load %arg9[%get3A_680, %get3A_681] {strides = array<i32>} : memref<2x4096xf32, #tpu.memory_space<vmem>>, vector<16xf32>,
      %ge3A_683 = arith.constant 50048 : i32
      %ge3A_684 = vector.broadcast %ge3A_683 : i32 to vector<16xi32>
      %ge3A_685 = arith.cmpi sge, %get3A_678, %ge3A_684 : vector<16xi32>
      %sub3A_686 = arith.constant 50048 : i32
      %sub3A_687 = vector.broadcast %sub3A_686 : i32 to vector<16xi32>
      %sub3A_688 = arith.subi %get3A_678, %sub3A_687 : vector<16xi32>
      %gather3A_689 = tpu.vector_load_idx %arg7[%sub3A_688] masked %ge3A_685 : memref<49952xf32, #tpu.memory_space<vmem>>[vector<16xi32>], vector<16xf32>, vector<16xi1>
      %sub3A_690 = arith.subf %get3A_682, %gather3A_689 : vector<16xf32>
      %mul3A_691 = arith.mulf %sub3A_690, %sub3A_690 : vector<16xf32>
      %jit3A_692 = arith.constant 0.000000e+00 : f32
      %broadcast_in_dim3A_693 = vector.broadcast %jit3A_692 : f32 to vector<16xf32>
      %select_n3A_694 = arith.select %ge3A_685, %mul3A_691, %broadcast_in_dim3A_693 : vector<16xi1>, vector<16xf32>
      %add3A_695 = arith.addf %scan3A_645, %select_n3A_694 : vector<16xf32>
      %mul3A_696 = arith.constant 4 : i32
      %mul3A_697 = arith.muli %scan3A_643, %mul3A_696 : i32
      %add3A_698 = arith.constant 2 : i32
      %add3A_699 = arith.addi %mul3A_697, %add3A_698 : i32
      %mul3A_700 = arith.constant 16 : i32
      %mul3A_701 = arith.muli %add3A_699, %mul3A_700 : i32
      %add3A_702 = arith.constant 4096 : i32
      %add3A_703 = arith.addi %add3A_702, %mul3A_701 : i32
      %get3A_704 = arith.index_cast %add3A_703 : i32 to index
      %get3A_705 = tpu.vector_load %arg8[%get3A_704] {strides = array<i32>} : memref<16384xi32, #tpu.memory_space<vmem>>, vector<16xi32>,
      %get3A_706 = arith.constant 1 : i32
      %get3A_707 = arith.index_cast %get3A_706 : i32 to index
      %get3A_708 = arith.index_cast %mul3A_701 : i32 to index
      %get3A_709 = tpu.vector_load %arg9[%get3A_707, %get3A_708] {strides = array<i32>} : memref<2x4096xf32, #tpu.memory_space<vmem>>, vector<16xf32>,
      %ge3A_710 = arith.constant 50048 : i32
      %ge3A_711 = vector.broadcast %ge3A_710 : i32 to vector<16xi32>
      %ge3A_712 = arith.cmpi sge, %get3A_705, %ge3A_711 : vector<16xi32>
      %sub3A_713 = arith.constant 50048 : i32
      %sub3A_714 = vector.broadcast %sub3A_713 : i32 to vector<16xi32>
      %sub3A_715 = arith.subi %get3A_705, %sub3A_714 : vector<16xi32>
      %gather3A_716 = tpu.vector_load_idx %arg7[%sub3A_715] masked %ge3A_712 : memref<49952xf32, #tpu.memory_space<vmem>>[vector<16xi32>], vector<16xf32>, vector<16xi1>
      %sub3A_717 = arith.subf %get3A_709, %gather3A_716 : vector<16xf32>
      %mul3A_718 = arith.mulf %sub3A_717, %sub3A_717 : vector<16xf32>
      %jit3A_719 = arith.constant 0.000000e+00 : f32
      %broadcast_in_dim3A_720 = vector.broadcast %jit3A_719 : f32 to vector<16xf32>
      %select_n3A_721 = arith.select %ge3A_712, %mul3A_718, %broadcast_in_dim3A_720 : vector<16xi1>, vector<16xf32>
      %add3A_722 = arith.addf %scan3A_646, %select_n3A_721 : vector<16xf32>
      %mul3A_723 = arith.constant 4 : i32
      %mul3A_724 = arith.muli %scan3A_643, %mul3A_723 : i32
      %add3A_725 = arith.constant 3 : i32
      %add3A_726 = arith.addi %mul3A_724, %add3A_725 : i32
      %mul3A_727 = arith.constant 16 : i32
      %mul3A_728 = arith.muli %add3A_726, %mul3A_727 : i32
      %add3A_729 = arith.constant 4096 : i32
      %add3A_730 = arith.addi %add3A_729, %mul3A_728 : i32
      %get3A_731 = arith.index_cast %add3A_730 : i32 to index
      %get3A_732 = tpu.vector_load %arg8[%get3A_731] {strides = array<i32>} : memref<16384xi32, #tpu.memory_space<vmem>>, vector<16xi32>,
      %get3A_733 = arith.constant 1 : i32
      %get3A_734 = arith.index_cast %get3A_733 : i32 to index
      %get3A_735 = arith.index_cast %mul3A_728 : i32 to index
      %get3A_736 = tpu.vector_load %arg9[%get3A_734, %get3A_735] {strides = array<i32>} : memref<2x4096xf32, #tpu.memory_space<vmem>>, vector<16xf32>,
      %ge3A_737 = arith.constant 50048 : i32
      %ge3A_738 = vector.broadcast %ge3A_737 : i32 to vector<16xi32>
      %ge3A_739 = arith.cmpi sge, %get3A_732, %ge3A_738 : vector<16xi32>
      %sub3A_740 = arith.constant 50048 : i32
      %sub3A_741 = vector.broadcast %sub3A_740 : i32 to vector<16xi32>
      %sub3A_742 = arith.subi %get3A_732, %sub3A_741 : vector<16xi32>
      %gather3A_743 = tpu.vector_load_idx %arg7[%sub3A_742] masked %ge3A_739 : memref<49952xf32, #tpu.memory_space<vmem>>[vector<16xi32>], vector<16xf32>, vector<16xi1>
      %sub3A_744 = arith.subf %get3A_736, %gather3A_743 : vector<16xf32>
      %mul3A_745 = arith.mulf %sub3A_744, %sub3A_744 : vector<16xf32>
      %jit3A_746 = arith.constant 0.000000e+00 : f32
      %broadcast_in_dim3A_747 = vector.broadcast %jit3A_746 : f32 to vector<16xf32>
      %select_n3A_748 = arith.select %ge3A_739, %mul3A_745, %broadcast_in_dim3A_747 : vector<16xi1>, vector<16xf32>
      %add3A_749 = arith.addf %scan3A_647, %select_n3A_748 : vector<16xf32>
      scf.yield %add3A_668, %add3A_695, %add3A_722, %add3A_749 : vector<16xf32>, vector<16xf32>, vector<16xf32>, vector<16xf32>
    }
    %scan3A_273 = arith.constant 64 : i32
    %mul3A_274 = arith.constant 2 : i32
    %mul3A_275 = arith.muli %add3A, %mul3A_274 : i32
    %add3A_276 = arith.constant 0 : i32
    %add3A_277 = arith.addi %mul3A_275, %add3A_276 : i32
    %dma_start3A_278 = arith.constant 1 : i32
    %dma_start3A_279 = arith.constant 0 : i32
    %dma_start3A_280 = tpu.memref_slice %arg9[%dma_start3A_278, %dma_start3A_279] : memref<2x4096xf32, #tpu.memory_space<vmem>> -> memref<1x4096xf32, #tpu.memory_space<vmem>>
    %dma_start3A_281 = tpu.memref_squeeze %dma_start3A_280 : memref<1x4096xf32, #tpu.memory_space<vmem>> -> memref<4096xf32, #tpu.memory_space<vmem>>
    %dma_start3A_282 = arith.constant 12288 : i32
    %dma_start3A_283 = tpu.memref_slice %arg2[%add3A_277, %dma_start3A_282] : memref<64x16384xf32, #tpu.memory_space<hbm>> -> memref<1x4096xf32, #tpu.memory_space<hbm>>
    %dma_start3A_284 = tpu.memref_squeeze %dma_start3A_283 : memref<1x4096xf32, #tpu.memory_space<hbm>> -> memref<4096xf32, #tpu.memory_space<hbm>>
    %dma_start3A_285 = arith.constant 0 : i32
    %dma_start3A_286 = tpu.memref_slice %arg9[%dma_start3A_278, %dma_start3A_285] : memref<2x4096xf32, #tpu.memory_space<vmem>> -> memref<1x4096xf32, #tpu.memory_space<vmem>>
    %dma_start3A_287 = tpu.memref_squeeze %dma_start3A_286 : memref<1x4096xf32, #tpu.memory_space<vmem>> -> memref<4096xf32, #tpu.memory_space<vmem>>
    %dma_start3A_288 = arith.constant 12288 : i32
    %dma_start3A_289 = tpu.memref_slice %arg2[%add3A_277, %dma_start3A_288] : memref<64x16384xf32, #tpu.memory_space<hbm>> -> memref<1x4096xf32, #tpu.memory_space<hbm>>
    %dma_start3A_290 = tpu.memref_squeeze %dma_start3A_289 : memref<1x4096xf32, #tpu.memory_space<hbm>> -> memref<4096xf32, #tpu.memory_space<hbm>>
    tpu.enqueue_dma source(%dma_start3A_290 : memref<4096xf32, #tpu.memory_space<hbm>>) target(%dma_start3A_287 : memref<4096xf32, #tpu.memory_space<vmem>>) target_semaphore(%arg15 : memref<!tpu.dma_semaphore, #tpu.memory_space<semaphore_mem>>)
    %dma_wait3A_291 = arith.constant 0 : i32
    %dma_wait3A_292 = arith.constant 0 : i32
    %dma_wait3A_293 = tpu.memref_slice %arg9[%dma_wait3A_291, %dma_wait3A_292] : memref<2x4096xf32, #tpu.memory_space<vmem>> -> memref<1x4096xf32, #tpu.memory_space<vmem>>
    %dma_wait3A_294 = tpu.memref_squeeze %dma_wait3A_293 : memref<1x4096xf32, #tpu.memory_space<vmem>> -> memref<4096xf32, #tpu.memory_space<vmem>>
    %dma_wait3A_295 = arith.constant 8192 : i32
    %dma_wait3A_296 = tpu.memref_slice %arg2[%add3A_241, %dma_wait3A_295] : memref<64x16384xf32, #tpu.memory_space<hbm>> -> memref<1x4096xf32, #tpu.memory_space<hbm>>
    %dma_wait3A_297 = tpu.memref_squeeze %dma_wait3A_296 : memref<1x4096xf32, #tpu.memory_space<hbm>> -> memref<4096xf32, #tpu.memory_space<hbm>>
    %dma_wait3A_298 = arith.constant 0 : i32
    %dma_wait3A_299 = tpu.memref_slice %arg9[%dma_wait3A_291, %dma_wait3A_298] : memref<2x4096xf32, #tpu.memory_space<vmem>> -> memref<1x4096xf32, #tpu.memory_space<vmem>>
    %dma_wait3A_300 = tpu.memref_squeeze %dma_wait3A_299 : memref<1x4096xf32, #tpu.memory_space<vmem>> -> memref<4096xf32, #tpu.memory_space<vmem>>
    %dma_wait3A_301 = arith.constant 8192 : i32
    %dma_wait3A_302 = tpu.memref_slice %arg2[%add3A_241, %dma_wait3A_301] : memref<64x16384xf32, #tpu.memory_space<hbm>> -> memref<1x4096xf32, #tpu.memory_space<hbm>>
    %dma_wait3A_303 = tpu.memref_squeeze %dma_wait3A_302 : memref<1x4096xf32, #tpu.memory_space<hbm>> -> memref<4096xf32, #tpu.memory_space<hbm>>
    tpu.wait_dma2 semaphore(%arg14 : memref<!tpu.dma_semaphore, #tpu.memory_space<semaphore_mem>>) src(%dma_wait3A_303 : memref<4096xf32, #tpu.memory_space<hbm>>) dst(%dma_wait3A_300 : memref<4096xf32, #tpu.memory_space<vmem>>)
    %scan3A_304 = arith.constant 0 : i32
    %scan3A_305 = arith.constant 64 : i32
    %scan3A_306 = arith.addi %scan3A_304, %scan3A_305 : i32
    %scan3A_307 = arith.constant 1 : i32
    %scan3A_308:4 = scf.for %scan3A_643 = %scan3A_304 to %scan3A_306 step %scan3A_307 iter_args(%scan3A_644 = %scan3A_272#0, %scan3A_645 = %scan3A_272#1, %scan3A_646 = %scan3A_272#2, %scan3A_647 = %scan3A_272#3) -> (vector<16xf32>, vector<16xf32>, vector<16xf32>, vector<16xf32>)  : i32 {
      %mul3A_648 = arith.constant 4 : i32
      %mul3A_649 = arith.muli %scan3A_643, %mul3A_648 : i32
      %add3A_650 = arith.constant 0 : i32
      %add3A_651 = arith.addi %mul3A_649, %add3A_650 : i32
      %mul3A_652 = arith.constant 16 : i32
      %mul3A_653 = arith.muli %add3A_651, %mul3A_652 : i32
      %add3A_654 = arith.constant 8192 : i32
      %add3A_655 = arith.addi %add3A_654, %mul3A_653 : i32
      %get3A = arith.index_cast %add3A_655 : i32 to index
      %get3A_656 = tpu.vector_load %arg8[%get3A] {strides = array<i32>} : memref<16384xi32, #tpu.memory_space<vmem>>, vector<16xi32>,
      %get3A_657 = arith.constant 0 : i32
      %get3A_658 = arith.index_cast %get3A_657 : i32 to index
      %get3A_659 = arith.index_cast %mul3A_653 : i32 to index
      %get3A_660 = tpu.vector_load %arg9[%get3A_658, %get3A_659] {strides = array<i32>} : memref<2x4096xf32, #tpu.memory_space<vmem>>, vector<16xf32>,
      %ge3A = arith.constant 50048 : i32
      %ge3A_661 = vector.broadcast %ge3A : i32 to vector<16xi32>
      %ge3A_662 = arith.cmpi sge, %get3A_656, %ge3A_661 : vector<16xi32>
      %sub3A = arith.constant 50048 : i32
      %sub3A_663 = vector.broadcast %sub3A : i32 to vector<16xi32>
      %sub3A_664 = arith.subi %get3A_656, %sub3A_663 : vector<16xi32>
      %gather3A = tpu.vector_load_idx %arg7[%sub3A_664] masked %ge3A_662 : memref<49952xf32, #tpu.memory_space<vmem>>[vector<16xi32>], vector<16xf32>, vector<16xi1>
      %sub3A_665 = arith.subf %get3A_660, %gather3A : vector<16xf32>
      %mul3A_666 = arith.mulf %sub3A_665, %sub3A_665 : vector<16xf32>
      %jit3A = arith.constant 0.000000e+00 : f32
      %broadcast_in_dim3A_667 = vector.broadcast %jit3A : f32 to vector<16xf32>
      %select_n3A = arith.select %ge3A_662, %mul3A_666, %broadcast_in_dim3A_667 : vector<16xi1>, vector<16xf32>
      %add3A_668 = arith.addf %scan3A_644, %select_n3A : vector<16xf32>
      %mul3A_669 = arith.constant 4 : i32
      %mul3A_670 = arith.muli %scan3A_643, %mul3A_669 : i32
      %add3A_671 = arith.constant 1 : i32
      %add3A_672 = arith.addi %mul3A_670, %add3A_671 : i32
      %mul3A_673 = arith.constant 16 : i32
      %mul3A_674 = arith.muli %add3A_672, %mul3A_673 : i32
      %add3A_675 = arith.constant 8192 : i32
      %add3A_676 = arith.addi %add3A_675, %mul3A_674 : i32
      %get3A_677 = arith.index_cast %add3A_676 : i32 to index
      %get3A_678 = tpu.vector_load %arg8[%get3A_677] {strides = array<i32>} : memref<16384xi32, #tpu.memory_space<vmem>>, vector<16xi32>,
      %get3A_679 = arith.constant 0 : i32
      %get3A_680 = arith.index_cast %get3A_679 : i32 to index
      %get3A_681 = arith.index_cast %mul3A_674 : i32 to index
      %get3A_682 = tpu.vector_load %arg9[%get3A_680, %get3A_681] {strides = array<i32>} : memref<2x4096xf32, #tpu.memory_space<vmem>>, vector<16xf32>,
      %ge3A_683 = arith.constant 50048 : i32
      %ge3A_684 = vector.broadcast %ge3A_683 : i32 to vector<16xi32>
      %ge3A_685 = arith.cmpi sge, %get3A_678, %ge3A_684 : vector<16xi32>
      %sub3A_686 = arith.constant 50048 : i32
      %sub3A_687 = vector.broadcast %sub3A_686 : i32 to vector<16xi32>
      %sub3A_688 = arith.subi %get3A_678, %sub3A_687 : vector<16xi32>
      %gather3A_689 = tpu.vector_load_idx %arg7[%sub3A_688] masked %ge3A_685 : memref<49952xf32, #tpu.memory_space<vmem>>[vector<16xi32>], vector<16xf32>, vector<16xi1>
      %sub3A_690 = arith.subf %get3A_682, %gather3A_689 : vector<16xf32>
      %mul3A_691 = arith.mulf %sub3A_690, %sub3A_690 : vector<16xf32>
      %jit3A_692 = arith.constant 0.000000e+00 : f32
      %broadcast_in_dim3A_693 = vector.broadcast %jit3A_692 : f32 to vector<16xf32>
      %select_n3A_694 = arith.select %ge3A_685, %mul3A_691, %broadcast_in_dim3A_693 : vector<16xi1>, vector<16xf32>
      %add3A_695 = arith.addf %scan3A_645, %select_n3A_694 : vector<16xf32>
      %mul3A_696 = arith.constant 4 : i32
      %mul3A_697 = arith.muli %scan3A_643, %mul3A_696 : i32
      %add3A_698 = arith.constant 2 : i32
      %add3A_699 = arith.addi %mul3A_697, %add3A_698 : i32
      %mul3A_700 = arith.constant 16 : i32
      %mul3A_701 = arith.muli %add3A_699, %mul3A_700 : i32
      %add3A_702 = arith.constant 8192 : i32
      %add3A_703 = arith.addi %add3A_702, %mul3A_701 : i32
      %get3A_704 = arith.index_cast %add3A_703 : i32 to index
      %get3A_705 = tpu.vector_load %arg8[%get3A_704] {strides = array<i32>} : memref<16384xi32, #tpu.memory_space<vmem>>, vector<16xi32>,
      %get3A_706 = arith.constant 0 : i32
      %get3A_707 = arith.index_cast %get3A_706 : i32 to index
      %get3A_708 = arith.index_cast %mul3A_701 : i32 to index
      %get3A_709 = tpu.vector_load %arg9[%get3A_707, %get3A_708] {strides = array<i32>} : memref<2x4096xf32, #tpu.memory_space<vmem>>, vector<16xf32>,
      %ge3A_710 = arith.constant 50048 : i32
      %ge3A_711 = vector.broadcast %ge3A_710 : i32 to vector<16xi32>
      %ge3A_712 = arith.cmpi sge, %get3A_705, %ge3A_711 : vector<16xi32>
      %sub3A_713 = arith.constant 50048 : i32
      %sub3A_714 = vector.broadcast %sub3A_713 : i32 to vector<16xi32>
      %sub3A_715 = arith.subi %get3A_705, %sub3A_714 : vector<16xi32>
      %gather3A_716 = tpu.vector_load_idx %arg7[%sub3A_715] masked %ge3A_712 : memref<49952xf32, #tpu.memory_space<vmem>>[vector<16xi32>], vector<16xf32>, vector<16xi1>
      %sub3A_717 = arith.subf %get3A_709, %gather3A_716 : vector<16xf32>
      %mul3A_718 = arith.mulf %sub3A_717, %sub3A_717 : vector<16xf32>
      %jit3A_719 = arith.constant 0.000000e+00 : f32
      %broadcast_in_dim3A_720 = vector.broadcast %jit3A_719 : f32 to vector<16xf32>
      %select_n3A_721 = arith.select %ge3A_712, %mul3A_718, %broadcast_in_dim3A_720 : vector<16xi1>, vector<16xf32>
      %add3A_722 = arith.addf %scan3A_646, %select_n3A_721 : vector<16xf32>
      %mul3A_723 = arith.constant 4 : i32
      %mul3A_724 = arith.muli %scan3A_643, %mul3A_723 : i32
      %add3A_725 = arith.constant 3 : i32
      %add3A_726 = arith.addi %mul3A_724, %add3A_725 : i32
      %mul3A_727 = arith.constant 16 : i32
      %mul3A_728 = arith.muli %add3A_726, %mul3A_727 : i32
      %add3A_729 = arith.constant 8192 : i32
      %add3A_730 = arith.addi %add3A_729, %mul3A_728 : i32
      %get3A_731 = arith.index_cast %add3A_730 : i32 to index
      %get3A_732 = tpu.vector_load %arg8[%get3A_731] {strides = array<i32>} : memref<16384xi32, #tpu.memory_space<vmem>>, vector<16xi32>,
      %get3A_733 = arith.constant 0 : i32
      %get3A_734 = arith.index_cast %get3A_733 : i32 to index
      %get3A_735 = arith.index_cast %mul3A_728 : i32 to index
      %get3A_736 = tpu.vector_load %arg9[%get3A_734, %get3A_735] {strides = array<i32>} : memref<2x4096xf32, #tpu.memory_space<vmem>>, vector<16xf32>,
      %ge3A_737 = arith.constant 50048 : i32
      %ge3A_738 = vector.broadcast %ge3A_737 : i32 to vector<16xi32>
      %ge3A_739 = arith.cmpi sge, %get3A_732, %ge3A_738 : vector<16xi32>
      %sub3A_740 = arith.constant 50048 : i32
      %sub3A_741 = vector.broadcast %sub3A_740 : i32 to vector<16xi32>
      %sub3A_742 = arith.subi %get3A_732, %sub3A_741 : vector<16xi32>
      %gather3A_743 = tpu.vector_load_idx %arg7[%sub3A_742] masked %ge3A_739 : memref<49952xf32, #tpu.memory_space<vmem>>[vector<16xi32>], vector<16xf32>, vector<16xi1>
      %sub3A_744 = arith.subf %get3A_736, %gather3A_743 : vector<16xf32>
      %mul3A_745 = arith.mulf %sub3A_744, %sub3A_744 : vector<16xf32>
      %jit3A_746 = arith.constant 0.000000e+00 : f32
      %broadcast_in_dim3A_747 = vector.broadcast %jit3A_746 : f32 to vector<16xf32>
      %select_n3A_748 = arith.select %ge3A_739, %mul3A_745, %broadcast_in_dim3A_747 : vector<16xi1>, vector<16xf32>
      %add3A_749 = arith.addf %scan3A_647, %select_n3A_748 : vector<16xf32>
      scf.yield %add3A_668, %add3A_695, %add3A_722, %add3A_749 : vector<16xf32>, vector<16xf32>, vector<16xf32>, vector<16xf32>
    }
    %scan3A_309 = arith.constant 64 : i32
    %mul3A_310 = arith.constant 2 : i32
    %mul3A_311 = arith.muli %add3A, %mul3A_310 : i32
    %add3A_312 = arith.constant 1 : i32
    %add3A_313 = arith.addi %mul3A_311, %add3A_312 : i32
    %dma_start3A_314 = arith.constant 0 : i32
    %dma_start3A_315 = arith.constant 0 : i32
    %dma_start3A_316 = tpu.memref_slice %arg9[%dma_start3A_314, %dma_start3A_315] : memref<2x4096xf32, #tpu.memory_space<vmem>> -> memref<1x4096xf32, #tpu.memory_space<vmem>>
    %dma_start3A_317 = tpu.memref_squeeze %dma_start3A_316 : memref<1x4096xf32, #tpu.memory_space<vmem>> -> memref<4096xf32, #tpu.memory_space<vmem>>
    %dma_start3A_318 = arith.constant 0 : i32
    %dma_start3A_319 = tpu.memref_slice %arg2[%add3A_313, %dma_start3A_318] : memref<64x16384xf32, #tpu.memory_space<hbm>> -> memref<1x4096xf32, #tpu.memory_space<hbm>>
    %dma_start3A_320 = tpu.memref_squeeze %dma_start3A_319 : memref<1x4096xf32, #tpu.memory_space<hbm>> -> memref<4096xf32, #tpu.memory_space<hbm>>
    %dma_start3A_321 = arith.constant 0 : i32
    %dma_start3A_322 = tpu.memref_slice %arg9[%dma_start3A_314, %dma_start3A_321] : memref<2x4096xf32, #tpu.memory_space<vmem>> -> memref<1x4096xf32, #tpu.memory_space<vmem>>
    %dma_start3A_323 = tpu.memref_squeeze %dma_start3A_322 : memref<1x4096xf32, #tpu.memory_space<vmem>> -> memref<4096xf32, #tpu.memory_space<vmem>>
    %dma_start3A_324 = arith.constant 0 : i32
    %dma_start3A_325 = tpu.memref_slice %arg2[%add3A_313, %dma_start3A_324] : memref<64x16384xf32, #tpu.memory_space<hbm>> -> memref<1x4096xf32, #tpu.memory_space<hbm>>
    %dma_start3A_326 = tpu.memref_squeeze %dma_start3A_325 : memref<1x4096xf32, #tpu.memory_space<hbm>> -> memref<4096xf32, #tpu.memory_space<hbm>>
    tpu.enqueue_dma source(%dma_start3A_326 : memref<4096xf32, #tpu.memory_space<hbm>>) target(%dma_start3A_323 : memref<4096xf32, #tpu.memory_space<vmem>>) target_semaphore(%arg14 : memref<!tpu.dma_semaphore, #tpu.memory_space<semaphore_mem>>)
    %dma_wait3A_327 = arith.constant 1 : i32
    %dma_wait3A_328 = arith.constant 0 : i32
    %dma_wait3A_329 = tpu.memref_slice %arg9[%dma_wait3A_327, %dma_wait3A_328] : memref<2x4096xf32, #tpu.memory_space<vmem>> -> memref<1x4096xf32, #tpu.memory_space<vmem>>
    %dma_wait3A_330 = tpu.memref_squeeze %dma_wait3A_329 : memref<1x4096xf32, #tpu.memory_space<vmem>> -> memref<4096xf32, #tpu.memory_space<vmem>>
    %dma_wait3A_331 = arith.constant 12288 : i32
    %dma_wait3A_332 = tpu.memref_slice %arg2[%add3A_277, %dma_wait3A_331] : memref<64x16384xf32, #tpu.memory_space<hbm>> -> memref<1x4096xf32, #tpu.memory_space<hbm>>
    %dma_wait3A_333 = tpu.memref_squeeze %dma_wait3A_332 : memref<1x4096xf32, #tpu.memory_space<hbm>> -> memref<4096xf32, #tpu.memory_space<hbm>>
    %dma_wait3A_334 = arith.constant 0 : i32
    %dma_wait3A_335 = tpu.memref_slice %arg9[%dma_wait3A_327, %dma_wait3A_334] : memref<2x4096xf32, #tpu.memory_space<vmem>> -> memref<1x4096xf32, #tpu.memory_space<vmem>>
    %dma_wait3A_336 = tpu.memref_squeeze %dma_wait3A_335 : memref<1x4096xf32, #tpu.memory_space<vmem>> -> memref<4096xf32, #tpu.memory_space<vmem>>
    %dma_wait3A_337 = arith.constant 12288 : i32
    %dma_wait3A_338 = tpu.memref_slice %arg2[%add3A_277, %dma_wait3A_337] : memref<64x16384xf32, #tpu.memory_space<hbm>> -> memref<1x4096xf32, #tpu.memory_space<hbm>>
    %dma_wait3A_339 = tpu.memref_squeeze %dma_wait3A_338 : memref<1x4096xf32, #tpu.memory_space<hbm>> -> memref<4096xf32, #tpu.memory_space<hbm>>
    tpu.wait_dma2 semaphore(%arg15 : memref<!tpu.dma_semaphore, #tpu.memory_space<semaphore_mem>>) src(%dma_wait3A_339 : memref<4096xf32, #tpu.memory_space<hbm>>) dst(%dma_wait3A_336 : memref<4096xf32, #tpu.memory_space<vmem>>)
    %scan3A_340 = arith.constant 0 : i32
    %scan3A_341 = arith.constant 64 : i32
    %scan3A_342 = arith.addi %scan3A_340, %scan3A_341 : i32
    %scan3A_343 = arith.constant 1 : i32
    %scan3A_344:4 = scf.for %scan3A_643 = %scan3A_340 to %scan3A_342 step %scan3A_343 iter_args(%scan3A_644 = %scan3A_308#0, %scan3A_645 = %scan3A_308#1, %scan3A_646 = %scan3A_308#2, %scan3A_647 = %scan3A_308#3) -> (vector<16xf32>, vector<16xf32>, vector<16xf32>, vector<16xf32>)  : i32 {
      %mul3A_648 = arith.constant 4 : i32
      %mul3A_649 = arith.muli %scan3A_643, %mul3A_648 : i32
      %add3A_650 = arith.constant 0 : i32
      %add3A_651 = arith.addi %mul3A_649, %add3A_650 : i32
      %mul3A_652 = arith.constant 16 : i32
      %mul3A_653 = arith.muli %add3A_651, %mul3A_652 : i32
      %add3A_654 = arith.constant 12288 : i32
      %add3A_655 = arith.addi %add3A_654, %mul3A_653 : i32
      %get3A = arith.index_cast %add3A_655 : i32 to index
      %get3A_656 = tpu.vector_load %arg8[%get3A] {strides = array<i32>} : memref<16384xi32, #tpu.memory_space<vmem>>, vector<16xi32>,
      %get3A_657 = arith.constant 1 : i32
      %get3A_658 = arith.index_cast %get3A_657 : i32 to index
      %get3A_659 = arith.index_cast %mul3A_653 : i32 to index
      %get3A_660 = tpu.vector_load %arg9[%get3A_658, %get3A_659] {strides = array<i32>} : memref<2x4096xf32, #tpu.memory_space<vmem>>, vector<16xf32>,
      %ge3A = arith.constant 50048 : i32
      %ge3A_661 = vector.broadcast %ge3A : i32 to vector<16xi32>
      %ge3A_662 = arith.cmpi sge, %get3A_656, %ge3A_661 : vector<16xi32>
      %sub3A = arith.constant 50048 : i32
      %sub3A_663 = vector.broadcast %sub3A : i32 to vector<16xi32>
      %sub3A_664 = arith.subi %get3A_656, %sub3A_663 : vector<16xi32>
      %gather3A = tpu.vector_load_idx %arg7[%sub3A_664] masked %ge3A_662 : memref<49952xf32, #tpu.memory_space<vmem>>[vector<16xi32>], vector<16xf32>, vector<16xi1>
      %sub3A_665 = arith.subf %get3A_660, %gather3A : vector<16xf32>
      %mul3A_666 = arith.mulf %sub3A_665, %sub3A_665 : vector<16xf32>
      %jit3A = arith.constant 0.000000e+00 : f32
      %broadcast_in_dim3A_667 = vector.broadcast %jit3A : f32 to vector<16xf32>
      %select_n3A = arith.select %ge3A_662, %mul3A_666, %broadcast_in_dim3A_667 : vector<16xi1>, vector<16xf32>
      %add3A_668 = arith.addf %scan3A_644, %select_n3A : vector<16xf32>
      %mul3A_669 = arith.constant 4 : i32
      %mul3A_670 = arith.muli %scan3A_643, %mul3A_669 : i32
      %add3A_671 = arith.constant 1 : i32
      %add3A_672 = arith.addi %mul3A_670, %add3A_671 : i32
      %mul3A_673 = arith.constant 16 : i32
      %mul3A_674 = arith.muli %add3A_672, %mul3A_673 : i32
      %add3A_675 = arith.constant 12288 : i32
      %add3A_676 = arith.addi %add3A_675, %mul3A_674 : i32
      %get3A_677 = arith.index_cast %add3A_676 : i32 to index
      %get3A_678 = tpu.vector_load %arg8[%get3A_677] {strides = array<i32>} : memref<16384xi32, #tpu.memory_space<vmem>>, vector<16xi32>,
      %get3A_679 = arith.constant 1 : i32
      %get3A_680 = arith.index_cast %get3A_679 : i32 to index
      %get3A_681 = arith.index_cast %mul3A_674 : i32 to index
      %get3A_682 = tpu.vector_load %arg9[%get3A_680, %get3A_681] {strides = array<i32>} : memref<2x4096xf32, #tpu.memory_space<vmem>>, vector<16xf32>,
      %ge3A_683 = arith.constant 50048 : i32
      %ge3A_684 = vector.broadcast %ge3A_683 : i32 to vector<16xi32>
      %ge3A_685 = arith.cmpi sge, %get3A_678, %ge3A_684 : vector<16xi32>
      %sub3A_686 = arith.constant 50048 : i32
      %sub3A_687 = vector.broadcast %sub3A_686 : i32 to vector<16xi32>
      %sub3A_688 = arith.subi %get3A_678, %sub3A_687 : vector<16xi32>
      %gather3A_689 = tpu.vector_load_idx %arg7[%sub3A_688] masked %ge3A_685 : memref<49952xf32, #tpu.memory_space<vmem>>[vector<16xi32>], vector<16xf32>, vector<16xi1>
      %sub3A_690 = arith.subf %get3A_682, %gather3A_689 : vector<16xf32>
      %mul3A_691 = arith.mulf %sub3A_690, %sub3A_690 : vector<16xf32>
      %jit3A_692 = arith.constant 0.000000e+00 : f32
      %broadcast_in_dim3A_693 = vector.broadcast %jit3A_692 : f32 to vector<16xf32>
      %select_n3A_694 = arith.select %ge3A_685, %mul3A_691, %broadcast_in_dim3A_693 : vector<16xi1>, vector<16xf32>
      %add3A_695 = arith.addf %scan3A_645, %select_n3A_694 : vector<16xf32>
      %mul3A_696 = arith.constant 4 : i32
      %mul3A_697 = arith.muli %scan3A_643, %mul3A_696 : i32
      %add3A_698 = arith.constant 2 : i32
      %add3A_699 = arith.addi %mul3A_697, %add3A_698 : i32
      %mul3A_700 = arith.constant 16 : i32
      %mul3A_701 = arith.muli %add3A_699, %mul3A_700 : i32
      %add3A_702 = arith.constant 12288 : i32
      %add3A_703 = arith.addi %add3A_702, %mul3A_701 : i32
      %get3A_704 = arith.index_cast %add3A_703 : i32 to index
      %get3A_705 = tpu.vector_load %arg8[%get3A_704] {strides = array<i32>} : memref<16384xi32, #tpu.memory_space<vmem>>, vector<16xi32>,
      %get3A_706 = arith.constant 1 : i32
      %get3A_707 = arith.index_cast %get3A_706 : i32 to index
      %get3A_708 = arith.index_cast %mul3A_701 : i32 to index
      %get3A_709 = tpu.vector_load %arg9[%get3A_707, %get3A_708] {strides = array<i32>} : memref<2x4096xf32, #tpu.memory_space<vmem>>, vector<16xf32>,
      %ge3A_710 = arith.constant 50048 : i32
      %ge3A_711 = vector.broadcast %ge3A_710 : i32 to vector<16xi32>
      %ge3A_712 = arith.cmpi sge, %get3A_705, %ge3A_711 : vector<16xi32>
      %sub3A_713 = arith.constant 50048 : i32
      %sub3A_714 = vector.broadcast %sub3A_713 : i32 to vector<16xi32>
      %sub3A_715 = arith.subi %get3A_705, %sub3A_714 : vector<16xi32>
      %gather3A_716 = tpu.vector_load_idx %arg7[%sub3A_715] masked %ge3A_712 : memref<49952xf32, #tpu.memory_space<vmem>>[vector<16xi32>], vector<16xf32>, vector<16xi1>
      %sub3A_717 = arith.subf %get3A_709, %gather3A_716 : vector<16xf32>
      %mul3A_718 = arith.mulf %sub3A_717, %sub3A_717 : vector<16xf32>
      %jit3A_719 = arith.constant 0.000000e+00 : f32
      %broadcast_in_dim3A_720 = vector.broadcast %jit3A_719 : f32 to vector<16xf32>
      %select_n3A_721 = arith.select %ge3A_712, %mul3A_718, %broadcast_in_dim3A_720 : vector<16xi1>, vector<16xf32>
      %add3A_722 = arith.addf %scan3A_646, %select_n3A_721 : vector<16xf32>
      %mul3A_723 = arith.constant 4 : i32
      %mul3A_724 = arith.muli %scan3A_643, %mul3A_723 : i32
      %add3A_725 = arith.constant 3 : i32
      %add3A_726 = arith.addi %mul3A_724, %add3A_725 : i32
      %mul3A_727 = arith.constant 16 : i32
      %mul3A_728 = arith.muli %add3A_726, %mul3A_727 : i32
      %add3A_729 = arith.constant 12288 : i32
      %add3A_730 = arith.addi %add3A_729, %mul3A_728 : i32
      %get3A_731 = arith.index_cast %add3A_730 : i32 to index
      %get3A_732 = tpu.vector_load %arg8[%get3A_731] {strides = array<i32>} : memref<16384xi32, #tpu.memory_space<vmem>>, vector<16xi32>,
      %get3A_733 = arith.constant 1 : i32
      %get3A_734 = arith.index_cast %get3A_733 : i32 to index
      %get3A_735 = arith.index_cast %mul3A_728 : i32 to index
      %get3A_736 = tpu.vector_load %arg9[%get3A_734, %get3A_735] {strides = array<i32>} : memref<2x4096xf32, #tpu.memory_space<vmem>>, vector<16xf32>,
      %ge3A_737 = arith.constant 50048 : i32
      %ge3A_738 = vector.broadcast %ge3A_737 : i32 to vector<16xi32>
      %ge3A_739 = arith.cmpi sge, %get3A_732, %ge3A_738 : vector<16xi32>
      %sub3A_740 = arith.constant 50048 : i32
      %sub3A_741 = vector.broadcast %sub3A_740 : i32 to vector<16xi32>
      %sub3A_742 = arith.subi %get3A_732, %sub3A_741 : vector<16xi32>
      %gather3A_743 = tpu.vector_load_idx %arg7[%sub3A_742] masked %ge3A_739 : memref<49952xf32, #tpu.memory_space<vmem>>[vector<16xi32>], vector<16xf32>, vector<16xi1>
      %sub3A_744 = arith.subf %get3A_736, %gather3A_743 : vector<16xf32>
      %mul3A_745 = arith.mulf %sub3A_744, %sub3A_744 : vector<16xf32>
      %jit3A_746 = arith.constant 0.000000e+00 : f32
      %broadcast_in_dim3A_747 = vector.broadcast %jit3A_746 : f32 to vector<16xf32>
      %select_n3A_748 = arith.select %ge3A_739, %mul3A_745, %broadcast_in_dim3A_747 : vector<16xi1>, vector<16xf32>
      %add3A_749 = arith.addf %scan3A_647, %select_n3A_748 : vector<16xf32>
      scf.yield %add3A_668, %add3A_695, %add3A_722, %add3A_749 : vector<16xf32>, vector<16xf32>, vector<16xf32>, vector<16xf32>
    }
    %scan3A_345 = arith.constant 64 : i32
    %mul3A_346 = arith.constant 2 : i32
    %mul3A_347 = arith.muli %add3A, %mul3A_346 : i32
    %add3A_348 = arith.constant 1 : i32
    %add3A_349 = arith.addi %mul3A_347, %add3A_348 : i32
    %dma_start3A_350 = arith.constant 1 : i32
    %dma_start3A_351 = arith.constant 0 : i32
    %dma_start3A_352 = tpu.memref_slice %arg9[%dma_start3A_350, %dma_start3A_351] : memref<2x4096xf32, #tpu.memory_space<vmem>> -> memref<1x4096xf32, #tpu.memory_space<vmem>>
    %dma_start3A_353 = tpu.memref_squeeze %dma_start3A_352 : memref<1x4096xf32, #tpu.memory_space<vmem>> -> memref<4096xf32, #tpu.memory_space<vmem>>
    %dma_start3A_354 = arith.constant 4096 : i32
    %dma_start3A_355 = tpu.memref_slice %arg2[%add3A_349, %dma_start3A_354] : memref<64x16384xf32, #tpu.memory_space<hbm>> -> memref<1x4096xf32, #tpu.memory_space<hbm>>
    %dma_start3A_356 = tpu.memref_squeeze %dma_start3A_355 : memref<1x4096xf32, #tpu.memory_space<hbm>> -> memref<4096xf32, #tpu.memory_space<hbm>>
    %dma_start3A_357 = arith.constant 0 : i32
    %dma_start3A_358 = tpu.memref_slice %arg9[%dma_start3A_350, %dma_start3A_357] : memref<2x4096xf32, #tpu.memory_space<vmem>> -> memref<1x4096xf32, #tpu.memory_space<vmem>>
    %dma_start3A_359 = tpu.memref_squeeze %dma_start3A_358 : memref<1x4096xf32, #tpu.memory_space<vmem>> -> memref<4096xf32, #tpu.memory_space<vmem>>
    %dma_start3A_360 = arith.constant 4096 : i32
    %dma_start3A_361 = tpu.memref_slice %arg2[%add3A_349, %dma_start3A_360] : memref<64x16384xf32, #tpu.memory_space<hbm>> -> memref<1x4096xf32, #tpu.memory_space<hbm>>
    %dma_start3A_362 = tpu.memref_squeeze %dma_start3A_361 : memref<1x4096xf32, #tpu.memory_space<hbm>> -> memref<4096xf32, #tpu.memory_space<hbm>>
    tpu.enqueue_dma source(%dma_start3A_362 : memref<4096xf32, #tpu.memory_space<hbm>>) target(%dma_start3A_359 : memref<4096xf32, #tpu.memory_space<vmem>>) target_semaphore(%arg15 : memref<!tpu.dma_semaphore, #tpu.memory_space<semaphore_mem>>)
    %mul3A_363 = arith.constant 2 : i32
    %mul3A_364 = arith.muli %add3A, %mul3A_363 : i32
    %add3A_365 = arith.constant 1 : i32
    %add3A_366 = arith.addi %mul3A_364, %add3A_365 : i32
    %dma_start3A_367 = arith.constant 50048 : i32
    %dma_start3A_368 = tpu.memref_slice %arg4[%add3A_366, %dma_start3A_367] : memref<64x100000xf32, #tpu.memory_space<hbm>> -> memref<1x49952xf32, #tpu.memory_space<hbm>>
    %dma_start3A_369 = tpu.memref_squeeze %dma_start3A_368 : memref<1x49952xf32, #tpu.memory_space<hbm>> -> memref<49952xf32, #tpu.memory_space<hbm>>
    %dma_start3A_370 = arith.constant 50048 : i32
    %dma_start3A_371 = tpu.memref_slice %arg4[%add3A_366, %dma_start3A_370] : memref<64x100000xf32, #tpu.memory_space<hbm>> -> memref<1x49952xf32, #tpu.memory_space<hbm>>
    %dma_start3A_372 = tpu.memref_squeeze %dma_start3A_371 : memref<1x49952xf32, #tpu.memory_space<hbm>> -> memref<49952xf32, #tpu.memory_space<hbm>>
    tpu.enqueue_dma source(%dma_start3A_372 : memref<49952xf32, #tpu.memory_space<hbm>>) target(%arg7 : memref<49952xf32, #tpu.memory_space<vmem>>) target_semaphore(%arg12 : memref<!tpu.dma_semaphore, #tpu.memory_space<semaphore_mem>>)
    %dma_wait3A_373 = arith.constant 0 : i32
    %dma_wait3A_374 = tpu.memref_slice %arg4[%add3A_206, %dma_wait3A_373] : memref<64x100000xf32, #tpu.memory_space<hbm>> -> memref<1x50048xf32, #tpu.memory_space<hbm>>
    %dma_wait3A_375 = tpu.memref_squeeze %dma_wait3A_374 : memref<1x50048xf32, #tpu.memory_space<hbm>> -> memref<50048xf32, #tpu.memory_space<hbm>>
    %dma_wait3A_376 = arith.constant 0 : i32
    %dma_wait3A_377 = tpu.memref_slice %arg4[%add3A_206, %dma_wait3A_376] : memref<64x100000xf32, #tpu.memory_space<hbm>> -> memref<1x50048xf32, #tpu.memory_space<hbm>>
    %dma_wait3A_378 = tpu.memref_squeeze %dma_wait3A_377 : memref<1x50048xf32, #tpu.memory_space<hbm>> -> memref<50048xf32, #tpu.memory_space<hbm>>
    tpu.wait_dma2 semaphore(%arg11 : memref<!tpu.dma_semaphore, #tpu.memory_space<semaphore_mem>>) src(%dma_wait3A_378 : memref<50048xf32, #tpu.memory_space<hbm>>) dst(%arg6 : memref<50048xf32, #tpu.memory_space<vmem>>)
    %dma_wait3A_379 = arith.constant 0 : i32
    %dma_wait3A_380 = arith.constant 0 : i32
    %dma_wait3A_381 = tpu.memref_slice %arg9[%dma_wait3A_379, %dma_wait3A_380] : memref<2x4096xf32, #tpu.memory_space<vmem>> -> memref<1x4096xf32, #tpu.memory_space<vmem>>
    %dma_wait3A_382 = tpu.memref_squeeze %dma_wait3A_381 : memref<1x4096xf32, #tpu.memory_space<vmem>> -> memref<4096xf32, #tpu.memory_space<vmem>>
    %dma_wait3A_383 = arith.constant 0 : i32
    %dma_wait3A_384 = tpu.memref_slice %arg2[%add3A_313, %dma_wait3A_383] : memref<64x16384xf32, #tpu.memory_space<hbm>> -> memref<1x4096xf32, #tpu.memory_space<hbm>>
    %dma_wait3A_385 = tpu.memref_squeeze %dma_wait3A_384 : memref<1x4096xf32, #tpu.memory_space<hbm>> -> memref<4096xf32, #tpu.memory_space<hbm>>
    %dma_wait3A_386 = arith.constant 0 : i32
    %dma_wait3A_387 = tpu.memref_slice %arg9[%dma_wait3A_379, %dma_wait3A_386] : memref<2x4096xf32, #tpu.memory_space<vmem>> -> memref<1x4096xf32, #tpu.memory_space<vmem>>
    %dma_wait3A_388 = tpu.memref_squeeze %dma_wait3A_387 : memref<1x4096xf32, #tpu.memory_space<vmem>> -> memref<4096xf32, #tpu.memory_space<vmem>>
    %dma_wait3A_389 = arith.constant 0 : i32
    %dma_wait3A_390 = tpu.memref_slice %arg2[%add3A_313, %dma_wait3A_389] : memref<64x16384xf32, #tpu.memory_space<hbm>> -> memref<1x4096xf32, #tpu.memory_space<hbm>>
    %dma_wait3A_391 = tpu.memref_squeeze %dma_wait3A_390 : memref<1x4096xf32, #tpu.memory_space<hbm>> -> memref<4096xf32, #tpu.memory_space<hbm>>
    tpu.wait_dma2 semaphore(%arg14 : memref<!tpu.dma_semaphore, #tpu.memory_space<semaphore_mem>>) src(%dma_wait3A_391 : memref<4096xf32, #tpu.memory_space<hbm>>) dst(%dma_wait3A_388 : memref<4096xf32, #tpu.memory_space<vmem>>)
    %scan3A_392 = arith.constant 0 : i32
    %scan3A_393 = arith.constant 64 : i32
    %scan3A_394 = arith.addi %scan3A_392, %scan3A_393 : i32
    %scan3A_395 = arith.constant 1 : i32
    %scan3A_396:4 = scf.for %scan3A_643 = %scan3A_392 to %scan3A_394 step %scan3A_395 iter_args(%scan3A_644 = %scan3A_344#0, %scan3A_645 = %scan3A_344#1, %scan3A_646 = %scan3A_344#2, %scan3A_647 = %scan3A_344#3) -> (vector<16xf32>, vector<16xf32>, vector<16xf32>, vector<16xf32>)  : i32 {
      %mul3A_648 = arith.constant 4 : i32
      %mul3A_649 = arith.muli %scan3A_643, %mul3A_648 : i32
      %add3A_650 = arith.constant 0 : i32
      %add3A_651 = arith.addi %mul3A_649, %add3A_650 : i32
      %mul3A_652 = arith.constant 16 : i32
      %mul3A_653 = arith.muli %add3A_651, %mul3A_652 : i32
      %add3A_654 = arith.constant 0 : i32
      %add3A_655 = arith.addi %add3A_654, %mul3A_653 : i32
      %get3A = arith.index_cast %add3A_655 : i32 to index
      %get3A_656 = tpu.vector_load %arg8[%get3A] {strides = array<i32>} : memref<16384xi32, #tpu.memory_space<vmem>>, vector<16xi32>,
      %get3A_657 = arith.constant 0 : i32
      %get3A_658 = arith.index_cast %get3A_657 : i32 to index
      %get3A_659 = arith.index_cast %mul3A_653 : i32 to index
      %get3A_660 = tpu.vector_load %arg9[%get3A_658, %get3A_659] {strides = array<i32>} : memref<2x4096xf32, #tpu.memory_space<vmem>>, vector<16xf32>,
      %lt3A = arith.constant 50048 : i32
      %lt3A_661 = vector.broadcast %lt3A : i32 to vector<16xi32>
      %lt3A_662 = arith.cmpi slt, %get3A_656, %lt3A_661 : vector<16xi32>
      %gather3A = tpu.vector_load_idx %arg6[%get3A_656] masked %lt3A_662 : memref<50048xf32, #tpu.memory_space<vmem>>[vector<16xi32>], vector<16xf32>, vector<16xi1>
      %sub3A = arith.subf %get3A_660, %gather3A : vector<16xf32>
      %mul3A_663 = arith.mulf %sub3A, %sub3A : vector<16xf32>
      %jit3A = arith.constant 0.000000e+00 : f32
      %broadcast_in_dim3A_664 = vector.broadcast %jit3A : f32 to vector<16xf32>
      %select_n3A = arith.select %lt3A_662, %mul3A_663, %broadcast_in_dim3A_664 : vector<16xi1>, vector<16xf32>
      %add3A_665 = arith.addf %scan3A_644, %select_n3A : vector<16xf32>
      %mul3A_666 = arith.constant 4 : i32
      %mul3A_667 = arith.muli %scan3A_643, %mul3A_666 : i32
      %add3A_668 = arith.constant 1 : i32
      %add3A_669 = arith.addi %mul3A_667, %add3A_668 : i32
      %mul3A_670 = arith.constant 16 : i32
      %mul3A_671 = arith.muli %add3A_669, %mul3A_670 : i32
      %add3A_672 = arith.constant 0 : i32
      %add3A_673 = arith.addi %add3A_672, %mul3A_671 : i32
      %get3A_674 = arith.index_cast %add3A_673 : i32 to index
      %get3A_675 = tpu.vector_load %arg8[%get3A_674] {strides = array<i32>} : memref<16384xi32, #tpu.memory_space<vmem>>, vector<16xi32>,
      %get3A_676 = arith.constant 0 : i32
      %get3A_677 = arith.index_cast %get3A_676 : i32 to index
      %get3A_678 = arith.index_cast %mul3A_671 : i32 to index
      %get3A_679 = tpu.vector_load %arg9[%get3A_677, %get3A_678] {strides = array<i32>} : memref<2x4096xf32, #tpu.memory_space<vmem>>, vector<16xf32>,
      %lt3A_680 = arith.constant 50048 : i32
      %lt3A_681 = vector.broadcast %lt3A_680 : i32 to vector<16xi32>
      %lt3A_682 = arith.cmpi slt, %get3A_675, %lt3A_681 : vector<16xi32>
      %gather3A_683 = tpu.vector_load_idx %arg6[%get3A_675] masked %lt3A_682 : memref<50048xf32, #tpu.memory_space<vmem>>[vector<16xi32>], vector<16xf32>, vector<16xi1>
      %sub3A_684 = arith.subf %get3A_679, %gather3A_683 : vector<16xf32>
      %mul3A_685 = arith.mulf %sub3A_684, %sub3A_684 : vector<16xf32>
      %jit3A_686 = arith.constant 0.000000e+00 : f32
      %broadcast_in_dim3A_687 = vector.broadcast %jit3A_686 : f32 to vector<16xf32>
      %select_n3A_688 = arith.select %lt3A_682, %mul3A_685, %broadcast_in_dim3A_687 : vector<16xi1>, vector<16xf32>
      %add3A_689 = arith.addf %scan3A_645, %select_n3A_688 : vector<16xf32>
      %mul3A_690 = arith.constant 4 : i32
      %mul3A_691 = arith.muli %scan3A_643, %mul3A_690 : i32
      %add3A_692 = arith.constant 2 : i32
      %add3A_693 = arith.addi %mul3A_691, %add3A_692 : i32
      %mul3A_694 = arith.constant 16 : i32
      %mul3A_695 = arith.muli %add3A_693, %mul3A_694 : i32
      %add3A_696 = arith.constant 0 : i32
      %add3A_697 = arith.addi %add3A_696, %mul3A_695 : i32
      %get3A_698 = arith.index_cast %add3A_697 : i32 to index
      %get3A_699 = tpu.vector_load %arg8[%get3A_698] {strides = array<i32>} : memref<16384xi32, #tpu.memory_space<vmem>>, vector<16xi32>,
      %get3A_700 = arith.constant 0 : i32
      %get3A_701 = arith.index_cast %get3A_700 : i32 to index
      %get3A_702 = arith.index_cast %mul3A_695 : i32 to index
      %get3A_703 = tpu.vector_load %arg9[%get3A_701, %get3A_702] {strides = array<i32>} : memref<2x4096xf32, #tpu.memory_space<vmem>>, vector<16xf32>,
      %lt3A_704 = arith.constant 50048 : i32
      %lt3A_705 = vector.broadcast %lt3A_704 : i32 to vector<16xi32>
      %lt3A_706 = arith.cmpi slt, %get3A_699, %lt3A_705 : vector<16xi32>
      %gather3A_707 = tpu.vector_load_idx %arg6[%get3A_699] masked %lt3A_706 : memref<50048xf32, #tpu.memory_space<vmem>>[vector<16xi32>], vector<16xf32>, vector<16xi1>
      %sub3A_708 = arith.subf %get3A_703, %gather3A_707 : vector<16xf32>
      %mul3A_709 = arith.mulf %sub3A_708, %sub3A_708 : vector<16xf32>
      %jit3A_710 = arith.constant 0.000000e+00 : f32
      %broadcast_in_dim3A_711 = vector.broadcast %jit3A_710 : f32 to vector<16xf32>
      %select_n3A_712 = arith.select %lt3A_706, %mul3A_709, %broadcast_in_dim3A_711 : vector<16xi1>, vector<16xf32>
      %add3A_713 = arith.addf %scan3A_646, %select_n3A_712 : vector<16xf32>
      %mul3A_714 = arith.constant 4 : i32
      %mul3A_715 = arith.muli %scan3A_643, %mul3A_714 : i32
      %add3A_716 = arith.constant 3 : i32
      %add3A_717 = arith.addi %mul3A_715, %add3A_716 : i32
      %mul3A_718 = arith.constant 16 : i32
      %mul3A_719 = arith.muli %add3A_717, %mul3A_718 : i32
      %add3A_720 = arith.constant 0 : i32
      %add3A_721 = arith.addi %add3A_720, %mul3A_719 : i32
      %get3A_722 = arith.index_cast %add3A_721 : i32 to index
      %get3A_723 = tpu.vector_load %arg8[%get3A_722] {strides = array<i32>} : memref<16384xi32, #tpu.memory_space<vmem>>, vector<16xi32>,
      %get3A_724 = arith.constant 0 : i32
      %get3A_725 = arith.index_cast %get3A_724 : i32 to index
      %get3A_726 = arith.index_cast %mul3A_719 : i32 to index
      %get3A_727 = tpu.vector_load %arg9[%get3A_725, %get3A_726] {strides = array<i32>} : memref<2x4096xf32, #tpu.memory_space<vmem>>, vector<16xf32>,
      %lt3A_728 = arith.constant 50048 : i32
      %lt3A_729 = vector.broadcast %lt3A_728 : i32 to vector<16xi32>
      %lt3A_730 = arith.cmpi slt, %get3A_723, %lt3A_729 : vector<16xi32>
      %gather3A_731 = tpu.vector_load_idx %arg6[%get3A_723] masked %lt3A_730 : memref<50048xf32, #tpu.memory_space<vmem>>[vector<16xi32>], vector<16xf32>, vector<16xi1>
      %sub3A_732 = arith.subf %get3A_727, %gather3A_731 : vector<16xf32>
      %mul3A_733 = arith.mulf %sub3A_732, %sub3A_732 : vector<16xf32>
      %jit3A_734 = arith.constant 0.000000e+00 : f32
      %broadcast_in_dim3A_735 = vector.broadcast %jit3A_734 : f32 to vector<16xf32>
      %select_n3A_736 = arith.select %lt3A_730, %mul3A_733, %broadcast_in_dim3A_735 : vector<16xi1>, vector<16xf32>
      %add3A_737 = arith.addf %scan3A_647, %select_n3A_736 : vector<16xf32>
      scf.yield %add3A_665, %add3A_689, %add3A_713, %add3A_737 : vector<16xf32>, vector<16xf32>, vector<16xf32>, vector<16xf32>
    }
    %scan3A_397 = arith.constant 64 : i32
    %mul3A_398 = arith.constant 2 : i32
    %mul3A_399 = arith.muli %add3A, %mul3A_398 : i32
    %add3A_400 = arith.constant 1 : i32
    %add3A_401 = arith.addi %mul3A_399, %add3A_400 : i32
    %dma_start3A_402 = arith.constant 0 : i32
    %dma_start3A_403 = arith.constant 0 : i32
    %dma_start3A_404 = tpu.memref_slice %arg9[%dma_start3A_402, %dma_start3A_403] : memref<2x4096xf32, #tpu.memory_space<vmem>> -> memref<1x4096xf32, #tpu.memory_space<vmem>>
    %dma_start3A_405 = tpu.memref_squeeze %dma_start3A_404 : memref<1x4096xf32, #tpu.memory_space<vmem>> -> memref<4096xf32, #tpu.memory_space<vmem>>
    %dma_start3A_406 = arith.constant 8192 : i32
    %dma_start3A_407 = tpu.memref_slice %arg2[%add3A_401, %dma_start3A_406] : memref<64x16384xf32, #tpu.memory_space<hbm>> -> memref<1x4096xf32, #tpu.memory_space<hbm>>
    %dma_start3A_408 = tpu.memref_squeeze %dma_start3A_407 : memref<1x4096xf32, #tpu.memory_space<hbm>> -> memref<4096xf32, #tpu.memory_space<hbm>>
    %dma_start3A_409 = arith.constant 0 : i32
    %dma_start3A_410 = tpu.memref_slice %arg9[%dma_start3A_402, %dma_start3A_409] : memref<2x4096xf32, #tpu.memory_space<vmem>> -> memref<1x4096xf32, #tpu.memory_space<vmem>>
    %dma_start3A_411 = tpu.memref_squeeze %dma_start3A_410 : memref<1x4096xf32, #tpu.memory_space<vmem>> -> memref<4096xf32, #tpu.memory_space<vmem>>
    %dma_start3A_412 = arith.constant 8192 : i32
    %dma_start3A_413 = tpu.memref_slice %arg2[%add3A_401, %dma_start3A_412] : memref<64x16384xf32, #tpu.memory_space<hbm>> -> memref<1x4096xf32, #tpu.memory_space<hbm>>
    %dma_start3A_414 = tpu.memref_squeeze %dma_start3A_413 : memref<1x4096xf32, #tpu.memory_space<hbm>> -> memref<4096xf32, #tpu.memory_space<hbm>>
    tpu.enqueue_dma source(%dma_start3A_414 : memref<4096xf32, #tpu.memory_space<hbm>>) target(%dma_start3A_411 : memref<4096xf32, #tpu.memory_space<vmem>>) target_semaphore(%arg14 : memref<!tpu.dma_semaphore, #tpu.memory_space<semaphore_mem>>)
    %dma_wait3A_415 = arith.constant 1 : i32
    %dma_wait3A_416 = arith.constant 0 : i32
    %dma_wait3A_417 = tpu.memref_slice %arg9[%dma_wait3A_415, %dma_wait3A_416] : memref<2x4096xf32, #tpu.memory_space<vmem>> -> memref<1x4096xf32, #tpu.memory_space<vmem>>
    %dma_wait3A_418 = tpu.memref_squeeze %dma_wait3A_417 : memref<1x4096xf32, #tpu.memory_space<vmem>> -> memref<4096xf32, #tpu.memory_space<vmem>>
    %dma_wait3A_419 = arith.constant 4096 : i32
    %dma_wait3A_420 = tpu.memref_slice %arg2[%add3A_349, %dma_wait3A_419] : memref<64x16384xf32, #tpu.memory_space<hbm>> -> memref<1x4096xf32, #tpu.memory_space<hbm>>
    %dma_wait3A_421 = tpu.memref_squeeze %dma_wait3A_420 : memref<1x4096xf32, #tpu.memory_space<hbm>> -> memref<4096xf32, #tpu.memory_space<hbm>>
    %dma_wait3A_422 = arith.constant 0 : i32
    %dma_wait3A_423 = tpu.memref_slice %arg9[%dma_wait3A_415, %dma_wait3A_422] : memref<2x4096xf32, #tpu.memory_space<vmem>> -> memref<1x4096xf32, #tpu.memory_space<vmem>>
    %dma_wait3A_424 = tpu.memref_squeeze %dma_wait3A_423 : memref<1x4096xf32, #tpu.memory_space<vmem>> -> memref<4096xf32, #tpu.memory_space<vmem>>
    %dma_wait3A_425 = arith.constant 4096 : i32
    %dma_wait3A_426 = tpu.memref_slice %arg2[%add3A_349, %dma_wait3A_425] : memref<64x16384xf32, #tpu.memory_space<hbm>> -> memref<1x4096xf32, #tpu.memory_space<hbm>>
    %dma_wait3A_427 = tpu.memref_squeeze %dma_wait3A_426 : memref<1x4096xf32, #tpu.memory_space<hbm>> -> memref<4096xf32, #tpu.memory_space<hbm>>
    tpu.wait_dma2 semaphore(%arg15 : memref<!tpu.dma_semaphore, #tpu.memory_space<semaphore_mem>>) src(%dma_wait3A_427 : memref<4096xf32, #tpu.memory_space<hbm>>) dst(%dma_wait3A_424 : memref<4096xf32, #tpu.memory_space<vmem>>)
    %scan3A_428 = arith.constant 0 : i32
    %scan3A_429 = arith.constant 64 : i32
    %scan3A_430 = arith.addi %scan3A_428, %scan3A_429 : i32
    %scan3A_431 = arith.constant 1 : i32
    %scan3A_432:4 = scf.for %scan3A_643 = %scan3A_428 to %scan3A_430 step %scan3A_431 iter_args(%scan3A_644 = %scan3A_396#0, %scan3A_645 = %scan3A_396#1, %scan3A_646 = %scan3A_396#2, %scan3A_647 = %scan3A_396#3) -> (vector<16xf32>, vector<16xf32>, vector<16xf32>, vector<16xf32>)  : i32 {
      %mul3A_648 = arith.constant 4 : i32
      %mul3A_649 = arith.muli %scan3A_643, %mul3A_648 : i32
      %add3A_650 = arith.constant 0 : i32
      %add3A_651 = arith.addi %mul3A_649, %add3A_650 : i32
      %mul3A_652 = arith.constant 16 : i32
      %mul3A_653 = arith.muli %add3A_651, %mul3A_652 : i32
      %add3A_654 = arith.constant 4096 : i32
      %add3A_655 = arith.addi %add3A_654, %mul3A_653 : i32
      %get3A = arith.index_cast %add3A_655 : i32 to index
      %get3A_656 = tpu.vector_load %arg8[%get3A] {strides = array<i32>} : memref<16384xi32, #tpu.memory_space<vmem>>, vector<16xi32>,
      %get3A_657 = arith.constant 1 : i32
      %get3A_658 = arith.index_cast %get3A_657 : i32 to index
      %get3A_659 = arith.index_cast %mul3A_653 : i32 to index
      %get3A_660 = tpu.vector_load %arg9[%get3A_658, %get3A_659] {strides = array<i32>} : memref<2x4096xf32, #tpu.memory_space<vmem>>, vector<16xf32>,
      %lt3A = arith.constant 50048 : i32
      %lt3A_661 = vector.broadcast %lt3A : i32 to vector<16xi32>
      %lt3A_662 = arith.cmpi slt, %get3A_656, %lt3A_661 : vector<16xi32>
      %gather3A = tpu.vector_load_idx %arg6[%get3A_656] masked %lt3A_662 : memref<50048xf32, #tpu.memory_space<vmem>>[vector<16xi32>], vector<16xf32>, vector<16xi1>
      %sub3A = arith.subf %get3A_660, %gather3A : vector<16xf32>
      %mul3A_663 = arith.mulf %sub3A, %sub3A : vector<16xf32>
      %jit3A = arith.constant 0.000000e+00 : f32
      %broadcast_in_dim3A_664 = vector.broadcast %jit3A : f32 to vector<16xf32>
      %select_n3A = arith.select %lt3A_662, %mul3A_663, %broadcast_in_dim3A_664 : vector<16xi1>, vector<16xf32>
      %add3A_665 = arith.addf %scan3A_644, %select_n3A : vector<16xf32>
      %mul3A_666 = arith.constant 4 : i32
      %mul3A_667 = arith.muli %scan3A_643, %mul3A_666 : i32
      %add3A_668 = arith.constant 1 : i32
      %add3A_669 = arith.addi %mul3A_667, %add3A_668 : i32
      %mul3A_670 = arith.constant 16 : i32
      %mul3A_671 = arith.muli %add3A_669, %mul3A_670 : i32
      %add3A_672 = arith.constant 4096 : i32
      %add3A_673 = arith.addi %add3A_672, %mul3A_671 : i32
      %get3A_674 = arith.index_cast %add3A_673 : i32 to index
      %get3A_675 = tpu.vector_load %arg8[%get3A_674] {strides = array<i32>} : memref<16384xi32, #tpu.memory_space<vmem>>, vector<16xi32>,
      %get3A_676 = arith.constant 1 : i32
      %get3A_677 = arith.index_cast %get3A_676 : i32 to index
      %get3A_678 = arith.index_cast %mul3A_671 : i32 to index
      %get3A_679 = tpu.vector_load %arg9[%get3A_677, %get3A_678] {strides = array<i32>} : memref<2x4096xf32, #tpu.memory_space<vmem>>, vector<16xf32>,
      %lt3A_680 = arith.constant 50048 : i32
      %lt3A_681 = vector.broadcast %lt3A_680 : i32 to vector<16xi32>
      %lt3A_682 = arith.cmpi slt, %get3A_675, %lt3A_681 : vector<16xi32>
      %gather3A_683 = tpu.vector_load_idx %arg6[%get3A_675] masked %lt3A_682 : memref<50048xf32, #tpu.memory_space<vmem>>[vector<16xi32>], vector<16xf32>, vector<16xi1>
      %sub3A_684 = arith.subf %get3A_679, %gather3A_683 : vector<16xf32>
      %mul3A_685 = arith.mulf %sub3A_684, %sub3A_684 : vector<16xf32>
      %jit3A_686 = arith.constant 0.000000e+00 : f32
      %broadcast_in_dim3A_687 = vector.broadcast %jit3A_686 : f32 to vector<16xf32>
      %select_n3A_688 = arith.select %lt3A_682, %mul3A_685, %broadcast_in_dim3A_687 : vector<16xi1>, vector<16xf32>
      %add3A_689 = arith.addf %scan3A_645, %select_n3A_688 : vector<16xf32>
      %mul3A_690 = arith.constant 4 : i32
      %mul3A_691 = arith.muli %scan3A_643, %mul3A_690 : i32
      %add3A_692 = arith.constant 2 : i32
      %add3A_693 = arith.addi %mul3A_691, %add3A_692 : i32
      %mul3A_694 = arith.constant 16 : i32
      %mul3A_695 = arith.muli %add3A_693, %mul3A_694 : i32
      %add3A_696 = arith.constant 4096 : i32
      %add3A_697 = arith.addi %add3A_696, %mul3A_695 : i32
      %get3A_698 = arith.index_cast %add3A_697 : i32 to index
      %get3A_699 = tpu.vector_load %arg8[%get3A_698] {strides = array<i32>} : memref<16384xi32, #tpu.memory_space<vmem>>, vector<16xi32>,
      %get3A_700 = arith.constant 1 : i32
      %get3A_701 = arith.index_cast %get3A_700 : i32 to index
      %get3A_702 = arith.index_cast %mul3A_695 : i32 to index
      %get3A_703 = tpu.vector_load %arg9[%get3A_701, %get3A_702] {strides = array<i32>} : memref<2x4096xf32, #tpu.memory_space<vmem>>, vector<16xf32>,
      %lt3A_704 = arith.constant 50048 : i32
      %lt3A_705 = vector.broadcast %lt3A_704 : i32 to vector<16xi32>
      %lt3A_706 = arith.cmpi slt, %get3A_699, %lt3A_705 : vector<16xi32>
      %gather3A_707 = tpu.vector_load_idx %arg6[%get3A_699] masked %lt3A_706 : memref<50048xf32, #tpu.memory_space<vmem>>[vector<16xi32>], vector<16xf32>, vector<16xi1>
      %sub3A_708 = arith.subf %get3A_703, %gather3A_707 : vector<16xf32>
      %mul3A_709 = arith.mulf %sub3A_708, %sub3A_708 : vector<16xf32>
      %jit3A_710 = arith.constant 0.000000e+00 : f32
      %broadcast_in_dim3A_711 = vector.broadcast %jit3A_710 : f32 to vector<16xf32>
      %select_n3A_712 = arith.select %lt3A_706, %mul3A_709, %broadcast_in_dim3A_711 : vector<16xi1>, vector<16xf32>
      %add3A_713 = arith.addf %scan3A_646, %select_n3A_712 : vector<16xf32>
      %mul3A_714 = arith.constant 4 : i32
      %mul3A_715 = arith.muli %scan3A_643, %mul3A_714 : i32
      %add3A_716 = arith.constant 3 : i32
      %add3A_717 = arith.addi %mul3A_715, %add3A_716 : i32
      %mul3A_718 = arith.constant 16 : i32
      %mul3A_719 = arith.muli %add3A_717, %mul3A_718 : i32
      %add3A_720 = arith.constant 4096 : i32
      %add3A_721 = arith.addi %add3A_720, %mul3A_719 : i32
      %get3A_722 = arith.index_cast %add3A_721 : i32 to index
      %get3A_723 = tpu.vector_load %arg8[%get3A_722] {strides = array<i32>} : memref<16384xi32, #tpu.memory_space<vmem>>, vector<16xi32>,
      %get3A_724 = arith.constant 1 : i32
      %get3A_725 = arith.index_cast %get3A_724 : i32 to index
      %get3A_726 = arith.index_cast %mul3A_719 : i32 to index
      %get3A_727 = tpu.vector_load %arg9[%get3A_725, %get3A_726] {strides = array<i32>} : memref<2x4096xf32, #tpu.memory_space<vmem>>, vector<16xf32>,
      %lt3A_728 = arith.constant 50048 : i32
      %lt3A_729 = vector.broadcast %lt3A_728 : i32 to vector<16xi32>
      %lt3A_730 = arith.cmpi slt, %get3A_723, %lt3A_729 : vector<16xi32>
      %gather3A_731 = tpu.vector_load_idx %arg6[%get3A_723] masked %lt3A_730 : memref<50048xf32, #tpu.memory_space<vmem>>[vector<16xi32>], vector<16xf32>, vector<16xi1>
      %sub3A_732 = arith.subf %get3A_727, %gather3A_731 : vector<16xf32>
      %mul3A_733 = arith.mulf %sub3A_732, %sub3A_732 : vector<16xf32>
      %jit3A_734 = arith.constant 0.000000e+00 : f32
      %broadcast_in_dim3A_735 = vector.broadcast %jit3A_734 : f32 to vector<16xf32>
      %select_n3A_736 = arith.select %lt3A_730, %mul3A_733, %broadcast_in_dim3A_735 : vector<16xi1>, vector<16xf32>
      %add3A_737 = arith.addf %scan3A_647, %select_n3A_736 : vector<16xf32>
      scf.yield %add3A_665, %add3A_689, %add3A_713, %add3A_737 : vector<16xf32>, vector<16xf32>, vector<16xf32>, vector<16xf32>
    }
    %scan3A_433 = arith.constant 64 : i32
    %mul3A_434 = arith.constant 2 : i32
    %mul3A_435 = arith.muli %add3A, %mul3A_434 : i32
    %add3A_436 = arith.constant 1 : i32
    %add3A_437 = arith.addi %mul3A_435, %add3A_436 : i32
    %dma_start3A_438 = arith.constant 1 : i32
    %dma_start3A_439 = arith.constant 0 : i32
    %dma_start3A_440 = tpu.memref_slice %arg9[%dma_start3A_438, %dma_start3A_439] : memref<2x4096xf32, #tpu.memory_space<vmem>> -> memref<1x4096xf32, #tpu.memory_space<vmem>>
    %dma_start3A_441 = tpu.memref_squeeze %dma_start3A_440 : memref<1x4096xf32, #tpu.memory_space<vmem>> -> memref<4096xf32, #tpu.memory_space<vmem>>
    %dma_start3A_442 = arith.constant 12288 : i32
    %dma_start3A_443 = tpu.memref_slice %arg2[%add3A_437, %dma_start3A_442] : memref<64x16384xf32, #tpu.memory_space<hbm>> -> memref<1x4096xf32, #tpu.memory_space<hbm>>
    %dma_start3A_444 = tpu.memref_squeeze %dma_start3A_443 : memref<1x4096xf32, #tpu.memory_space<hbm>> -> memref<4096xf32, #tpu.memory_space<hbm>>
    %dma_start3A_445 = arith.constant 0 : i32
    %dma_start3A_446 = tpu.memref_slice %arg9[%dma_start3A_438, %dma_start3A_445] : memref<2x4096xf32, #tpu.memory_space<vmem>> -> memref<1x4096xf32, #tpu.memory_space<vmem>>
    %dma_start3A_447 = tpu.memref_squeeze %dma_start3A_446 : memref<1x4096xf32, #tpu.memory_space<vmem>> -> memref<4096xf32, #tpu.memory_space<vmem>>
    %dma_start3A_448 = arith.constant 12288 : i32
    %dma_start3A_449 = tpu.memref_slice %arg2[%add3A_437, %dma_start3A_448] : memref<64x16384xf32, #tpu.memory_space<hbm>> -> memref<1x4096xf32, #tpu.memory_space<hbm>>
    %dma_start3A_450 = tpu.memref_squeeze %dma_start3A_449 : memref<1x4096xf32, #tpu.memory_space<hbm>> -> memref<4096xf32, #tpu.memory_space<hbm>>
    tpu.enqueue_dma source(%dma_start3A_450 : memref<4096xf32, #tpu.memory_space<hbm>>) target(%dma_start3A_447 : memref<4096xf32, #tpu.memory_space<vmem>>) target_semaphore(%arg15 : memref<!tpu.dma_semaphore, #tpu.memory_space<semaphore_mem>>)
    %dma_wait3A_451 = arith.constant 0 : i32
    %dma_wait3A_452 = arith.constant 0 : i32
    %dma_wait3A_453 = tpu.memref_slice %arg9[%dma_wait3A_451, %dma_wait3A_452] : memref<2x4096xf32, #tpu.memory_space<vmem>> -> memref<1x4096xf32, #tpu.memory_space<vmem>>
    %dma_wait3A_454 = tpu.memref_squeeze %dma_wait3A_453 : memref<1x4096xf32, #tpu.memory_space<vmem>> -> memref<4096xf32, #tpu.memory_space<vmem>>
    %dma_wait3A_455 = arith.constant 8192 : i32
    %dma_wait3A_456 = tpu.memref_slice %arg2[%add3A_401, %dma_wait3A_455] : memref<64x16384xf32, #tpu.memory_space<hbm>> -> memref<1x4096xf32, #tpu.memory_space<hbm>>
    %dma_wait3A_457 = tpu.memref_squeeze %dma_wait3A_456 : memref<1x4096xf32, #tpu.memory_space<hbm>> -> memref<4096xf32, #tpu.memory_space<hbm>>
    %dma_wait3A_458 = arith.constant 0 : i32
    %dma_wait3A_459 = tpu.memref_slice %arg9[%dma_wait3A_451, %dma_wait3A_458] : memref<2x4096xf32, #tpu.memory_space<vmem>> -> memref<1x4096xf32, #tpu.memory_space<vmem>>
    %dma_wait3A_460 = tpu.memref_squeeze %dma_wait3A_459 : memref<1x4096xf32, #tpu.memory_space<vmem>> -> memref<4096xf32, #tpu.memory_space<vmem>>
    %dma_wait3A_461 = arith.constant 8192 : i32
    %dma_wait3A_462 = tpu.memref_slice %arg2[%add3A_401, %dma_wait3A_461] : memref<64x16384xf32, #tpu.memory_space<hbm>> -> memref<1x4096xf32, #tpu.memory_space<hbm>>
    %dma_wait3A_463 = tpu.memref_squeeze %dma_wait3A_462 : memref<1x4096xf32, #tpu.memory_space<hbm>> -> memref<4096xf32, #tpu.memory_space<hbm>>
    tpu.wait_dma2 semaphore(%arg14 : memref<!tpu.dma_semaphore, #tpu.memory_space<semaphore_mem>>) src(%dma_wait3A_463 : memref<4096xf32, #tpu.memory_space<hbm>>) dst(%dma_wait3A_460 : memref<4096xf32, #tpu.memory_space<vmem>>)
    %scan3A_464 = arith.constant 0 : i32
    %scan3A_465 = arith.constant 64 : i32
    %scan3A_466 = arith.addi %scan3A_464, %scan3A_465 : i32
    %scan3A_467 = arith.constant 1 : i32
    %scan3A_468:4 = scf.for %scan3A_643 = %scan3A_464 to %scan3A_466 step %scan3A_467 iter_args(%scan3A_644 = %scan3A_432#0, %scan3A_645 = %scan3A_432#1, %scan3A_646 = %scan3A_432#2, %scan3A_647 = %scan3A_432#3) -> (vector<16xf32>, vector<16xf32>, vector<16xf32>, vector<16xf32>)  : i32 {
      %mul3A_648 = arith.constant 4 : i32
      %mul3A_649 = arith.muli %scan3A_643, %mul3A_648 : i32
      %add3A_650 = arith.constant 0 : i32
      %add3A_651 = arith.addi %mul3A_649, %add3A_650 : i32
      %mul3A_652 = arith.constant 16 : i32
      %mul3A_653 = arith.muli %add3A_651, %mul3A_652 : i32
      %add3A_654 = arith.constant 8192 : i32
      %add3A_655 = arith.addi %add3A_654, %mul3A_653 : i32
      %get3A = arith.index_cast %add3A_655 : i32 to index
      %get3A_656 = tpu.vector_load %arg8[%get3A] {strides = array<i32>} : memref<16384xi32, #tpu.memory_space<vmem>>, vector<16xi32>,
      %get3A_657 = arith.constant 0 : i32
      %get3A_658 = arith.index_cast %get3A_657 : i32 to index
      %get3A_659 = arith.index_cast %mul3A_653 : i32 to index
      %get3A_660 = tpu.vector_load %arg9[%get3A_658, %get3A_659] {strides = array<i32>} : memref<2x4096xf32, #tpu.memory_space<vmem>>, vector<16xf32>,
      %lt3A = arith.constant 50048 : i32
      %lt3A_661 = vector.broadcast %lt3A : i32 to vector<16xi32>
      %lt3A_662 = arith.cmpi slt, %get3A_656, %lt3A_661 : vector<16xi32>
      %gather3A = tpu.vector_load_idx %arg6[%get3A_656] masked %lt3A_662 : memref<50048xf32, #tpu.memory_space<vmem>>[vector<16xi32>], vector<16xf32>, vector<16xi1>
      %sub3A = arith.subf %get3A_660, %gather3A : vector<16xf32>
      %mul3A_663 = arith.mulf %sub3A, %sub3A : vector<16xf32>
      %jit3A = arith.constant 0.000000e+00 : f32
      %broadcast_in_dim3A_664 = vector.broadcast %jit3A : f32 to vector<16xf32>
      %select_n3A = arith.select %lt3A_662, %mul3A_663, %broadcast_in_dim3A_664 : vector<16xi1>, vector<16xf32>
      %add3A_665 = arith.addf %scan3A_644, %select_n3A : vector<16xf32>
      %mul3A_666 = arith.constant 4 : i32
      %mul3A_667 = arith.muli %scan3A_643, %mul3A_666 : i32
      %add3A_668 = arith.constant 1 : i32
      %add3A_669 = arith.addi %mul3A_667, %add3A_668 : i32
      %mul3A_670 = arith.constant 16 : i32
      %mul3A_671 = arith.muli %add3A_669, %mul3A_670 : i32
      %add3A_672 = arith.constant 8192 : i32
      %add3A_673 = arith.addi %add3A_672, %mul3A_671 : i32
      %get3A_674 = arith.index_cast %add3A_673 : i32 to index
      %get3A_675 = tpu.vector_load %arg8[%get3A_674] {strides = array<i32>} : memref<16384xi32, #tpu.memory_space<vmem>>, vector<16xi32>,
      %get3A_676 = arith.constant 0 : i32
      %get3A_677 = arith.index_cast %get3A_676 : i32 to index
      %get3A_678 = arith.index_cast %mul3A_671 : i32 to index
      %get3A_679 = tpu.vector_load %arg9[%get3A_677, %get3A_678] {strides = array<i32>} : memref<2x4096xf32, #tpu.memory_space<vmem>>, vector<16xf32>,
      %lt3A_680 = arith.constant 50048 : i32
      %lt3A_681 = vector.broadcast %lt3A_680 : i32 to vector<16xi32>
      %lt3A_682 = arith.cmpi slt, %get3A_675, %lt3A_681 : vector<16xi32>
      %gather3A_683 = tpu.vector_load_idx %arg6[%get3A_675] masked %lt3A_682 : memref<50048xf32, #tpu.memory_space<vmem>>[vector<16xi32>], vector<16xf32>, vector<16xi1>
      %sub3A_684 = arith.subf %get3A_679, %gather3A_683 : vector<16xf32>
      %mul3A_685 = arith.mulf %sub3A_684, %sub3A_684 : vector<16xf32>
      %jit3A_686 = arith.constant 0.000000e+00 : f32
      %broadcast_in_dim3A_687 = vector.broadcast %jit3A_686 : f32 to vector<16xf32>
      %select_n3A_688 = arith.select %lt3A_682, %mul3A_685, %broadcast_in_dim3A_687 : vector<16xi1>, vector<16xf32>
      %add3A_689 = arith.addf %scan3A_645, %select_n3A_688 : vector<16xf32>
      %mul3A_690 = arith.constant 4 : i32
      %mul3A_691 = arith.muli %scan3A_643, %mul3A_690 : i32
      %add3A_692 = arith.constant 2 : i32
      %add3A_693 = arith.addi %mul3A_691, %add3A_692 : i32
      %mul3A_694 = arith.constant 16 : i32
      %mul3A_695 = arith.muli %add3A_693, %mul3A_694 : i32
      %add3A_696 = arith.constant 8192 : i32
      %add3A_697 = arith.addi %add3A_696, %mul3A_695 : i32
      %get3A_698 = arith.index_cast %add3A_697 : i32 to index
      %get3A_699 = tpu.vector_load %arg8[%get3A_698] {strides = array<i32>} : memref<16384xi32, #tpu.memory_space<vmem>>, vector<16xi32>,
      %get3A_700 = arith.constant 0 : i32
      %get3A_701 = arith.index_cast %get3A_700 : i32 to index
      %get3A_702 = arith.index_cast %mul3A_695 : i32 to index
      %get3A_703 = tpu.vector_load %arg9[%get3A_701, %get3A_702] {strides = array<i32>} : memref<2x4096xf32, #tpu.memory_space<vmem>>, vector<16xf32>,
      %lt3A_704 = arith.constant 50048 : i32
      %lt3A_705 = vector.broadcast %lt3A_704 : i32 to vector<16xi32>
      %lt3A_706 = arith.cmpi slt, %get3A_699, %lt3A_705 : vector<16xi32>
      %gather3A_707 = tpu.vector_load_idx %arg6[%get3A_699] masked %lt3A_706 : memref<50048xf32, #tpu.memory_space<vmem>>[vector<16xi32>], vector<16xf32>, vector<16xi1>
      %sub3A_708 = arith.subf %get3A_703, %gather3A_707 : vector<16xf32>
      %mul3A_709 = arith.mulf %sub3A_708, %sub3A_708 : vector<16xf32>
      %jit3A_710 = arith.constant 0.000000e+00 : f32
      %broadcast_in_dim3A_711 = vector.broadcast %jit3A_710 : f32 to vector<16xf32>
      %select_n3A_712 = arith.select %lt3A_706, %mul3A_709, %broadcast_in_dim3A_711 : vector<16xi1>, vector<16xf32>
      %add3A_713 = arith.addf %scan3A_646, %select_n3A_712 : vector<16xf32>
      %mul3A_714 = arith.constant 4 : i32
      %mul3A_715 = arith.muli %scan3A_643, %mul3A_714 : i32
      %add3A_716 = arith.constant 3 : i32
      %add3A_717 = arith.addi %mul3A_715, %add3A_716 : i32
      %mul3A_718 = arith.constant 16 : i32
      %mul3A_719 = arith.muli %add3A_717, %mul3A_718 : i32
      %add3A_720 = arith.constant 8192 : i32
      %add3A_721 = arith.addi %add3A_720, %mul3A_719 : i32
      %get3A_722 = arith.index_cast %add3A_721 : i32 to index
      %get3A_723 = tpu.vector_load %arg8[%get3A_722] {strides = array<i32>} : memref<16384xi32, #tpu.memory_space<vmem>>, vector<16xi32>,
      %get3A_724 = arith.constant 0 : i32
      %get3A_725 = arith.index_cast %get3A_724 : i32 to index
      %get3A_726 = arith.index_cast %mul3A_719 : i32 to index
      %get3A_727 = tpu.vector_load %arg9[%get3A_725, %get3A_726] {strides = array<i32>} : memref<2x4096xf32, #tpu.memory_space<vmem>>, vector<16xf32>,
      %lt3A_728 = arith.constant 50048 : i32
      %lt3A_729 = vector.broadcast %lt3A_728 : i32 to vector<16xi32>
      %lt3A_730 = arith.cmpi slt, %get3A_723, %lt3A_729 : vector<16xi32>
      %gather3A_731 = tpu.vector_load_idx %arg6[%get3A_723] masked %lt3A_730 : memref<50048xf32, #tpu.memory_space<vmem>>[vector<16xi32>], vector<16xf32>, vector<16xi1>
      %sub3A_732 = arith.subf %get3A_727, %gather3A_731 : vector<16xf32>
      %mul3A_733 = arith.mulf %sub3A_732, %sub3A_732 : vector<16xf32>
      %jit3A_734 = arith.constant 0.000000e+00 : f32
      %broadcast_in_dim3A_735 = vector.broadcast %jit3A_734 : f32 to vector<16xf32>
      %select_n3A_736 = arith.select %lt3A_730, %mul3A_733, %broadcast_in_dim3A_735 : vector<16xi1>, vector<16xf32>
      %add3A_737 = arith.addf %scan3A_647, %select_n3A_736 : vector<16xf32>
      scf.yield %add3A_665, %add3A_689, %add3A_713, %add3A_737 : vector<16xf32>, vector<16xf32>, vector<16xf32>, vector<16xf32>
    }
    %scan3A_469 = arith.constant 64 : i32
    %mul3A_470 = arith.constant 2 : i32
    %mul3A_471 = arith.muli %add3A, %mul3A_470 : i32
    %add3A_472 = arith.constant 1 : i32
    %add3A_473 = arith.addi %mul3A_471, %add3A_472 : i32
    %dma_start3A_474 = arith.constant 0 : i32
    %dma_start3A_475 = arith.constant 0 : i32
    %dma_start3A_476 = tpu.memref_slice %arg9[%dma_start3A_474, %dma_start3A_475] : memref<2x4096xf32, #tpu.memory_space<vmem>> -> memref<1x4096xf32, #tpu.memory_space<vmem>>
    %dma_start3A_477 = tpu.memref_squeeze %dma_start3A_476 : memref<1x4096xf32, #tpu.memory_space<vmem>> -> memref<4096xf32, #tpu.memory_space<vmem>>
    %dma_start3A_478 = arith.constant 0 : i32
    %dma_start3A_479 = tpu.memref_slice %arg2[%add3A_473, %dma_start3A_478] : memref<64x16384xf32, #tpu.memory_space<hbm>> -> memref<1x4096xf32, #tpu.memory_space<hbm>>
    %dma_start3A_480 = tpu.memref_squeeze %dma_start3A_479 : memref<1x4096xf32, #tpu.memory_space<hbm>> -> memref<4096xf32, #tpu.memory_space<hbm>>
    %dma_start3A_481 = arith.constant 0 : i32
    %dma_start3A_482 = tpu.memref_slice %arg9[%dma_start3A_474, %dma_start3A_481] : memref<2x4096xf32, #tpu.memory_space<vmem>> -> memref<1x4096xf32, #tpu.memory_space<vmem>>
    %dma_start3A_483 = tpu.memref_squeeze %dma_start3A_482 : memref<1x4096xf32, #tpu.memory_space<vmem>> -> memref<4096xf32, #tpu.memory_space<vmem>>
    %dma_start3A_484 = arith.constant 0 : i32
    %dma_start3A_485 = tpu.memref_slice %arg2[%add3A_473, %dma_start3A_484] : memref<64x16384xf32, #tpu.memory_space<hbm>> -> memref<1x4096xf32, #tpu.memory_space<hbm>>
    %dma_start3A_486 = tpu.memref_squeeze %dma_start3A_485 : memref<1x4096xf32, #tpu.memory_space<hbm>> -> memref<4096xf32, #tpu.memory_space<hbm>>
    tpu.enqueue_dma source(%dma_start3A_486 : memref<4096xf32, #tpu.memory_space<hbm>>) target(%dma_start3A_483 : memref<4096xf32, #tpu.memory_space<vmem>>) target_semaphore(%arg14 : memref<!tpu.dma_semaphore, #tpu.memory_space<semaphore_mem>>)
    %dma_wait3A_487 = arith.constant 1 : i32
    %dma_wait3A_488 = arith.constant 0 : i32
    %dma_wait3A_489 = tpu.memref_slice %arg9[%dma_wait3A_487, %dma_wait3A_488] : memref<2x4096xf32, #tpu.memory_space<vmem>> -> memref<1x4096xf32, #tpu.memory_space<vmem>>
    %dma_wait3A_490 = tpu.memref_squeeze %dma_wait3A_489 : memref<1x4096xf32, #tpu.memory_space<vmem>> -> memref<4096xf32, #tpu.memory_space<vmem>>
    %dma_wait3A_491 = arith.constant 12288 : i32
    %dma_wait3A_492 = tpu.memref_slice %arg2[%add3A_437, %dma_wait3A_491] : memref<64x16384xf32, #tpu.memory_space<hbm>> -> memref<1x4096xf32, #tpu.memory_space<hbm>>
    %dma_wait3A_493 = tpu.memref_squeeze %dma_wait3A_492 : memref<1x4096xf32, #tpu.memory_space<hbm>> -> memref<4096xf32, #tpu.memory_space<hbm>>
    %dma_wait3A_494 = arith.constant 0 : i32
    %dma_wait3A_495 = tpu.memref_slice %arg9[%dma_wait3A_487, %dma_wait3A_494] : memref<2x4096xf32, #tpu.memory_space<vmem>> -> memref<1x4096xf32, #tpu.memory_space<vmem>>
    %dma_wait3A_496 = tpu.memref_squeeze %dma_wait3A_495 : memref<1x4096xf32, #tpu.memory_space<vmem>> -> memref<4096xf32, #tpu.memory_space<vmem>>
    %dma_wait3A_497 = arith.constant 12288 : i32
    %dma_wait3A_498 = tpu.memref_slice %arg2[%add3A_437, %dma_wait3A_497] : memref<64x16384xf32, #tpu.memory_space<hbm>> -> memref<1x4096xf32, #tpu.memory_space<hbm>>
    %dma_wait3A_499 = tpu.memref_squeeze %dma_wait3A_498 : memref<1x4096xf32, #tpu.memory_space<hbm>> -> memref<4096xf32, #tpu.memory_space<hbm>>
    tpu.wait_dma2 semaphore(%arg15 : memref<!tpu.dma_semaphore, #tpu.memory_space<semaphore_mem>>) src(%dma_wait3A_499 : memref<4096xf32, #tpu.memory_space<hbm>>) dst(%dma_wait3A_496 : memref<4096xf32, #tpu.memory_space<vmem>>)
    %scan3A_500 = arith.constant 0 : i32
    %scan3A_501 = arith.constant 64 : i32
    %scan3A_502 = arith.addi %scan3A_500, %scan3A_501 : i32
    %scan3A_503 = arith.constant 1 : i32
    %scan3A_504:4 = scf.for %scan3A_643 = %scan3A_500 to %scan3A_502 step %scan3A_503 iter_args(%scan3A_644 = %scan3A_468#0, %scan3A_645 = %scan3A_468#1, %scan3A_646 = %scan3A_468#2, %scan3A_647 = %scan3A_468#3) -> (vector<16xf32>, vector<16xf32>, vector<16xf32>, vector<16xf32>)  : i32 {
      %mul3A_648 = arith.constant 4 : i32
      %mul3A_649 = arith.muli %scan3A_643, %mul3A_648 : i32
      %add3A_650 = arith.constant 0 : i32
      %add3A_651 = arith.addi %mul3A_649, %add3A_650 : i32
      %mul3A_652 = arith.constant 16 : i32
      %mul3A_653 = arith.muli %add3A_651, %mul3A_652 : i32
      %add3A_654 = arith.constant 12288 : i32
      %add3A_655 = arith.addi %add3A_654, %mul3A_653 : i32
      %get3A = arith.index_cast %add3A_655 : i32 to index
      %get3A_656 = tpu.vector_load %arg8[%get3A] {strides = array<i32>} : memref<16384xi32, #tpu.memory_space<vmem>>, vector<16xi32>,
      %get3A_657 = arith.constant 1 : i32
      %get3A_658 = arith.index_cast %get3A_657 : i32 to index
      %get3A_659 = arith.index_cast %mul3A_653 : i32 to index
      %get3A_660 = tpu.vector_load %arg9[%get3A_658, %get3A_659] {strides = array<i32>} : memref<2x4096xf32, #tpu.memory_space<vmem>>, vector<16xf32>,
      %lt3A = arith.constant 50048 : i32
      %lt3A_661 = vector.broadcast %lt3A : i32 to vector<16xi32>
      %lt3A_662 = arith.cmpi slt, %get3A_656, %lt3A_661 : vector<16xi32>
      %gather3A = tpu.vector_load_idx %arg6[%get3A_656] masked %lt3A_662 : memref<50048xf32, #tpu.memory_space<vmem>>[vector<16xi32>], vector<16xf32>, vector<16xi1>
      %sub3A = arith.subf %get3A_660, %gather3A : vector<16xf32>
      %mul3A_663 = arith.mulf %sub3A, %sub3A : vector<16xf32>
      %jit3A = arith.constant 0.000000e+00 : f32
      %broadcast_in_dim3A_664 = vector.broadcast %jit3A : f32 to vector<16xf32>
      %select_n3A = arith.select %lt3A_662, %mul3A_663, %broadcast_in_dim3A_664 : vector<16xi1>, vector<16xf32>
      %add3A_665 = arith.addf %scan3A_644, %select_n3A : vector<16xf32>
      %mul3A_666 = arith.constant 4 : i32
      %mul3A_667 = arith.muli %scan3A_643, %mul3A_666 : i32
      %add3A_668 = arith.constant 1 : i32
      %add3A_669 = arith.addi %mul3A_667, %add3A_668 : i32
      %mul3A_670 = arith.constant 16 : i32
      %mul3A_671 = arith.muli %add3A_669, %mul3A_670 : i32
      %add3A_672 = arith.constant 12288 : i32
      %add3A_673 = arith.addi %add3A_672, %mul3A_671 : i32
      %get3A_674 = arith.index_cast %add3A_673 : i32 to index
      %get3A_675 = tpu.vector_load %arg8[%get3A_674] {strides = array<i32>} : memref<16384xi32, #tpu.memory_space<vmem>>, vector<16xi32>,
      %get3A_676 = arith.constant 1 : i32
      %get3A_677 = arith.index_cast %get3A_676 : i32 to index
      %get3A_678 = arith.index_cast %mul3A_671 : i32 to index
      %get3A_679 = tpu.vector_load %arg9[%get3A_677, %get3A_678] {strides = array<i32>} : memref<2x4096xf32, #tpu.memory_space<vmem>>, vector<16xf32>,
      %lt3A_680 = arith.constant 50048 : i32
      %lt3A_681 = vector.broadcast %lt3A_680 : i32 to vector<16xi32>
      %lt3A_682 = arith.cmpi slt, %get3A_675, %lt3A_681 : vector<16xi32>
      %gather3A_683 = tpu.vector_load_idx %arg6[%get3A_675] masked %lt3A_682 : memref<50048xf32, #tpu.memory_space<vmem>>[vector<16xi32>], vector<16xf32>, vector<16xi1>
      %sub3A_684 = arith.subf %get3A_679, %gather3A_683 : vector<16xf32>
      %mul3A_685 = arith.mulf %sub3A_684, %sub3A_684 : vector<16xf32>
      %jit3A_686 = arith.constant 0.000000e+00 : f32
      %broadcast_in_dim3A_687 = vector.broadcast %jit3A_686 : f32 to vector<16xf32>
      %select_n3A_688 = arith.select %lt3A_682, %mul3A_685, %broadcast_in_dim3A_687 : vector<16xi1>, vector<16xf32>
      %add3A_689 = arith.addf %scan3A_645, %select_n3A_688 : vector<16xf32>
      %mul3A_690 = arith.constant 4 : i32
      %mul3A_691 = arith.muli %scan3A_643, %mul3A_690 : i32
      %add3A_692 = arith.constant 2 : i32
      %add3A_693 = arith.addi %mul3A_691, %add3A_692 : i32
      %mul3A_694 = arith.constant 16 : i32
      %mul3A_695 = arith.muli %add3A_693, %mul3A_694 : i32
      %add3A_696 = arith.constant 12288 : i32
      %add3A_697 = arith.addi %add3A_696, %mul3A_695 : i32
      %get3A_698 = arith.index_cast %add3A_697 : i32 to index
      %get3A_699 = tpu.vector_load %arg8[%get3A_698] {strides = array<i32>} : memref<16384xi32, #tpu.memory_space<vmem>>, vector<16xi32>,
      %get3A_700 = arith.constant 1 : i32
      %get3A_701 = arith.index_cast %get3A_700 : i32 to index
      %get3A_702 = arith.index_cast %mul3A_695 : i32 to index
      %get3A_703 = tpu.vector_load %arg9[%get3A_701, %get3A_702] {strides = array<i32>} : memref<2x4096xf32, #tpu.memory_space<vmem>>, vector<16xf32>,
      %lt3A_704 = arith.constant 50048 : i32
      %lt3A_705 = vector.broadcast %lt3A_704 : i32 to vector<16xi32>
      %lt3A_706 = arith.cmpi slt, %get3A_699, %lt3A_705 : vector<16xi32>
      %gather3A_707 = tpu.vector_load_idx %arg6[%get3A_699] masked %lt3A_706 : memref<50048xf32, #tpu.memory_space<vmem>>[vector<16xi32>], vector<16xf32>, vector<16xi1>
      %sub3A_708 = arith.subf %get3A_703, %gather3A_707 : vector<16xf32>
      %mul3A_709 = arith.mulf %sub3A_708, %sub3A_708 : vector<16xf32>
      %jit3A_710 = arith.constant 0.000000e+00 : f32
      %broadcast_in_dim3A_711 = vector.broadcast %jit3A_710 : f32 to vector<16xf32>
      %select_n3A_712 = arith.select %lt3A_706, %mul3A_709, %broadcast_in_dim3A_711 : vector<16xi1>, vector<16xf32>
      %add3A_713 = arith.addf %scan3A_646, %select_n3A_712 : vector<16xf32>
      %mul3A_714 = arith.constant 4 : i32
      %mul3A_715 = arith.muli %scan3A_643, %mul3A_714 : i32
      %add3A_716 = arith.constant 3 : i32
      %add3A_717 = arith.addi %mul3A_715, %add3A_716 : i32
      %mul3A_718 = arith.constant 16 : i32
      %mul3A_719 = arith.muli %add3A_717, %mul3A_718 : i32
      %add3A_720 = arith.constant 12288 : i32
      %add3A_721 = arith.addi %add3A_720, %mul3A_719 : i32
      %get3A_722 = arith.index_cast %add3A_721 : i32 to index
      %get3A_723 = tpu.vector_load %arg8[%get3A_722] {strides = array<i32>} : memref<16384xi32, #tpu.memory_space<vmem>>, vector<16xi32>,
      %get3A_724 = arith.constant 1 : i32
      %get3A_725 = arith.index_cast %get3A_724 : i32 to index
      %get3A_726 = arith.index_cast %mul3A_719 : i32 to index
      %get3A_727 = tpu.vector_load %arg9[%get3A_725, %get3A_726] {strides = array<i32>} : memref<2x4096xf32, #tpu.memory_space<vmem>>, vector<16xf32>,
      %lt3A_728 = arith.constant 50048 : i32
      %lt3A_729 = vector.broadcast %lt3A_728 : i32 to vector<16xi32>
      %lt3A_730 = arith.cmpi slt, %get3A_723, %lt3A_729 : vector<16xi32>
      %gather3A_731 = tpu.vector_load_idx %arg6[%get3A_723] masked %lt3A_730 : memref<50048xf32, #tpu.memory_space<vmem>>[vector<16xi32>], vector<16xf32>, vector<16xi1>
      %sub3A_732 = arith.subf %get3A_727, %gather3A_731 : vector<16xf32>
      %mul3A_733 = arith.mulf %sub3A_732, %sub3A_732 : vector<16xf32>
      %jit3A_734 = arith.constant 0.000000e+00 : f32
      %broadcast_in_dim3A_735 = vector.broadcast %jit3A_734 : f32 to vector<16xf32>
      %select_n3A_736 = arith.select %lt3A_730, %mul3A_733, %broadcast_in_dim3A_735 : vector<16xi1>, vector<16xf32>
      %add3A_737 = arith.addf %scan3A_647, %select_n3A_736 : vector<16xf32>
      scf.yield %add3A_665, %add3A_689, %add3A_713, %add3A_737 : vector<16xf32>, vector<16xf32>, vector<16xf32>, vector<16xf32>
    }
    %scan3A_505 = arith.constant 64 : i32
    %mul3A_506 = arith.constant 2 : i32
    %mul3A_507 = arith.muli %add3A, %mul3A_506 : i32
    %add3A_508 = arith.constant 1 : i32
    %add3A_509 = arith.addi %mul3A_507, %add3A_508 : i32
    %dma_start3A_510 = arith.constant 1 : i32
    %dma_start3A_511 = arith.constant 0 : i32
    %dma_start3A_512 = tpu.memref_slice %arg9[%dma_start3A_510, %dma_start3A_511] : memref<2x4096xf32, #tpu.memory_space<vmem>> -> memref<1x4096xf32, #tpu.memory_space<vmem>>
    %dma_start3A_513 = tpu.memref_squeeze %dma_start3A_512 : memref<1x4096xf32, #tpu.memory_space<vmem>> -> memref<4096xf32, #tpu.memory_space<vmem>>
    %dma_start3A_514 = arith.constant 4096 : i32
    %dma_start3A_515 = tpu.memref_slice %arg2[%add3A_509, %dma_start3A_514] : memref<64x16384xf32, #tpu.memory_space<hbm>> -> memref<1x4096xf32, #tpu.memory_space<hbm>>
    %dma_start3A_516 = tpu.memref_squeeze %dma_start3A_515 : memref<1x4096xf32, #tpu.memory_space<hbm>> -> memref<4096xf32, #tpu.memory_space<hbm>>
    %dma_start3A_517 = arith.constant 0 : i32
    %dma_start3A_518 = tpu.memref_slice %arg9[%dma_start3A_510, %dma_start3A_517] : memref<2x4096xf32, #tpu.memory_space<vmem>> -> memref<1x4096xf32, #tpu.memory_space<vmem>>
    %dma_start3A_519 = tpu.memref_squeeze %dma_start3A_518 : memref<1x4096xf32, #tpu.memory_space<vmem>> -> memref<4096xf32, #tpu.memory_space<vmem>>
    %dma_start3A_520 = arith.constant 4096 : i32
    %dma_start3A_521 = tpu.memref_slice %arg2[%add3A_509, %dma_start3A_520] : memref<64x16384xf32, #tpu.memory_space<hbm>> -> memref<1x4096xf32, #tpu.memory_space<hbm>>
    %dma_start3A_522 = tpu.memref_squeeze %dma_start3A_521 : memref<1x4096xf32, #tpu.memory_space<hbm>> -> memref<4096xf32, #tpu.memory_space<hbm>>
    tpu.enqueue_dma source(%dma_start3A_522 : memref<4096xf32, #tpu.memory_space<hbm>>) target(%dma_start3A_519 : memref<4096xf32, #tpu.memory_space<vmem>>) target_semaphore(%arg15 : memref<!tpu.dma_semaphore, #tpu.memory_space<semaphore_mem>>)
    %dma_wait3A_523 = arith.constant 50048 : i32
    %dma_wait3A_524 = tpu.memref_slice %arg4[%add3A_366, %dma_wait3A_523] : memref<64x100000xf32, #tpu.memory_space<hbm>> -> memref<1x49952xf32, #tpu.memory_space<hbm>>
    %dma_wait3A_525 = tpu.memref_squeeze %dma_wait3A_524 : memref<1x49952xf32, #tpu.memory_space<hbm>> -> memref<49952xf32, #tpu.memory_space<hbm>>
    %dma_wait3A_526 = arith.constant 50048 : i32
    %dma_wait3A_527 = tpu.memref_slice %arg4[%add3A_366, %dma_wait3A_526] : memref<64x100000xf32, #tpu.memory_space<hbm>> -> memref<1x49952xf32, #tpu.memory_space<hbm>>
    %dma_wait3A_528 = tpu.memref_squeeze %dma_wait3A_527 : memref<1x49952xf32, #tpu.memory_space<hbm>> -> memref<49952xf32, #tpu.memory_space<hbm>>
    tpu.wait_dma2 semaphore(%arg12 : memref<!tpu.dma_semaphore, #tpu.memory_space<semaphore_mem>>) src(%dma_wait3A_528 : memref<49952xf32, #tpu.memory_space<hbm>>) dst(%arg7 : memref<49952xf32, #tpu.memory_space<vmem>>)
    %dma_wait3A_529 = arith.constant 0 : i32
    %dma_wait3A_530 = arith.constant 0 : i32
    %dma_wait3A_531 = tpu.memref_slice %arg9[%dma_wait3A_529, %dma_wait3A_530] : memref<2x4096xf32, #tpu.memory_space<vmem>> -> memref<1x4096xf32, #tpu.memory_space<vmem>>
    %dma_wait3A_532 = tpu.memref_squeeze %dma_wait3A_531 : memref<1x4096xf32, #tpu.memory_space<vmem>> -> memref<4096xf32, #tpu.memory_space<vmem>>
    %dma_wait3A_533 = arith.constant 0 : i32
    %dma_wait3A_534 = tpu.memref_slice %arg2[%add3A_473, %dma_wait3A_533] : memref<64x16384xf32, #tpu.memory_space<hbm>> -> memref<1x4096xf32, #tpu.memory_space<hbm>>
    %dma_wait3A_535 = tpu.memref_squeeze %dma_wait3A_534 : memref<1x4096xf32, #tpu.memory_space<hbm>> -> memref<4096xf32, #tpu.memory_space<hbm>>
    %dma_wait3A_536 = arith.constant 0 : i32
    %dma_wait3A_537 = tpu.memref_slice %arg9[%dma_wait3A_529, %dma_wait3A_536] : memref<2x4096xf32, #tpu.memory_space<vmem>> -> memref<1x4096xf32, #tpu.memory_space<vmem>>
    %dma_wait3A_538 = tpu.memref_squeeze %dma_wait3A_537 : memref<1x4096xf32, #tpu.memory_space<vmem>> -> memref<4096xf32, #tpu.memory_space<vmem>>
    %dma_wait3A_539 = arith.constant 0 : i32
    %dma_wait3A_540 = tpu.memref_slice %arg2[%add3A_473, %dma_wait3A_539] : memref<64x16384xf32, #tpu.memory_space<hbm>> -> memref<1x4096xf32, #tpu.memory_space<hbm>>
    %dma_wait3A_541 = tpu.memref_squeeze %dma_wait3A_540 : memref<1x4096xf32, #tpu.memory_space<hbm>> -> memref<4096xf32, #tpu.memory_space<hbm>>
    tpu.wait_dma2 semaphore(%arg14 : memref<!tpu.dma_semaphore, #tpu.memory_space<semaphore_mem>>) src(%dma_wait3A_541 : memref<4096xf32, #tpu.memory_space<hbm>>) dst(%dma_wait3A_538 : memref<4096xf32, #tpu.memory_space<vmem>>)
    %scan3A_542 = arith.constant 0 : i32
    %scan3A_543 = arith.constant 64 : i32
    %scan3A_544 = arith.addi %scan3A_542, %scan3A_543 : i32
    %scan3A_545 = arith.constant 1 : i32
    %scan3A_546:4 = scf.for %scan3A_643 = %scan3A_542 to %scan3A_544 step %scan3A_545 iter_args(%scan3A_644 = %scan3A_504#0, %scan3A_645 = %scan3A_504#1, %scan3A_646 = %scan3A_504#2, %scan3A_647 = %scan3A_504#3) -> (vector<16xf32>, vector<16xf32>, vector<16xf32>, vector<16xf32>)  : i32 {
      %mul3A_648 = arith.constant 4 : i32
      %mul3A_649 = arith.muli %scan3A_643, %mul3A_648 : i32
      %add3A_650 = arith.constant 0 : i32
      %add3A_651 = arith.addi %mul3A_649, %add3A_650 : i32
      %mul3A_652 = arith.constant 16 : i32
      %mul3A_653 = arith.muli %add3A_651, %mul3A_652 : i32
      %add3A_654 = arith.constant 0 : i32
      %add3A_655 = arith.addi %add3A_654, %mul3A_653 : i32
      %get3A = arith.index_cast %add3A_655 : i32 to index
      %get3A_656 = tpu.vector_load %arg8[%get3A] {strides = array<i32>} : memref<16384xi32, #tpu.memory_space<vmem>>, vector<16xi32>,
      %get3A_657 = arith.constant 0 : i32
      %get3A_658 = arith.index_cast %get3A_657 : i32 to index
      %get3A_659 = arith.index_cast %mul3A_653 : i32 to index
      %get3A_660 = tpu.vector_load %arg9[%get3A_658, %get3A_659] {strides = array<i32>} : memref<2x4096xf32, #tpu.memory_space<vmem>>, vector<16xf32>,
      %ge3A = arith.constant 50048 : i32
      %ge3A_661 = vector.broadcast %ge3A : i32 to vector<16xi32>
      %ge3A_662 = arith.cmpi sge, %get3A_656, %ge3A_661 : vector<16xi32>
      %sub3A = arith.constant 50048 : i32
      %sub3A_663 = vector.broadcast %sub3A : i32 to vector<16xi32>
      %sub3A_664 = arith.subi %get3A_656, %sub3A_663 : vector<16xi32>
      %gather3A = tpu.vector_load_idx %arg7[%sub3A_664] masked %ge3A_662 : memref<49952xf32, #tpu.memory_space<vmem>>[vector<16xi32>], vector<16xf32>, vector<16xi1>
      %sub3A_665 = arith.subf %get3A_660, %gather3A : vector<16xf32>
      %mul3A_666 = arith.mulf %sub3A_665, %sub3A_665 : vector<16xf32>
      %jit3A = arith.constant 0.000000e+00 : f32
      %broadcast_in_dim3A_667 = vector.broadcast %jit3A : f32 to vector<16xf32>
      %select_n3A = arith.select %ge3A_662, %mul3A_666, %broadcast_in_dim3A_667 : vector<16xi1>, vector<16xf32>
      %add3A_668 = arith.addf %scan3A_644, %select_n3A : vector<16xf32>
      %mul3A_669 = arith.constant 4 : i32
      %mul3A_670 = arith.muli %scan3A_643, %mul3A_669 : i32
      %add3A_671 = arith.constant 1 : i32
      %add3A_672 = arith.addi %mul3A_670, %add3A_671 : i32
      %mul3A_673 = arith.constant 16 : i32
      %mul3A_674 = arith.muli %add3A_672, %mul3A_673 : i32
      %add3A_675 = arith.constant 0 : i32
      %add3A_676 = arith.addi %add3A_675, %mul3A_674 : i32
      %get3A_677 = arith.index_cast %add3A_676 : i32 to index
      %get3A_678 = tpu.vector_load %arg8[%get3A_677] {strides = array<i32>} : memref<16384xi32, #tpu.memory_space<vmem>>, vector<16xi32>,
      %get3A_679 = arith.constant 0 : i32
      %get3A_680 = arith.index_cast %get3A_679 : i32 to index
      %get3A_681 = arith.index_cast %mul3A_674 : i32 to index
      %get3A_682 = tpu.vector_load %arg9[%get3A_680, %get3A_681] {strides = array<i32>} : memref<2x4096xf32, #tpu.memory_space<vmem>>, vector<16xf32>,
      %ge3A_683 = arith.constant 50048 : i32
      %ge3A_684 = vector.broadcast %ge3A_683 : i32 to vector<16xi32>
      %ge3A_685 = arith.cmpi sge, %get3A_678, %ge3A_684 : vector<16xi32>
      %sub3A_686 = arith.constant 50048 : i32
      %sub3A_687 = vector.broadcast %sub3A_686 : i32 to vector<16xi32>
      %sub3A_688 = arith.subi %get3A_678, %sub3A_687 : vector<16xi32>
      %gather3A_689 = tpu.vector_load_idx %arg7[%sub3A_688] masked %ge3A_685 : memref<49952xf32, #tpu.memory_space<vmem>>[vector<16xi32>], vector<16xf32>, vector<16xi1>
      %sub3A_690 = arith.subf %get3A_682, %gather3A_689 : vector<16xf32>
      %mul3A_691 = arith.mulf %sub3A_690, %sub3A_690 : vector<16xf32>
      %jit3A_692 = arith.constant 0.000000e+00 : f32
      %broadcast_in_dim3A_693 = vector.broadcast %jit3A_692 : f32 to vector<16xf32>
      %select_n3A_694 = arith.select %ge3A_685, %mul3A_691, %broadcast_in_dim3A_693 : vector<16xi1>, vector<16xf32>
      %add3A_695 = arith.addf %scan3A_645, %select_n3A_694 : vector<16xf32>
      %mul3A_696 = arith.constant 4 : i32
      %mul3A_697 = arith.muli %scan3A_643, %mul3A_696 : i32
      %add3A_698 = arith.constant 2 : i32
      %add3A_699 = arith.addi %mul3A_697, %add3A_698 : i32
      %mul3A_700 = arith.constant 16 : i32
      %mul3A_701 = arith.muli %add3A_699, %mul3A_700 : i32
      %add3A_702 = arith.constant 0 : i32
      %add3A_703 = arith.addi %add3A_702, %mul3A_701 : i32
      %get3A_704 = arith.index_cast %add3A_703 : i32 to index
      %get3A_705 = tpu.vector_load %arg8[%get3A_704] {strides = array<i32>} : memref<16384xi32, #tpu.memory_space<vmem>>, vector<16xi32>,
      %get3A_706 = arith.constant 0 : i32
      %get3A_707 = arith.index_cast %get3A_706 : i32 to index
      %get3A_708 = arith.index_cast %mul3A_701 : i32 to index
      %get3A_709 = tpu.vector_load %arg9[%get3A_707, %get3A_708] {strides = array<i32>} : memref<2x4096xf32, #tpu.memory_space<vmem>>, vector<16xf32>,
      %ge3A_710 = arith.constant 50048 : i32
      %ge3A_711 = vector.broadcast %ge3A_710 : i32 to vector<16xi32>
      %ge3A_712 = arith.cmpi sge, %get3A_705, %ge3A_711 : vector<16xi32>
      %sub3A_713 = arith.constant 50048 : i32
      %sub3A_714 = vector.broadcast %sub3A_713 : i32 to vector<16xi32>
      %sub3A_715 = arith.subi %get3A_705, %sub3A_714 : vector<16xi32>
      %gather3A_716 = tpu.vector_load_idx %arg7[%sub3A_715] masked %ge3A_712 : memref<49952xf32, #tpu.memory_space<vmem>>[vector<16xi32>], vector<16xf32>, vector<16xi1>
      %sub3A_717 = arith.subf %get3A_709, %gather3A_716 : vector<16xf32>
      %mul3A_718 = arith.mulf %sub3A_717, %sub3A_717 : vector<16xf32>
      %jit3A_719 = arith.constant 0.000000e+00 : f32
      %broadcast_in_dim3A_720 = vector.broadcast %jit3A_719 : f32 to vector<16xf32>
      %select_n3A_721 = arith.select %ge3A_712, %mul3A_718, %broadcast_in_dim3A_720 : vector<16xi1>, vector<16xf32>
      %add3A_722 = arith.addf %scan3A_646, %select_n3A_721 : vector<16xf32>
      %mul3A_723 = arith.constant 4 : i32
      %mul3A_724 = arith.muli %scan3A_643, %mul3A_723 : i32
      %add3A_725 = arith.constant 3 : i32
      %add3A_726 = arith.addi %mul3A_724, %add3A_725 : i32
      %mul3A_727 = arith.constant 16 : i32
      %mul3A_728 = arith.muli %add3A_726, %mul3A_727 : i32
      %add3A_729 = arith.constant 0 : i32
      %add3A_730 = arith.addi %add3A_729, %mul3A_728 : i32
      %get3A_731 = arith.index_cast %add3A_730 : i32 to index
      %get3A_732 = tpu.vector_load %arg8[%get3A_731] {strides = array<i32>} : memref<16384xi32, #tpu.memory_space<vmem>>, vector<16xi32>,
      %get3A_733 = arith.constant 0 : i32
      %get3A_734 = arith.index_cast %get3A_733 : i32 to index
      %get3A_735 = arith.index_cast %mul3A_728 : i32 to index
      %get3A_736 = tpu.vector_load %arg9[%get3A_734, %get3A_735] {strides = array<i32>} : memref<2x4096xf32, #tpu.memory_space<vmem>>, vector<16xf32>,
      %ge3A_737 = arith.constant 50048 : i32
      %ge3A_738 = vector.broadcast %ge3A_737 : i32 to vector<16xi32>
      %ge3A_739 = arith.cmpi sge, %get3A_732, %ge3A_738 : vector<16xi32>
      %sub3A_740 = arith.constant 50048 : i32
      %sub3A_741 = vector.broadcast %sub3A_740 : i32 to vector<16xi32>
      %sub3A_742 = arith.subi %get3A_732, %sub3A_741 : vector<16xi32>
      %gather3A_743 = tpu.vector_load_idx %arg7[%sub3A_742] masked %ge3A_739 : memref<49952xf32, #tpu.memory_space<vmem>>[vector<16xi32>], vector<16xf32>, vector<16xi1>
      %sub3A_744 = arith.subf %get3A_736, %gather3A_743 : vector<16xf32>
      %mul3A_745 = arith.mulf %sub3A_744, %sub3A_744 : vector<16xf32>
      %jit3A_746 = arith.constant 0.000000e+00 : f32
      %broadcast_in_dim3A_747 = vector.broadcast %jit3A_746 : f32 to vector<16xf32>
      %select_n3A_748 = arith.select %ge3A_739, %mul3A_745, %broadcast_in_dim3A_747 : vector<16xi1>, vector<16xf32>
      %add3A_749 = arith.addf %scan3A_647, %select_n3A_748 : vector<16xf32>
      scf.yield %add3A_668, %add3A_695, %add3A_722, %add3A_749 : vector<16xf32>, vector<16xf32>, vector<16xf32>, vector<16xf32>
    }
    %scan3A_547 = arith.constant 64 : i32
    %mul3A_548 = arith.constant 2 : i32
    %mul3A_549 = arith.muli %add3A, %mul3A_548 : i32
    %add3A_550 = arith.constant 1 : i32
    %add3A_551 = arith.addi %mul3A_549, %add3A_550 : i32
    %dma_start3A_552 = arith.constant 0 : i32
    %dma_start3A_553 = arith.constant 0 : i32
    %dma_start3A_554 = tpu.memref_slice %arg9[%dma_start3A_552, %dma_start3A_553] : memref<2x4096xf32, #tpu.memory_space<vmem>> -> memref<1x4096xf32, #tpu.memory_space<vmem>>
    %dma_start3A_555 = tpu.memref_squeeze %dma_start3A_554 : memref<1x4096xf32, #tpu.memory_space<vmem>> -> memref<4096xf32, #tpu.memory_space<vmem>>
    %dma_start3A_556 = arith.constant 8192 : i32
    %dma_start3A_557 = tpu.memref_slice %arg2[%add3A_551, %dma_start3A_556] : memref<64x16384xf32, #tpu.memory_space<hbm>> -> memref<1x4096xf32, #tpu.memory_space<hbm>>
    %dma_start3A_558 = tpu.memref_squeeze %dma_start3A_557 : memref<1x4096xf32, #tpu.memory_space<hbm>> -> memref<4096xf32, #tpu.memory_space<hbm>>
    %dma_start3A_559 = arith.constant 0 : i32
    %dma_start3A_560 = tpu.memref_slice %arg9[%dma_start3A_552, %dma_start3A_559] : memref<2x4096xf32, #tpu.memory_space<vmem>> -> memref<1x4096xf32, #tpu.memory_space<vmem>>
    %dma_start3A_561 = tpu.memref_squeeze %dma_start3A_560 : memref<1x4096xf32, #tpu.memory_space<vmem>> -> memref<4096xf32, #tpu.memory_space<vmem>>
    %dma_start3A_562 = arith.constant 8192 : i32
    %dma_start3A_563 = tpu.memref_slice %arg2[%add3A_551, %dma_start3A_562] : memref<64x16384xf32, #tpu.memory_space<hbm>> -> memref<1x4096xf32, #tpu.memory_space<hbm>>
    %dma_start3A_564 = tpu.memref_squeeze %dma_start3A_563 : memref<1x4096xf32, #tpu.memory_space<hbm>> -> memref<4096xf32, #tpu.memory_space<hbm>>
    tpu.enqueue_dma source(%dma_start3A_564 : memref<4096xf32, #tpu.memory_space<hbm>>) target(%dma_start3A_561 : memref<4096xf32, #tpu.memory_space<vmem>>) target_semaphore(%arg14 : memref<!tpu.dma_semaphore, #tpu.memory_space<semaphore_mem>>)
    %dma_wait3A_565 = arith.constant 1 : i32
    %dma_wait3A_566 = arith.constant 0 : i32
    %dma_wait3A_567 = tpu.memref_slice %arg9[%dma_wait3A_565, %dma_wait3A_566] : memref<2x4096xf32, #tpu.memory_space<vmem>> -> memref<1x4096xf32, #tpu.memory_space<vmem>>
    %dma_wait3A_568 = tpu.memref_squeeze %dma_wait3A_567 : memref<1x4096xf32, #tpu.memory_space<vmem>> -> memref<4096xf32, #tpu.memory_space<vmem>>
    %dma_wait3A_569 = arith.constant 4096 : i32
    %dma_wait3A_570 = tpu.memref_slice %arg2[%add3A_509, %dma_wait3A_569] : memref<64x16384xf32, #tpu.memory_space<hbm>> -> memref<1x4096xf32, #tpu.memory_space<hbm>>
    %dma_wait3A_571 = tpu.memref_squeeze %dma_wait3A_570 : memref<1x4096xf32, #tpu.memory_space<hbm>> -> memref<4096xf32, #tpu.memory_space<hbm>>
    %dma_wait3A_572 = arith.constant 0 : i32
    %dma_wait3A_573 = tpu.memref_slice %arg9[%dma_wait3A_565, %dma_wait3A_572] : memref<2x4096xf32, #tpu.memory_space<vmem>> -> memref<1x4096xf32, #tpu.memory_space<vmem>>
    %dma_wait3A_574 = tpu.memref_squeeze %dma_wait3A_573 : memref<1x4096xf32, #tpu.memory_space<vmem>> -> memref<4096xf32, #tpu.memory_space<vmem>>
    %dma_wait3A_575 = arith.constant 4096 : i32
    %dma_wait3A_576 = tpu.memref_slice %arg2[%add3A_509, %dma_wait3A_575] : memref<64x16384xf32, #tpu.memory_space<hbm>> -> memref<1x4096xf32, #tpu.memory_space<hbm>>
    %dma_wait3A_577 = tpu.memref_squeeze %dma_wait3A_576 : memref<1x4096xf32, #tpu.memory_space<hbm>> -> memref<4096xf32, #tpu.memory_space<hbm>>
    tpu.wait_dma2 semaphore(%arg15 : memref<!tpu.dma_semaphore, #tpu.memory_space<semaphore_mem>>) src(%dma_wait3A_577 : memref<4096xf32, #tpu.memory_space<hbm>>) dst(%dma_wait3A_574 : memref<4096xf32, #tpu.memory_space<vmem>>)
    %scan3A_578 = arith.constant 0 : i32
    %scan3A_579 = arith.constant 64 : i32
    %scan3A_580 = arith.addi %scan3A_578, %scan3A_579 : i32
    %scan3A_581 = arith.constant 1 : i32
    %scan3A_582:4 = scf.for %scan3A_643 = %scan3A_578 to %scan3A_580 step %scan3A_581 iter_args(%scan3A_644 = %scan3A_546#0, %scan3A_645 = %scan3A_546#1, %scan3A_646 = %scan3A_546#2, %scan3A_647 = %scan3A_546#3) -> (vector<16xf32>, vector<16xf32>, vector<16xf32>, vector<16xf32>)  : i32 {
      %mul3A_648 = arith.constant 4 : i32
      %mul3A_649 = arith.muli %scan3A_643, %mul3A_648 : i32
      %add3A_650 = arith.constant 0 : i32
      %add3A_651 = arith.addi %mul3A_649, %add3A_650 : i32
      %mul3A_652 = arith.constant 16 : i32
      %mul3A_653 = arith.muli %add3A_651, %mul3A_652 : i32
      %add3A_654 = arith.constant 4096 : i32
      %add3A_655 = arith.addi %add3A_654, %mul3A_653 : i32
      %get3A = arith.index_cast %add3A_655 : i32 to index
      %get3A_656 = tpu.vector_load %arg8[%get3A] {strides = array<i32>} : memref<16384xi32, #tpu.memory_space<vmem>>, vector<16xi32>,
      %get3A_657 = arith.constant 1 : i32
      %get3A_658 = arith.index_cast %get3A_657 : i32 to index
      %get3A_659 = arith.index_cast %mul3A_653 : i32 to index
      %get3A_660 = tpu.vector_load %arg9[%get3A_658, %get3A_659] {strides = array<i32>} : memref<2x4096xf32, #tpu.memory_space<vmem>>, vector<16xf32>,
      %ge3A = arith.constant 50048 : i32
      %ge3A_661 = vector.broadcast %ge3A : i32 to vector<16xi32>
      %ge3A_662 = arith.cmpi sge, %get3A_656, %ge3A_661 : vector<16xi32>
      %sub3A = arith.constant 50048 : i32
      %sub3A_663 = vector.broadcast %sub3A : i32 to vector<16xi32>
      %sub3A_664 = arith.subi %get3A_656, %sub3A_663 : vector<16xi32>
      %gather3A = tpu.vector_load_idx %arg7[%sub3A_664] masked %ge3A_662 : memref<49952xf32, #tpu.memory_space<vmem>>[vector<16xi32>], vector<16xf32>, vector<16xi1>
      %sub3A_665 = arith.subf %get3A_660, %gather3A : vector<16xf32>
      %mul3A_666 = arith.mulf %sub3A_665, %sub3A_665 : vector<16xf32>
      %jit3A = arith.constant 0.000000e+00 : f32
      %broadcast_in_dim3A_667 = vector.broadcast %jit3A : f32 to vector<16xf32>
      %select_n3A = arith.select %ge3A_662, %mul3A_666, %broadcast_in_dim3A_667 : vector<16xi1>, vector<16xf32>
      %add3A_668 = arith.addf %scan3A_644, %select_n3A : vector<16xf32>
      %mul3A_669 = arith.constant 4 : i32
      %mul3A_670 = arith.muli %scan3A_643, %mul3A_669 : i32
      %add3A_671 = arith.constant 1 : i32
      %add3A_672 = arith.addi %mul3A_670, %add3A_671 : i32
      %mul3A_673 = arith.constant 16 : i32
      %mul3A_674 = arith.muli %add3A_672, %mul3A_673 : i32
      %add3A_675 = arith.constant 4096 : i32
      %add3A_676 = arith.addi %add3A_675, %mul3A_674 : i32
      %get3A_677 = arith.index_cast %add3A_676 : i32 to index
      %get3A_678 = tpu.vector_load %arg8[%get3A_677] {strides = array<i32>} : memref<16384xi32, #tpu.memory_space<vmem>>, vector<16xi32>,
      %get3A_679 = arith.constant 1 : i32
      %get3A_680 = arith.index_cast %get3A_679 : i32 to index
      %get3A_681 = arith.index_cast %mul3A_674 : i32 to index
      %get3A_682 = tpu.vector_load %arg9[%get3A_680, %get3A_681] {strides = array<i32>} : memref<2x4096xf32, #tpu.memory_space<vmem>>, vector<16xf32>,
      %ge3A_683 = arith.constant 50048 : i32
      %ge3A_684 = vector.broadcast %ge3A_683 : i32 to vector<16xi32>
      %ge3A_685 = arith.cmpi sge, %get3A_678, %ge3A_684 : vector<16xi32>
      %sub3A_686 = arith.constant 50048 : i32
      %sub3A_687 = vector.broadcast %sub3A_686 : i32 to vector<16xi32>
      %sub3A_688 = arith.subi %get3A_678, %sub3A_687 : vector<16xi32>
      %gather3A_689 = tpu.vector_load_idx %arg7[%sub3A_688] masked %ge3A_685 : memref<49952xf32, #tpu.memory_space<vmem>>[vector<16xi32>], vector<16xf32>, vector<16xi1>
      %sub3A_690 = arith.subf %get3A_682, %gather3A_689 : vector<16xf32>
      %mul3A_691 = arith.mulf %sub3A_690, %sub3A_690 : vector<16xf32>
      %jit3A_692 = arith.constant 0.000000e+00 : f32
      %broadcast_in_dim3A_693 = vector.broadcast %jit3A_692 : f32 to vector<16xf32>
      %select_n3A_694 = arith.select %ge3A_685, %mul3A_691, %broadcast_in_dim3A_693 : vector<16xi1>, vector<16xf32>
      %add3A_695 = arith.addf %scan3A_645, %select_n3A_694 : vector<16xf32>
      %mul3A_696 = arith.constant 4 : i32
      %mul3A_697 = arith.muli %scan3A_643, %mul3A_696 : i32
      %add3A_698 = arith.constant 2 : i32
      %add3A_699 = arith.addi %mul3A_697, %add3A_698 : i32
      %mul3A_700 = arith.constant 16 : i32
      %mul3A_701 = arith.muli %add3A_699, %mul3A_700 : i32
      %add3A_702 = arith.constant 4096 : i32
      %add3A_703 = arith.addi %add3A_702, %mul3A_701 : i32
      %get3A_704 = arith.index_cast %add3A_703 : i32 to index
      %get3A_705 = tpu.vector_load %arg8[%get3A_704] {strides = array<i32>} : memref<16384xi32, #tpu.memory_space<vmem>>, vector<16xi32>,
      %get3A_706 = arith.constant 1 : i32
      %get3A_707 = arith.index_cast %get3A_706 : i32 to index
      %get3A_708 = arith.index_cast %mul3A_701 : i32 to index
      %get3A_709 = tpu.vector_load %arg9[%get3A_707, %get3A_708] {strides = array<i32>} : memref<2x4096xf32, #tpu.memory_space<vmem>>, vector<16xf32>,
      %ge3A_710 = arith.constant 50048 : i32
      %ge3A_711 = vector.broadcast %ge3A_710 : i32 to vector<16xi32>
      %ge3A_712 = arith.cmpi sge, %get3A_705, %ge3A_711 : vector<16xi32>
      %sub3A_713 = arith.constant 50048 : i32
      %sub3A_714 = vector.broadcast %sub3A_713 : i32 to vector<16xi32>
      %sub3A_715 = arith.subi %get3A_705, %sub3A_714 : vector<16xi32>
      %gather3A_716 = tpu.vector_load_idx %arg7[%sub3A_715] masked %ge3A_712 : memref<49952xf32, #tpu.memory_space<vmem>>[vector<16xi32>], vector<16xf32>, vector<16xi1>
      %sub3A_717 = arith.subf %get3A_709, %gather3A_716 : vector<16xf32>
      %mul3A_718 = arith.mulf %sub3A_717, %sub3A_717 : vector<16xf32>
      %jit3A_719 = arith.constant 0.000000e+00 : f32
      %broadcast_in_dim3A_720 = vector.broadcast %jit3A_719 : f32 to vector<16xf32>
      %select_n3A_721 = arith.select %ge3A_712, %mul3A_718, %broadcast_in_dim3A_720 : vector<16xi1>, vector<16xf32>
      %add3A_722 = arith.addf %scan3A_646, %select_n3A_721 : vector<16xf32>
      %mul3A_723 = arith.constant 4 : i32
      %mul3A_724 = arith.muli %scan3A_643, %mul3A_723 : i32
      %add3A_725 = arith.constant 3 : i32
      %add3A_726 = arith.addi %mul3A_724, %add3A_725 : i32
      %mul3A_727 = arith.constant 16 : i32
      %mul3A_728 = arith.muli %add3A_726, %mul3A_727 : i32
      %add3A_729 = arith.constant 4096 : i32
      %add3A_730 = arith.addi %add3A_729, %mul3A_728 : i32
      %get3A_731 = arith.index_cast %add3A_730 : i32 to index
      %get3A_732 = tpu.vector_load %arg8[%get3A_731] {strides = array<i32>} : memref<16384xi32, #tpu.memory_space<vmem>>, vector<16xi32>,
      %get3A_733 = arith.constant 1 : i32
      %get3A_734 = arith.index_cast %get3A_733 : i32 to index
      %get3A_735 = arith.index_cast %mul3A_728 : i32 to index
      %get3A_736 = tpu.vector_load %arg9[%get3A_734, %get3A_735] {strides = array<i32>} : memref<2x4096xf32, #tpu.memory_space<vmem>>, vector<16xf32>,
      %ge3A_737 = arith.constant 50048 : i32
      %ge3A_738 = vector.broadcast %ge3A_737 : i32 to vector<16xi32>
      %ge3A_739 = arith.cmpi sge, %get3A_732, %ge3A_738 : vector<16xi32>
      %sub3A_740 = arith.constant 50048 : i32
      %sub3A_741 = vector.broadcast %sub3A_740 : i32 to vector<16xi32>
      %sub3A_742 = arith.subi %get3A_732, %sub3A_741 : vector<16xi32>
      %gather3A_743 = tpu.vector_load_idx %arg7[%sub3A_742] masked %ge3A_739 : memref<49952xf32, #tpu.memory_space<vmem>>[vector<16xi32>], vector<16xf32>, vector<16xi1>
      %sub3A_744 = arith.subf %get3A_736, %gather3A_743 : vector<16xf32>
      %mul3A_745 = arith.mulf %sub3A_744, %sub3A_744 : vector<16xf32>
      %jit3A_746 = arith.constant 0.000000e+00 : f32
      %broadcast_in_dim3A_747 = vector.broadcast %jit3A_746 : f32 to vector<16xf32>
      %select_n3A_748 = arith.select %ge3A_739, %mul3A_745, %broadcast_in_dim3A_747 : vector<16xi1>, vector<16xf32>
      %add3A_749 = arith.addf %scan3A_647, %select_n3A_748 : vector<16xf32>
      scf.yield %add3A_668, %add3A_695, %add3A_722, %add3A_749 : vector<16xf32>, vector<16xf32>, vector<16xf32>, vector<16xf32>
    }
    %scan3A_583 = arith.constant 64 : i32
    %mul3A_584 = arith.constant 2 : i32
    %mul3A_585 = arith.muli %add3A, %mul3A_584 : i32
    %add3A_586 = arith.constant 1 : i32
    %add3A_587 = arith.addi %mul3A_585, %add3A_586 : i32
    %dma_start3A_588 = arith.constant 1 : i32
    %dma_start3A_589 = arith.constant 0 : i32
    %dma_start3A_590 = tpu.memref_slice %arg9[%dma_start3A_588, %dma_start3A_589] : memref<2x4096xf32, #tpu.memory_space<vmem>> -> memref<1x4096xf32, #tpu.memory_space<vmem>>
    %dma_start3A_591 = tpu.memref_squeeze %dma_start3A_590 : memref<1x4096xf32, #tpu.memory_space<vmem>> -> memref<4096xf32, #tpu.memory_space<vmem>>
    %dma_start3A_592 = arith.constant 12288 : i32
    %dma_start3A_593 = tpu.memref_slice %arg2[%add3A_587, %dma_start3A_592] : memref<64x16384xf32, #tpu.memory_space<hbm>> -> memref<1x4096xf32, #tpu.memory_space<hbm>>
    %dma_start3A_594 = tpu.memref_squeeze %dma_start3A_593 : memref<1x4096xf32, #tpu.memory_space<hbm>> -> memref<4096xf32, #tpu.memory_space<hbm>>
    %dma_start3A_595 = arith.constant 0 : i32
    %dma_start3A_596 = tpu.memref_slice %arg9[%dma_start3A_588, %dma_start3A_595] : memref<2x4096xf32, #tpu.memory_space<vmem>> -> memref<1x4096xf32, #tpu.memory_space<vmem>>
    %dma_start3A_597 = tpu.memref_squeeze %dma_start3A_596 : memref<1x4096xf32, #tpu.memory_space<vmem>> -> memref<4096xf32, #tpu.memory_space<vmem>>
    %dma_start3A_598 = arith.constant 12288 : i32
    %dma_start3A_599 = tpu.memref_slice %arg2[%add3A_587, %dma_start3A_598] : memref<64x16384xf32, #tpu.memory_space<hbm>> -> memref<1x4096xf32, #tpu.memory_space<hbm>>
    %dma_start3A_600 = tpu.memref_squeeze %dma_start3A_599 : memref<1x4096xf32, #tpu.memory_space<hbm>> -> memref<4096xf32, #tpu.memory_space<hbm>>
    tpu.enqueue_dma source(%dma_start3A_600 : memref<4096xf32, #tpu.memory_space<hbm>>) target(%dma_start3A_597 : memref<4096xf32, #tpu.memory_space<vmem>>) target_semaphore(%arg15 : memref<!tpu.dma_semaphore, #tpu.memory_space<semaphore_mem>>)
    %dma_wait3A_601 = arith.constant 0 : i32
    %dma_wait3A_602 = arith.constant 0 : i32
    %dma_wait3A_603 = tpu.memref_slice %arg9[%dma_wait3A_601, %dma_wait3A_602] : memref<2x4096xf32, #tpu.memory_space<vmem>> -> memref<1x4096xf32, #tpu.memory_space<vmem>>
    %dma_wait3A_604 = tpu.memref_squeeze %dma_wait3A_603 : memref<1x4096xf32, #tpu.memory_space<vmem>> -> memref<4096xf32, #tpu.memory_space<vmem>>
    %dma_wait3A_605 = arith.constant 8192 : i32
    %dma_wait3A_606 = tpu.memref_slice %arg2[%add3A_551, %dma_wait3A_605] : memref<64x16384xf32, #tpu.memory_space<hbm>> -> memref<1x4096xf32, #tpu.memory_space<hbm>>
    %dma_wait3A_607 = tpu.memref_squeeze %dma_wait3A_606 : memref<1x4096xf32, #tpu.memory_space<hbm>> -> memref<4096xf32, #tpu.memory_space<hbm>>
    %dma_wait3A_608 = arith.constant 0 : i32
    %dma_wait3A_609 = tpu.memref_slice %arg9[%dma_wait3A_601, %dma_wait3A_608] : memref<2x4096xf32, #tpu.memory_space<vmem>> -> memref<1x4096xf32, #tpu.memory_space<vmem>>
    %dma_wait3A_610 = tpu.memref_squeeze %dma_wait3A_609 : memref<1x4096xf32, #tpu.memory_space<vmem>> -> memref<4096xf32, #tpu.memory_space<vmem>>
    %dma_wait3A_611 = arith.constant 8192 : i32
    %dma_wait3A_612 = tpu.memref_slice %arg2[%add3A_551, %dma_wait3A_611] : memref<64x16384xf32, #tpu.memory_space<hbm>> -> memref<1x4096xf32, #tpu.memory_space<hbm>>
    %dma_wait3A_613 = tpu.memref_squeeze %dma_wait3A_612 : memref<1x4096xf32, #tpu.memory_space<hbm>> -> memref<4096xf32, #tpu.memory_space<hbm>>
    tpu.wait_dma2 semaphore(%arg14 : memref<!tpu.dma_semaphore, #tpu.memory_space<semaphore_mem>>) src(%dma_wait3A_613 : memref<4096xf32, #tpu.memory_space<hbm>>) dst(%dma_wait3A_610 : memref<4096xf32, #tpu.memory_space<vmem>>)
    %scan3A_614 = arith.constant 0 : i32
    %scan3A_615 = arith.constant 64 : i32
    %scan3A_616 = arith.addi %scan3A_614, %scan3A_615 : i32
    %scan3A_617 = arith.constant 1 : i32
    %scan3A_618:4 = scf.for %scan3A_643 = %scan3A_614 to %scan3A_616 step %scan3A_617 iter_args(%scan3A_644 = %scan3A_582#0, %scan3A_645 = %scan3A_582#1, %scan3A_646 = %scan3A_582#2, %scan3A_647 = %scan3A_582#3) -> (vector<16xf32>, vector<16xf32>, vector<16xf32>, vector<16xf32>)  : i32 {
      %mul3A_648 = arith.constant 4 : i32
      %mul3A_649 = arith.muli %scan3A_643, %mul3A_648 : i32
      %add3A_650 = arith.constant 0 : i32
      %add3A_651 = arith.addi %mul3A_649, %add3A_650 : i32
      %mul3A_652 = arith.constant 16 : i32
      %mul3A_653 = arith.muli %add3A_651, %mul3A_652 : i32
      %add3A_654 = arith.constant 8192 : i32
      %add3A_655 = arith.addi %add3A_654, %mul3A_653 : i32
      %get3A = arith.index_cast %add3A_655 : i32 to index
      %get3A_656 = tpu.vector_load %arg8[%get3A] {strides = array<i32>} : memref<16384xi32, #tpu.memory_space<vmem>>, vector<16xi32>,
      %get3A_657 = arith.constant 0 : i32
      %get3A_658 = arith.index_cast %get3A_657 : i32 to index
      %get3A_659 = arith.index_cast %mul3A_653 : i32 to index
      %get3A_660 = tpu.vector_load %arg9[%get3A_658, %get3A_659] {strides = array<i32>} : memref<2x4096xf32, #tpu.memory_space<vmem>>, vector<16xf32>,
      %ge3A = arith.constant 50048 : i32
      %ge3A_661 = vector.broadcast %ge3A : i32 to vector<16xi32>
      %ge3A_662 = arith.cmpi sge, %get3A_656, %ge3A_661 : vector<16xi32>
      %sub3A = arith.constant 50048 : i32
      %sub3A_663 = vector.broadcast %sub3A : i32 to vector<16xi32>
      %sub3A_664 = arith.subi %get3A_656, %sub3A_663 : vector<16xi32>
      %gather3A = tpu.vector_load_idx %arg7[%sub3A_664] masked %ge3A_662 : memref<49952xf32, #tpu.memory_space<vmem>>[vector<16xi32>], vector<16xf32>, vector<16xi1>
      %sub3A_665 = arith.subf %get3A_660, %gather3A : vector<16xf32>
      %mul3A_666 = arith.mulf %sub3A_665, %sub3A_665 : vector<16xf32>
      %jit3A = arith.constant 0.000000e+00 : f32
      %broadcast_in_dim3A_667 = vector.broadcast %jit3A : f32 to vector<16xf32>
      %select_n3A = arith.select %ge3A_662, %mul3A_666, %broadcast_in_dim3A_667 : vector<16xi1>, vector<16xf32>
      %add3A_668 = arith.addf %scan3A_644, %select_n3A : vector<16xf32>
      %mul3A_669 = arith.constant 4 : i32
      %mul3A_670 = arith.muli %scan3A_643, %mul3A_669 : i32
      %add3A_671 = arith.constant 1 : i32
      %add3A_672 = arith.addi %mul3A_670, %add3A_671 : i32
      %mul3A_673 = arith.constant 16 : i32
      %mul3A_674 = arith.muli %add3A_672, %mul3A_673 : i32
      %add3A_675 = arith.constant 8192 : i32
      %add3A_676 = arith.addi %add3A_675, %mul3A_674 : i32
      %get3A_677 = arith.index_cast %add3A_676 : i32 to index
      %get3A_678 = tpu.vector_load %arg8[%get3A_677] {strides = array<i32>} : memref<16384xi32, #tpu.memory_space<vmem>>, vector<16xi32>,
      %get3A_679 = arith.constant 0 : i32
      %get3A_680 = arith.index_cast %get3A_679 : i32 to index
      %get3A_681 = arith.index_cast %mul3A_674 : i32 to index
      %get3A_682 = tpu.vector_load %arg9[%get3A_680, %get3A_681] {strides = array<i32>} : memref<2x4096xf32, #tpu.memory_space<vmem>>, vector<16xf32>,
      %ge3A_683 = arith.constant 50048 : i32
      %ge3A_684 = vector.broadcast %ge3A_683 : i32 to vector<16xi32>
      %ge3A_685 = arith.cmpi sge, %get3A_678, %ge3A_684 : vector<16xi32>
      %sub3A_686 = arith.constant 50048 : i32
      %sub3A_687 = vector.broadcast %sub3A_686 : i32 to vector<16xi32>
      %sub3A_688 = arith.subi %get3A_678, %sub3A_687 : vector<16xi32>
      %gather3A_689 = tpu.vector_load_idx %arg7[%sub3A_688] masked %ge3A_685 : memref<49952xf32, #tpu.memory_space<vmem>>[vector<16xi32>], vector<16xf32>, vector<16xi1>
      %sub3A_690 = arith.subf %get3A_682, %gather3A_689 : vector<16xf32>
      %mul3A_691 = arith.mulf %sub3A_690, %sub3A_690 : vector<16xf32>
      %jit3A_692 = arith.constant 0.000000e+00 : f32
      %broadcast_in_dim3A_693 = vector.broadcast %jit3A_692 : f32 to vector<16xf32>
      %select_n3A_694 = arith.select %ge3A_685, %mul3A_691, %broadcast_in_dim3A_693 : vector<16xi1>, vector<16xf32>
      %add3A_695 = arith.addf %scan3A_645, %select_n3A_694 : vector<16xf32>
      %mul3A_696 = arith.constant 4 : i32
      %mul3A_697 = arith.muli %scan3A_643, %mul3A_696 : i32
      %add3A_698 = arith.constant 2 : i32
      %add3A_699 = arith.addi %mul3A_697, %add3A_698 : i32
      %mul3A_700 = arith.constant 16 : i32
      %mul3A_701 = arith.muli %add3A_699, %mul3A_700 : i32
      %add3A_702 = arith.constant 8192 : i32
      %add3A_703 = arith.addi %add3A_702, %mul3A_701 : i32
      %get3A_704 = arith.index_cast %add3A_703 : i32 to index
      %get3A_705 = tpu.vector_load %arg8[%get3A_704] {strides = array<i32>} : memref<16384xi32, #tpu.memory_space<vmem>>, vector<16xi32>,
      %get3A_706 = arith.constant 0 : i32
      %get3A_707 = arith.index_cast %get3A_706 : i32 to index
      %get3A_708 = arith.index_cast %mul3A_701 : i32 to index
      %get3A_709 = tpu.vector_load %arg9[%get3A_707, %get3A_708] {strides = array<i32>} : memref<2x4096xf32, #tpu.memory_space<vmem>>, vector<16xf32>,
      %ge3A_710 = arith.constant 50048 : i32
      %ge3A_711 = vector.broadcast %ge3A_710 : i32 to vector<16xi32>
      %ge3A_712 = arith.cmpi sge, %get3A_705, %ge3A_711 : vector<16xi32>
      %sub3A_713 = arith.constant 50048 : i32
      %sub3A_714 = vector.broadcast %sub3A_713 : i32 to vector<16xi32>
      %sub3A_715 = arith.subi %get3A_705, %sub3A_714 : vector<16xi32>
      %gather3A_716 = tpu.vector_load_idx %arg7[%sub3A_715] masked %ge3A_712 : memref<49952xf32, #tpu.memory_space<vmem>>[vector<16xi32>], vector<16xf32>, vector<16xi1>
      %sub3A_717 = arith.subf %get3A_709, %gather3A_716 : vector<16xf32>
      %mul3A_718 = arith.mulf %sub3A_717, %sub3A_717 : vector<16xf32>
      %jit3A_719 = arith.constant 0.000000e+00 : f32
      %broadcast_in_dim3A_720 = vector.broadcast %jit3A_719 : f32 to vector<16xf32>
      %select_n3A_721 = arith.select %ge3A_712, %mul3A_718, %broadcast_in_dim3A_720 : vector<16xi1>, vector<16xf32>
      %add3A_722 = arith.addf %scan3A_646, %select_n3A_721 : vector<16xf32>
      %mul3A_723 = arith.constant 4 : i32
      %mul3A_724 = arith.muli %scan3A_643, %mul3A_723 : i32
      %add3A_725 = arith.constant 3 : i32
      %add3A_726 = arith.addi %mul3A_724, %add3A_725 : i32
      %mul3A_727 = arith.constant 16 : i32
      %mul3A_728 = arith.muli %add3A_726, %mul3A_727 : i32
      %add3A_729 = arith.constant 8192 : i32
      %add3A_730 = arith.addi %add3A_729, %mul3A_728 : i32
      %get3A_731 = arith.index_cast %add3A_730 : i32 to index
      %get3A_732 = tpu.vector_load %arg8[%get3A_731] {strides = array<i32>} : memref<16384xi32, #tpu.memory_space<vmem>>, vector<16xi32>,
      %get3A_733 = arith.constant 0 : i32
      %get3A_734 = arith.index_cast %get3A_733 : i32 to index
      %get3A_735 = arith.index_cast %mul3A_728 : i32 to index
      %get3A_736 = tpu.vector_load %arg9[%get3A_734, %get3A_735] {strides = array<i32>} : memref<2x4096xf32, #tpu.memory_space<vmem>>, vector<16xf32>,
      %ge3A_737 = arith.constant 50048 : i32
      %ge3A_738 = vector.broadcast %ge3A_737 : i32 to vector<16xi32>
      %ge3A_739 = arith.cmpi sge, %get3A_732, %ge3A_738 : vector<16xi32>
      %sub3A_740 = arith.constant 50048 : i32
      %sub3A_741 = vector.broadcast %sub3A_740 : i32 to vector<16xi32>
      %sub3A_742 = arith.subi %get3A_732, %sub3A_741 : vector<16xi32>
      %gather3A_743 = tpu.vector_load_idx %arg7[%sub3A_742] masked %ge3A_739 : memref<49952xf32, #tpu.memory_space<vmem>>[vector<16xi32>], vector<16xf32>, vector<16xi1>
      %sub3A_744 = arith.subf %get3A_736, %gather3A_743 : vector<16xf32>
      %mul3A_745 = arith.mulf %sub3A_744, %sub3A_744 : vector<16xf32>
      %jit3A_746 = arith.constant 0.000000e+00 : f32
      %broadcast_in_dim3A_747 = vector.broadcast %jit3A_746 : f32 to vector<16xf32>
      %select_n3A_748 = arith.select %ge3A_739, %mul3A_745, %broadcast_in_dim3A_747 : vector<16xi1>, vector<16xf32>
      %add3A_749 = arith.addf %scan3A_647, %select_n3A_748 : vector<16xf32>
      scf.yield %add3A_668, %add3A_695, %add3A_722, %add3A_749 : vector<16xf32>, vector<16xf32>, vector<16xf32>, vector<16xf32>
    }
    %scan3A_619 = arith.constant 64 : i32
    %dma_wait3A_620 = arith.constant 1 : i32
    %dma_wait3A_621 = arith.constant 0 : i32
    %dma_wait3A_622 = tpu.memref_slice %arg9[%dma_wait3A_620, %dma_wait3A_621] : memref<2x4096xf32, #tpu.memory_space<vmem>> -> memref<1x4096xf32, #tpu.memory_space<vmem>>
    %dma_wait3A_623 = tpu.memref_squeeze %dma_wait3A_622 : memref<1x4096xf32, #tpu.memory_space<vmem>> -> memref<4096xf32, #tpu.memory_space<vmem>>
    %dma_wait3A_624 = arith.constant 12288 : i32
    %dma_wait3A_625 = tpu.memref_slice %arg2[%add3A_587, %dma_wait3A_624] : memref<64x16384xf32, #tpu.memory_space<hbm>> -> memref<1x4096xf32, #tpu.memory_space<hbm>>
    %dma_wait3A_626 = tpu.memref_squeeze %dma_wait3A_625 : memref<1x4096xf32, #tpu.memory_space<hbm>> -> memref<4096xf32, #tpu.memory_space<hbm>>
    %dma_wait3A_627 = arith.constant 0 : i32
    %dma_wait3A_628 = tpu.memref_slice %arg9[%dma_wait3A_620, %dma_wait3A_627] : memref<2x4096xf32, #tpu.memory_space<vmem>> -> memref<1x4096xf32, #tpu.memory_space<vmem>>
    %dma_wait3A_629 = tpu.memref_squeeze %dma_wait3A_628 : memref<1x4096xf32, #tpu.memory_space<vmem>> -> memref<4096xf32, #tpu.memory_space<vmem>>
    %dma_wait3A_630 = arith.constant 12288 : i32
    %dma_wait3A_631 = tpu.memref_slice %arg2[%add3A_587, %dma_wait3A_630] : memref<64x16384xf32, #tpu.memory_space<hbm>> -> memref<1x4096xf32, #tpu.memory_space<hbm>>
    %dma_wait3A_632 = tpu.memref_squeeze %dma_wait3A_631 : memref<1x4096xf32, #tpu.memory_space<hbm>> -> memref<4096xf32, #tpu.memory_space<hbm>>
    tpu.wait_dma2 semaphore(%arg15 : memref<!tpu.dma_semaphore, #tpu.memory_space<semaphore_mem>>) src(%dma_wait3A_632 : memref<4096xf32, #tpu.memory_space<hbm>>) dst(%dma_wait3A_629 : memref<4096xf32, #tpu.memory_space<vmem>>)
    %scan3A_633 = arith.constant 0 : i32
    %scan3A_634 = arith.constant 64 : i32
    %scan3A_635 = arith.addi %scan3A_633, %scan3A_634 : i32
    %scan3A_636 = arith.constant 1 : i32
    %scan3A_637:4 = scf.for %scan3A_643 = %scan3A_633 to %scan3A_635 step %scan3A_636 iter_args(%scan3A_644 = %scan3A_618#0, %scan3A_645 = %scan3A_618#1, %scan3A_646 = %scan3A_618#2, %scan3A_647 = %scan3A_618#3) -> (vector<16xf32>, vector<16xf32>, vector<16xf32>, vector<16xf32>)  : i32 {
      %mul3A_648 = arith.constant 4 : i32
      %mul3A_649 = arith.muli %scan3A_643, %mul3A_648 : i32
      %add3A_650 = arith.constant 0 : i32
      %add3A_651 = arith.addi %mul3A_649, %add3A_650 : i32
      %mul3A_652 = arith.constant 16 : i32
      %mul3A_653 = arith.muli %add3A_651, %mul3A_652 : i32
      %add3A_654 = arith.constant 12288 : i32
      %add3A_655 = arith.addi %add3A_654, %mul3A_653 : i32
      %get3A = arith.index_cast %add3A_655 : i32 to index
      %get3A_656 = tpu.vector_load %arg8[%get3A] {strides = array<i32>} : memref<16384xi32, #tpu.memory_space<vmem>>, vector<16xi32>,
      %get3A_657 = arith.constant 1 : i32
      %get3A_658 = arith.index_cast %get3A_657 : i32 to index
      %get3A_659 = arith.index_cast %mul3A_653 : i32 to index
      %get3A_660 = tpu.vector_load %arg9[%get3A_658, %get3A_659] {strides = array<i32>} : memref<2x4096xf32, #tpu.memory_space<vmem>>, vector<16xf32>,
      %ge3A = arith.constant 50048 : i32
      %ge3A_661 = vector.broadcast %ge3A : i32 to vector<16xi32>
      %ge3A_662 = arith.cmpi sge, %get3A_656, %ge3A_661 : vector<16xi32>
      %sub3A = arith.constant 50048 : i32
      %sub3A_663 = vector.broadcast %sub3A : i32 to vector<16xi32>
      %sub3A_664 = arith.subi %get3A_656, %sub3A_663 : vector<16xi32>
      %gather3A = tpu.vector_load_idx %arg7[%sub3A_664] masked %ge3A_662 : memref<49952xf32, #tpu.memory_space<vmem>>[vector<16xi32>], vector<16xf32>, vector<16xi1>
      %sub3A_665 = arith.subf %get3A_660, %gather3A : vector<16xf32>
      %mul3A_666 = arith.mulf %sub3A_665, %sub3A_665 : vector<16xf32>
      %jit3A = arith.constant 0.000000e+00 : f32
      %broadcast_in_dim3A_667 = vector.broadcast %jit3A : f32 to vector<16xf32>
      %select_n3A = arith.select %ge3A_662, %mul3A_666, %broadcast_in_dim3A_667 : vector<16xi1>, vector<16xf32>
      %add3A_668 = arith.addf %scan3A_644, %select_n3A : vector<16xf32>
      %mul3A_669 = arith.constant 4 : i32
      %mul3A_670 = arith.muli %scan3A_643, %mul3A_669 : i32
      %add3A_671 = arith.constant 1 : i32
      %add3A_672 = arith.addi %mul3A_670, %add3A_671 : i32
      %mul3A_673 = arith.constant 16 : i32
      %mul3A_674 = arith.muli %add3A_672, %mul3A_673 : i32
      %add3A_675 = arith.constant 12288 : i32
      %add3A_676 = arith.addi %add3A_675, %mul3A_674 : i32
      %get3A_677 = arith.index_cast %add3A_676 : i32 to index
      %get3A_678 = tpu.vector_load %arg8[%get3A_677] {strides = array<i32>} : memref<16384xi32, #tpu.memory_space<vmem>>, vector<16xi32>,
      %get3A_679 = arith.constant 1 : i32
      %get3A_680 = arith.index_cast %get3A_679 : i32 to index
      %get3A_681 = arith.index_cast %mul3A_674 : i32 to index
      %get3A_682 = tpu.vector_load %arg9[%get3A_680, %get3A_681] {strides = array<i32>} : memref<2x4096xf32, #tpu.memory_space<vmem>>, vector<16xf32>,
      %ge3A_683 = arith.constant 50048 : i32
      %ge3A_684 = vector.broadcast %ge3A_683 : i32 to vector<16xi32>
      %ge3A_685 = arith.cmpi sge, %get3A_678, %ge3A_684 : vector<16xi32>
      %sub3A_686 = arith.constant 50048 : i32
      %sub3A_687 = vector.broadcast %sub3A_686 : i32 to vector<16xi32>
      %sub3A_688 = arith.subi %get3A_678, %sub3A_687 : vector<16xi32>
      %gather3A_689 = tpu.vector_load_idx %arg7[%sub3A_688] masked %ge3A_685 : memref<49952xf32, #tpu.memory_space<vmem>>[vector<16xi32>], vector<16xf32>, vector<16xi1>
      %sub3A_690 = arith.subf %get3A_682, %gather3A_689 : vector<16xf32>
      %mul3A_691 = arith.mulf %sub3A_690, %sub3A_690 : vector<16xf32>
      %jit3A_692 = arith.constant 0.000000e+00 : f32
      %broadcast_in_dim3A_693 = vector.broadcast %jit3A_692 : f32 to vector<16xf32>
      %select_n3A_694 = arith.select %ge3A_685, %mul3A_691, %broadcast_in_dim3A_693 : vector<16xi1>, vector<16xf32>
      %add3A_695 = arith.addf %scan3A_645, %select_n3A_694 : vector<16xf32>
      %mul3A_696 = arith.constant 4 : i32
      %mul3A_697 = arith.muli %scan3A_643, %mul3A_696 : i32
      %add3A_698 = arith.constant 2 : i32
      %add3A_699 = arith.addi %mul3A_697, %add3A_698 : i32
      %mul3A_700 = arith.constant 16 : i32
      %mul3A_701 = arith.muli %add3A_699, %mul3A_700 : i32
      %add3A_702 = arith.constant 12288 : i32
      %add3A_703 = arith.addi %add3A_702, %mul3A_701 : i32
      %get3A_704 = arith.index_cast %add3A_703 : i32 to index
      %get3A_705 = tpu.vector_load %arg8[%get3A_704] {strides = array<i32>} : memref<16384xi32, #tpu.memory_space<vmem>>, vector<16xi32>,
      %get3A_706 = arith.constant 1 : i32
      %get3A_707 = arith.index_cast %get3A_706 : i32 to index
      %get3A_708 = arith.index_cast %mul3A_701 : i32 to index
      %get3A_709 = tpu.vector_load %arg9[%get3A_707, %get3A_708] {strides = array<i32>} : memref<2x4096xf32, #tpu.memory_space<vmem>>, vector<16xf32>,
      %ge3A_710 = arith.constant 50048 : i32
      %ge3A_711 = vector.broadcast %ge3A_710 : i32 to vector<16xi32>
      %ge3A_712 = arith.cmpi sge, %get3A_705, %ge3A_711 : vector<16xi32>
      %sub3A_713 = arith.constant 50048 : i32
      %sub3A_714 = vector.broadcast %sub3A_713 : i32 to vector<16xi32>
      %sub3A_715 = arith.subi %get3A_705, %sub3A_714 : vector<16xi32>
      %gather3A_716 = tpu.vector_load_idx %arg7[%sub3A_715] masked %ge3A_712 : memref<49952xf32, #tpu.memory_space<vmem>>[vector<16xi32>], vector<16xf32>, vector<16xi1>
      %sub3A_717 = arith.subf %get3A_709, %gather3A_716 : vector<16xf32>
      %mul3A_718 = arith.mulf %sub3A_717, %sub3A_717 : vector<16xf32>
      %jit3A_719 = arith.constant 0.000000e+00 : f32
      %broadcast_in_dim3A_720 = vector.broadcast %jit3A_719 : f32 to vector<16xf32>
      %select_n3A_721 = arith.select %ge3A_712, %mul3A_718, %broadcast_in_dim3A_720 : vector<16xi1>, vector<16xf32>
      %add3A_722 = arith.addf %scan3A_646, %select_n3A_721 : vector<16xf32>
      %mul3A_723 = arith.constant 4 : i32
      %mul3A_724 = arith.muli %scan3A_643, %mul3A_723 : i32
      %add3A_725 = arith.constant 3 : i32
      %add3A_726 = arith.addi %mul3A_724, %add3A_725 : i32
      %mul3A_727 = arith.constant 16 : i32
      %mul3A_728 = arith.muli %add3A_726, %mul3A_727 : i32
      %add3A_729 = arith.constant 12288 : i32
      %add3A_730 = arith.addi %add3A_729, %mul3A_728 : i32
      %get3A_731 = arith.index_cast %add3A_730 : i32 to index
      %get3A_732 = tpu.vector_load %arg8[%get3A_731] {strides = array<i32>} : memref<16384xi32, #tpu.memory_space<vmem>>, vector<16xi32>,
      %get3A_733 = arith.constant 1 : i32
      %get3A_734 = arith.index_cast %get3A_733 : i32 to index
      %get3A_735 = arith.index_cast %mul3A_728 : i32 to index
      %get3A_736 = tpu.vector_load %arg9[%get3A_734, %get3A_735] {strides = array<i32>} : memref<2x4096xf32, #tpu.memory_space<vmem>>, vector<16xf32>,
      %ge3A_737 = arith.constant 50048 : i32
      %ge3A_738 = vector.broadcast %ge3A_737 : i32 to vector<16xi32>
      %ge3A_739 = arith.cmpi sge, %get3A_732, %ge3A_738 : vector<16xi32>
      %sub3A_740 = arith.constant 50048 : i32
      %sub3A_741 = vector.broadcast %sub3A_740 : i32 to vector<16xi32>
      %sub3A_742 = arith.subi %get3A_732, %sub3A_741 : vector<16xi32>
      %gather3A_743 = tpu.vector_load_idx %arg7[%sub3A_742] masked %ge3A_739 : memref<49952xf32, #tpu.memory_space<vmem>>[vector<16xi32>], vector<16xf32>, vector<16xi1>
      %sub3A_744 = arith.subf %get3A_736, %gather3A_743 : vector<16xf32>
      %mul3A_745 = arith.mulf %sub3A_744, %sub3A_744 : vector<16xf32>
      %jit3A_746 = arith.constant 0.000000e+00 : f32
      %broadcast_in_dim3A_747 = vector.broadcast %jit3A_746 : f32 to vector<16xf32>
      %select_n3A_748 = arith.select %ge3A_739, %mul3A_745, %broadcast_in_dim3A_747 : vector<16xi1>, vector<16xf32>
      %add3A_749 = arith.addf %scan3A_647, %select_n3A_748 : vector<16xf32>
      scf.yield %add3A_668, %add3A_695, %add3A_722, %add3A_749 : vector<16xf32>, vector<16xf32>, vector<16xf32>, vector<16xf32>
    }
    %scan3A_638 = arith.constant 64 : i32
    %add3A_639 = arith.addf %scan3A_637#0, %scan3A_637#1 : vector<16xf32>
    %add3A_640 = arith.addf %scan3A_637#2, %scan3A_637#3 : vector<16xf32>
    %add3A_641 = arith.addf %add3A_639, %add3A_640 : vector<16xf32>
    %swap3A = arith.constant 0 : index
    %swap3A_642 = tpu.vector_load %arg10[%swap3A] {strides = array<i32>} : memref<16xf32, #tpu.memory_space<vmem>>, vector<16xf32>,
    tpu.vector_store %arg10[%swap3A], %add3A_641 {strides = array<i32>} : memref<16xf32, #tpu.memory_space<vmem>>, vector<16xf32>,
    "tpu.region"() ({
      %run_scoped3A = tpu.sem_alloc : memref<!tpu.dma_semaphore, #tpu.memory_space<semaphore_mem>>
      %dma_start3A_643 = arith.constant 0 : i32
      %dma_start3A_644 = tpu.memref_slice %arg5[%add3A, %dma_start3A_643] : memref<32x16xf32, #tpu.memory_space<hbm>> -> memref<1x16xf32, #tpu.memory_space<hbm>>
      %dma_start3A_645 = tpu.memref_squeeze %dma_start3A_644 : memref<1x16xf32, #tpu.memory_space<hbm>> -> memref<16xf32, #tpu.memory_space<hbm>>
      %dma_start3A_646 = arith.constant 0 : i32
      %dma_start3A_647 = tpu.memref_slice %arg5[%add3A, %dma_start3A_646] : memref<32x16xf32, #tpu.memory_space<hbm>> -> memref<1x16xf32, #tpu.memory_space<hbm>>
      %dma_start3A_648 = tpu.memref_squeeze %dma_start3A_647 : memref<1x16xf32, #tpu.memory_space<hbm>> -> memref<16xf32, #tpu.memory_space<hbm>>
      tpu.enqueue_dma source(%arg10 : memref<16xf32, #tpu.memory_space<vmem>>) target(%dma_start3A_648 : memref<16xf32, #tpu.memory_space<hbm>>) target_semaphore(%run_scoped3A : memref<!tpu.dma_semaphore, #tpu.memory_space<semaphore_mem>>)
      %dma_wait3A_649 = arith.constant 0 : i32
      %dma_wait3A_650 = tpu.memref_slice %arg5[%add3A, %dma_wait3A_649] : memref<32x16xf32, #tpu.memory_space<hbm>> -> memref<1x16xf32, #tpu.memory_space<hbm>>
      %dma_wait3A_651 = tpu.memref_squeeze %dma_wait3A_650 : memref<1x16xf32, #tpu.memory_space<hbm>> -> memref<16xf32, #tpu.memory_space<hbm>>
      %dma_wait3A_652 = arith.constant 0 : i32
      %dma_wait3A_653 = tpu.memref_slice %arg5[%add3A, %dma_wait3A_652] : memref<32x16xf32, #tpu.memory_space<hbm>> -> memref<1x16xf32, #tpu.memory_space<hbm>>
      %dma_wait3A_654 = tpu.memref_squeeze %dma_wait3A_653 : memref<1x16xf32, #tpu.memory_space<hbm>> -> memref<16xf32, #tpu.memory_space<hbm>>
      tpu.wait_dma2 semaphore(%run_scoped3A : memref<!tpu.dma_semaphore, #tpu.memory_space<semaphore_mem>>) src(%arg10 : memref<16xf32, #tpu.memory_space<vmem>>) dst(%dma_wait3A_654 : memref<16xf32, #tpu.memory_space<hbm>>)
      tpu.yield
    }) : () -> ()
    return
  }
}

</mosaic_0001>

<sc_bundles>
// kernel: kernel.3.cloned.1.call-start
scs
__scs_entry_jumppad:
0x0: {  	(pc) =	sbr.rel $0x88, $3  }
0x1: {  	(tag) =	ssettag $0x0;
	lr =	simm.s32 $0x1  }
0x2: {  	[smem:$0x3F9E] =	sst lr;
	_ =	strace $0xD0000000  }
0x3: {  	_ = 	snop  }
0x4: {  	_ = 	snop  }
0x5: {  	_ = 	snop  }
0x6: {  	_ = 	snop  }
0x7: {  	_ = 	snop  }
__scs_overlays_trampoline_lowered:
0x8: {  	[smem:$0x3FAD] =	sst s0  }
0x9: {  	[smem:$0x3FAE] =	sst s1  }
0xa: {  	[smem:$0x3FAF] =	sst s2  }
0xb: {  	[smem:$0x3FB0] =	sst s3  }
0xc: {  	[smem:$0x3FB1] =	sst s4  }
0xd: {  	[smem:$0x3FB2] =	sst s5  }
0xe: {  	[smem:$0x3FB3] =	sst s6  }
0xf: {  	[smem:$0x3FB4] =	sst s7  }
0x10: {  	[smem:$0x3FB5] =	sst s8  }
0x11: {  	[smem:$0x3FB6] =	sst s9;
	s0 =	simm.s32 @!p0 $0x0  }
0x12: {  	s1 =	sld [smem:$0x3F9C];
	s0 =	simm.s32 @p0 $0x1  }
0x13: {  	[smem:$0x3FB7] =	sst s0;
	s0 =	simm.s32 @!p1 $0x0  }
0x14: {  	s2 =	sld [smem:$0x3F9B];
	s0 =	simm.s32 @p1 $0x1  }
0x15: {  	[smem:$0x3FB8] =	sst s0;
	s0 =	simm.s32 @!p2 $0x0  }
0x16: {  	s3 =	sld [smem:$0x3FDB];
	s0 =	simm.s32 @p2 $0x1  }
0x17: {  	s4 =	simm.s32 $0x1BF5;
	[smem:$0x3FBA] =	sst s0  }
0x18: {  	s0 =	sld [smem:$0x3F9D];
	_ =	swait.ge [sflag:s4], $0x0  }
0x19: {  	s7 =	sld [smem:$0x3F9E]  }
0x1a: {  	s8 =	sadd.s32 $0xFFFFE003, lr  }
0x1b: {  	s9 =	sadd.s32 $0xFFFFFEF7, lr;
	s5 =	simm.s32 $0xFFFFFFFF;
	p2 =	slt.u32 s8, $0xFFFFF086  }
0x1c: {  	p1 =	slt.u32 s9, $0xF7A;
	s5 =	simm.s32 @!p2 $0x0  }
0x1d: {  	s5 =	simm.s32 @p1 $0x1;
	p0 =	seq.s32 s7, s2  }
0x1e: {  	s7 =	smul.u32 @!p0 $0xF7A, s2;
	p2 =	seq.s32 @!p0 s5, $0x0  }
0x1f: {  	s9 =	smul.u32 $0xF7A, s1;
	s8 =	simm.s32 @!p0 $0x1BF5;
	p2 =	por !p2, p0  }
0x20: {  	[sflag:s8] =	ssyncset.s32 @!p0 $0xFFFFF086;
	s6 =	sadd.s32 @!p0 s3, s7;
	s7 =	simm.s32 @!p0 $0x108  }
0x21: {  	s3 =	sadd.s32 s3, s9;
	s6 =	sadd.s32 @!p0 $0x88, s6;
	s7 =	simm.s32 @p2 $0x1082  }
0x22: {  	[simem:s7], [sflag:s8] =	dma.local @!p0 [hbm:s6], $0xF7A  }
0x23: {  	s9 =	sor.u32 $0xD0000000, s2;
	s6 =	simm.s32 $0x108;
	_ =	swait.ge @!p0 [sflag:s8], $0x0  }
0x24: {  	s3 =	sadd.s32 $0x88, s3;
	s6 =	simm.s32 @!p1 $0x1082;
	[sflag:s4] =	ssyncset.s32 $0xFFFFF086  }
0x25: {  	[simem:s6], [sflag:s4] =	dma.local [hbm:s3], $0xF7A  }
0x26: {  	[smem:$0x3F9E] =	sst s1;
	(tag) =	ssettag s2;
	_ =	strace s9  }
0x27: {  	s1 =	sld [smem:$0x3FAE]  }
0x28: {  	s2 =	sld [smem:$0x3FAF]  }
0x29: {  	s4 =	sld [smem:$0x3FB1]  }
0x2a: {  	p0 =	seq.s32 s5, $0x0;
	s5 =	sld [smem:$0x3FB2]  }
0x2b: {  	s6 =	sld [smem:$0x3FB3]  }
0x2c: {  	s7 =	sld [smem:$0x3FB4]  }
0x2d: {  	s3 =	simm.s32 $0x108;
	s8 =	sld [smem:$0x3FB5]  }
0x2e: {  	s3 =	simm.s32 @!p0 $0x1082;
	s9 =	sld [smem:$0x3FB6]  }
0x2f: {  	lr =	sadd.s32 s0, s3;
	s0 =	sld [smem:$0x3FAD]  }
0x30: {  	s3 =	sld [smem:$0x3FB0]  }
0x31: {  	[smem:$0x3FB9] =	sst s10  }
0x32: {  	s10 =	sld [smem:$0x3FB7];
	_ =	sdelay $0x3  }
0x33: {  	p0 =	seq.s32 s10, $0x1;
	s10 =	sld [smem:$0x3FB9];
	_ =	sdelay $0x3  }
0x34: {  	[smem:$0x3FB9] =	sst s10  }
0x35: {  	s10 =	sld [smem:$0x3FB8];
	_ =	sdelay $0x3  }
0x36: {  	p1 =	seq.s32 s10, $0x1;
	s10 =	sld [smem:$0x3FB9];
	_ =	sdelay $0x3  }
0x37: {  	[smem:$0x3FB9] =	sst s10  }
0x38: {  	s10 =	sld [smem:$0x3FBA]  }
0x39: {  	_ = 	snop;
	(pc) =	sbr.ind lr, $3  }
0x3a: {  	_ = 	snop  }
0x3b: {  	_ = 	snop  }
0x3c: {  	p2 =	seq.s32 s10, $0x1;
	s10 =	sld [smem:$0x3FB9]  }
0x3d: {  	_ =	shalt  }
0x3e: {  	_ =	shalt  }
0x3f: {  	_ =	shalt  }
0x40: {  	_ =	shalt  }
0x41: {  	_ =	shalt  }
0x42: {  	_ =	shalt  }
0x43: {  	_ =	shalt  }
0x44: {  	_ =	shalt  }
0x45: {  	_ =	shalt  }
0x46: {  	_ =	shalt  }
0x47: {  	_ =	shalt  }
0x48: {  	_ =	shalt  }
0x49: {  	_ =	shalt  }
0x4a: {  	_ =	shalt  }
0x4b: {  	_ =	shalt  }
0x4c: {  	_ =	shalt  }
0x4d: {  	_ =	shalt  }
0x4e: {  	_ =	shalt  }
0x4f: {  	_ =	shalt  }
0x50: {  	_ =	shalt  }
0x51: {  	_ =	shalt  }
0x52: {  	_ =	shalt  }
0x53: {  	_ =	shalt  }
0x54: {  	_ =	shalt  }
0x55: {  	_ =	shalt  }
0x56: {  	_ =	shalt  }
0x57: {  	_ =	shalt  }
0x58: {  	_ =	shalt  }
0x59: {  	_ =	shalt  }
0x5a: {  	_ =	shalt  }
0x5b: {  	_ =	shalt  }
0x5c: {  	_ =	shalt  }
0x5d: {  	_ =	shalt  }
0x5e: {  	_ =	shalt  }
0x5f: {  	_ =	shalt  }
0x60: {  	_ =	shalt  }
0x61: {  	_ =	shalt  }
0x62: {  	_ =	shalt  }
0x63: {  	_ =	shalt  }
0x64: {  	_ =	shalt  }
0x65: {  	_ =	shalt  }
0x66: {  	_ =	shalt  }
0x67: {  	_ =	shalt  }
0x68: {  	_ =	shalt  }
0x69: {  	_ =	shalt  }
0x6a: {  	_ =	shalt  }
0x6b: {  	_ =	shalt  }
0x6c: {  	_ =	shalt  }
0x6d: {  	_ =	shalt  }
0x6e: {  	_ =	shalt  }
0x6f: {  	_ =	shalt  }
0x70: {  	_ =	shalt  }
0x71: {  	_ =	shalt  }
0x72: {  	_ =	shalt  }
0x73: {  	_ =	shalt  }
0x74: {  	_ =	shalt  }
0x75: {  	_ =	shalt  }
0x76: {  	_ =	shalt  }
0x77: {  	_ =	shalt  }
0x78: {  	_ =	shalt  }
0x79: {  	_ =	shalt  }
0x7a: {  	_ =	shalt  }
0x7b: {  	_ =	shalt  }
0x7c: {  	_ =	shalt  }
0x7d: {  	_ =	shalt  }
0x7e: {  	_ =	shalt  }
0x7f: {  	_ =	shalt  }
0x80: {  	_ =	shalt  }
0x81: {  	_ =	shalt  }
0x82: {  	_ =	shalt  }
0x83: {  	_ =	shalt  }
0x84: {  	_ =	shalt  }
0x85: {  	_ =	shalt  }
0x86: {  	_ =	shalt  }
0x87: {  	_ =	shalt  }
.Lfunc_end0:
.L_simem_size_0:
called_computation_lowered:
.L_overlay_start_0:
0x88: {  	s2 =	sld [smem:$0x3FD9]  }
0x89: {  	s3 =	sld [smem:$0x3FFE];
	_ =	sdelay $0x1  }
0x8a: {  	s1 =	srdreg.scid  }
0x8b: {  	s0 =	sand.u32 $0x1, s1  }
0x8c: {  	s17 =	sshll.u32 s0, $0xA;
	s2 =	sadd.s32 s3, s2  }
0x8d: {  	s2 =	sadd.s32 s2, s17  }
0x8e: {  	[smem:$0x3FC5] =	sst s2  }
0x8f: {  	_ = 	snop  }
0x90: {  	s2 =	sld [smem:$0x3FC9]  }
0x91: {  	s18 =	sld [smem:$0x3FC8]  }
0x92: {  	s4 =	sld [smem:$0x3FC7];
	(tm) =	ssettm $0x1  }
0x93: {  	s5 =	sld [smem:$0x3FFB];
	_ =	sdelay $0x3  }
0x94: {  	_ =	strace s5  }
0x95: {  	s5 =	sld [smem:$0x3FFC];
	_ =	sdelay $0x3  }
0x96: {  	_ =	strace s5  }
0x97: {  	s5 =	sld [smem:$0x3FFD];
	_ =	sdelay $0x3  }
0x98: {  	_ =	strace s5  }
0x99: {  	_ =	strace $0x8FFFFFFF  }
0x9a: {  	s19 =	sld [smem:$0x3FDB];
	_ =	sdelay $0x1  }
0x9b: {  	s6 =	simm.s32 $_scs_section_size  }
0x9c: {  	s7 =	simm.s32 $_size__tile_overlayer_lowered;
	s8 =	simm.s32 $_tile_overlayer_lowered  }
0x9d: {  	s22 =	simm.s32 $0x1BFF;
	s21 =	sshll.u32 s8, $0x1;
	s5 =	sadd.s32 s6, s19  }
0x9e: {  	s9 =	simm.s32 $0x0;
	s20 =	sshll.u32 s7, $0x1;
	s7 =	sadd.s32 s21, s5  }
0x9f: {  	[timem:s9], [sflag:s22] =	dma.local [hbm:s7], s20  }
0xa0: {  	_ =	swait.ge [sflag:s22], s20  }
0xa1: {  	s6 =	ssub.s32 $0x0, s20;
	[sflag:s22] =	ssyncset.done $0x0  }
0xa2: {  	[sflag:s22] =	ssyncadd.s32 s6;
	_ =	sdelay $0x1  }
0xa3: {  	s23 =	simm.s32 $0x1B8B  }
0xa4: {  	_ =	swait.ge [sflag:s23], $0x1  }
0xa5: {  	[sflag:s23] =	ssyncset.done $0x0  }
0xa6: {  	s25 =	simm.s32 $0x1B8E;
	s24 =	sld [smem:$0x3FFE];
	[sflag:s23] =	ssyncadd.s32 $0xFFFFFFFF  }
0xa7: {  	s26 =	simm.s32 $execute0_lowered;
	[smem:$0x3FD2] =	sst s25  }
0xa8: {  	s7 =	sshll.u32 s26, $0x1;
	_ =	strace $0x80000046;
	[dreg:$0x1] =	wrdreg $0xFFFFFFFF  }
0xa9: {  	s28 =	simm.s32 $_size_execute0_lowered;
	s5 =	sadd.s32 s5, s7;
	[dreg:$0x0] =	wrdreg $0x0  }
0xaa: {  	s7 =	sshll.u32 s28, $0x1;
	[dreg:$0x2] =	wrdreg s5  }
0xab: {  	[dreg:$0x3] =	wrdreg s7  }
0xac: {  	[dreg:$0x4] =	wrdreg $0xC0  }
0xad: {  	_ =	task [dreg:s9], $0x5FFFF  }
0xae: {  	[dreg:$0x1] =	wrdreg $0xFFFFFFFF  }
0xaf: {  	[dreg:$0x0] =	wrdreg $0x60  }
0xb0: {  	[dreg:$0x2] =	wrdreg s2  }
0xb1: {  	[dreg:$0x3] =	wrdreg s18  }
0xb2: {  	[dreg:$0x4] =	wrdreg s4  }
0xb3: {  	[dreg:$0x5] =	wrdreg s24  }
0xb4: {  	[dreg:$0x6] =	wrdreg $0x9  }
0xb5: {  	_ =	task.clear_ibuf [dreg:s9], $0x7FFFF;
	_ =	strace $0x90000046  }
0xb6: {  	s29 =	simm.s32 $0x9;
	_ =	strace $0x80000048  }
0xb7: {  	_ =	swait.ge [sflag:s29], $0x1  }
0xb8: {  	[sflag:s29] =	ssyncadd.s32 $0xFFFFFFFF  }
0xb9: {  	_ =	strace $0x90000048  }
0xba: {  	_ =	sfence  }
0xbb: {  	s30 =	sld [smem:$0x0];
	_ =	sdelay $0x2  }
0xbc: {  	s31 =	sshll.u32 s1, $0xD;
	s1 =	sshrl.u32 s1, $0x2  }
0xbd: {  	s3 =	sand.u32 $0x4000, s31;
	s1 =	sadd.s32 s1, s30  }
0xbe: {  	s0 =	sor.u32 s3, s0;
	s1 =	sshll.u32 s1, $0x11  }
0xbf: {  	s0 =	sor.u32 s1, s0  }
0xc0: {  	s0 =	sadd.s32 $0x8F2B, s0  }
0xc1: {  	[sflag:s0] =	ssyncadd.remote.s32 $0x1  }
0xc2: {  	_ =	sfence.sel $0xFFFF  }
0xc3: {  	[dreg:$0x0] =	wrdreg $0xFFFFFFFF;
	(pc) =	sbr.abs _section_cstart, $3  }
0xc4: {  	[dreg:$0x1] =	wrdreg $0xFFFFFFFF  }
0xc5: {  	_ =	task.clear_ibuf [dreg:s9], $0x2FFFF;
	_ =	strace $0x9FFFFFFF  }
0xc6: {  	(tm) =	ssettm $0x7FFFFFFF  }
0xc7: {  	_ =	shalt  }
tec
execute0_lowered:
.L_overlay_start_1:
0x0: {  	(tag) =	ssettag $0x1  }
0x1: {  	s0 =	rddreg [dreg:$0x0]  }
0x2: {  	s1 =	rddreg [dreg:$0x2];
	s2 =	srdreg.scid  }
0x3: {  	s5 =	stileid.u32;
	s4 =	rddreg [dreg:$0x3];
	s30 =	simm.s32 $0x0  }
0x4: {  	s2 =	sand.u32 $0x1, s2;
	s3 =	sshll.u32 s5, $0x1;
	s5 =	sshrl.u32 s5, $0x1  }
0x5: {  	s13 =	sadd.s32 $0x1000, s0;
	s25 =	sadd.s32 $0x2000, s0;
	s16 =	sadd.s32 $0x3000, s0  }
0x6: {  	s7 =	sor.u32 s2, s3;
	s3 =	simm.s32 $0x0;
	s9 =	smul.u32 $0xC3800, s5  }
0x7: {  	s2 =	ssub.s32 $0x2, s2;
	s22 =	sshll.u32 s5, $0x11;
	s6 =	sshll.u32 s7, $0x8  }
0x8: {  	[smem:$0x7FF] =	sst s3;
	s20 =	sshrl.u32 s2, $0x1;
	s29 =	sshll.u32 s7, $0x4  }
0x9: {  	s8 =	sand.u32 $0x300, s6;
	_ =	strace $0x80000047;
	s2 =	ssub.s32 s2, s20  }
0xa: {  	s11 =	sadd.s32 $0x61C00, s9;
	s10 =	sor.u32 s9, s8;
	s24 =	sor.u32 s22, s8  }
0xb: {  	s14 =	sor.u32 s11, s8;
	s15 =	sor.u32 $0x80, s8;
	s31 =	smax.u32 s2, $0x1  }
0xc: {  	s21 =	sshrl.u32 s10, $0x3;
	s12 =	sshrl.u32 s24, $0x3;
	s14 =	sshrl.u32 s14, $0x3  }
0xd: {  	s17 =	sor.u32 s9, s15;
	s10 =	sor.u32 s22, s15;
	s15 =	sor.u32 s11, s15  }
0xe: {  	[dreg:$0xa] =	wrdreg s31;
	s24 =	simm.s32 $0x4;
	s23 =	sadd.s32 s1, s21  }
0xf: {  	s5 =	sadd.s32 s0, s12;
	s6 =	sadd.s32 s12, s13;
	s14 =	sadd.s32 s1, s14  }
0x10: {  	s8 =	sadd.s32 s12, s25;
	s9 =	sadd.s32 s12, s16;
	s26 =	sshrl.u32 s17, $0x3  }
0x11: {  	s10 =	sshrl.u32 s10, $0x3;
	s28 =	sshrl.u32 s15, $0x3;
	[dreg:$0x5] =	wrdreg s23  }
0x12: {  	s21 =	simm.s32 $0xC380;
	[dreg:$0x6] =	wrdreg s14;
	s12 =	sadd.s32 s1, s26  }
0x13: {  	s11 =	sadd.s32 s0, s10;
	s0 =	sadd.s32 s1, s28;
	s14 =	sadd.s32 s10, s25  }
0x14: {  	s15 =	sadd.s32 s10, s16;
	s23 =	simm.s32 $0x80;
	[dreg:$0x7] =	wrdreg s12  }
0x15: {  	s25 =	simm.s32 $0x5;
	[dreg:$0x8] =	wrdreg s0;
	s0 =	sadd.s32 s4, s29  }
0x16: {  	s26 =	simm.s32 $0x2;
	s12 =	sadd.s32 s10, s13;
	[dreg:$0x9] =	wrdreg s0  }
.LBB2_1:
0x17: {  	s0 =	rddreg [dreg:$0x5];
	s1 =	simm.s32 $0x400  }
0x18: {  	s29 =	rddreg [dreg:$0x1];
	s31 =	simm.s32 $0x18700;
	s4 =	sadd.s32 $0x0, s5  }
0x19: {  	[tilespmem:s3], [sflag:$0x1] =	stream.strided.gather [hbm4b:s0+s23], $0xC380, s1, s23, $0x38;
	[tilespmem:$0x1E780] =	vst v63  }
0x1a: {  	s2 =	simm.s32 $0x1C800;
	s0 =	simm.s32 $0x1C700;
	s1 =	simm.s32 $0x80  }
0x1b: {  	[tilespmem:s31], [sflag:$0x3] =	stream.linear.gather [hbm4b:s29+s3], $0x4000, $0x38;
	[tilespmem:$0x1E780] =	vst v63  }
.LBB2_2:
0x1c: {  	[tilespmem:s0], [sflag:$0x4] =	stream.linear.gather [hbm4b:s4+s3], $0x80, $0x38;
	[tilespmem:$0x1E780] =	vst v63  }
0x1d: {  	s4 =	smov.u32 s1;
	s0 =	smov.u32 s2;
	p0 =	sne.s32 s1, $0xF80  }
.Ltmp0:
0x1e: {  	s1 =	sadd.s32 $0x80, s1;
	(pc) =	sbr.rel @p0 .LBB2_2-.Ltmp0, $2  }
0x1f: {  	_ =	sdelay $0x2  }
0x20: {  	s2 =	sadd.s32 $0x100, s2;
	s4 =	sadd.s32 s4, s5  }
0x21: {  	[tilespmem:s0], [sflag:$0x4] =	stream.linear.gather [hbm4b:s4+s3], $0x80, $0x38;
	[tilespmem:$0x1E780] =	vst v63  }
0x22: {  	s0 =	simm.s32 $0x1C780  }
0x23: {  	s1 =	simm.s32 $0x80;
	s4 =	sadd.s32 $0x0, s6;
	s2 =	simm.s32 $0x1C880  }
.LBB2_4:
0x24: {  	[tilespmem:s0], [sflag:$0x5] =	stream.linear.gather [hbm4b:s4+s3], $0x80, $0x38;
	[tilespmem:$0x1E780] =	vst v63  }
0x25: {  	s4 =	smov.u32 s1;
	s0 =	smov.u32 s2;
	p0 =	sne.s32 s1, $0xF80  }
.Ltmp1:
0x26: {  	s1 =	sadd.s32 $0x80, s1;
	(pc) =	sbr.rel @p0 .LBB2_4-.Ltmp1, $2  }
0x27: {  	_ =	sdelay $0x2  }
0x28: {  	s2 =	sadd.s32 $0x100, s2;
	s4 =	sadd.s32 s4, s6  }
0x29: {  	[tilespmem:s0], [sflag:$0x5] =	stream.linear.gather [hbm4b:s4+s3], $0x80, $0x38;
	[tilespmem:$0x1E780] =	vst v63  }
0x2a: {  	s16 =	rddreg [dreg:$0x6];
	s1 =	simm.s32 $0x400;
	s17 =	simm.s32 $0x3  }
0x2b: {  	[tilespmem:s21], [sflag:$0x2] =	stream.strided.gather [hbm4b:s16+s23], $0xC380, s1, s23, $0x38;
	[tilespmem:$0x1E780] =	vst v63  }
0x2c: {  	_ =	swait.ge [sflag:s17], $0x4000  }
0x2d: {  	[sflag:s17] =	ssyncset.done $0x0  }
0x2e: {  	s18 =	simm.s32 $0x1;
	[sflag:s17] =	ssyncadd.s32 $0xFFFFC000  }
0x2f: {  	_ =	swait.ge [sflag:s18], $0xC380  }
0x30: {  	[sflag:s18] =	ssyncset.done $0x0  }
0x31: {  	[sflag:s18] =	ssyncadd.s32 $0xFFFF3C80  }
0x32: {  	s19 =	simm.s32 $0x0;
	s20 =	simm.s32 $0x18700;
	_ =	swait.ge [sflag:s24], $0x1000  }
0x33: {  	s2 =	sand.u32 $0xF80, s19;
	s1 =	sand.u32 $0x40, s19;
	[sflag:s24] =	ssyncset.done $0x0  }
0x34: {  	s2 =	sadd.s32 $0x18700, s2;
	s7 =	sor.u32 $0x30, s1;
	[sflag:s24] =	ssyncadd.s32 $0xFFFFF000  }
0x35: {  	s22 =	sor.u32 s7, s2;
	v0 =	vld [tilespmem:s20+$0x0]  }
0x36: {  	v1 =	vld [tilespmem:s22+$0x0];
	_ =	sdelay $0x2  }
0x37: {  	s29 =	sor.u32 $0x10, s1  }
0x38: {  	s13 =	sor.u32 $0x20, s1;
	s10 =	sor.u32 s29, s2;
	vm1 =	vlt.s32 v0, $0xC380  }
0x39: {  	s2 =	sor.u32 s13, s2;
	s18 =	simm.s32 $0x40;
	v2 =	vld [tilespmem:s10+$0x0];
	vm2 =	vlt.s32 v1, $0xC380  }
0x3a: {  	v3 =	vld [tilespmem:s2+$0x0];
	s2 =	sand.u32 $0x40, s18;
	s10 =	sand.u32 $0xF80, s18  }
0x3b: {  	s17 =	simm.s32 $0x18740;
	s10 =	sadd.s32 $0x18700, s10;
	s28 =	sor.u32 $0x30, s2  }
0x3c: {  	s0 =	sand.u32 $0x1F00, s19;
	v9 =	vld [tilespmem:s17+$0x0];
	s19 =	sor.u32 s28, s10  }
0x3d: {  	v10 =	vld [tilespmem:s19+$0x0]  }
0x3e: {  	s16 =	sadd.s32 $0x1C700, s0;
	v4 =	vld.idx.msk [tilespmem:v0+s3+$0x0], vm1  }
0x3f: {  	s0 =	sor.u32 s7, s16;
	s31 =	sor.u32 $0x10, s2;
	v0 =	vld.idx.msk [tilespmem:v1+s3+$0x0], vm2  }
0x40: {  	s20 =	sor.u32 s31, s10;
	vm3 =	vlt.s32 v2, $0xC380;
	v1 =	vld [tilespmem:s0+$0x0]  }
0x41: {  	s1 =	sor.u32 s1, s16;
	v6 =	vld [tilespmem:s20+$0x0];
	vm6 =	vlt.s32 v3, $0xC380  }
0x42: {  	s4 =	sor.u32 s29, s16;
	v11 =	vld [tilespmem:s1+$0x0];
	s0 =	sor.u32 $0x20, s2  }
0x43: {  	v12 =	vld [tilespmem:s4+$0x0];
	vm0 =	vlt.s32 v9, $0xC380;
	s10 =	sor.u32 s0, s10  }
0x44: {  	s29 =	sor.u32 s13, s16;
	v7 =	vld [tilespmem:s10+$0x0]  }
0x45: {  	v14 =	vld [tilespmem:s29+$0x0];
	vm8 =	vmmov vm2;
	vm7 =	vlt.s32 v10, $0xC380;
	v1 =	vsub.f32 v1, v0  }
0x46: {  	s22 =	simm.s32 $0x80;
	vm4 =	vmmov vm1;
	vm5 =	vmmov vm3;
	v8 =	vld.idx.msk [tilespmem:v2+s3+$0x0], vm3;
	vm3 =	vlt.s32 v6, $0xC380  }
0x47: {  	s4 =	simm.s32 $0x18780;
	s1 =	sand.u32 $0x40, s22;
	s7 =	sand.u32 $0xF80, s22;
	v5 =	vld.idx.msk [tilespmem:v3+s3+$0x0], vm6;
	vm6 =	vmmov vm6;
	vm1 =	vmmov vm7;
	v1 =	vmul.f32 v1, v1  }
0x48: {  	v13 =	vld [tilespmem:s4+$0x0];
	s13 =	sadd.s32 $0x18700, s7;
	s7 =	sor.u32 $0x30, s1;
	s20 =	simm.s32 $0x80;
	v2 =	vimm.f32 $0.0e+00;
	v3 =	vimm.f32 $0.0e+00;
	v0 =	vimm.f32 $0.0e+00  }
0x49: {  	s17 =	sor.u32 s7, s13;
	s16 =	sand.u32 $0x1F00, s20;
	v9 =	vld.idx.msk [tilespmem:v9+s3+$0x0], vm0;
	s10 =	simm.s32 $0xC0;
	vm2 =	vlt.s32 v7, $0xC380;
	v15 =	vnsel vm8, $0x0, v1;
	v1 =	vimm.f32 $0.0e+00  }
.LBB2_6:
0x4a: {  	p0 =	sne.s32 s10, $0xFC0;
	s22 =	sor.u32 $0x10, s1;
	v16 =	vld [tilespmem:s17+$0x0];
	s16 =	sadd.s32 $0x1C700, s16;
	v4 =	vsub.f32 v11, v4;
	v0 =	vadd.f32 v15, v0  }
0x4b: {  	s29 =	sor.u32 $0x20, s1;
	s17 =	sor.u32 s22, s13;
	s28 =	sor.u32 s28, s16;
	v15 =	vld.idx.msk [tilespmem:v10+s3+$0x0], vm7;
	v8 =	vsub.f32 v12, v8  }
0x4c: {  	s13 =	sor.u32 s29, s13;
	s18 =	sor.u32 s2, s16;
	s19 =	sor.u32 s31, s16;
	v12 =	vld [tilespmem:s28+$0x0];
	v20 =	vmul.f32 v4, v4;
	v5 =	vsub.f32 v14, v5  }
0x4d: {  	s16 =	sor.u32 s0, s16;
	s31 =	smov.u32 s22;
	s0 =	smov.u32 s29;
	v14 =	vld [tilespmem:s17+$0x0];
	v18 =	vmul.f32 v8, v8;
	v17 =	vmov v13  }
0x4e: {  	s2 =	smov.u32 s1;
	s28 =	smov.u32 s7;
	v13 =	vld [tilespmem:s13+$0x0];
	v19 =	vnsel vm4, $0x0, v20;
	v11 =	vmul.f32 v5, v5;
	vm4 =	vmmov vm0  }
0x4f: {  	vm0 =	vlt.s32 v17, $0xC380;
	v4 =	vmovc v9;
	v8 =	vld.idx.msk [tilespmem:v6+s3+$0x0], vm3;
	v2 =	vadd.f32 v19, v2;
	v6 =	vnsel vm5, $0x0, v18;
	v10 =	vmovc v16  }
0x50: {  	vm5 =	vmmov vm3;
	v5 =	vld.idx.msk [tilespmem:v7+s3+$0x0], vm2;
	v3 =	vadd.f32 v6, v3;
	v9 =	vnsel vm6, $0x0, v11  }
.Ltmp2:
0x51: {  	vm7 =	vlt.s32 v10, $0xC380;
	v11 =	vld [tilespmem:s18+$0x0];
	v16 =	vsub.f32 v12, v15;
	v1 =	vadd.f32 v9, v1;
	(pc) =	sbr.rel @p0 .LBB2_6-.Ltmp2, $4  }
0x52: {  	vm6 =	vmmov vm2;
	vm3 =	vlt.s32 v14, $0xC380;
	v12 =	vld [tilespmem:s19+$0x0];
	v6 =	vmov v14  }
0x53: {  	s4 =	sadd.s32 $0x40, s4;
	s1 =	sand.u32 $0x40, s10;
	s7 =	sand.u32 $0xF80, s10;
	vm2 =	vlt.s32 v13, $0xC380;
	v14 =	vld [tilespmem:s16+$0x0];
	v15 =	vmul.f32 v16, v16;
	v7 =	vmov v13  }
0x54: {  	s20 =	sadd.s32 $0x80, s20;
	s13 =	sadd.s32 $0x18700, s7;
	s7 =	sor.u32 $0x30, s1;
	v13 =	vld [tilespmem:s4+$0x0]  }
0x55: {  	s10 =	sadd.s32 $0x40, s10;
	s17 =	sor.u32 s7, s13;
	s16 =	sand.u32 $0x1F00, s20;
	v9 =	vld.idx.msk [tilespmem:v17+s3+$0x0], vm0;
	v15 =	vnsel vm1, $0x0, v15;
	vm1 =	vmmov vm7  }
0x56: {  	_ =	sdelay $0x3  }
0x57: {  	v16 =	vld [tilespmem:s17+$0x0]  }
0x58: {  	v10 =	vld.idx.msk [tilespmem:v10+s3+$0x0], vm7  }
0x59: {  	s4 =	sor.u32 $0x10, s1;
	v6 =	vld.idx.msk [tilespmem:v6+s3+$0x0], vm3  }
0x5a: {  	s17 =	sor.u32 $0x20, s1;
	v7 =	vld.idx.msk [tilespmem:v7+s3+$0x0], vm2;
	s10 =	sor.u32 s4, s13  }
0x5b: {  	s16 =	sadd.s32 $0x1C700, s16;
	s29 =	sor.u32 s17, s13;
	v17 =	vld [tilespmem:s10+$0x0]  }
0x5c: {  	s18 =	sor.u32 s28, s16;
	v18 =	vld [tilespmem:s29+$0x0]  }
0x5d: {  	s20 =	sadd.s32 $0x80, s20;
	s19 =	sor.u32 s31, s16;
	v19 =	vld [tilespmem:s18+$0x0]  }
0x5e: {  	s0 =	sor.u32 s0, s16;
	s22 =	sand.u32 $0x1F00, s20;
	v57 =	vld [tilespmem:s19+$0x0]  }
0x5f: {  	s2 =	sor.u32 s2, s16;
	v5 =	vsub.f32 v14, v5;
	v58 =	vld [tilespmem:s0+$0x0];
	s0 =	sadd.s32 $0x1C700, s22;
	vm9 =	vlt.s32 v13, $0xC380  }
0x60: {  	v4 =	vsub.f32 v11, v4;
	v20 =	vld [tilespmem:s2+$0x0];
	s28 =	sor.u32 s7, s0;
	vm10 =	vlt.s32 v16, $0xC380  }
0x61: {  	v8 =	vsub.f32 v12, v8;
	s29 =	sor.u32 s1, s0;
	v5 =	vmul.f32 v5, v5;
	v60 =	vld [tilespmem:s28+$0x0];
	vm15 =	vlt.s32 v18, $0xC380  }
0x62: {  	v4 =	vmul.f32 v4, v4;
	s31 =	sor.u32 s4, s0;
	s0 =	sor.u32 s17, s0;
	v62 =	vld [tilespmem:s29+$0x0];
	vm8 =	vlt.s32 v17, $0xC380  }
0x63: {  	v0 =	vadd.f32 v15, v0;
	v8 =	vmul.f32 v8, v8;
	v63 =	vld [tilespmem:s0+$0x0];
	v5 =	vnsel vm6, $0x0, v5  }
0x64: {  	v4 =	vnsel vm4, $0x0, v4;
	v1 =	vadd.f32 v5, v1;
	v5 =	vsub.f32 v57, v6;
	v6 =	vld [tilespmem:s31+$0x0]  }
0x65: {  	v8 =	vnsel vm5, $0x0, v8;
	v2 =	vadd.f32 v4, v2;
	v10 =	vsub.f32 v19, v10;
	v13 =	vld.idx.msk [tilespmem:v13+s3+$0x0], vm9  }
0x66: {  	vm0 =	vmmov vm0;
	v3 =	vadd.f32 v8, v3;
	v9 =	vsub.f32 v20, v9;
	v59 =	vld.idx.msk [tilespmem:v16+s3+$0x0], vm10  }
0x67: {  	v7 =	vsub.f32 v58, v7;
	v8 =	vmul.f32 v10, v10;
	v5 =	vmul.f32 v5, v5;
	v4 =	vld.idx.msk [tilespmem:v18+s3+$0x0], vm15  }
0x68: {  	vm11 =	vmmov vm2;
	vm6 =	vmmov vm3;
	v9 =	vmul.f32 v9, v9;
	v61 =	vld.idx.msk [tilespmem:v17+s3+$0x0], vm8  }
0x69: {  	v7 =	vmul.f32 v7, v7;
	v8 =	vnsel vm1, $0x0, v8;
	v5 =	vnsel vm6, $0x0, v5  }
0x6a: {  	v0 =	vadd.f32 v8, v0;
	v8 =	vnsel vm0, $0x0, v9;
	v3 =	vadd.f32 v5, v3  }
0x6b: {  	v5 =	vnsel vm11, $0x0, v7;
	v2 =	vadd.f32 v8, v2;
	v7 =	vsub.f32 v62, v13  }
0x6c: {  	vm13 =	vmmov vm9;
	v1 =	vadd.f32 v5, v1;
	v4 =	vsub.f32 v63, v4  }
0x6d: {  	v8 =	vsub.f32 v60, v59;
	v5 =	vmul.f32 v7, v7;
	v6 =	vsub.f32 v6, v61  }
0x6e: {  	vm12 =	vmmov vm10;
	vm15 =	vmmov vm15;
	v4 =	vmul.f32 v4, v4  }
0x6f: {  	v8 =	vmul.f32 v8, v8;
	v5 =	vnsel vm13, $0x0, v5;
	v6 =	vmul.f32 v6, v6  }
0x70: {  	vm14 =	vmmov vm8;
	v2 =	vadd.f32 v5, v2;
	v4 =	vnsel vm15, $0x0, v4  }
0x71: {  	s2 =	simm.s32 $0x1C800;
	v7 =	vnsel vm12, $0x0, v8;
	v5 =	vnsel vm14, $0x0, v6;
	v1 =	vadd.f32 v4, v1  }
0x72: {  	s1 =	simm.s32 $0x80;
	s4 =	sadd.s32 $0x0, s8;
	s0 =	simm.s32 $0x1C700;
	v0 =	vadd.f32 v7, v0;
	v6 =	vadd.f32 v5, v3  }
.LBB2_8:
0x73: {  	[tilespmem:s0], [sflag:$0x4] =	stream.linear.gather [hbm4b:s4+s3], $0x80, $0x38;
	[tilespmem:$0x1E780] =	vst v63  }
0x74: {  	s4 =	smov.u32 s1;
	s0 =	smov.u32 s2;
	p0 =	sne.s32 s1, $0xF80  }
.Ltmp3:
0x75: {  	s1 =	sadd.s32 $0x80, s1;
	(pc) =	sbr.rel @p0 .LBB2_8-.Ltmp3, $2  }
0x76: {  	_ =	sdelay $0x2  }
0x77: {  	s2 =	sadd.s32 $0x100, s2;
	s4 =	sadd.s32 s4, s8  }
0x78: {  	[tilespmem:s0], [sflag:$0x4] =	stream.linear.gather [hbm4b:s4+s3], $0x80, $0x38;
	[tilespmem:$0x1E780] =	vst v63  }
0x79: {  	_ =	swait.ge [sflag:s25], $0x1000  }
0x7a: {  	[sflag:s25] =	ssyncset.done $0x0  }
0x7b: {  	s16 =	simm.s32 $0x19730;
	s1 =	simm.s32 $0x0;
	[sflag:s25] =	ssyncadd.s32 $0xFFFFF000  }
0x7c: {  	s17 =	sand.u32 $0xFC0, s1;
	v5 =	vld [tilespmem:s16+$0x0]  }
0x7d: {  	v7 =	vld [tilespmem:s17+$0x19700]  }
0x7e: {  	v3 =	vld [tilespmem:s16+$0xFFFFFFE0]  }
0x7f: {  	s18 =	simm.s32 $0x19770;
	p0 =	por $0x0, $0x0;
	s0 =	simm.s32 $0x1;
	v4 =	vld [tilespmem:s16+$0xFFFFFFF0]  }
0x80: {  	s0 =	simm.s32 @!p0 $0x0;
	v10 =	vld [tilespmem:s18+$0xFFFFFFE0]  }
0x81: {  	s19 =	simm.s32 $0x40;
	s0 =	sshll.u32 s0, $0x6;
	v11 =	vld [tilespmem:s18+$0xFFFFFFF0];
	vm2 =	vlt.s32 v5, $0xC380  }
0x82: {  	s1 =	sand.u32 $0xFC0, s19;
	s0 =	sadd.s32 $0x0, s0;
	v12 =	vld [tilespmem:s18+$0x0];
	vm6 =	vlt.s32 v7, $0xC380  }
0x83: {  	v14 =	vld [tilespmem:s1+$0x19700];
	s20 =	sor.u32 $0x80, s0;
	vm5 =	vlt.s32 v3, $0xC380  }
0x84: {  	s2 =	sor.u32 $0x90, s0;
	v9 =	vld [tilespmem:s20+$0x1C700];
	vm3 =	vlt.s32 v4, $0xC380  }
0x85: {  	s22 =	sor.u32 $0xA0, s0;
	v15 =	vld [tilespmem:s2+$0x1C700]  }
0x86: {  	v16 =	vld [tilespmem:s22+$0x1C700]  }
0x87: {  	v13 =	vld.idx.msk [tilespmem:v5+s3+$0x0], vm2  }
0x88: {  	v5 =	vld.idx.msk [tilespmem:v7+s3+$0x0], vm6  }
0x89: {  	vm4 =	vlt.s32 v10, $0xC380;
	v3 =	vld.idx.msk [tilespmem:v3+s3+$0x0], vm5  }
0x8a: {  	s28 =	sor.u32 $0xB0, s0;
	vm1 =	vlt.s32 v11, $0xC380;
	v4 =	vld.idx.msk [tilespmem:v4+s3+$0x0], vm3  }
0x8b: {  	s0 =	simm.s32 $0x197B0;
	v17 =	vld [tilespmem:s28+$0x1C700];
	vm0 =	vlt.s32 v12, $0xC380  }
0x8c: {  	v8 =	vld [tilespmem:s0+$0xFFFFFFF0]  }
0x8d: {  	vm7 =	vlt.s32 v14, $0xC380;
	v7 =	vld [tilespmem:s0+$0xFFFFFFE0];
	v5 =	vsub.f32 v9, v5  }
0x8e: {  	vm8 =	vmmov vm3;
	vm6 =	vmmov vm6;
	v9 =	vld [tilespmem:s0+$0x0];
	v15 =	vsub.f32 v15, v3  }
0x8f: {  	p0 =	por !p0, !p0;
	s1 =	simm.s32 $0x1;
	vm5 =	vmmov vm5;
	v3 =	vld.idx.msk [tilespmem:v10+s3+$0x0], vm4;
	v16 =	vsub.f32 v16, v4;
	v10 =	vmul.f32 v5, v5  }
0x90: {  	s29 =	simm.s32 $0x80;
	s1 =	simm.s32 @!p0 $0x0;
	vm3 =	vmmov vm2;
	v13 =	vsub.f32 v17, v13;
	v5 =	vld.idx.msk [tilespmem:v11+s3+$0x0], vm1;
	v11 =	vmul.f32 v15, v15  }
0x91: {  	s2 =	sand.u32 $0xFC0, s29;
	s31 =	sshll.u32 s1, $0x6;
	vm2 =	vmmov vm7;
	v4 =	vld.idx.msk [tilespmem:v12+s3+$0x0], vm0;
	v15 =	vmul.f32 v16, v16;
	v12 =	vnsel vm6, $0x0, v10  }
0x92: {  	s1 =	simm.s32 $0x80;
	s4 =	sadd.s32 $0x80, s31;
	v10 =	vld [tilespmem:s2+$0x19700];
	v63 =	vnsel vm5, $0x0, v11;
	v2 =	vadd.f32 v12, v2;
	v12 =	vmul.f32 v13, v13  }
0x93: {  	s10 =	sor.u32 $0x80, s4;
	s7 =	sor.u32 $0x90, s4;
	vm4 =	vmmov vm4;
	s2 =	simm.s32 $0xC0;
	v11 =	vld.idx.msk [tilespmem:v14+s3+$0x0], vm7;
	v6 =	vadd.f32 v63, v6;
	v13 =	vnsel vm8, $0x0, v15  }
.LBB2_10:
0x94: {  	p1 =	sne.s32 s2, $0xFC0;
	v14 =	vld [tilespmem:s10+$0x1C700];
	s10 =	sor.u32 $0xA0, s4;
	s4 =	sor.u32 $0xB0, s4;
	v1 =	vadd.f32 v13, v1;
	v12 =	vnsel vm3, $0x0, v12;
	vm5 =	vmmov vm1  }
0x95: {  	vm6 =	vlt.s32 v7, $0xC380;
	vm3 =	vmmov vm0;
	v13 =	vld [tilespmem:s7+$0x1C700];
	v0 =	vadd.f32 v12, v0  }
0x96: {  	vm1 =	vlt.s32 v8, $0xC380;
	v12 =	vld [tilespmem:s10+$0x1C700]  }
0x97: {  	vm0 =	vlt.s32 v9, $0xC380;
	s0 =	sadd.s32 $0x40, s0;
	v15 =	vld [tilespmem:s4+$0x1C700];
	v16 =	vmov v10  }
0x98: {  	v10 =	vld [tilespmem:s0+$0xFFFFFFE0]  }
0x99: {  	vm7 =	vlt.s32 v16, $0xC380;
	v17 =	vld [tilespmem:s0+$0xFFFFFFF0];
	v11 =	vsub.f32 v14, v11  }
0x9a: {  	v14 =	vld [tilespmem:s0+$0x0];
	v13 =	vsub.f32 v13, v3  }
.Ltmp4:
0x9b: {  	p0 =	por !p0, !p0;
	s4 =	simm.s32 $0x1;
	v3 =	vld.idx.msk [tilespmem:v7+s3+$0x0], vm6;
	v18 =	vmul.f32 v11, v11;
	v11 =	vsub.f32 v12, v5;
	(pc) =	sbr.rel @p1 .LBB2_10-.Ltmp4, $4  }
0x9c: {  	s4 =	simm.s32 @!p0 $0x0;
	v5 =	vld.idx.msk [tilespmem:v8+s3+$0x0], vm1;
	v19 =	vmul.f32 v13, v13;
	v12 =	vsub.f32 v15, v4  }
0x9d: {  	s1 =	sadd.s32 $0x80, s1;
	s7 =	sand.u32 $0xFC0, s2;
	s4 =	sshll.u32 s4, $0x6;
	v4 =	vld.idx.msk [tilespmem:v9+s3+$0x0], vm0;
	v18 =	vnsel vm2, $0x0, v18;
	v13 =	vmul.f32 v11, v11;
	v7 =	vmovc v10;
	vm2 =	vmmov vm7  }
0x9e: {  	s4 =	sadd.s32 s4, s1;
	v10 =	vld [tilespmem:s7+$0x19700];
	v2 =	vadd.f32 v18, v2;
	v15 =	vnsel vm4, $0x0, v19;
	v12 =	vmul.f32 v12, v12;
	v8 =	vmovc v17  }
0x9f: {  	s2 =	sadd.s32 $0x40, s2;
	s10 =	sor.u32 $0x80, s4;
	s7 =	sor.u32 $0x90, s4;
	vm4 =	vmmov vm6;
	v11 =	vld.idx.msk [tilespmem:v16+s3+$0x0], vm7;
	v6 =	vadd.f32 v15, v6;
	v13 =	vnsel vm5, $0x0, v13;
	v9 =	vmovc v14  }
0xa0: {  	vm7 =	vlt.s32 v7, $0xC380  }
0xa1: {  	vm6 =	vlt.s32 v8, $0xC380  }
0xa2: {  	v14 =	vld [tilespmem:s10+$0x1C700];
	vm5 =	vlt.s32 v9, $0xC380  }
0xa3: {  	s0 =	sor.u32 $0xA0, s4;
	v15 =	vld [tilespmem:s7+$0x1C700]  }
0xa4: {  	s2 =	sor.u32 $0xB0, s4;
	p0 =	por !p0, !p0;
	v16 =	vld [tilespmem:s0+$0x1C700];
	s0 =	simm.s32 $0x1  }
0xa5: {  	v17 =	vld [tilespmem:s2+$0x1C700];
	s0 =	simm.s32 @!p0 $0x0  }
0xa6: {  	s1 =	sadd.s32 $0x80, s1;
	vm8 =	vlt.s32 v10, $0xC380;
	s0 =	sshll.u32 s0, $0x6;
	v7 =	vld.idx.msk [tilespmem:v7+s3+$0x0], vm7  }
0xa7: {  	s0 =	sadd.s32 s0, s1;
	v8 =	vld.idx.msk [tilespmem:v8+s3+$0x0], vm6  }
0xa8: {  	s1 =	sor.u32 $0x80, s0;
	v9 =	vld.idx.msk [tilespmem:v9+s3+$0x0], vm5  }
0xa9: {  	s29 =	sor.u32 $0x90, s0;
	v59 =	vld [tilespmem:s1+$0x1C700]  }
0xaa: {  	v3 =	vsub.f32 v15, v3;
	s31 =	sor.u32 $0xA0, s0;
	v60 =	vld [tilespmem:s29+$0x1C700]  }
0xab: {  	v12 =	vnsel vm3, $0x0, v12;
	v1 =	vadd.f32 v13, v1;
	v5 =	vsub.f32 v16, v5;
	v61 =	vld [tilespmem:s31+$0x1C700]  }
0xac: {  	vm1 =	vmmov vm1;
	vm0 =	vmmov vm0;
	s0 =	sor.u32 $0xB0, s0;
	v3 =	vmul.f32 v3, v3;
	v10 =	vld.idx.msk [tilespmem:v10+s3+$0x0], vm8  }
0xad: {  	v0 =	vadd.f32 v12, v0;
	v4 =	vsub.f32 v17, v4;
	v62 =	vld [tilespmem:s0+$0x1C700];
	v5 =	vmul.f32 v5, v5  }
0xae: {  	vm13 =	vmmov vm7;
	v11 =	vsub.f32 v14, v11;
	v3 =	vnsel vm4, $0x0, v3  }
0xaf: {  	v4 =	vmul.f32 v4, v4;
	v6 =	vadd.f32 v3, v6;
	v3 =	vnsel vm1, $0x0, v5  }
0xb0: {  	vm14 =	vmmov vm6;
	v11 =	vmul.f32 v11, v11;
	v1 =	vadd.f32 v3, v1  }
0xb1: {  	v3 =	vnsel vm0, $0x0, v4;
	v4 =	vsub.f32 v60, v7;
	v5 =	vsub.f32 v59, v10  }
0xb2: {  	v11 =	vnsel vm2, $0x0, v11;
	v7 =	vsub.f32 v61, v8;
	v8 =	vsub.f32 v62, v9  }
0xb3: {  	v63 =	vadd.f32 v3, v0;
	v0 =	vmul.f32 v4, v4;
	v5 =	vmul.f32 v5, v5  }
0xb4: {  	vm12 =	vmmov vm8;
	v2 =	vadd.f32 v11, v2;
	v4 =	vmul.f32 v7, v7  }
0xb5: {  	v0 =	vnsel vm13, $0x0, v0;
	v3 =	vnsel vm12, $0x0, v5;
	v5 =	vmul.f32 v8, v8  }
0xb6: {  	vm15 =	vmmov vm5;
	v6 =	vadd.f32 v0, v6;
	v0 =	vnsel vm14, $0x0, v4  }
0xb7: {  	s4 =	sadd.s32 $0x0, s9;
	v0 =	vadd.f32 v0, v1;
	v3 =	vadd.f32 v3, v2;
	v2 =	vnsel vm15, $0x0, v5  }
0xb8: {  	s2 =	simm.s32 $0x1C880;
	s0 =	simm.s32 $0x1C780;
	s1 =	simm.s32 $0x80;
	v1 =	vadd.f32 v2, v63  }
.LBB2_12:
0xb9: {  	[tilespmem:s0], [sflag:$0x5] =	stream.linear.gather [hbm4b:s4+s3], $0x80, $0x38;
	[tilespmem:$0x1E780] =	vst v63  }
0xba: {  	s4 =	smov.u32 s1;
	s0 =	smov.u32 s2;
	p0 =	sne.s32 s1, $0xF80  }
.Ltmp5:
0xbb: {  	s1 =	sadd.s32 $0x80, s1;
	(pc) =	sbr.rel @p0 .LBB2_12-.Ltmp5, $2  }
0xbc: {  	_ =	sdelay $0x2  }
0xbd: {  	s2 =	sadd.s32 $0x100, s2;
	s4 =	sadd.s32 s4, s9  }
0xbe: {  	[tilespmem:s0], [sflag:$0x5] =	stream.linear.gather [hbm4b:s4+s3], $0x80, $0x38;
	[tilespmem:$0x1E780] =	vst v63  }
0xbf: {  	_ =	swait.ge [sflag:s24], $0x1000  }
0xc0: {  	[sflag:s24] =	ssyncset.done $0x0  }
0xc1: {  	s17 =	simm.s32 $0x1A730;
	s31 =	simm.s32 $0x0;
	[sflag:s24] =	ssyncadd.s32 $0xFFFFF000  }
0xc2: {  	s18 =	sand.u32 $0xFC0, s31;
	v5 =	vld [tilespmem:s17+$0x0]  }
0xc3: {  	v7 =	vld [tilespmem:s18+$0x1A700]  }
0xc4: {  	v2 =	vld [tilespmem:s17+$0xFFFFFFE0]  }
0xc5: {  	s19 =	simm.s32 $0x1A770;
	v4 =	vld [tilespmem:s17+$0xFFFFFFF0]  }
0xc6: {  	v10 =	vld [tilespmem:s19+$0xFFFFFFE0]  }
0xc7: {  	s20 =	simm.s32 $0x40;
	v11 =	vld [tilespmem:s19+$0xFFFFFFF0];
	vm2 =	vlt.s32 v5, $0xC380  }
0xc8: {  	s22 =	sand.u32 $0xFC0, s20;
	s28 =	sand.u32 $0x40, s31;
	s1 =	sand.u32 $0x1F00, s31;
	v12 =	vld [tilespmem:s19+$0x0];
	vm6 =	vlt.s32 v7, $0xC380  }
0xc9: {  	s0 =	sor.u32 s28, s1;
	v14 =	vld [tilespmem:s22+$0x1A700];
	vm5 =	vlt.s32 v2, $0xC380  }
0xca: {  	s1 =	sadd.s32 $0x1C700, s0;
	v9 =	vld [tilespmem:s0+$0x1C700];
	vm3 =	vlt.s32 v4, $0xC380  }
0xcb: {  	v15 =	vld [tilespmem:s1+$0x10]  }
0xcc: {  	v16 =	vld [tilespmem:s1+$0x20]  }
0xcd: {  	v13 =	vld.idx.msk [tilespmem:v5+s31+$0x0], vm2  }
0xce: {  	v5 =	vld.idx.msk [tilespmem:v7+s31+$0x0], vm6  }
0xcf: {  	vm4 =	vlt.s32 v10, $0xC380;
	v2 =	vld.idx.msk [tilespmem:v2+s31+$0x0], vm5  }
0xd0: {  	vm1 =	vlt.s32 v11, $0xC380;
	v4 =	vld.idx.msk [tilespmem:v4+s31+$0x0], vm3  }
0xd1: {  	s0 =	simm.s32 $0x1A7B0;
	v17 =	vld [tilespmem:s1+$0x30];
	vm0 =	vlt.s32 v12, $0xC380  }
0xd2: {  	v8 =	vld [tilespmem:s0+$0xFFFFFFF0]  }
0xd3: {  	vm7 =	vlt.s32 v14, $0xC380;
	v7 =	vld [tilespmem:s0+$0xFFFFFFE0];
	v18 =	vsub.f32 v9, v5  }
0xd4: {  	vm8 =	vmmov vm3;
	vm6 =	vmmov vm6;
	v9 =	vld [tilespmem:s0+$0x0];
	v15 =	vsub.f32 v15, v2  }
0xd5: {  	vm5 =	vmmov vm5;
	v5 =	vld.idx.msk [tilespmem:v10+s31+$0x0], vm4;
	v16 =	vsub.f32 v16, v4;
	v10 =	vmul.f32 v18, v18  }
0xd6: {  	s1 =	simm.s32 $0x80;
	vm3 =	vmmov vm2;
	v2 =	vld.idx.msk [tilespmem:v11+s31+$0x0], vm1;
	v13 =	vsub.f32 v17, v13;
	v11 =	vmul.f32 v15, v15  }
0xd7: {  	s2 =	simm.s32 $0x80;
	s7 =	sand.u32 $0xFC0, s1;
	vm2 =	vmmov vm7;
	v4 =	vld.idx.msk [tilespmem:v12+s31+$0x0], vm0;
	v15 =	vmul.f32 v16, v16;
	v12 =	vnsel vm6, $0x0, v10  }
0xd8: {  	s29 =	sand.u32 $0x40, s20;
	s10 =	sand.u32 $0x1F00, s2;
	v10 =	vld [tilespmem:s7+$0x1A700];
	v63 =	vnsel vm5, $0x0, v11;
	v3 =	vadd.f32 v12, v3;
	v12 =	vmul.f32 v13, v13  }
0xd9: {  	s4 =	simm.s32 $0xC0;
	vm4 =	vmmov vm4;
	s7 =	sor.u32 s29, s10;
	v11 =	vld.idx.msk [tilespmem:v14+s31+$0x0], vm7;
	v6 =	vadd.f32 v63, v6;
	v13 =	vnsel vm8, $0x0, v15  }
.LBB2_14:
0xda: {  	p0 =	sne.s32 s4, $0xFC0;
	s10 =	sadd.s32 $0x1C700, s7;
	v14 =	vld [tilespmem:s7+$0x1C700];
	v0 =	vadd.f32 v13, v0;
	v12 =	vnsel vm3, $0x0, v12;
	vm5 =	vmmov vm1  }
0xdb: {  	vm6 =	vlt.s32 v7, $0xC380;
	vm3 =	vmmov vm0;
	v13 =	vld [tilespmem:s10+$0x10];
	v1 =	vadd.f32 v12, v1  }
0xdc: {  	vm1 =	vlt.s32 v8, $0xC380;
	v12 =	vld [tilespmem:s10+$0x20]  }
0xdd: {  	vm0 =	vlt.s32 v9, $0xC380;
	s0 =	sadd.s32 $0x40, s0;
	v15 =	vld [tilespmem:s10+$0x30];
	v16 =	vmov v10  }
0xde: {  	v10 =	vld [tilespmem:s0+$0xFFFFFFE0]  }
0xdf: {  	vm7 =	vlt.s32 v16, $0xC380;
	v17 =	vld [tilespmem:s0+$0xFFFFFFF0];
	v11 =	vsub.f32 v14, v11  }
0xe0: {  	v14 =	vld [tilespmem:s0+$0x0];
	v13 =	vsub.f32 v13, v5  }
.Ltmp6:
0xe1: {  	v5 =	vld.idx.msk [tilespmem:v7+s31+$0x0], vm6;
	v18 =	vmul.f32 v11, v11;
	v11 =	vsub.f32 v12, v2;
	(pc) =	sbr.rel @p0 .LBB2_14-.Ltmp6, $4  }
0xe2: {  	v2 =	vld.idx.msk [tilespmem:v8+s31+$0x0], vm1;
	v19 =	vmul.f32 v13, v13;
	v12 =	vsub.f32 v15, v4  }
0xe3: {  	s7 =	sand.u32 $0xFC0, s4;
	s2 =	sadd.s32 $0x80, s2;
	v4 =	vld.idx.msk [tilespmem:v9+s31+$0x0], vm0;
	v18 =	vnsel vm2, $0x0, v18;
	v13 =	vmul.f32 v11, v11;
	v7 =	vmovc v10;
	vm2 =	vmmov vm7  }
0xe4: {  	s10 =	sand.u32 $0x1F00, s2;
	v10 =	vld [tilespmem:s7+$0x1A700];
	s7 =	sand.u32 $0x40, s1;
	v3 =	vadd.f32 v18, v3;
	v15 =	vnsel vm4, $0x0, v19;
	v12 =	vmul.f32 v12, v12;
	v8 =	vmovc v17;
	s1 =	smov.u32 s4  }
0xe5: {  	s4 =	sadd.s32 $0x40, s4;
	vm4 =	vmmov vm6;
	s7 =	sor.u32 s7, s10;
	v11 =	vld.idx.msk [tilespmem:v16+s31+$0x0], vm7;
	v6 =	vadd.f32 v15, v6;
	v13 =	vnsel vm5, $0x0, v13;
	v9 =	vmovc v14  }
0xe6: {  	s0 =	sadd.s32 $0x1C700, s7  }
0xe7: {  	v15 =	vld [tilespmem:s0+$0x10]  }
0xe8: {  	s29 =	sadd.s32 $0x80, s2;
	v16 =	vld [tilespmem:s0+$0x20]  }
0xe9: {  	s1 =	sand.u32 $0x40, s1;
	v17 =	vld [tilespmem:s0+$0x30];
	s0 =	sand.u32 $0x1F00, s29;
	vm8 =	vlt.s32 v10, $0xC380  }
0xea: {  	vm7 =	vlt.s32 v7, $0xC380;
	v14 =	vld [tilespmem:s7+$0x1C700];
	s0 =	sor.u32 s1, s0  }
0xeb: {  	vm6 =	vlt.s32 v8, $0xC380;
	s1 =	sadd.s32 $0x1C700, s0;
	v60 =	vld [tilespmem:s0+$0x1C700]  }
0xec: {  	vm5 =	vlt.s32 v9, $0xC380;
	v61 =	vld [tilespmem:s1+$0x10]  }
0xed: {  	v62 =	vld [tilespmem:s1+$0x20]  }
0xee: {  	v12 =	vnsel vm3, $0x0, v12;
	v0 =	vadd.f32 v13, v0;
	v63 =	vld [tilespmem:s1+$0x30]  }
0xef: {  	vm1 =	vmmov vm1;
	vm0 =	vmmov vm0;
	v5 =	vsub.f32 v15, v5;
	v10 =	vld.idx.msk [tilespmem:v10+s31+$0x0], vm8  }
0xf0: {  	v1 =	vadd.f32 v12, v1;
	vm13 =	vmmov vm7;
	v7 =	vld.idx.msk [tilespmem:v7+s31+$0x0], vm7;
	v2 =	vsub.f32 v16, v2  }
0xf1: {  	v11 =	vsub.f32 v14, v11;
	v8 =	vld.idx.msk [tilespmem:v8+s31+$0x0], vm6;
	v4 =	vsub.f32 v17, v4;
	v5 =	vmul.f32 v5, v5  }
0xf2: {  	vm14 =	vmmov vm6;
	vm12 =	vmmov vm8;
	v9 =	vld.idx.msk [tilespmem:v9+s31+$0x0], vm5;
	v2 =	vmul.f32 v2, v2  }
0xf3: {  	v11 =	vmul.f32 v11, v11;
	v4 =	vmul.f32 v4, v4;
	v5 =	vnsel vm4, $0x0, v5  }
0xf4: {  	v2 =	vnsel vm1, $0x0, v2;
	v5 =	vadd.f32 v5, v6;
	v6 =	vsub.f32 v60, v10  }
0xf5: {  	v0 =	vadd.f32 v2, v0;
	v2 =	vnsel vm0, $0x0, v4;
	v4 =	vsub.f32 v61, v7  }
0xf6: {  	v11 =	vnsel vm2, $0x0, v11;
	v7 =	vsub.f32 v62, v8;
	v6 =	vmul.f32 v6, v6  }
0xf7: {  	v3 =	vadd.f32 v11, v3;
	v8 =	vsub.f32 v63, v9;
	v4 =	vmul.f32 v4, v4  }
0xf8: {  	v1 =	vadd.f32 v2, v1;
	v7 =	vmul.f32 v7, v7;
	v2 =	vnsel vm12, $0x0, v6  }
0xf9: {  	v8 =	vmul.f32 v8, v8;
	v2 =	vadd.f32 v2, v3;
	v3 =	vnsel vm13, $0x0, v4  }
0xfa: {  	vm15 =	vmmov vm5;
	v6 =	vadd.f32 v3, v5;
	v3 =	vnsel vm14, $0x0, v7  }
0xfb: {  	s4 =	sadd.s32 $0x0, s5;
	v4 =	vnsel vm15, $0x0, v8;
	v0 =	vadd.f32 v3, v0  }
0xfc: {  	s2 =	simm.s32 $0x1C800;
	s0 =	simm.s32 $0x1C700;
	s1 =	simm.s32 $0x80;
	v1 =	vadd.f32 v4, v1  }
.LBB2_16:
0xfd: {  	[tilespmem:s0], [sflag:$0x4] =	stream.linear.gather [hbm4b:s4+s3], $0x80, $0x38;
	[tilespmem:$0x1E780] =	vst v63  }
0xfe: {  	s4 =	smov.u32 s1;
	s0 =	smov.u32 s2;
	p0 =	sne.s32 s1, $0xF80  }
.Ltmp7:
0xff: {  	s1 =	sadd.s32 $0x80, s1;
	(pc) =	sbr.rel @p0 .LBB2_16-.Ltmp7, $2  }
0x100: {  	_ =	sdelay $0x2  }
0x101: {  	s2 =	sadd.s32 $0x100, s2;
	s4 =	sadd.s32 s4, s5  }
0x102: {  	[tilespmem:s0], [sflag:$0x4] =	stream.linear.gather [hbm4b:s4+s3], $0x80, $0x38;
	[tilespmem:$0x1E780] =	vst v63  }
0x103: {  	_ =	swait.ge [sflag:s25], $0x1000  }
0x104: {  	[sflag:s25] =	ssyncset.done $0x0  }
0x105: {  	s16 =	simm.s32 $0x1B730;
	s31 =	simm.s32 $0x0;
	[sflag:s25] =	ssyncadd.s32 $0xFFFFF000  }
0x106: {  	s17 =	sand.u32 $0xFC0, s31;
	v5 =	vld [tilespmem:s16+$0x0]  }
0x107: {  	v7 =	vld [tilespmem:s17+$0x1B700]  }
0x108: {  	v3 =	vld [tilespmem:s16+$0xFFFFFFE0]  }
0x109: {  	s18 =	simm.s32 $0x1B770;
	p0 =	por $0x0, $0x0;
	s0 =	simm.s32 $0x1;
	v4 =	vld [tilespmem:s16+$0xFFFFFFF0]  }
0x10a: {  	s0 =	simm.s32 @!p0 $0x0;
	v10 =	vld [tilespmem:s18+$0xFFFFFFE0]  }
0x10b: {  	s1 =	simm.s32 $0x40;
	s0 =	sshll.u32 s0, $0x6;
	v11 =	vld [tilespmem:s18+$0xFFFFFFF0];
	vm2 =	vlt.s32 v5, $0xC380  }
0x10c: {  	s1 =	sand.u32 $0xFC0, s1;
	s0 =	sadd.s32 $0x0, s0;
	v12 =	vld [tilespmem:s18+$0x0];
	vm6 =	vlt.s32 v7, $0xC380  }
0x10d: {  	v14 =	vld [tilespmem:s1+$0x1B700];
	s19 =	sor.u32 $0x80, s0;
	vm5 =	vlt.s32 v3, $0xC380  }
0x10e: {  	s2 =	sor.u32 $0x90, s0;
	v9 =	vld [tilespmem:s19+$0x1C700];
	vm3 =	vlt.s32 v4, $0xC380  }
0x10f: {  	s20 =	sor.u32 $0xA0, s0;
	v15 =	vld [tilespmem:s2+$0x1C700]  }
0x110: {  	v16 =	vld [tilespmem:s20+$0x1C700]  }
0x111: {  	v13 =	vld.idx.msk [tilespmem:v5+s31+$0x0], vm2  }
0x112: {  	v5 =	vld.idx.msk [tilespmem:v7+s31+$0x0], vm6  }
0x113: {  	vm4 =	vlt.s32 v10, $0xC380;
	v3 =	vld.idx.msk [tilespmem:v3+s31+$0x0], vm5  }
0x114: {  	s22 =	sor.u32 $0xB0, s0;
	vm1 =	vlt.s32 v11, $0xC380;
	v4 =	vld.idx.msk [tilespmem:v4+s31+$0x0], vm3  }
0x115: {  	s0 =	simm.s32 $0x1B7B0;
	v17 =	vld [tilespmem:s22+$0x1C700];
	vm0 =	vlt.s32 v12, $0xC380  }
0x116: {  	v8 =	vld [tilespmem:s0+$0xFFFFFFF0]  }
0x117: {  	vm7 =	vlt.s32 v14, $0xC380;
	v7 =	vld [tilespmem:s0+$0xFFFFFFE0];
	v5 =	vsub.f32 v9, v5  }
0x118: {  	vm8 =	vmmov vm3;
	vm6 =	vmmov vm6;
	v9 =	vld [tilespmem:s0+$0x0];
	v15 =	vsub.f32 v15, v3  }
0x119: {  	p0 =	por !p0, !p0;
	s1 =	simm.s32 $0x1;
	vm5 =	vmmov vm5;
	v3 =	vld.idx.msk [tilespmem:v10+s31+$0x0], vm4;
	v16 =	vsub.f32 v16, v4;
	v10 =	vmul.f32 v5, v5  }
0x11a: {  	s28 =	simm.s32 $0x80;
	s1 =	simm.s32 @!p0 $0x0;
	vm3 =	vmmov vm2;
	v13 =	vsub.f32 v17, v13;
	v5 =	vld.idx.msk [tilespmem:v11+s31+$0x0], vm1;
	v11 =	vmul.f32 v15, v15  }
0x11b: {  	s2 =	sand.u32 $0xFC0, s28;
	s29 =	sshll.u32 s1, $0x6;
	vm2 =	vmmov vm7;
	v4 =	vld.idx.msk [tilespmem:v12+s31+$0x0], vm0;
	v15 =	vmul.f32 v16, v16;
	v12 =	vnsel vm6, $0x0, v10  }
0x11c: {  	s1 =	simm.s32 $0x80;
	s4 =	sadd.s32 $0x80, s29;
	v10 =	vld [tilespmem:s2+$0x1B700];
	v63 =	vnsel vm5, $0x0, v11;
	v2 =	vadd.f32 v12, v2;
	v12 =	vmul.f32 v13, v13  }
0x11d: {  	s10 =	sor.u32 $0x80, s4;
	s7 =	sor.u32 $0x90, s4;
	vm4 =	vmmov vm4;
	s2 =	simm.s32 $0xC0;
	v11 =	vld.idx.msk [tilespmem:v14+s31+$0x0], vm7;
	v6 =	vadd.f32 v63, v6;
	v13 =	vnsel vm8, $0x0, v15  }
.LBB2_18:
0x11e: {  	p1 =	sne.s32 s2, $0xFC0;
	v14 =	vld [tilespmem:s10+$0x1C700];
	s10 =	sor.u32 $0xA0, s4;
	s4 =	sor.u32 $0xB0, s4;
	v0 =	vadd.f32 v13, v0;
	v12 =	vnsel vm3, $0x0, v12;
	vm5 =	vmmov vm1  }
0x11f: {  	vm6 =	vlt.s32 v7, $0xC380;
	vm3 =	vmmov vm0;
	v13 =	vld [tilespmem:s7+$0x1C700];
	v1 =	vadd.f32 v12, v1  }
0x120: {  	vm1 =	vlt.s32 v8, $0xC380;
	v12 =	vld [tilespmem:s10+$0x1C700]  }
0x121: {  	vm0 =	vlt.s32 v9, $0xC380;
	s0 =	sadd.s32 $0x40, s0;
	v15 =	vld [tilespmem:s4+$0x1C700];
	v16 =	vmov v10  }
0x122: {  	v10 =	vld [tilespmem:s0+$0xFFFFFFE0]  }
0x123: {  	vm7 =	vlt.s32 v16, $0xC380;
	v17 =	vld [tilespmem:s0+$0xFFFFFFF0];
	v11 =	vsub.f32 v14, v11  }
0x124: {  	v14 =	vld [tilespmem:s0+$0x0];
	v13 =	vsub.f32 v13, v3  }
.Ltmp8:
0x125: {  	p0 =	por !p0, !p0;
	s4 =	simm.s32 $0x1;
	v3 =	vld.idx.msk [tilespmem:v7+s31+$0x0], vm6;
	v18 =	vmul.f32 v11, v11;
	v11 =	vsub.f32 v12, v5;
	(pc) =	sbr.rel @p1 .LBB2_18-.Ltmp8, $4  }
0x126: {  	s4 =	simm.s32 @!p0 $0x0;
	v5 =	vld.idx.msk [tilespmem:v8+s31+$0x0], vm1;
	v19 =	vmul.f32 v13, v13;
	v12 =	vsub.f32 v15, v4  }
0x127: {  	s1 =	sadd.s32 $0x80, s1;
	s7 =	sand.u32 $0xFC0, s2;
	s4 =	sshll.u32 s4, $0x6;
	v4 =	vld.idx.msk [tilespmem:v9+s31+$0x0], vm0;
	v18 =	vnsel vm2, $0x0, v18;
	v13 =	vmul.f32 v11, v11;
	v7 =	vmovc v10;
	vm2 =	vmmov vm7  }
0x128: {  	s4 =	sadd.s32 s4, s1;
	v10 =	vld [tilespmem:s7+$0x1B700];
	v2 =	vadd.f32 v18, v2;
	v15 =	vnsel vm4, $0x0, v19;
	v12 =	vmul.f32 v12, v12;
	v8 =	vmovc v17  }
0x129: {  	s2 =	sadd.s32 $0x40, s2;
	s10 =	sor.u32 $0x80, s4;
	s7 =	sor.u32 $0x90, s4;
	vm4 =	vmmov vm6;
	v11 =	vld.idx.msk [tilespmem:v16+s31+$0x0], vm7;
	v6 =	vadd.f32 v15, v6;
	v13 =	vnsel vm5, $0x0, v13;
	v9 =	vmovc v14  }
0x12a: {  	vm7 =	vlt.s32 v7, $0xC380  }
0x12b: {  	vm6 =	vlt.s32 v8, $0xC380  }
0x12c: {  	v14 =	vld [tilespmem:s10+$0x1C700];
	vm5 =	vlt.s32 v9, $0xC380  }
0x12d: {  	s0 =	sor.u32 $0xA0, s4;
	v15 =	vld [tilespmem:s7+$0x1C700]  }
0x12e: {  	s2 =	sor.u32 $0xB0, s4;
	p0 =	por !p0, !p0;
	v16 =	vld [tilespmem:s0+$0x1C700];
	s0 =	simm.s32 $0x1  }
0x12f: {  	v17 =	vld [tilespmem:s2+$0x1C700];
	s0 =	simm.s32 @!p0 $0x0;
	vm8 =	vlt.s32 v10, $0xC380  }
0x130: {  	s1 =	sadd.s32 $0x80, s1;
	s0 =	sshll.u32 s0, $0x6;
	v7 =	vld.idx.msk [tilespmem:v7+s31+$0x0], vm7  }
0x131: {  	s0 =	sadd.s32 s0, s1;
	v8 =	vld.idx.msk [tilespmem:v8+s31+$0x0], vm6  }
0x132: {  	s1 =	sor.u32 $0x80, s0;
	v9 =	vld.idx.msk [tilespmem:v9+s31+$0x0], vm5  }
0x133: {  	v12 =	vnsel vm3, $0x0, v12;
	s29 =	sor.u32 $0x90, s0;
	v55 =	vld [tilespmem:s1+$0x1C700]  }
0x134: {  	v0 =	vadd.f32 v13, v0;
	vm1 =	vmmov vm1;
	v1 =	vadd.f32 v12, v1;
	v56 =	vld [tilespmem:s29+$0x1C700]  }
0x135: {  	vm0 =	vmmov vm0;
	v11 =	vsub.f32 v14, v11;
	v5 =	vsub.f32 v16, v5;
	v10 =	vld.idx.msk [tilespmem:v10+s31+$0x0], vm8;
	s31 =	sor.u32 $0xA0, s0;
	s0 =	sor.u32 $0xB0, s0  }
0x136: {  	vm13 =	vmmov vm7;
	vm14 =	vmmov vm6;
	v4 =	vsub.f32 v17, v4;
	v58 =	vld [tilespmem:s0+$0x1C700]  }
0x137: {  	v3 =	vsub.f32 v15, v3;
	v11 =	vmul.f32 v11, v11;
	v5 =	vmul.f32 v5, v5;
	v57 =	vld [tilespmem:s31+$0x1C700]  }
0x138: {  	vm15 =	vmmov vm5;
	vm12 =	vmmov vm8;
	v4 =	vmul.f32 v4, v4  }
0x139: {  	v3 =	vmul.f32 v3, v3;
	v11 =	vnsel vm2, $0x0, v11;
	v5 =	vnsel vm1, $0x0, v5  }
0x13a: {  	v5 =	vadd.f32 v5, v0;
	v0 =	vnsel vm0, $0x0, v4;
	v4 =	vsub.f32 v56, v7  }
0x13b: {  	v3 =	vnsel vm4, $0x0, v3;
	v59 =	vsub.f32 v55, v10;
	v61 =	vsub.f32 v58, v9  }
0x13c: {  	v62 =	vadd.f32 v0, v1;
	v1 =	vmul.f32 v4, v4;
	v60 =	vsub.f32 v57, v8  }
0x13d: {  	v3 =	vadd.f32 v3, v6;
	v6 =	vmul.f32 v59, v59;
	v63 =	vmul.f32 v61, v61  }
0x13e: {  	v2 =	vadd.f32 v11, v2;
	v1 =	vnsel vm13, $0x0, v1;
	v4 =	vmul.f32 v60, v60  }
0x13f: {  	v1 =	vadd.f32 v1, v3;
	v0 =	vnsel vm12, $0x0, v6;
	v3 =	vnsel vm15, $0x0, v63  }
0x140: {  	s4 =	sadd.s32 $0x0, s6;
	v0 =	vadd.f32 v0, v2;
	v2 =	vnsel vm14, $0x0, v4;
	v3 =	vadd.f32 v3, v62  }
0x141: {  	s2 =	simm.s32 $0x1C880;
	s1 =	simm.s32 $0x80;
	s0 =	simm.s32 $0x1C780;
	v2 =	vadd.f32 v2, v5  }
.LBB2_20:
0x142: {  	[tilespmem:s0], [sflag:$0x5] =	stream.linear.gather [hbm4b:s4+s3], $0x80, $0x38;
	[tilespmem:$0x1E780] =	vst v63  }
0x143: {  	s4 =	smov.u32 s1;
	s0 =	smov.u32 s2;
	p0 =	sne.s32 s1, $0xF80  }
.Ltmp9:
0x144: {  	s1 =	sadd.s32 $0x80, s1;
	(pc) =	sbr.rel @p0 .LBB2_20-.Ltmp9, $2  }
0x145: {  	_ =	sdelay $0x2  }
0x146: {  	s2 =	sadd.s32 $0x100, s2;
	s4 =	sadd.s32 s4, s6  }
0x147: {  	[tilespmem:s0], [sflag:$0x5] =	stream.linear.gather [hbm4b:s4+s3], $0x80, $0x38;
	[tilespmem:$0x1E780] =	vst v63  }
0x148: {  	s29 =	simm.s32 $0x0;
	s1 =	rddreg [dreg:$0x7];
	s2 =	simm.s32 $0x400  }
0x149: {  	[tilespmem:s29], [sflag:$0x1] =	stream.strided.gather [hbm4b:s1+s23], $0xC380, s2, s23, $0x38;
	[tilespmem:$0x1E780] =	vst v63  }
0x14a: {  	_ =	swait.ge [sflag:s26], $0xC380  }
0x14b: {  	[sflag:s26] =	ssyncset.done $0x0  }
0x14c: {  	[sflag:s26] =	ssyncadd.s32 $0xFFFF3C80  }
0x14d: {  	s16 =	simm.s32 $0x18700;
	_ =	swait.ge [sflag:s24], $0x1000  }
0x14e: {  	s4 =	sand.u32 $0x40, s29;
	s17 =	sand.u32 $0xF80, s29;
	[sflag:s24] =	ssyncset.done $0x0  }
0x14f: {  	s18 =	sadd.s32 $0x18700, s17;
	s7 =	sor.u32 $0x30, s4;
	[sflag:s24] =	ssyncadd.s32 $0xFFFFF000  }
0x150: {  	s2 =	sor.u32 s7, s18;
	v4 =	vld [tilespmem:s16+$0x0]  }
0x151: {  	v5 =	vld [tilespmem:s2+$0x0]  }
0x152: {  	s10 =	sor.u32 $0x10, s4  }
0x153: {  	s13 =	sor.u32 $0x20, s4;
	s19 =	sor.u32 s10, s18  }
0x154: {  	s0 =	sand.u32 $0x1F00, s29;
	s1 =	sor.u32 s13, s18;
	v6 =	vld [tilespmem:s19+$0x0]  }
0x155: {  	s20 =	simm.s32 $0x40;
	s29 =	sadd.s32 $0x1C700, s0;
	v7 =	vld [tilespmem:s1+$0x0];
	vm1 =	vgt.s32 v4, $0xC37F  }
0x156: {  	s7 =	sor.u32 s7, s29;
	s2 =	sand.u32 $0x40, s20;
	s1 =	sand.u32 $0xF80, s20;
	v4 =	vadd.s32 $0xFFFF3C80, v4;
	vm4 =	vgt.s32 v5, $0xC37F  }
0x157: {  	s16 =	simm.s32 $0x18740;
	v12 =	vld [tilespmem:s7+$0x0];
	s1 =	sadd.s32 $0x18700, s1;
	s20 =	sor.u32 $0x30, s2;
	v8 =	vadd.s32 $0xFFFF3C80, v5  }
0x158: {  	v9 =	vld [tilespmem:s16+$0x0];
	s0 =	sor.u32 $0x10, s2;
	s22 =	sor.u32 s20, s1  }
0x159: {  	s17 =	sor.u32 s0, s1;
	v11 =	vld [tilespmem:s22+$0x0];
	vm0 =	vgt.s32 v6, $0xC37F  }
0x15a: {  	v13 =	vld [tilespmem:s17+$0x0];
	vm3 =	vgt.s32 v7, $0xC37F;
	vm2 =	vmmov vm0  }
0x15b: {  	s31 =	sor.u32 $0x20, s2;
	vm3 =	vmmov vm3;
	v5 =	vld.idx.msk [tilespmem:v4+s21+$0x0], vm1;
	v4 =	vadd.s32 $0xFFFF3C80, v6  }
0x15c: {  	s1 =	sor.u32 s31, s1;
	v7 =	vadd.s32 $0xFFFF3C80, v7;
	v8 =	vld.idx.msk [tilespmem:v8+s21+$0x0], vm4  }
0x15d: {  	v15 =	vld [tilespmem:s1+$0x0]  }
0x15e: {  	s17 =	sor.u32 s4, s29  }
0x15f: {  	v10 =	vld [tilespmem:s17+$0x0];
	vm0 =	vgt.s32 v9, $0xC37F  }
0x160: {  	v16 =	vadd.s32 $0xFFFF3C80, v9;
	vm6 =	vmmov vm2;
	v6 =	vld.idx.msk [tilespmem:v4+s21+$0x0], vm2  }
0x161: {  	s18 =	sor.u32 s10, s29;
	vm7 =	vgt.s32 v11, $0xC37F;
	vm5 =	vgt.s32 v13, $0xC37F;
	v4 =	vld.idx.msk [tilespmem:v7+s21+$0x0], vm3;
	v7 =	vsub.f32 v12, v8  }
0x162: {  	s19 =	simm.s32 $0x80;
	s22 =	sor.u32 s13, s29;
	v14 =	vadd.s32 $0xFFFF3C80, v11;
	v11 =	vld [tilespmem:s18+$0x0];
	vm8 =	vgt.s32 v15, $0xC37F;
	v9 =	vadd.s32 $0xFFFF3C80, v15  }
0x163: {  	s7 =	simm.s32 $0x18780;
	s1 =	sand.u32 $0x40, s19;
	s29 =	sand.u32 $0xF80, s19;
	vm4 =	vmmov vm4;
	vm1 =	vmmov vm1;
	v12 =	vld [tilespmem:s22+$0x0];
	v15 =	vmul.f32 v7, v7  }
0x164: {  	s28 =	simm.s32 $0x80;
	s13 =	sadd.s32 $0x18700, s29;
	s4 =	sor.u32 $0x30, s1;
	v8 =	vadd.s32 $0xFFFF3C80, v13;
	v13 =	vld [tilespmem:s7+$0x0];
	vm2 =	vmmov vm5;
	vm5 =	vmmov vm3  }
0x165: {  	s10 =	simm.s32 $0xC0;
	s16 =	sand.u32 $0x1F00, s28;
	s17 =	sor.u32 s4, s13;
	vm3 =	vmmov vm7;
	v7 =	vld.idx.msk [tilespmem:v16+s21+$0x0], vm0;
	v15 =	vnsel vm4, $0x0, v15;
	vm4 =	vmmov vm8  }
.LBB2_22:
0x166: {  	p0 =	sne.s32 s10, $0xFC0;
	s18 =	sor.u32 $0x10, s1;
	v16 =	vld [tilespmem:s17+$0x0];
	s16 =	sadd.s32 $0x1C700, s16;
	v5 =	vsub.f32 v10, v5;
	v3 =	vadd.f32 v15, v3  }
0x167: {  	s19 =	sor.u32 $0x20, s1;
	s17 =	sor.u32 s18, s13;
	s20 =	sor.u32 s20, s16;
	v14 =	vld.idx.msk [tilespmem:v14+s21+$0x0], vm7;
	v6 =	vsub.f32 v11, v6  }
0x168: {  	s13 =	sor.u32 s19, s13;
	s22 =	sor.u32 s2, s16;
	s29 =	sor.u32 s0, s16;
	v11 =	vld [tilespmem:s20+$0x0];
	v19 =	vmul.f32 v5, v5;
	v4 =	vsub.f32 v12, v4  }
0x169: {  	s16 =	sor.u32 s31, s16;
	s0 =	smov.u32 s18;
	s31 =	smov.u32 s19;
	v12 =	vld [tilespmem:s17+$0x0];
	v10 =	vmul.f32 v6, v6  }
0x16a: {  	s2 =	smov.u32 s1;
	s20 =	smov.u32 s4;
	v15 =	vld [tilespmem:s13+$0x0];
	v18 =	vnsel vm1, $0x0, v19;
	v17 =	vmul.f32 v4, v4;
	vm1 =	vmmov vm0  }
0x16b: {  	vm0 =	vgt.s32 v13, $0xC37F;
	v5 =	vmovc v7;
	v6 =	vld.idx.msk [tilespmem:v8+s21+$0x0], vm2;
	v0 =	vadd.f32 v18, v0;
	v8 =	vnsel vm6, $0x0, v10  }
0x16c: {  	v7 =	vadd.s32 $0xFFFF3C80, v13;
	v4 =	vld.idx.msk [tilespmem:v9+s21+$0x0], vm4;
	v1 =	vadd.f32 v8, v1;
	v8 =	vnsel vm5, $0x0, v17  }
.Ltmp10:
0x16d: {  	vm7 =	vgt.s32 v16, $0xC37F;
	v10 =	vld [tilespmem:s22+$0x0];
	v13 =	vsub.f32 v11, v14;
	v2 =	vadd.f32 v8, v2;
	(pc) =	sbr.rel @p0 .LBB2_22-.Ltmp10, $4  }
0x16e: {  	v14 =	vadd.s32 $0xFFFF3C80, v16;
	vm5 =	vgt.s32 v12, $0xC37F;
	v8 =	vadd.s32 $0xFFFF3C80, v12;
	v11 =	vld [tilespmem:s29+$0x0]  }
0x16f: {  	s7 =	sadd.s32 $0x40, s7;
	s1 =	sand.u32 $0x40, s10;
	s4 =	sand.u32 $0xF80, s10;
	vm8 =	vgt.s32 v15, $0xC37F;
	v9 =	vadd.s32 $0xFFFF3C80, v15;
	v12 =	vld [tilespmem:s16+$0x0];
	v15 =	vmul.f32 v13, v13  }
0x170: {  	s28 =	sadd.s32 $0x80, s28;
	s13 =	sadd.s32 $0x18700, s4;
	s4 =	sor.u32 $0x30, s1;
	vm6 =	vmmov vm2;
	vm2 =	vmmov vm5;
	vm5 =	vmmov vm4;
	v13 =	vld [tilespmem:s7+$0x0]  }
0x171: {  	s10 =	sadd.s32 $0x40, s10;
	s17 =	sor.u32 s4, s13;
	s16 =	sand.u32 $0x1F00, s28;
	vm4 =	vmmov vm8;
	v7 =	vld.idx.msk [tilespmem:v7+s21+$0x0], vm0;
	v15 =	vnsel vm3, $0x0, v15;
	vm3 =	vmmov vm7  }
0x172: {  	_ =	sdelay $0x3  }
0x173: {  	v16 =	vld [tilespmem:s17+$0x0]  }
0x174: {  	v14 =	vld.idx.msk [tilespmem:v14+s21+$0x0], vm7  }
0x175: {  	s7 =	sor.u32 $0x10, s1;
	v8 =	vld.idx.msk [tilespmem:v8+s21+$0x0], vm2  }
0x176: {  	s17 =	sor.u32 $0x20, s1;
	v9 =	vld.idx.msk [tilespmem:v9+s21+$0x0], vm4;
	s10 =	sor.u32 s7, s13  }
0x177: {  	s18 =	sadd.s32 $0x1C700, s16;
	s29 =	sor.u32 s17, s13;
	v17 =	vld [tilespmem:s10+$0x0]  }
0x178: {  	s19 =	sor.u32 s20, s18;
	v18 =	vld [tilespmem:s29+$0x0]  }
0x179: {  	v5 =	vsub.f32 v10, v5;
	s22 =	sadd.s32 $0x80, s28;
	v3 =	vadd.f32 v15, v3;
	s0 =	sor.u32 s0, s18;
	v19 =	vld [tilespmem:s19+$0x0]  }
0x17a: {  	s2 =	sor.u32 s2, s18;
	v6 =	vsub.f32 v11, v6;
	v58 =	vld [tilespmem:s0+$0x0];
	v4 =	vsub.f32 v12, v4;
	s0 =	sand.u32 $0x1F00, s22  }
0x17b: {  	s20 =	sor.u32 s31, s18;
	v56 =	vld [tilespmem:s2+$0x0];
	v5 =	vmul.f32 v5, v5;
	vm15 =	vgt.s32 v13, $0xC37F;
	v55 =	vadd.s32 $0xFFFF3C80, v13;
	s0 =	sadd.s32 $0x1C700, s0  }
0x17c: {  	v60 =	vld [tilespmem:s20+$0x0];
	v6 =	vmul.f32 v6, v6;
	s28 =	sor.u32 s4, s0;
	vm10 =	vgt.s32 v16, $0xC37F;
	vm8 =	vgt.s32 v17, $0xC37F  }
0x17d: {  	s31 =	sor.u32 s7, s0;
	v16 =	vadd.s32 $0xFFFF3C80, v16;
	v20 =	vld [tilespmem:s28+$0x0];
	vm9 =	vgt.s32 v18, $0xC37F;
	vm8 =	vmmov vm8  }
0x17e: {  	v4 =	vmul.f32 v4, v4;
	s29 =	sor.u32 s1, s0;
	s0 =	sor.u32 s17, s0;
	v61 =	vld [tilespmem:s31+$0x0];
	v57 =	vadd.s32 $0xFFFF3C80, v17;
	vm9 =	vmmov vm9  }
0x17f: {  	v6 =	vnsel vm6, $0x0, v6;
	v62 =	vld [tilespmem:s0+$0x0];
	v59 =	vadd.s32 $0xFFFF3C80, v18;
	v14 =	vsub.f32 v19, v14  }
0x180: {  	v4 =	vnsel vm5, $0x0, v4;
	v1 =	vadd.f32 v6, v1;
	v6 =	vsub.f32 v56, v7;
	v7 =	vld [tilespmem:s29+$0x0]  }
0x181: {  	vm0 =	vmmov vm0;
	v2 =	vadd.f32 v4, v2;
	v13 =	vld.idx.msk [tilespmem:v55+s21+$0x0], vm15;
	v4 =	vmul.f32 v14, v14  }
0x182: {  	vm11 =	vmmov vm4;
	v5 =	vnsel vm1, $0x0, v5;
	v8 =	vsub.f32 v58, v8;
	v16 =	vld.idx.msk [tilespmem:v16+s21+$0x0], vm10  }
0x183: {  	v9 =	vsub.f32 v60, v9;
	v6 =	vmul.f32 v6, v6;
	v4 =	vnsel vm3, $0x0, v4;
	v11 =	vld.idx.msk [tilespmem:v57+s21+$0x0], vm8  }
0x184: {  	v0 =	vadd.f32 v5, v0;
	v3 =	vadd.f32 v4, v3;
	v4 =	vmul.f32 v8, v8;
	v5 =	vld.idx.msk [tilespmem:v59+s21+$0x0], vm9  }
0x185: {  	vm6 =	vmmov vm2;
	v6 =	vnsel vm0, $0x0, v6;
	v8 =	vmul.f32 v9, v9  }
0x186: {  	v6 =	vadd.f32 v6, v0;
	v0 =	vnsel vm6, $0x0, v4;
	v7 =	vsub.f32 v7, v13  }
0x187: {  	v1 =	vadd.f32 v0, v1;
	v0 =	vnsel vm11, $0x0, v8;
	v4 =	vsub.f32 v20, v16  }
0x188: {  	vm13 =	vmmov vm15;
	v63 =	vadd.f32 v0, v2;
	v2 =	vmul.f32 v7, v7  }
0x189: {  	v4 =	vmul.f32 v4, v4;
	v8 =	vsub.f32 v61, v11;
	v5 =	vsub.f32 v62, v5  }
0x18a: {  	vm12 =	vmmov vm10;
	v2 =	vnsel vm13, $0x0, v2  }
0x18b: {  	v0 =	vnsel vm12, $0x0, v4;
	v4 =	vmul.f32 v8, v8;
	v5 =	vmul.f32 v5, v5  }
0x18c: {  	vm14 =	vmmov vm8;
	vm15 =	vmmov vm9;
	v2 =	vadd.f32 v2, v6  }
0x18d: {  	v0 =	vadd.f32 v0, v3;
	v3 =	vnsel vm14, $0x0, v4;
	v4 =	vnsel vm15, $0x0, v5  }
0x18e: {  	s2 =	simm.s32 $0x1C800;
	v6 =	vadd.f32 v3, v1;
	v1 =	vadd.f32 v4, v63  }
0x18f: {  	s1 =	simm.s32 $0x80;
	s4 =	sadd.s32 $0x0, s8;
	s0 =	simm.s32 $0x1C700  }
.LBB2_24:
0x190: {  	[tilespmem:s0], [sflag:$0x4] =	stream.linear.gather [hbm4b:s4+s3], $0x80, $0x38;
	[tilespmem:$0x1E780] =	vst v63  }
0x191: {  	s4 =	smov.u32 s1;
	s0 =	smov.u32 s2;
	p0 =	sne.s32 s1, $0xF80  }
.Ltmp11:
0x192: {  	s1 =	sadd.s32 $0x80, s1;
	(pc) =	sbr.rel @p0 .LBB2_24-.Ltmp11, $2  }
0x193: {  	_ =	sdelay $0x2  }
0x194: {  	s2 =	sadd.s32 $0x100, s2;
	s4 =	sadd.s32 s4, s8  }
0x195: {  	[tilespmem:s0], [sflag:$0x4] =	stream.linear.gather [hbm4b:s4+s3], $0x80, $0x38;
	[tilespmem:$0x1E780] =	vst v63  }
0x196: {  	_ =	swait.ge [sflag:s25], $0x1000  }
0x197: {  	[sflag:s25] =	ssyncset.done $0x0  }
0x198: {  	s16 =	simm.s32 $0x19730;
	[sflag:s25] =	ssyncadd.s32 $0xFFFFF000  }
0x199: {  	s1 =	simm.s32 $0x0;
	v5 =	vld [tilespmem:s16+$0x0]  }
0x19a: {  	s17 =	sand.u32 $0xFC0, s1  }
0x19b: {  	v7 =	vld [tilespmem:s17+$0x19700]  }
0x19c: {  	p0 =	por $0x0, $0x0;
	s0 =	simm.s32 $0x1;
	v3 =	vld [tilespmem:s16+$0xFFFFFFE0]  }
0x19d: {  	s18 =	simm.s32 $0x19770;
	s0 =	simm.s32 @!p0 $0x0;
	v4 =	vld [tilespmem:s16+$0xFFFFFFF0]  }
0x19e: {  	s0 =	sshll.u32 s0, $0x6;
	v8 =	vld [tilespmem:s18+$0xFFFFFFE0];
	vm2 =	vgt.s32 v5, $0xC37F  }
0x19f: {  	s0 =	sadd.s32 $0x0, s0;
	v9 =	vld [tilespmem:s18+$0xFFFFFFF0];
	v5 =	vadd.s32 $0xFFFF3C80, v5  }
0x1a0: {  	v10 =	vld [tilespmem:s18+$0x0];
	s20 =	sor.u32 $0x80, s0;
	vm6 =	vgt.s32 v7, $0xC37F  }
0x1a1: {  	s2 =	sor.u32 $0x90, s0;
	v12 =	vld [tilespmem:s20+$0x1C700];
	vm5 =	vgt.s32 v3, $0xC37F;
	v7 =	vadd.s32 $0xFFFF3C80, v7  }
0x1a2: {  	s22 =	sor.u32 $0xA0, s0;
	v13 =	vld [tilespmem:s2+$0x1C700];
	v3 =	vadd.s32 $0xFFFF3C80, v3;
	vm3 =	vgt.s32 v4, $0xC37F  }
0x1a3: {  	s19 =	simm.s32 $0x40;
	v15 =	vld [tilespmem:s22+$0x1C700];
	v4 =	vadd.s32 $0xFFFF3C80, v4  }
0x1a4: {  	s1 =	sand.u32 $0xFC0, s19;
	v11 =	vld.idx.msk [tilespmem:v5+s21+$0x0], vm2  }
0x1a5: {  	v5 =	vld [tilespmem:s1+$0x19700]  }
0x1a6: {  	v7 =	vld.idx.msk [tilespmem:v7+s21+$0x0], vm6  }
0x1a7: {  	vm4 =	vgt.s32 v8, $0xC37F;
	v3 =	vld.idx.msk [tilespmem:v3+s21+$0x0], vm5  }
0x1a8: {  	s28 =	sor.u32 $0xB0, s0;
	v14 =	vadd.s32 $0xFFFF3C80, v8;
	vm1 =	vgt.s32 v9, $0xC37F;
	v4 =	vld.idx.msk [tilespmem:v4+s21+$0x0], vm3  }
0x1a9: {  	s0 =	simm.s32 $0x197B0;
	v17 =	vld [tilespmem:s28+$0x1C700];
	v16 =	vadd.s32 $0xFFFF3C80, v9;
	vm0 =	vgt.s32 v10, $0xC37F  }
0x1aa: {  	v9 =	vld [tilespmem:s0+$0xFFFFFFE0];
	v10 =	vadd.s32 $0xFFFF3C80, v10  }
0x1ab: {  	v8 =	vld [tilespmem:s0+$0xFFFFFFF0];
	vm8 =	vmmov vm3;
	vm7 =	vgt.s32 v5, $0xC37F;
	v12 =	vsub.f32 v12, v7  }
0x1ac: {  	vm6 =	vmmov vm6;
	v7 =	vld [tilespmem:s0+$0x0];
	v18 =	vadd.s32 $0xFFFF3C80, v5;
	v13 =	vsub.f32 v13, v3  }
0x1ad: {  	p0 =	por !p0, !p0;
	vm5 =	vmmov vm5;
	s1 =	simm.s32 $0x1;
	v3 =	vld.idx.msk [tilespmem:v14+s21+$0x0], vm4;
	v14 =	vsub.f32 v15, v4;
	v12 =	vmul.f32 v12, v12  }
0x1ae: {  	s29 =	simm.s32 $0x80;
	vm3 =	vmmov vm2;
	s1 =	simm.s32 @!p0 $0x0;
	v5 =	vld.idx.msk [tilespmem:v16+s21+$0x0], vm1;
	v11 =	vsub.f32 v17, v11;
	v13 =	vmul.f32 v13, v13  }
0x1af: {  	s2 =	sand.u32 $0xFC0, s29;
	s31 =	sshll.u32 s1, $0x6;
	v4 =	vld.idx.msk [tilespmem:v10+s21+$0x0], vm0;
	vm4 =	vmmov vm4;
	v14 =	vmul.f32 v14, v14;
	v12 =	vnsel vm6, $0x0, v12  }
0x1b0: {  	s1 =	simm.s32 $0x80;
	s4 =	sadd.s32 $0x80, s31;
	v10 =	vld [tilespmem:s2+$0x19700];
	v13 =	vnsel vm5, $0x0, v13;
	v2 =	vadd.f32 v12, v2;
	v12 =	vmul.f32 v11, v11  }
0x1b1: {  	s10 =	sor.u32 $0x80, s4;
	s7 =	sor.u32 $0x90, s4;
	s2 =	simm.s32 $0xC0;
	vm2 =	vmmov vm7;
	v6 =	vadd.f32 v13, v6;
	v13 =	vnsel vm8, $0x0, v14;
	v11 =	vld.idx.msk [tilespmem:v18+s21+$0x0], vm7  }
.LBB2_26:
0x1b2: {  	p1 =	sne.s32 s2, $0xFC0;
	v14 =	vld [tilespmem:s10+$0x1C700];
	s10 =	sor.u32 $0xA0, s4;
	s4 =	sor.u32 $0xB0, s4;
	v1 =	vadd.f32 v13, v1;
	v12 =	vnsel vm3, $0x0, v12;
	vm5 =	vmmov vm1  }
0x1b3: {  	vm6 =	vgt.s32 v9, $0xC37F;
	vm3 =	vmmov vm0;
	v13 =	vld [tilespmem:s7+$0x1C700];
	v0 =	vadd.f32 v12, v0  }
0x1b4: {  	vm1 =	vgt.s32 v8, $0xC37F;
	v12 =	vadd.s32 $0xFFFF3C80, v9;
	v15 =	vld [tilespmem:s10+$0x1C700]  }
0x1b5: {  	v16 =	vadd.s32 $0xFFFF3C80, v8;
	vm0 =	vgt.s32 v7, $0xC37F;
	s0 =	sadd.s32 $0x40, s0;
	v17 =	vld [tilespmem:s4+$0x1C700]  }
0x1b6: {  	v18 =	vadd.s32 $0xFFFF3C80, v7;
	v9 =	vld [tilespmem:s0+$0xFFFFFFE0]  }
0x1b7: {  	vm7 =	vgt.s32 v10, $0xC37F;
	v8 =	vld [tilespmem:s0+$0xFFFFFFF0];
	v11 =	vsub.f32 v14, v11  }
0x1b8: {  	v14 =	vadd.s32 $0xFFFF3C80, v10;
	v7 =	vld [tilespmem:s0+$0x0];
	v10 =	vsub.f32 v13, v3  }
.Ltmp12:
0x1b9: {  	p0 =	por !p0, !p0;
	s4 =	simm.s32 $0x1;
	v3 =	vld.idx.msk [tilespmem:v12+s21+$0x0], vm6;
	v11 =	vmul.f32 v11, v11;
	v12 =	vsub.f32 v15, v5;
	(pc) =	sbr.rel @p1 .LBB2_26-.Ltmp12, $4  }
0x1ba: {  	s4 =	simm.s32 @!p0 $0x0;
	v5 =	vld.idx.msk [tilespmem:v16+s21+$0x0], vm1;
	v13 =	vmul.f32 v10, v10;
	v15 =	vsub.f32 v17, v4  }
0x1bb: {  	s1 =	sadd.s32 $0x80, s1;
	s7 =	sand.u32 $0xFC0, s2;
	s4 =	sshll.u32 s4, $0x6;
	v4 =	vld.idx.msk [tilespmem:v18+s21+$0x0], vm0;
	v11 =	vnsel vm2, $0x0, v11;
	v16 =	vmul.f32 v12, v12;
	vm2 =	vmmov vm7  }
0x1bc: {  	s4 =	sadd.s32 s4, s1;
	v10 =	vld [tilespmem:s7+$0x19700];
	v2 =	vadd.f32 v11, v2;
	v13 =	vnsel vm4, $0x0, v13;
	v12 =	vmul.f32 v15, v15  }
0x1bd: {  	s2 =	sadd.s32 $0x40, s2;
	s10 =	sor.u32 $0x80, s4;
	s7 =	sor.u32 $0x90, s4;
	vm4 =	vmmov vm6;
	v11 =	vld.idx.msk [tilespmem:v14+s21+$0x0], vm7;
	v6 =	vadd.f32 v13, v6;
	v13 =	vnsel vm5, $0x0, v16  }
0x1be: {  	vm7 =	vgt.s32 v9, $0xC37F  }
0x1bf: {  	v57 =	vadd.s32 $0xFFFF3C80, v9;
	vm6 =	vgt.s32 v8, $0xC37F  }
0x1c0: {  	v14 =	vld [tilespmem:s10+$0x1C700];
	v8 =	vadd.s32 $0xFFFF3C80, v8;
	vm5 =	vgt.s32 v7, $0xC37F  }
0x1c1: {  	s0 =	sor.u32 $0xA0, s4;
	v15 =	vld [tilespmem:s7+$0x1C700];
	v7 =	vadd.s32 $0xFFFF3C80, v7  }
0x1c2: {  	s2 =	sor.u32 $0xB0, s4;
	p0 =	por !p0, !p0;
	v16 =	vld [tilespmem:s0+$0x1C700];
	s0 =	simm.s32 $0x1  }
0x1c3: {  	v17 =	vld [tilespmem:s2+$0x1C700];
	s0 =	simm.s32 @!p0 $0x0  }
0x1c4: {  	s1 =	sadd.s32 $0x80, s1;
	vm8 =	vgt.s32 v10, $0xC37F;
	s0 =	sshll.u32 s0, $0x6;
	v9 =	vld.idx.msk [tilespmem:v57+s21+$0x0], vm7  }
0x1c5: {  	v58 =	vadd.s32 $0xFFFF3C80, v10;
	s0 =	sadd.s32 s0, s1;
	v8 =	vld.idx.msk [tilespmem:v8+s21+$0x0], vm6  }
0x1c6: {  	s1 =	sor.u32 $0x80, s0;
	v7 =	vld.idx.msk [tilespmem:v7+s21+$0x0], vm5  }
0x1c7: {  	s29 =	sor.u32 $0x90, s0;
	v59 =	vld [tilespmem:s1+$0x1C700]  }
0x1c8: {  	v3 =	vsub.f32 v15, v3;
	s31 =	sor.u32 $0xA0, s0;
	v60 =	vld [tilespmem:s29+$0x1C700]  }
0x1c9: {  	v12 =	vnsel vm3, $0x0, v12;
	v1 =	vadd.f32 v13, v1;
	v5 =	vsub.f32 v16, v5;
	v61 =	vld [tilespmem:s31+$0x1C700]  }
0x1ca: {  	vm1 =	vmmov vm1;
	vm0 =	vmmov vm0;
	s0 =	sor.u32 $0xB0, s0;
	v3 =	vmul.f32 v3, v3;
	v10 =	vld.idx.msk [tilespmem:v58+s21+$0x0], vm8  }
0x1cb: {  	v0 =	vadd.f32 v12, v0;
	v4 =	vsub.f32 v17, v4;
	v62 =	vld [tilespmem:s0+$0x1C700];
	v5 =	vmul.f32 v5, v5  }
0x1cc: {  	vm13 =	vmmov vm7;
	v11 =	vsub.f32 v14, v11;
	v3 =	vnsel vm4, $0x0, v3  }
0x1cd: {  	v4 =	vmul.f32 v4, v4;
	v6 =	vadd.f32 v3, v6;
	v3 =	vnsel vm1, $0x0, v5  }
0x1ce: {  	vm14 =	vmmov vm6;
	v11 =	vmul.f32 v11, v11;
	v1 =	vadd.f32 v3, v1  }
0x1cf: {  	v3 =	vnsel vm0, $0x0, v4;
	v4 =	vsub.f32 v60, v9;
	v5 =	vsub.f32 v59, v10  }
0x1d0: {  	v11 =	vnsel vm2, $0x0, v11;
	v8 =	vsub.f32 v61, v8;
	v7 =	vsub.f32 v62, v7  }
0x1d1: {  	v63 =	vadd.f32 v3, v0;
	v0 =	vmul.f32 v4, v4;
	v5 =	vmul.f32 v5, v5  }
0x1d2: {  	vm12 =	vmmov vm8;
	v2 =	vadd.f32 v11, v2;
	v4 =	vmul.f32 v8, v8  }
0x1d3: {  	v0 =	vnsel vm13, $0x0, v0;
	v3 =	vnsel vm12, $0x0, v5;
	v5 =	vmul.f32 v7, v7  }
0x1d4: {  	vm15 =	vmmov vm5;
	v6 =	vadd.f32 v0, v6;
	v0 =	vnsel vm14, $0x0, v4  }
0x1d5: {  	s4 =	sadd.s32 $0x0, s9;
	v0 =	vadd.f32 v0, v1;
	v3 =	vadd.f32 v3, v2;
	v2 =	vnsel vm15, $0x0, v5  }
0x1d6: {  	s2 =	simm.s32 $0x1C880;
	s0 =	simm.s32 $0x1C780;
	s1 =	simm.s32 $0x80;
	v1 =	vadd.f32 v2, v63  }
.LBB2_28:
0x1d7: {  	[tilespmem:s0], [sflag:$0x5] =	stream.linear.gather [hbm4b:s4+s3], $0x80, $0x38;
	[tilespmem:$0x1E780] =	vst v63  }
0x1d8: {  	s4 =	smov.u32 s1;
	s0 =	smov.u32 s2;
	p0 =	sne.s32 s1, $0xF80  }
.Ltmp13:
0x1d9: {  	s1 =	sadd.s32 $0x80, s1;
	(pc) =	sbr.rel @p0 .LBB2_28-.Ltmp13, $2  }
0x1da: {  	_ =	sdelay $0x2  }
0x1db: {  	s2 =	sadd.s32 $0x100, s2;
	s4 =	sadd.s32 s4, s9  }
0x1dc: {  	[tilespmem:s0], [sflag:$0x5] =	stream.linear.gather [hbm4b:s4+s3], $0x80, $0x38;
	[tilespmem:$0x1E780] =	vst v63  }
0x1dd: {  	_ =	swait.ge [sflag:s24], $0x1000  }
0x1de: {  	[sflag:s24] =	ssyncset.done $0x0  }
0x1df: {  	s18 =	simm.s32 $0x1A730;
	[sflag:s24] =	ssyncadd.s32 $0xFFFFF000  }
0x1e0: {  	s1 =	simm.s32 $0x0;
	v5 =	vld [tilespmem:s18+$0x0]  }
0x1e1: {  	s19 =	sand.u32 $0xFC0, s1  }
0x1e2: {  	v7 =	vld [tilespmem:s19+$0x1A700]  }
0x1e3: {  	v2 =	vld [tilespmem:s18+$0xFFFFFFE0]  }
0x1e4: {  	s20 =	simm.s32 $0x1A770;
	v4 =	vld [tilespmem:s18+$0xFFFFFFF0]  }
0x1e5: {  	v8 =	vld [tilespmem:s20+$0xFFFFFFE0];
	vm2 =	vgt.s32 v5, $0xC37F  }
0x1e6: {  	s29 =	sand.u32 $0x40, s1;
	s1 =	sand.u32 $0x1F00, s1;
	v9 =	vld [tilespmem:s20+$0xFFFFFFF0];
	v5 =	vadd.s32 $0xFFFF3C80, v5  }
0x1e7: {  	s0 =	sor.u32 s29, s1;
	v10 =	vld [tilespmem:s20+$0x0];
	vm6 =	vgt.s32 v7, $0xC37F  }
0x1e8: {  	s1 =	sadd.s32 $0x1C700, s0;
	v12 =	vld [tilespmem:s0+$0x1C700];
	vm5 =	vgt.s32 v2, $0xC37F;
	v7 =	vadd.s32 $0xFFFF3C80, v7  }
0x1e9: {  	v13 =	vld [tilespmem:s1+$0x10];
	v2 =	vadd.s32 $0xFFFF3C80, v2;
	vm3 =	vgt.s32 v4, $0xC37F  }
0x1ea: {  	s22 =	simm.s32 $0x40;
	v15 =	vld [tilespmem:s1+$0x20];
	v4 =	vadd.s32 $0xFFFF3C80, v4  }
0x1eb: {  	s28 =	sand.u32 $0xFC0, s22;
	v11 =	vld.idx.msk [tilespmem:v5+s21+$0x0], vm2  }
0x1ec: {  	v5 =	vld [tilespmem:s28+$0x1A700]  }
0x1ed: {  	v7 =	vld.idx.msk [tilespmem:v7+s21+$0x0], vm6  }
0x1ee: {  	vm4 =	vgt.s32 v8, $0xC37F;
	v2 =	vld.idx.msk [tilespmem:v2+s21+$0x0], vm5  }
0x1ef: {  	v14 =	vadd.s32 $0xFFFF3C80, v8;
	vm1 =	vgt.s32 v9, $0xC37F;
	v4 =	vld.idx.msk [tilespmem:v4+s21+$0x0], vm3  }
0x1f0: {  	s0 =	simm.s32 $0x1A7B0;
	v17 =	vld [tilespmem:s1+$0x30];
	v16 =	vadd.s32 $0xFFFF3C80, v9;
	vm0 =	vgt.s32 v10, $0xC37F  }
0x1f1: {  	v9 =	vld [tilespmem:s0+$0xFFFFFFE0];
	v10 =	vadd.s32 $0xFFFF3C80, v10  }
0x1f2: {  	v8 =	vld [tilespmem:s0+$0xFFFFFFF0];
	vm8 =	vmmov vm3;
	vm7 =	vgt.s32 v5, $0xC37F;
	v12 =	vsub.f32 v12, v7  }
0x1f3: {  	vm6 =	vmmov vm6;
	v7 =	vld [tilespmem:s0+$0x0];
	v18 =	vadd.s32 $0xFFFF3C80, v5;
	v13 =	vsub.f32 v13, v2  }
0x1f4: {  	vm5 =	vmmov vm5;
	v5 =	vld.idx.msk [tilespmem:v14+s21+$0x0], vm4;
	v14 =	vsub.f32 v15, v4;
	v12 =	vmul.f32 v12, v12  }
0x1f5: {  	s1 =	simm.s32 $0x80;
	vm3 =	vmmov vm2;
	v2 =	vld.idx.msk [tilespmem:v16+s21+$0x0], vm1;
	v11 =	vsub.f32 v17, v11;
	v13 =	vmul.f32 v13, v13  }
0x1f6: {  	s2 =	simm.s32 $0x80;
	s7 =	sand.u32 $0xFC0, s1;
	v4 =	vld.idx.msk [tilespmem:v10+s21+$0x0], vm0;
	vm4 =	vmmov vm4;
	v14 =	vmul.f32 v14, v14;
	v12 =	vnsel vm6, $0x0, v12  }
0x1f7: {  	s31 =	sand.u32 $0x40, s22;
	s10 =	sand.u32 $0x1F00, s2;
	v10 =	vld [tilespmem:s7+$0x1A700];
	v13 =	vnsel vm5, $0x0, v13;
	v3 =	vadd.f32 v12, v3;
	v12 =	vmul.f32 v11, v11  }
0x1f8: {  	s4 =	simm.s32 $0xC0;
	s7 =	sor.u32 s31, s10;
	vm2 =	vmmov vm7;
	v6 =	vadd.f32 v13, v6;
	v13 =	vnsel vm8, $0x0, v14;
	v11 =	vld.idx.msk [tilespmem:v18+s21+$0x0], vm7  }
.LBB2_30:
0x1f9: {  	p0 =	sne.s32 s4, $0xFC0;
	s10 =	sadd.s32 $0x1C700, s7;
	v14 =	vld [tilespmem:s7+$0x1C700];
	v0 =	vadd.f32 v13, v0;
	v12 =	vnsel vm3, $0x0, v12;
	vm5 =	vmmov vm1  }
0x1fa: {  	vm6 =	vgt.s32 v9, $0xC37F;
	vm3 =	vmmov vm0;
	v13 =	vld [tilespmem:s10+$0x10];
	v1 =	vadd.f32 v12, v1  }
0x1fb: {  	vm1 =	vgt.s32 v8, $0xC37F;
	v12 =	vadd.s32 $0xFFFF3C80, v9;
	v15 =	vld [tilespmem:s10+$0x20]  }
0x1fc: {  	v16 =	vadd.s32 $0xFFFF3C80, v8;
	vm0 =	vgt.s32 v7, $0xC37F;
	s0 =	sadd.s32 $0x40, s0;
	v17 =	vld [tilespmem:s10+$0x30]  }
0x1fd: {  	v18 =	vadd.s32 $0xFFFF3C80, v7;
	v9 =	vld [tilespmem:s0+$0xFFFFFFE0]  }
0x1fe: {  	vm7 =	vgt.s32 v10, $0xC37F;
	v8 =	vld [tilespmem:s0+$0xFFFFFFF0];
	v11 =	vsub.f32 v14, v11  }
0x1ff: {  	v14 =	vadd.s32 $0xFFFF3C80, v10;
	v7 =	vld [tilespmem:s0+$0x0];
	v10 =	vsub.f32 v13, v5  }
.Ltmp14:
0x200: {  	v5 =	vld.idx.msk [tilespmem:v12+s21+$0x0], vm6;
	v11 =	vmul.f32 v11, v11;
	v12 =	vsub.f32 v15, v2;
	(pc) =	sbr.rel @p0 .LBB2_30-.Ltmp14, $4  }
0x201: {  	v2 =	vld.idx.msk [tilespmem:v16+s21+$0x0], vm1;
	v13 =	vmul.f32 v10, v10;
	v15 =	vsub.f32 v17, v4  }
0x202: {  	s7 =	sand.u32 $0xFC0, s4;
	s2 =	sadd.s32 $0x80, s2;
	v4 =	vld.idx.msk [tilespmem:v18+s21+$0x0], vm0;
	v11 =	vnsel vm2, $0x0, v11;
	v16 =	vmul.f32 v12, v12;
	vm2 =	vmmov vm7  }
0x203: {  	s10 =	sand.u32 $0x1F00, s2;
	v10 =	vld [tilespmem:s7+$0x1A700];
	s7 =	sand.u32 $0x40, s1;
	v3 =	vadd.f32 v11, v3;
	v13 =	vnsel vm4, $0x0, v13;
	v12 =	vmul.f32 v15, v15;
	s1 =	smov.u32 s4  }
0x204: {  	s4 =	sadd.s32 $0x40, s4;
	vm4 =	vmmov vm6;
	s7 =	sor.u32 s7, s10;
	v11 =	vld.idx.msk [tilespmem:v14+s21+$0x0], vm7;
	v6 =	vadd.f32 v13, v6;
	v13 =	vnsel vm5, $0x0, v16  }
0x205: {  	s0 =	sadd.s32 $0x1C700, s7  }
0x206: {  	v15 =	vld [tilespmem:s0+$0x10]  }
0x207: {  	s31 =	sadd.s32 $0x80, s2;
	v16 =	vld [tilespmem:s0+$0x20]  }
0x208: {  	s1 =	sand.u32 $0x40, s1;
	v17 =	vld [tilespmem:s0+$0x30];
	s0 =	sand.u32 $0x1F00, s31;
	vm8 =	vgt.s32 v10, $0xC37F  }
0x209: {  	vm7 =	vgt.s32 v9, $0xC37F;
	v14 =	vld [tilespmem:s7+$0x1C700];
	s0 =	sor.u32 s1, s0;
	v59 =	vadd.s32 $0xFFFF3C80, v10  }
0x20a: {  	v58 =	vadd.s32 $0xFFFF3C80, v9;
	vm6 =	vgt.s32 v8, $0xC37F;
	s1 =	sadd.s32 $0x1C700, s0;
	v60 =	vld [tilespmem:s0+$0x1C700]  }
0x20b: {  	v8 =	vadd.s32 $0xFFFF3C80, v8;
	vm5 =	vgt.s32 v7, $0xC37F;
	v61 =	vld [tilespmem:s1+$0x10]  }
0x20c: {  	v7 =	vadd.s32 $0xFFFF3C80, v7;
	v62 =	vld [tilespmem:s1+$0x20]  }
0x20d: {  	v12 =	vnsel vm3, $0x0, v12;
	v0 =	vadd.f32 v13, v0;
	v63 =	vld [tilespmem:s1+$0x30]  }
0x20e: {  	vm1 =	vmmov vm1;
	vm0 =	vmmov vm0;
	v5 =	vsub.f32 v15, v5;
	v10 =	vld.idx.msk [tilespmem:v59+s21+$0x0], vm8  }
0x20f: {  	v1 =	vadd.f32 v12, v1;
	vm13 =	vmmov vm7;
	v9 =	vld.idx.msk [tilespmem:v58+s21+$0x0], vm7;
	v2 =	vsub.f32 v16, v2  }
0x210: {  	v11 =	vsub.f32 v14, v11;
	v8 =	vld.idx.msk [tilespmem:v8+s21+$0x0], vm6;
	v4 =	vsub.f32 v17, v4;
	v5 =	vmul.f32 v5, v5  }
0x211: {  	vm14 =	vmmov vm6;
	vm12 =	vmmov vm8;
	v7 =	vld.idx.msk [tilespmem:v7+s21+$0x0], vm5;
	v2 =	vmul.f32 v2, v2  }
0x212: {  	v11 =	vmul.f32 v11, v11;
	v4 =	vmul.f32 v4, v4;
	v5 =	vnsel vm4, $0x0, v5  }
0x213: {  	v2 =	vnsel vm1, $0x0, v2;
	v5 =	vadd.f32 v5, v6;
	v6 =	vsub.f32 v60, v10  }
0x214: {  	v0 =	vadd.f32 v2, v0;
	v2 =	vnsel vm0, $0x0, v4;
	v4 =	vsub.f32 v61, v9  }
0x215: {  	v11 =	vnsel vm2, $0x0, v11;
	v8 =	vsub.f32 v62, v8;
	v6 =	vmul.f32 v6, v6  }
0x216: {  	v3 =	vadd.f32 v11, v3;
	v7 =	vsub.f32 v63, v7;
	v4 =	vmul.f32 v4, v4  }
0x217: {  	v1 =	vadd.f32 v2, v1;
	v8 =	vmul.f32 v8, v8;
	v2 =	vnsel vm12, $0x0, v6  }
0x218: {  	v7 =	vmul.f32 v7, v7;
	v2 =	vadd.f32 v2, v3;
	v3 =	vnsel vm13, $0x0, v4  }
0x219: {  	vm15 =	vmmov vm5;
	v6 =	vadd.f32 v3, v5;
	v3 =	vnsel vm14, $0x0, v8  }
0x21a: {  	s4 =	sadd.s32 $0x0, s11;
	v4 =	vnsel vm15, $0x0, v7;
	v0 =	vadd.f32 v3, v0  }
0x21b: {  	s2 =	simm.s32 $0x1C800;
	s0 =	simm.s32 $0x1C700;
	s1 =	simm.s32 $0x80;
	v1 =	vadd.f32 v4, v1  }
.LBB2_32:
0x21c: {  	[tilespmem:s0], [sflag:$0x4] =	stream.linear.gather [hbm4b:s4+s3], $0x80, $0x38;
	[tilespmem:$0x1E780] =	vst v63  }
0x21d: {  	s4 =	smov.u32 s1;
	s0 =	smov.u32 s2;
	p0 =	sne.s32 s1, $0xF80  }
.Ltmp15:
0x21e: {  	s1 =	sadd.s32 $0x80, s1;
	(pc) =	sbr.rel @p0 .LBB2_32-.Ltmp15, $2  }
0x21f: {  	_ =	sdelay $0x2  }
0x220: {  	s2 =	sadd.s32 $0x100, s2;
	s4 =	sadd.s32 s4, s11  }
0x221: {  	[tilespmem:s0], [sflag:$0x4] =	stream.linear.gather [hbm4b:s4+s3], $0x80, $0x38;
	[tilespmem:$0x1E780] =	vst v63  }
0x222: {  	_ =	swait.ge [sflag:s25], $0x1000  }
0x223: {  	[sflag:s25] =	ssyncset.done $0x0  }
0x224: {  	s16 =	simm.s32 $0x1B730;
	[sflag:s25] =	ssyncadd.s32 $0xFFFFF000  }
0x225: {  	s1 =	simm.s32 $0x0;
	v5 =	vld [tilespmem:s16+$0x0]  }
0x226: {  	s17 =	sand.u32 $0xFC0, s1  }
0x227: {  	v7 =	vld [tilespmem:s17+$0x1B700]  }
0x228: {  	p0 =	por $0x0, $0x0;
	s0 =	simm.s32 $0x1;
	v3 =	vld [tilespmem:s16+$0xFFFFFFE0]  }
0x229: {  	s18 =	simm.s32 $0x1B770;
	s0 =	simm.s32 @!p0 $0x0;
	v4 =	vld [tilespmem:s16+$0xFFFFFFF0]  }
0x22a: {  	s0 =	sshll.u32 s0, $0x6;
	v8 =	vld [tilespmem:s18+$0xFFFFFFE0];
	vm2 =	vgt.s32 v5, $0xC37F  }
0x22b: {  	s0 =	sadd.s32 $0x0, s0;
	v9 =	vld [tilespmem:s18+$0xFFFFFFF0];
	v5 =	vadd.s32 $0xFFFF3C80, v5  }
0x22c: {  	v10 =	vld [tilespmem:s18+$0x0];
	s20 =	sor.u32 $0x80, s0;
	vm6 =	vgt.s32 v7, $0xC37F  }
0x22d: {  	s2 =	sor.u32 $0x90, s0;
	v12 =	vld [tilespmem:s20+$0x1C700];
	vm5 =	vgt.s32 v3, $0xC37F;
	v7 =	vadd.s32 $0xFFFF3C80, v7  }
0x22e: {  	s22 =	sor.u32 $0xA0, s0;
	v13 =	vld [tilespmem:s2+$0x1C700];
	v3 =	vadd.s32 $0xFFFF3C80, v3;
	vm3 =	vgt.s32 v4, $0xC37F  }
0x22f: {  	s19 =	simm.s32 $0x40;
	v15 =	vld [tilespmem:s22+$0x1C700];
	v4 =	vadd.s32 $0xFFFF3C80, v4  }
0x230: {  	s1 =	sand.u32 $0xFC0, s19;
	v11 =	vld.idx.msk [tilespmem:v5+s21+$0x0], vm2  }
0x231: {  	v5 =	vld [tilespmem:s1+$0x1B700]  }
0x232: {  	v7 =	vld.idx.msk [tilespmem:v7+s21+$0x0], vm6  }
0x233: {  	vm4 =	vgt.s32 v8, $0xC37F;
	v3 =	vld.idx.msk [tilespmem:v3+s21+$0x0], vm5  }
0x234: {  	s28 =	sor.u32 $0xB0, s0;
	v14 =	vadd.s32 $0xFFFF3C80, v8;
	vm1 =	vgt.s32 v9, $0xC37F;
	v4 =	vld.idx.msk [tilespmem:v4+s21+$0x0], vm3  }
0x235: {  	s0 =	simm.s32 $0x1B7B0;
	v17 =	vld [tilespmem:s28+$0x1C700];
	v16 =	vadd.s32 $0xFFFF3C80, v9;
	vm0 =	vgt.s32 v10, $0xC37F  }
0x236: {  	v9 =	vld [tilespmem:s0+$0xFFFFFFE0];
	v10 =	vadd.s32 $0xFFFF3C80, v10  }
0x237: {  	v8 =	vld [tilespmem:s0+$0xFFFFFFF0];
	vm8 =	vmmov vm3;
	vm7 =	vgt.s32 v5, $0xC37F;
	v12 =	vsub.f32 v12, v7  }
0x238: {  	vm6 =	vmmov vm6;
	v7 =	vld [tilespmem:s0+$0x0];
	v18 =	vadd.s32 $0xFFFF3C80, v5;
	v13 =	vsub.f32 v13, v3  }
0x239: {  	p0 =	por !p0, !p0;
	vm5 =	vmmov vm5;
	s1 =	simm.s32 $0x1;
	v3 =	vld.idx.msk [tilespmem:v14+s21+$0x0], vm4;
	v14 =	vsub.f32 v15, v4;
	v12 =	vmul.f32 v12, v12  }
0x23a: {  	s29 =	simm.s32 $0x80;
	vm3 =	vmmov vm2;
	s1 =	simm.s32 @!p0 $0x0;
	v5 =	vld.idx.msk [tilespmem:v16+s21+$0x0], vm1;
	v11 =	vsub.f32 v17, v11;
	v13 =	vmul.f32 v13, v13  }
0x23b: {  	s2 =	sand.u32 $0xFC0, s29;
	s31 =	sshll.u32 s1, $0x6;
	v4 =	vld.idx.msk [tilespmem:v10+s21+$0x0], vm0;
	vm4 =	vmmov vm4;
	v14 =	vmul.f32 v14, v14;
	v12 =	vnsel vm6, $0x0, v12  }
0x23c: {  	s1 =	simm.s32 $0x80;
	s4 =	sadd.s32 $0x80, s31;
	v10 =	vld [tilespmem:s2+$0x1B700];
	v13 =	vnsel vm5, $0x0, v13;
	v2 =	vadd.f32 v12, v2;
	v12 =	vmul.f32 v11, v11  }
0x23d: {  	s10 =	sor.u32 $0x80, s4;
	s7 =	sor.u32 $0x90, s4;
	s2 =	simm.s32 $0xC0;
	vm2 =	vmmov vm7;
	v6 =	vadd.f32 v13, v6;
	v13 =	vnsel vm8, $0x0, v14;
	v11 =	vld.idx.msk [tilespmem:v18+s21+$0x0], vm7  }
.LBB2_34:
0x23e: {  	p1 =	sne.s32 s2, $0xFC0;
	v14 =	vld [tilespmem:s10+$0x1C700];
	s10 =	sor.u32 $0xA0, s4;
	s4 =	sor.u32 $0xB0, s4;
	v0 =	vadd.f32 v13, v0;
	v12 =	vnsel vm3, $0x0, v12;
	vm5 =	vmmov vm1  }
0x23f: {  	vm6 =	vgt.s32 v9, $0xC37F;
	vm3 =	vmmov vm0;
	v13 =	vld [tilespmem:s7+$0x1C700];
	v1 =	vadd.f32 v12, v1  }
0x240: {  	vm1 =	vgt.s32 v8, $0xC37F;
	v12 =	vadd.s32 $0xFFFF3C80, v9;
	v15 =	vld [tilespmem:s10+$0x1C700]  }
0x241: {  	v16 =	vadd.s32 $0xFFFF3C80, v8;
	vm0 =	vgt.s32 v7, $0xC37F;
	s0 =	sadd.s32 $0x40, s0;
	v17 =	vld [tilespmem:s4+$0x1C700]  }
0x242: {  	v18 =	vadd.s32 $0xFFFF3C80, v7;
	v9 =	vld [tilespmem:s0+$0xFFFFFFE0]  }
0x243: {  	vm7 =	vgt.s32 v10, $0xC37F;
	v8 =	vld [tilespmem:s0+$0xFFFFFFF0];
	v11 =	vsub.f32 v14, v11  }
0x244: {  	v14 =	vadd.s32 $0xFFFF3C80, v10;
	v7 =	vld [tilespmem:s0+$0x0];
	v10 =	vsub.f32 v13, v3  }
.Ltmp16:
0x245: {  	p0 =	por !p0, !p0;
	s4 =	simm.s32 $0x1;
	v3 =	vld.idx.msk [tilespmem:v12+s21+$0x0], vm6;
	v11 =	vmul.f32 v11, v11;
	v12 =	vsub.f32 v15, v5;
	(pc) =	sbr.rel @p1 .LBB2_34-.Ltmp16, $4  }
0x246: {  	s4 =	simm.s32 @!p0 $0x0;
	v5 =	vld.idx.msk [tilespmem:v16+s21+$0x0], vm1;
	v13 =	vmul.f32 v10, v10;
	v15 =	vsub.f32 v17, v4  }
0x247: {  	s1 =	sadd.s32 $0x80, s1;
	s7 =	sand.u32 $0xFC0, s2;
	s4 =	sshll.u32 s4, $0x6;
	v4 =	vld.idx.msk [tilespmem:v18+s21+$0x0], vm0;
	v11 =	vnsel vm2, $0x0, v11;
	v16 =	vmul.f32 v12, v12;
	vm2 =	vmmov vm7  }
0x248: {  	s4 =	sadd.s32 s4, s1;
	v10 =	vld [tilespmem:s7+$0x1B700];
	v2 =	vadd.f32 v11, v2;
	v13 =	vnsel vm4, $0x0, v13;
	v12 =	vmul.f32 v15, v15  }
0x249: {  	s2 =	sadd.s32 $0x40, s2;
	s10 =	sor.u32 $0x80, s4;
	s7 =	sor.u32 $0x90, s4;
	vm4 =	vmmov vm6;
	v11 =	vld.idx.msk [tilespmem:v14+s21+$0x0], vm7;
	v6 =	vadd.f32 v13, v6;
	v13 =	vnsel vm5, $0x0, v16  }
0x24a: {  	vm7 =	vgt.s32 v9, $0xC37F  }
0x24b: {  	v54 =	vadd.s32 $0xFFFF3C80, v9;
	vm6 =	vgt.s32 v8, $0xC37F  }
0x24c: {  	v14 =	vld [tilespmem:s10+$0x1C700];
	v55 =	vadd.s32 $0xFFFF3C80, v8;
	vm5 =	vgt.s32 v7, $0xC37F  }
0x24d: {  	s0 =	sor.u32 $0xA0, s4;
	v15 =	vld [tilespmem:s7+$0x1C700];
	v56 =	vadd.s32 $0xFFFF3C80, v7  }
0x24e: {  	s2 =	sor.u32 $0xB0, s4;
	p0 =	por !p0, !p0;
	v16 =	vld [tilespmem:s0+$0x1C700];
	s0 =	simm.s32 $0x1  }
0x24f: {  	v17 =	vld [tilespmem:s2+$0x1C700];
	s0 =	simm.s32 @!p0 $0x0;
	vm8 =	vgt.s32 v10, $0xC37F  }
0x250: {  	s1 =	sadd.s32 $0x80, s1;
	v57 =	vadd.s32 $0xFFFF3C80, v10;
	s0 =	sshll.u32 s0, $0x6;
	v9 =	vld.idx.msk [tilespmem:v54+s21+$0x0], vm7  }
0x251: {  	s0 =	sadd.s32 s0, s1;
	v8 =	vld.idx.msk [tilespmem:v55+s21+$0x0], vm6  }
0x252: {  	s1 =	sor.u32 $0x80, s0;
	v7 =	vld.idx.msk [tilespmem:v56+s21+$0x0], vm5  }
0x253: {  	s29 =	sor.u32 $0x90, s0;
	v58 =	vld [tilespmem:s1+$0x1C700]  }
0x254: {  	v12 =	vnsel vm3, $0x0, v12;
	v0 =	vadd.f32 v13, v0;
	vm1 =	vmmov vm1;
	v59 =	vld [tilespmem:s29+$0x1C700]  }
0x255: {  	vm0 =	vmmov vm0;
	v11 =	vsub.f32 v14, v11;
	v3 =	vsub.f32 v15, v3;
	s31 =	sor.u32 $0xA0, s0;
	v10 =	vld.idx.msk [tilespmem:v57+s21+$0x0], vm8  }
0x256: {  	v1 =	vadd.f32 v12, v1;
	vm13 =	vmmov vm7;
	s0 =	sor.u32 $0xB0, s0;
	v5 =	vsub.f32 v16, v5;
	v60 =	vld [tilespmem:s31+$0x1C700]  }
0x257: {  	v4 =	vsub.f32 v17, v4;
	v61 =	vld [tilespmem:s0+$0x1C700];
	v11 =	vmul.f32 v11, v11;
	v3 =	vmul.f32 v3, v3  }
0x258: {  	vm14 =	vmmov vm6;
	vm12 =	vmmov vm8;
	v5 =	vmul.f32 v5, v5  }
0x259: {  	v4 =	vmul.f32 v4, v4;
	v11 =	vnsel vm2, $0x0, v11;
	v3 =	vnsel vm4, $0x0, v3  }
0x25a: {  	v3 =	vadd.f32 v3, v6;
	v5 =	vnsel vm1, $0x0, v5;
	v62 =	vsub.f32 v58, v10  }
0x25b: {  	v4 =	vnsel vm0, $0x0, v4;
	v0 =	vadd.f32 v5, v0;
	v5 =	vsub.f32 v59, v9  }
0x25c: {  	v8 =	vsub.f32 v60, v8;
	v7 =	vsub.f32 v61, v7;
	v6 =	vmul.f32 v62, v62  }
0x25d: {  	v2 =	vadd.f32 v11, v2;
	v4 =	vadd.f32 v4, v1;
	v5 =	vmul.f32 v5, v5  }
0x25e: {  	v63 =	vmul.f32 v8, v8;
	v7 =	vmul.f32 v7, v7;
	v1 =	vnsel vm12, $0x0, v6  }
0x25f: {  	vm15 =	vmmov vm5;
	v1 =	vadd.f32 v1, v2;
	v2 =	vnsel vm13, $0x0, v5  }
0x260: {  	v5 =	vnsel vm15, $0x0, v7;
	v2 =	vadd.f32 v2, v3;
	v3 =	vnsel vm14, $0x0, v63  }
0x261: {  	s4 =	sadd.s32 $0x0, s12;
	v0 =	vadd.f32 v3, v0;
	v3 =	vadd.f32 v5, v4  }
0x262: {  	s2 =	simm.s32 $0x1C880;
	s0 =	simm.s32 $0x1C780;
	s1 =	simm.s32 $0x80  }
.LBB2_36:
0x263: {  	[tilespmem:s0], [sflag:$0x5] =	stream.linear.gather [hbm4b:s4+s3], $0x80, $0x38;
	[tilespmem:$0x1E780] =	vst v63  }
0x264: {  	s4 =	smov.u32 s1;
	s0 =	smov.u32 s2;
	p0 =	sne.s32 s1, $0xF80  }
.Ltmp17:
0x265: {  	s1 =	sadd.s32 $0x80, s1;
	(pc) =	sbr.rel @p0 .LBB2_36-.Ltmp17, $2  }
0x266: {  	_ =	sdelay $0x2  }
0x267: {  	s2 =	sadd.s32 $0x100, s2;
	s4 =	sadd.s32 s4, s12  }
0x268: {  	[tilespmem:s0], [sflag:$0x5] =	stream.linear.gather [hbm4b:s4+s3], $0x80, $0x38;
	[tilespmem:$0x1E780] =	vst v63  }
0x269: {  	s16 =	rddreg [dreg:$0x8];
	s1 =	simm.s32 $0x400;
	s17 =	simm.s32 $0x1  }
0x26a: {  	[tilespmem:s21], [sflag:$0x2] =	stream.strided.gather [hbm4b:s16+s23], $0xC380, s1, s23, $0x38;
	[tilespmem:$0x1E780] =	vst v63  }
0x26b: {  	_ =	swait.ge [sflag:s17], $0xC380  }
0x26c: {  	[sflag:s17] =	ssyncset.done $0x0  }
0x26d: {  	s18 =	simm.s32 $0x0;
	[sflag:s17] =	ssyncadd.s32 $0xFFFF3C80  }
0x26e: {  	s4 =	sand.u32 $0x40, s18;
	s2 =	sand.u32 $0xF80, s18;
	_ =	swait.ge [sflag:s24], $0x1000  }
0x26f: {  	s20 =	sadd.s32 $0x18700, s2;
	s7 =	sor.u32 $0x30, s4;
	[sflag:s24] =	ssyncset.done $0x0  }
0x270: {  	s2 =	sor.u32 s7, s20;
	[sflag:s24] =	ssyncadd.s32 $0xFFFFF000  }
0x271: {  	v6 =	vld [tilespmem:s2+$0x0]  }
0x272: {  	s19 =	simm.s32 $0x18700  }
0x273: {  	s10 =	sor.u32 $0x10, s4;
	v4 =	vld [tilespmem:s19+$0x0]  }
0x274: {  	s13 =	sor.u32 $0x20, s4;
	s22 =	sor.u32 s10, s20  }
0x275: {  	s1 =	sor.u32 s13, s20;
	v8 =	vld [tilespmem:s22+$0x0]  }
0x276: {  	s0 =	sand.u32 $0x1F00, s18;
	v10 =	vld [tilespmem:s1+$0x0];
	vm2 =	vlt.s32 v6, $0xC380  }
0x277: {  	s23 =	simm.s32 $0x40;
	s16 =	simm.s32 $0x18740;
	s17 =	sadd.s32 $0x1C700, s0  }
0x278: {  	s7 =	sor.u32 s7, s17;
	s2 =	sand.u32 $0x40, s23;
	s1 =	sand.u32 $0xF80, s23;
	v15 =	vld [tilespmem:s16+$0x0];
	vm1 =	vlt.s32 v4, $0xC380  }
0x279: {  	s4 =	sor.u32 s4, s17;
	v13 =	vld [tilespmem:s7+$0x0];
	s29 =	sadd.s32 $0x18700, s1;
	s28 =	sor.u32 $0x30, s2  }
0x27a: {  	v11 =	vld [tilespmem:s4+$0x0];
	s1 =	sor.u32 s28, s29;
	vm4 =	vlt.s32 v8, $0xC380  }
0x27b: {  	s0 =	sor.u32 $0x20, s2;
	v9 =	vld [tilespmem:s1+$0x0];
	vm6 =	vlt.s32 v10, $0xC380  }
0x27c: {  	s19 =	sor.u32 s0, s29;
	v12 =	vld.idx.msk [tilespmem:v6+s3+$0x0], vm2  }
0x27d: {  	s1 =	sor.u32 $0x10, s2;
	v7 =	vld [tilespmem:s19+$0x0]  }
0x27e: {  	s18 =	sor.u32 s1, s29;
	v5 =	vld.idx.msk [tilespmem:v4+s3+$0x0], vm1  }
0x27f: {  	vm0 =	vlt.s32 v15, $0xC380;
	v6 =	vld [tilespmem:s18+$0x0]  }
0x280: {  	v8 =	vld.idx.msk [tilespmem:v8+s3+$0x0], vm4  }
0x281: {  	s20 =	sor.u32 s10, s17;
	vm7 =	vlt.s32 v9, $0xC380;
	v4 =	vld.idx.msk [tilespmem:v10+s3+$0x0], vm6;
	v10 =	vsub.f32 v13, v12  }
0x282: {  	s22 =	simm.s32 $0x80;
	s23 =	sor.u32 s13, s17;
	v12 =	vld [tilespmem:s20+$0x0]  }
0x283: {  	s4 =	simm.s32 $0x18780;
	v14 =	vld [tilespmem:s23+$0x0];
	s29 =	sand.u32 $0xF80, s22;
	vm8 =	vmmov vm2;
	vm3 =	vmmov vm1;
	s20 =	sand.u32 $0x40, s22;
	v16 =	vmul.f32 v10, v10  }
0x284: {  	s31 =	simm.s32 $0x80;
	s13 =	sadd.s32 $0x18700, s29;
	vm5 =	vmmov vm4;
	vm6 =	vmmov vm6;
	vm2 =	vlt.s32 v7, $0xC380;
	v13 =	vld [tilespmem:s4+$0x0];
	s7 =	sor.u32 $0x30, s20  }
0x285: {  	s10 =	simm.s32 $0xC0;
	s16 =	sand.u32 $0x1F00, s31;
	vm1 =	vmmov vm7;
	vm4 =	vlt.s32 v6, $0xC380;
	s17 =	sor.u32 s7, s13;
	v10 =	vld.idx.msk [tilespmem:v15+s3+$0x0], vm0;
	v15 =	vnsel vm8, $0x0, v16  }
.LBB2_38:
0x286: {  	p0 =	sne.s32 s10, $0xFC0;
	s18 =	sor.u32 $0x10, s20;
	v16 =	vld [tilespmem:s17+$0x0];
	s16 =	sadd.s32 $0x1C700, s16;
	v5 =	vsub.f32 v11, v5;
	v3 =	vadd.f32 v15, v3  }
0x287: {  	s19 =	sor.u32 $0x20, s20;
	s17 =	sor.u32 s18, s13;
	s22 =	sor.u32 s28, s16;
	v15 =	vld.idx.msk [tilespmem:v9+s3+$0x0], vm7;
	v8 =	vsub.f32 v12, v8  }
0x288: {  	s13 =	sor.u32 s19, s13;
	s29 =	sor.u32 s2, s16;
	s23 =	sor.u32 s1, s16;
	v12 =	vld [tilespmem:s22+$0x0];
	v20 =	vmul.f32 v5, v5;
	v4 =	vsub.f32 v14, v4  }
0x289: {  	s16 =	sor.u32 s0, s16;
	s1 =	smov.u32 s18;
	s0 =	smov.u32 s19;
	v14 =	vld [tilespmem:s17+$0x0];
	v18 =	vmul.f32 v8, v8;
	v17 =	vmov v13  }
0x28a: {  	s2 =	smov.u32 s20;
	s28 =	smov.u32 s7;
	v13 =	vld [tilespmem:s13+$0x0];
	v19 =	vnsel vm3, $0x0, v20;
	v11 =	vmul.f32 v4, v4;
	vm3 =	vmmov vm0  }
0x28b: {  	vm0 =	vlt.s32 v17, $0xC380;
	v5 =	vmovc v10;
	v8 =	vld.idx.msk [tilespmem:v6+s3+$0x0], vm4;
	v1 =	vadd.f32 v19, v1;
	v6 =	vnsel vm5, $0x0, v18;
	v9 =	vmovc v16  }
0x28c: {  	vm5 =	vmmov vm4;
	v4 =	vld.idx.msk [tilespmem:v7+s3+$0x0], vm2;
	v2 =	vadd.f32 v6, v2;
	v10 =	vnsel vm6, $0x0, v11  }
.Ltmp18:
0x28d: {  	vm7 =	vlt.s32 v9, $0xC380;
	v11 =	vld [tilespmem:s29+$0x0];
	v16 =	vsub.f32 v12, v15;
	v0 =	vadd.f32 v10, v0;
	(pc) =	sbr.rel @p0 .LBB2_38-.Ltmp18, $4  }
0x28e: {  	vm6 =	vmmov vm2;
	vm4 =	vlt.s32 v14, $0xC380;
	v12 =	vld [tilespmem:s23+$0x0];
	v6 =	vmov v14  }
0x28f: {  	s4 =	sadd.s32 $0x40, s4;
	s20 =	sand.u32 $0x40, s10;
	s7 =	sand.u32 $0xF80, s10;
	vm2 =	vlt.s32 v13, $0xC380;
	v14 =	vld [tilespmem:s16+$0x0];
	v15 =	vmul.f32 v16, v16;
	v7 =	vmov v13  }
0x290: {  	s31 =	sadd.s32 $0x80, s31;
	s13 =	sadd.s32 $0x18700, s7;
	s7 =	sor.u32 $0x30, s20;
	v13 =	vld [tilespmem:s4+$0x0]  }
0x291: {  	s10 =	sadd.s32 $0x40, s10;
	s17 =	sor.u32 s7, s13;
	s16 =	sand.u32 $0x1F00, s31;
	v10 =	vld.idx.msk [tilespmem:v17+s3+$0x0], vm0;
	v15 =	vnsel vm1, $0x0, v15;
	vm1 =	vmmov vm7  }
0x292: {  	_ =	sdelay $0x3  }
0x293: {  	v16 =	vld [tilespmem:s17+$0x0]  }
0x294: {  	v9 =	vld.idx.msk [tilespmem:v9+s3+$0x0], vm7  }
0x295: {  	s4 =	sor.u32 $0x10, s20;
	v6 =	vld.idx.msk [tilespmem:v6+s3+$0x0], vm4  }
0x296: {  	s17 =	sor.u32 $0x20, s20;
	v7 =	vld.idx.msk [tilespmem:v7+s3+$0x0], vm2;
	s10 =	sor.u32 s4, s13  }
0x297: {  	s16 =	sadd.s32 $0x1C700, s16;
	s18 =	sor.u32 s17, s13;
	v17 =	vld [tilespmem:s10+$0x0]  }
0x298: {  	s19 =	sor.u32 s28, s16;
	v18 =	vld [tilespmem:s18+$0x0]  }
0x299: {  	s22 =	sadd.s32 $0x80, s31;
	s1 =	sor.u32 s1, s16;
	v19 =	vld [tilespmem:s19+$0x0]  }
0x29a: {  	s0 =	sor.u32 s0, s16;
	s23 =	sand.u32 $0x1F00, s22;
	v55 =	vld [tilespmem:s1+$0x0]  }
0x29b: {  	s2 =	sor.u32 s2, s16;
	v4 =	vsub.f32 v14, v4;
	v56 =	vld [tilespmem:s0+$0x0];
	s0 =	sadd.s32 $0x1C700, s23;
	vm9 =	vlt.s32 v13, $0xC380  }
0x29c: {  	v20 =	vld [tilespmem:s2+$0x0];
	s28 =	sor.u32 s7, s0;
	vm10 =	vlt.s32 v16, $0xC380  }
0x29d: {  	v8 =	vsub.f32 v12, v8;
	s29 =	sor.u32 s20, s0;
	v4 =	vmul.f32 v4, v4;
	v58 =	vld [tilespmem:s28+$0x0];
	vm8 =	vlt.s32 v17, $0xC380  }
0x29e: {  	v5 =	vsub.f32 v11, v5;
	v3 =	vadd.f32 v15, v3;
	s31 =	sor.u32 s4, s0;
	s0 =	sor.u32 s17, s0;
	v61 =	vld [tilespmem:s29+$0x0];
	vm15 =	vlt.s32 v18, $0xC380  }
0x29f: {  	vm0 =	vmmov vm0;
	v8 =	vmul.f32 v8, v8;
	v62 =	vld [tilespmem:s0+$0x0];
	v4 =	vnsel vm6, $0x0, v4  }
0x2a0: {  	v5 =	vmul.f32 v5, v5;
	v0 =	vadd.f32 v4, v0;
	v4 =	vsub.f32 v55, v6;
	v6 =	vld [tilespmem:s31+$0x0]  }
0x2a1: {  	vm11 =	vmmov vm2;
	v8 =	vnsel vm5, $0x0, v8;
	v9 =	vsub.f32 v19, v9;
	v13 =	vld.idx.msk [tilespmem:v13+s3+$0x0], vm9  }
0x2a2: {  	v5 =	vnsel vm3, $0x0, v5;
	v2 =	vadd.f32 v8, v2;
	v60 =	vsub.f32 v20, v10;
	v57 =	vld.idx.msk [tilespmem:v16+s3+$0x0], vm10  }
0x2a3: {  	v7 =	vsub.f32 v56, v7;
	v8 =	vmul.f32 v9, v9;
	v4 =	vmul.f32 v4, v4;
	v59 =	vld.idx.msk [tilespmem:v17+s3+$0x0], vm8  }
0x2a4: {  	v1 =	vadd.f32 v5, v1;
	vm6 =	vmmov vm4;
	v9 =	vmul.f32 v60, v60;
	v5 =	vld.idx.msk [tilespmem:v18+s3+$0x0], vm15  }
0x2a5: {  	v7 =	vmul.f32 v7, v7;
	v8 =	vnsel vm1, $0x0, v8;
	v4 =	vnsel vm6, $0x0, v4  }
0x2a6: {  	v3 =	vadd.f32 v8, v3;
	v8 =	vnsel vm0, $0x0, v9;
	v4 =	vadd.f32 v4, v2  }
0x2a7: {  	v2 =	vnsel vm11, $0x0, v7;
	v1 =	vadd.f32 v8, v1;
	v7 =	vsub.f32 v61, v13  }
0x2a8: {  	vm13 =	vmmov vm9;
	v63 =	vadd.f32 v2, v0;
	v8 =	vsub.f32 v58, v57  }
0x2a9: {  	v2 =	vmul.f32 v7, v7;
	v6 =	vsub.f32 v6, v59;
	v5 =	vsub.f32 v62, v5  }
0x2aa: {  	vm12 =	vmmov vm10;
	vm14 =	vmmov vm8;
	v8 =	vmul.f32 v8, v8  }
0x2ab: {  	v2 =	vnsel vm13, $0x0, v2;
	v6 =	vmul.f32 v6, v6;
	v5 =	vmul.f32 v5, v5  }
0x2ac: {  	vm15 =	vmmov vm15;
	v2 =	vadd.f32 v2, v1;
	v0 =	vnsel vm12, $0x0, v8  }
0x2ad: {  	v0 =	vadd.f32 v0, v3;
	v1 =	vnsel vm14, $0x0, v6;
	v3 =	vnsel vm15, $0x0, v5  }
0x2ae: {  	s1 =	simm.s32 $0x80;
	v6 =	vadd.f32 v1, v4;
	v1 =	vadd.f32 v3, v63  }
0x2af: {  	s2 =	simm.s32 $0x1C800;
	s4 =	sadd.s32 $0x0, s14;
	s0 =	simm.s32 $0x1C700  }
.LBB2_40:
0x2b0: {  	[tilespmem:s0], [sflag:$0x4] =	stream.linear.gather [hbm4b:s4+s3], $0x80, $0x38;
	[tilespmem:$0x1E780] =	vst v63  }
0x2b1: {  	s4 =	smov.u32 s1;
	s0 =	smov.u32 s2;
	p0 =	sne.s32 s1, $0xF80  }
.Ltmp19:
0x2b2: {  	s1 =	sadd.s32 $0x80, s1;
	(pc) =	sbr.rel @p0 .LBB2_40-.Ltmp19, $2  }
0x2b3: {  	_ =	sdelay $0x2  }
0x2b4: {  	s2 =	sadd.s32 $0x100, s2;
	s4 =	sadd.s32 s4, s14  }
0x2b5: {  	[tilespmem:s0], [sflag:$0x4] =	stream.linear.gather [hbm4b:s4+s3], $0x80, $0x38;
	[tilespmem:$0x1E780] =	vst v63  }
0x2b6: {  	_ =	swait.ge [sflag:s25], $0x1000  }
0x2b7: {  	[sflag:s25] =	ssyncset.done $0x0  }
0x2b8: {  	s17 =	simm.s32 $0x19730;
	s1 =	simm.s32 $0x0;
	[sflag:s25] =	ssyncadd.s32 $0xFFFFF000  }
0x2b9: {  	s18 =	sand.u32 $0xFC0, s1;
	v5 =	vld [tilespmem:s17+$0x0]  }
0x2ba: {  	v7 =	vld [tilespmem:s18+$0x19700]  }
0x2bb: {  	v3 =	vld [tilespmem:s17+$0xFFFFFFE0]  }
0x2bc: {  	s19 =	simm.s32 $0x19770;
	p0 =	por $0x0, $0x0;
	s0 =	simm.s32 $0x1;
	v4 =	vld [tilespmem:s17+$0xFFFFFFF0]  }
0x2bd: {  	s0 =	simm.s32 @!p0 $0x0;
	v10 =	vld [tilespmem:s19+$0xFFFFFFE0]  }
0x2be: {  	s20 =	simm.s32 $0x40;
	s0 =	sshll.u32 s0, $0x6;
	v11 =	vld [tilespmem:s19+$0xFFFFFFF0];
	vm2 =	vlt.s32 v5, $0xC380  }
0x2bf: {  	s1 =	sand.u32 $0xFC0, s20;
	s0 =	sadd.s32 $0x0, s0;
	v12 =	vld [tilespmem:s19+$0x0];
	vm6 =	vlt.s32 v7, $0xC380  }
0x2c0: {  	v14 =	vld [tilespmem:s1+$0x19700];
	s22 =	sor.u32 $0x80, s0;
	vm5 =	vlt.s32 v3, $0xC380  }
0x2c1: {  	s2 =	sor.u32 $0x90, s0;
	v9 =	vld [tilespmem:s22+$0x1C700];
	vm3 =	vlt.s32 v4, $0xC380  }
0x2c2: {  	s23 =	sor.u32 $0xA0, s0;
	v15 =	vld [tilespmem:s2+$0x1C700]  }
0x2c3: {  	v16 =	vld [tilespmem:s23+$0x1C700]  }
0x2c4: {  	v13 =	vld.idx.msk [tilespmem:v5+s3+$0x0], vm2  }
0x2c5: {  	v5 =	vld.idx.msk [tilespmem:v7+s3+$0x0], vm6  }
0x2c6: {  	vm4 =	vlt.s32 v10, $0xC380;
	v3 =	vld.idx.msk [tilespmem:v3+s3+$0x0], vm5  }
0x2c7: {  	s28 =	sor.u32 $0xB0, s0;
	vm1 =	vlt.s32 v11, $0xC380;
	v4 =	vld.idx.msk [tilespmem:v4+s3+$0x0], vm3  }
0x2c8: {  	s0 =	simm.s32 $0x197B0;
	v17 =	vld [tilespmem:s28+$0x1C700];
	vm0 =	vlt.s32 v12, $0xC380  }
0x2c9: {  	v8 =	vld [tilespmem:s0+$0xFFFFFFF0]  }
0x2ca: {  	vm7 =	vlt.s32 v14, $0xC380;
	v7 =	vld [tilespmem:s0+$0xFFFFFFE0];
	v5 =	vsub.f32 v9, v5  }
0x2cb: {  	vm8 =	vmmov vm3;
	vm6 =	vmmov vm6;
	v9 =	vld [tilespmem:s0+$0x0];
	v15 =	vsub.f32 v15, v3  }
0x2cc: {  	p0 =	por !p0, !p0;
	s1 =	simm.s32 $0x1;
	vm5 =	vmmov vm5;
	v3 =	vld.idx.msk [tilespmem:v10+s3+$0x0], vm4;
	v16 =	vsub.f32 v16, v4;
	v10 =	vmul.f32 v5, v5  }
0x2cd: {  	s29 =	simm.s32 $0x80;
	s1 =	simm.s32 @!p0 $0x0;
	vm3 =	vmmov vm2;
	v13 =	vsub.f32 v17, v13;
	v5 =	vld.idx.msk [tilespmem:v11+s3+$0x0], vm1;
	v11 =	vmul.f32 v15, v15  }
0x2ce: {  	s2 =	sand.u32 $0xFC0, s29;
	s31 =	sshll.u32 s1, $0x6;
	vm2 =	vmmov vm7;
	v4 =	vld.idx.msk [tilespmem:v12+s3+$0x0], vm0;
	v15 =	vmul.f32 v16, v16;
	v12 =	vnsel vm6, $0x0, v10  }
0x2cf: {  	s1 =	simm.s32 $0x80;
	s4 =	sadd.s32 $0x80, s31;
	v10 =	vld [tilespmem:s2+$0x19700];
	v63 =	vnsel vm5, $0x0, v11;
	v2 =	vadd.f32 v12, v2;
	v12 =	vmul.f32 v13, v13  }
0x2d0: {  	s10 =	sor.u32 $0x80, s4;
	s7 =	sor.u32 $0x90, s4;
	vm4 =	vmmov vm4;
	s2 =	simm.s32 $0xC0;
	v11 =	vld.idx.msk [tilespmem:v14+s3+$0x0], vm7;
	v6 =	vadd.f32 v63, v6;
	v13 =	vnsel vm8, $0x0, v15  }
.LBB2_42:
0x2d1: {  	p1 =	sne.s32 s2, $0xFC0;
	v14 =	vld [tilespmem:s10+$0x1C700];
	s10 =	sor.u32 $0xA0, s4;
	s4 =	sor.u32 $0xB0, s4;
	v1 =	vadd.f32 v13, v1;
	v12 =	vnsel vm3, $0x0, v12;
	vm5 =	vmmov vm1  }
0x2d2: {  	vm6 =	vlt.s32 v7, $0xC380;
	vm3 =	vmmov vm0;
	v13 =	vld [tilespmem:s7+$0x1C700];
	v0 =	vadd.f32 v12, v0  }
0x2d3: {  	vm1 =	vlt.s32 v8, $0xC380;
	v12 =	vld [tilespmem:s10+$0x1C700]  }
0x2d4: {  	vm0 =	vlt.s32 v9, $0xC380;
	s0 =	sadd.s32 $0x40, s0;
	v15 =	vld [tilespmem:s4+$0x1C700];
	v16 =	vmov v10  }
0x2d5: {  	v10 =	vld [tilespmem:s0+$0xFFFFFFE0]  }
0x2d6: {  	vm7 =	vlt.s32 v16, $0xC380;
	v17 =	vld [tilespmem:s0+$0xFFFFFFF0];
	v11 =	vsub.f32 v14, v11  }
0x2d7: {  	v14 =	vld [tilespmem:s0+$0x0];
	v13 =	vsub.f32 v13, v3  }
.Ltmp20:
0x2d8: {  	p0 =	por !p0, !p0;
	s4 =	simm.s32 $0x1;
	v3 =	vld.idx.msk [tilespmem:v7+s3+$0x0], vm6;
	v18 =	vmul.f32 v11, v11;
	v11 =	vsub.f32 v12, v5;
	(pc) =	sbr.rel @p1 .LBB2_42-.Ltmp20, $4  }
0x2d9: {  	s4 =	simm.s32 @!p0 $0x0;
	v5 =	vld.idx.msk [tilespmem:v8+s3+$0x0], vm1;
	v19 =	vmul.f32 v13, v13;
	v12 =	vsub.f32 v15, v4  }
0x2da: {  	s1 =	sadd.s32 $0x80, s1;
	s7 =	sand.u32 $0xFC0, s2;
	s4 =	sshll.u32 s4, $0x6;
	v4 =	vld.idx.msk [tilespmem:v9+s3+$0x0], vm0;
	v18 =	vnsel vm2, $0x0, v18;
	v13 =	vmul.f32 v11, v11;
	v7 =	vmovc v10;
	vm2 =	vmmov vm7  }
0x2db: {  	s4 =	sadd.s32 s4, s1;
	v10 =	vld [tilespmem:s7+$0x19700];
	v2 =	vadd.f32 v18, v2;
	v15 =	vnsel vm4, $0x0, v19;
	v12 =	vmul.f32 v12, v12;
	v8 =	vmovc v17  }
0x2dc: {  	s2 =	sadd.s32 $0x40, s2;
	s10 =	sor.u32 $0x80, s4;
	s7 =	sor.u32 $0x90, s4;
	vm4 =	vmmov vm6;
	v11 =	vld.idx.msk [tilespmem:v16+s3+$0x0], vm7;
	v6 =	vadd.f32 v15, v6;
	v13 =	vnsel vm5, $0x0, v13;
	v9 =	vmovc v14  }
0x2dd: {  	vm7 =	vlt.s32 v7, $0xC380  }
0x2de: {  	vm6 =	vlt.s32 v8, $0xC380  }
0x2df: {  	v14 =	vld [tilespmem:s10+$0x1C700];
	vm5 =	vlt.s32 v9, $0xC380  }
0x2e0: {  	s0 =	sor.u32 $0xA0, s4;
	v15 =	vld [tilespmem:s7+$0x1C700]  }
0x2e1: {  	s2 =	sor.u32 $0xB0, s4;
	p0 =	por !p0, !p0;
	v16 =	vld [tilespmem:s0+$0x1C700];
	s0 =	simm.s32 $0x1  }
0x2e2: {  	v17 =	vld [tilespmem:s2+$0x1C700];
	s0 =	simm.s32 @!p0 $0x0  }
0x2e3: {  	s1 =	sadd.s32 $0x80, s1;
	vm8 =	vlt.s32 v10, $0xC380;
	s0 =	sshll.u32 s0, $0x6;
	v7 =	vld.idx.msk [tilespmem:v7+s3+$0x0], vm7  }
0x2e4: {  	s0 =	sadd.s32 s0, s1;
	v8 =	vld.idx.msk [tilespmem:v8+s3+$0x0], vm6  }
0x2e5: {  	s1 =	sor.u32 $0x80, s0;
	v9 =	vld.idx.msk [tilespmem:v9+s3+$0x0], vm5  }
0x2e6: {  	s29 =	sor.u32 $0x90, s0;
	v59 =	vld [tilespmem:s1+$0x1C700]  }
0x2e7: {  	v3 =	vsub.f32 v15, v3;
	s31 =	sor.u32 $0xA0, s0;
	v60 =	vld [tilespmem:s29+$0x1C700]  }
0x2e8: {  	v12 =	vnsel vm3, $0x0, v12;
	v1 =	vadd.f32 v13, v1;
	v5 =	vsub.f32 v16, v5;
	v61 =	vld [tilespmem:s31+$0x1C700]  }
0x2e9: {  	vm1 =	vmmov vm1;
	vm0 =	vmmov vm0;
	s0 =	sor.u32 $0xB0, s0;
	v3 =	vmul.f32 v3, v3;
	v10 =	vld.idx.msk [tilespmem:v10+s3+$0x0], vm8  }
0x2ea: {  	v0 =	vadd.f32 v12, v0;
	v4 =	vsub.f32 v17, v4;
	v62 =	vld [tilespmem:s0+$0x1C700];
	v5 =	vmul.f32 v5, v5  }
0x2eb: {  	vm13 =	vmmov vm7;
	v11 =	vsub.f32 v14, v11;
	v3 =	vnsel vm4, $0x0, v3  }
0x2ec: {  	v4 =	vmul.f32 v4, v4;
	v6 =	vadd.f32 v3, v6;
	v3 =	vnsel vm1, $0x0, v5  }
0x2ed: {  	vm14 =	vmmov vm6;
	v11 =	vmul.f32 v11, v11;
	v1 =	vadd.f32 v3, v1  }
0x2ee: {  	v3 =	vnsel vm0, $0x0, v4;
	v4 =	vsub.f32 v60, v7;
	v5 =	vsub.f32 v59, v10  }
0x2ef: {  	v11 =	vnsel vm2, $0x0, v11;
	v7 =	vsub.f32 v61, v8;
	v8 =	vsub.f32 v62, v9  }
0x2f0: {  	v63 =	vadd.f32 v3, v0;
	v0 =	vmul.f32 v4, v4;
	v5 =	vmul.f32 v5, v5  }
0x2f1: {  	vm12 =	vmmov vm8;
	v2 =	vadd.f32 v11, v2;
	v4 =	vmul.f32 v7, v7  }
0x2f2: {  	v0 =	vnsel vm13, $0x0, v0;
	v3 =	vnsel vm12, $0x0, v5;
	v5 =	vmul.f32 v8, v8  }
0x2f3: {  	vm15 =	vmmov vm5;
	v6 =	vadd.f32 v0, v6;
	v0 =	vnsel vm14, $0x0, v4  }
0x2f4: {  	s4 =	sadd.s32 $0x0, s15;
	v0 =	vadd.f32 v0, v1;
	v3 =	vadd.f32 v3, v2;
	v2 =	vnsel vm15, $0x0, v5  }
0x2f5: {  	s2 =	simm.s32 $0x1C880;
	s0 =	simm.s32 $0x1C780;
	s1 =	simm.s32 $0x80;
	v1 =	vadd.f32 v2, v63  }
.LBB2_44:
0x2f6: {  	[tilespmem:s0], [sflag:$0x5] =	stream.linear.gather [hbm4b:s4+s3], $0x80, $0x38;
	[tilespmem:$0x1E780] =	vst v63  }
0x2f7: {  	s4 =	smov.u32 s1;
	s0 =	smov.u32 s2;
	p0 =	sne.s32 s1, $0xF80  }
.Ltmp21:
0x2f8: {  	s1 =	sadd.s32 $0x80, s1;
	(pc) =	sbr.rel @p0 .LBB2_44-.Ltmp21, $2  }
0x2f9: {  	_ =	sdelay $0x2  }
0x2fa: {  	s2 =	sadd.s32 $0x100, s2;
	s4 =	sadd.s32 s4, s15  }
0x2fb: {  	[tilespmem:s0], [sflag:$0x5] =	stream.linear.gather [hbm4b:s4+s3], $0x80, $0x38;
	[tilespmem:$0x1E780] =	vst v63  }
0x2fc: {  	_ =	swait.ge [sflag:s24], $0x1000  }
0x2fd: {  	[sflag:s24] =	ssyncset.done $0x0  }
0x2fe: {  	s18 =	simm.s32 $0x1A730;
	s31 =	simm.s32 $0x0;
	[sflag:s24] =	ssyncadd.s32 $0xFFFFF000  }
0x2ff: {  	s19 =	sand.u32 $0xFC0, s31;
	v5 =	vld [tilespmem:s18+$0x0]  }
0x300: {  	v7 =	vld [tilespmem:s19+$0x1A700]  }
0x301: {  	v2 =	vld [tilespmem:s18+$0xFFFFFFE0]  }
0x302: {  	s20 =	simm.s32 $0x1A770;
	v4 =	vld [tilespmem:s18+$0xFFFFFFF0]  }
0x303: {  	v10 =	vld [tilespmem:s20+$0xFFFFFFE0]  }
0x304: {  	s22 =	simm.s32 $0x40;
	v11 =	vld [tilespmem:s20+$0xFFFFFFF0];
	vm2 =	vlt.s32 v5, $0xC380  }
0x305: {  	s23 =	sand.u32 $0xFC0, s22;
	s28 =	sand.u32 $0x40, s31;
	s1 =	sand.u32 $0x1F00, s31;
	v12 =	vld [tilespmem:s20+$0x0];
	vm6 =	vlt.s32 v7, $0xC380  }
0x306: {  	s0 =	sor.u32 s28, s1;
	v14 =	vld [tilespmem:s23+$0x1A700];
	vm5 =	vlt.s32 v2, $0xC380  }
0x307: {  	s1 =	sadd.s32 $0x1C700, s0;
	v9 =	vld [tilespmem:s0+$0x1C700];
	vm3 =	vlt.s32 v4, $0xC380  }
0x308: {  	v15 =	vld [tilespmem:s1+$0x10]  }
0x309: {  	v16 =	vld [tilespmem:s1+$0x20]  }
0x30a: {  	v13 =	vld.idx.msk [tilespmem:v5+s31+$0x0], vm2  }
0x30b: {  	v5 =	vld.idx.msk [tilespmem:v7+s31+$0x0], vm6  }
0x30c: {  	vm4 =	vlt.s32 v10, $0xC380;
	v2 =	vld.idx.msk [tilespmem:v2+s31+$0x0], vm5  }
0x30d: {  	vm1 =	vlt.s32 v11, $0xC380;
	v4 =	vld.idx.msk [tilespmem:v4+s31+$0x0], vm3  }
0x30e: {  	s0 =	simm.s32 $0x1A7B0;
	v17 =	vld [tilespmem:s1+$0x30];
	vm0 =	vlt.s32 v12, $0xC380  }
0x30f: {  	v8 =	vld [tilespmem:s0+$0xFFFFFFF0]  }
0x310: {  	vm7 =	vlt.s32 v14, $0xC380;
	v7 =	vld [tilespmem:s0+$0xFFFFFFE0];
	v18 =	vsub.f32 v9, v5  }
0x311: {  	vm8 =	vmmov vm3;
	vm6 =	vmmov vm6;
	v9 =	vld [tilespmem:s0+$0x0];
	v15 =	vsub.f32 v15, v2  }
0x312: {  	vm5 =	vmmov vm5;
	v5 =	vld.idx.msk [tilespmem:v10+s31+$0x0], vm4;
	v16 =	vsub.f32 v16, v4;
	v10 =	vmul.f32 v18, v18  }
0x313: {  	s1 =	simm.s32 $0x80;
	vm3 =	vmmov vm2;
	v2 =	vld.idx.msk [tilespmem:v11+s31+$0x0], vm1;
	v13 =	vsub.f32 v17, v13;
	v11 =	vmul.f32 v15, v15  }
0x314: {  	s2 =	simm.s32 $0x80;
	s7 =	sand.u32 $0xFC0, s1;
	vm2 =	vmmov vm7;
	v4 =	vld.idx.msk [tilespmem:v12+s31+$0x0], vm0;
	v15 =	vmul.f32 v16, v16;
	v12 =	vnsel vm6, $0x0, v10  }
0x315: {  	s29 =	sand.u32 $0x40, s22;
	s10 =	sand.u32 $0x1F00, s2;
	v10 =	vld [tilespmem:s7+$0x1A700];
	v63 =	vnsel vm5, $0x0, v11;
	v3 =	vadd.f32 v12, v3;
	v12 =	vmul.f32 v13, v13  }
0x316: {  	s4 =	simm.s32 $0xC0;
	vm4 =	vmmov vm4;
	s7 =	sor.u32 s29, s10;
	v11 =	vld.idx.msk [tilespmem:v14+s31+$0x0], vm7;
	v6 =	vadd.f32 v63, v6;
	v13 =	vnsel vm8, $0x0, v15  }
.LBB2_46:
0x317: {  	p0 =	sne.s32 s4, $0xFC0;
	s10 =	sadd.s32 $0x1C700, s7;
	v14 =	vld [tilespmem:s7+$0x1C700];
	v0 =	vadd.f32 v13, v0;
	v12 =	vnsel vm3, $0x0, v12;
	vm5 =	vmmov vm1  }
0x318: {  	vm6 =	vlt.s32 v7, $0xC380;
	vm3 =	vmmov vm0;
	v13 =	vld [tilespmem:s10+$0x10];
	v1 =	vadd.f32 v12, v1  }
0x319: {  	vm1 =	vlt.s32 v8, $0xC380;
	v12 =	vld [tilespmem:s10+$0x20]  }
0x31a: {  	vm0 =	vlt.s32 v9, $0xC380;
	s0 =	sadd.s32 $0x40, s0;
	v15 =	vld [tilespmem:s10+$0x30];
	v16 =	vmov v10  }
0x31b: {  	v10 =	vld [tilespmem:s0+$0xFFFFFFE0]  }
0x31c: {  	vm7 =	vlt.s32 v16, $0xC380;
	v17 =	vld [tilespmem:s0+$0xFFFFFFF0];
	v11 =	vsub.f32 v14, v11  }
0x31d: {  	v14 =	vld [tilespmem:s0+$0x0];
	v13 =	vsub.f32 v13, v5  }
.Ltmp22:
0x31e: {  	v5 =	vld.idx.msk [tilespmem:v7+s31+$0x0], vm6;
	v18 =	vmul.f32 v11, v11;
	v11 =	vsub.f32 v12, v2;
	(pc) =	sbr.rel @p0 .LBB2_46-.Ltmp22, $4  }
0x31f: {  	v2 =	vld.idx.msk [tilespmem:v8+s31+$0x0], vm1;
	v19 =	vmul.f32 v13, v13;
	v12 =	vsub.f32 v15, v4  }
0x320: {  	s7 =	sand.u32 $0xFC0, s4;
	s2 =	sadd.s32 $0x80, s2;
	v4 =	vld.idx.msk [tilespmem:v9+s31+$0x0], vm0;
	v18 =	vnsel vm2, $0x0, v18;
	v13 =	vmul.f32 v11, v11;
	v7 =	vmovc v10;
	vm2 =	vmmov vm7  }
0x321: {  	s10 =	sand.u32 $0x1F00, s2;
	v10 =	vld [tilespmem:s7+$0x1A700];
	s7 =	sand.u32 $0x40, s1;
	v3 =	vadd.f32 v18, v3;
	v15 =	vnsel vm4, $0x0, v19;
	v12 =	vmul.f32 v12, v12;
	v8 =	vmovc v17;
	s1 =	smov.u32 s4  }
0x322: {  	s4 =	sadd.s32 $0x40, s4;
	vm4 =	vmmov vm6;
	s7 =	sor.u32 s7, s10;
	v11 =	vld.idx.msk [tilespmem:v16+s31+$0x0], vm7;
	v6 =	vadd.f32 v15, v6;
	v13 =	vnsel vm5, $0x0, v13;
	v9 =	vmovc v14  }
0x323: {  	s0 =	sadd.s32 $0x1C700, s7  }
0x324: {  	v15 =	vld [tilespmem:s0+$0x10]  }
0x325: {  	s29 =	sadd.s32 $0x80, s2;
	v16 =	vld [tilespmem:s0+$0x20]  }
0x326: {  	s1 =	sand.u32 $0x40, s1;
	v17 =	vld [tilespmem:s0+$0x30];
	s0 =	sand.u32 $0x1F00, s29;
	vm8 =	vlt.s32 v10, $0xC380  }
0x327: {  	vm7 =	vlt.s32 v7, $0xC380;
	v14 =	vld [tilespmem:s7+$0x1C700];
	s0 =	sor.u32 s1, s0  }
0x328: {  	vm6 =	vlt.s32 v8, $0xC380;
	s1 =	sadd.s32 $0x1C700, s0;
	v60 =	vld [tilespmem:s0+$0x1C700]  }
0x329: {  	vm5 =	vlt.s32 v9, $0xC380;
	v61 =	vld [tilespmem:s1+$0x10]  }
0x32a: {  	v62 =	vld [tilespmem:s1+$0x20]  }
0x32b: {  	v12 =	vnsel vm3, $0x0, v12;
	v0 =	vadd.f32 v13, v0;
	v63 =	vld [tilespmem:s1+$0x30]  }
0x32c: {  	vm1 =	vmmov vm1;
	vm0 =	vmmov vm0;
	v5 =	vsub.f32 v15, v5;
	v10 =	vld.idx.msk [tilespmem:v10+s31+$0x0], vm8  }
0x32d: {  	v1 =	vadd.f32 v12, v1;
	vm13 =	vmmov vm7;
	v7 =	vld.idx.msk [tilespmem:v7+s31+$0x0], vm7;
	v2 =	vsub.f32 v16, v2  }
0x32e: {  	v11 =	vsub.f32 v14, v11;
	v8 =	vld.idx.msk [tilespmem:v8+s31+$0x0], vm6;
	v4 =	vsub.f32 v17, v4;
	v5 =	vmul.f32 v5, v5  }
0x32f: {  	vm14 =	vmmov vm6;
	vm12 =	vmmov vm8;
	v9 =	vld.idx.msk [tilespmem:v9+s31+$0x0], vm5;
	v2 =	vmul.f32 v2, v2  }
0x330: {  	v11 =	vmul.f32 v11, v11;
	v4 =	vmul.f32 v4, v4;
	v5 =	vnsel vm4, $0x0, v5  }
0x331: {  	v2 =	vnsel vm1, $0x0, v2;
	v5 =	vadd.f32 v5, v6;
	v6 =	vsub.f32 v60, v10  }
0x332: {  	v0 =	vadd.f32 v2, v0;
	v2 =	vnsel vm0, $0x0, v4;
	v4 =	vsub.f32 v61, v7  }
0x333: {  	v11 =	vnsel vm2, $0x0, v11;
	v7 =	vsub.f32 v62, v8;
	v6 =	vmul.f32 v6, v6  }
0x334: {  	v3 =	vadd.f32 v11, v3;
	v8 =	vsub.f32 v63, v9;
	v4 =	vmul.f32 v4, v4  }
0x335: {  	v1 =	vadd.f32 v2, v1;
	v7 =	vmul.f32 v7, v7;
	v2 =	vnsel vm12, $0x0, v6  }
0x336: {  	v8 =	vmul.f32 v8, v8;
	v2 =	vadd.f32 v2, v3;
	v3 =	vnsel vm13, $0x0, v4  }
0x337: {  	vm15 =	vmmov vm5;
	v6 =	vadd.f32 v3, v5;
	v3 =	vnsel vm14, $0x0, v7  }
0x338: {  	s4 =	sadd.s32 $0x0, s11;
	v4 =	vnsel vm15, $0x0, v8;
	v0 =	vadd.f32 v3, v0  }
0x339: {  	s2 =	simm.s32 $0x1C800;
	s0 =	simm.s32 $0x1C700;
	s1 =	simm.s32 $0x80;
	v1 =	vadd.f32 v4, v1  }
.LBB2_48:
0x33a: {  	[tilespmem:s0], [sflag:$0x4] =	stream.linear.gather [hbm4b:s4+s3], $0x80, $0x38;
	[tilespmem:$0x1E780] =	vst v63  }
0x33b: {  	s4 =	smov.u32 s1;
	s0 =	smov.u32 s2;
	p0 =	sne.s32 s1, $0xF80  }
.Ltmp23:
0x33c: {  	s1 =	sadd.s32 $0x80, s1;
	(pc) =	sbr.rel @p0 .LBB2_48-.Ltmp23, $2  }
0x33d: {  	_ =	sdelay $0x2  }
0x33e: {  	s2 =	sadd.s32 $0x100, s2;
	s4 =	sadd.s32 s4, s11  }
0x33f: {  	[tilespmem:s0], [sflag:$0x4] =	stream.linear.gather [hbm4b:s4+s3], $0x80, $0x38;
	[tilespmem:$0x1E780] =	vst v63  }
0x340: {  	_ =	swait.ge [sflag:s25], $0x1000  }
0x341: {  	[sflag:s25] =	ssyncset.done $0x0  }
0x342: {  	s17 =	simm.s32 $0x1B730;
	s31 =	simm.s32 $0x0;
	[sflag:s25] =	ssyncadd.s32 $0xFFFFF000  }
0x343: {  	s18 =	sand.u32 $0xFC0, s31;
	v5 =	vld [tilespmem:s17+$0x0]  }
0x344: {  	v7 =	vld [tilespmem:s18+$0x1B700]  }
0x345: {  	v3 =	vld [tilespmem:s17+$0xFFFFFFE0]  }
0x346: {  	s19 =	simm.s32 $0x1B770;
	p0 =	por $0x0, $0x0;
	s0 =	simm.s32 $0x1;
	v4 =	vld [tilespmem:s17+$0xFFFFFFF0]  }
0x347: {  	s0 =	simm.s32 @!p0 $0x0;
	v10 =	vld [tilespmem:s19+$0xFFFFFFE0]  }
0x348: {  	s1 =	simm.s32 $0x40;
	s0 =	sshll.u32 s0, $0x6;
	v11 =	vld [tilespmem:s19+$0xFFFFFFF0];
	vm2 =	vlt.s32 v5, $0xC380  }
0x349: {  	s1 =	sand.u32 $0xFC0, s1;
	s0 =	sadd.s32 $0x0, s0;
	v12 =	vld [tilespmem:s19+$0x0];
	vm6 =	vlt.s32 v7, $0xC380  }
0x34a: {  	v14 =	vld [tilespmem:s1+$0x1B700];
	s20 =	sor.u32 $0x80, s0;
	vm5 =	vlt.s32 v3, $0xC380  }
0x34b: {  	s2 =	sor.u32 $0x90, s0;
	v9 =	vld [tilespmem:s20+$0x1C700];
	vm3 =	vlt.s32 v4, $0xC380  }
0x34c: {  	s22 =	sor.u32 $0xA0, s0;
	v15 =	vld [tilespmem:s2+$0x1C700]  }
0x34d: {  	v16 =	vld [tilespmem:s22+$0x1C700]  }
0x34e: {  	v13 =	vld.idx.msk [tilespmem:v5+s31+$0x0], vm2  }
0x34f: {  	v5 =	vld.idx.msk [tilespmem:v7+s31+$0x0], vm6  }
0x350: {  	vm4 =	vlt.s32 v10, $0xC380;
	v3 =	vld.idx.msk [tilespmem:v3+s31+$0x0], vm5  }
0x351: {  	s23 =	sor.u32 $0xB0, s0;
	vm1 =	vlt.s32 v11, $0xC380;
	v4 =	vld.idx.msk [tilespmem:v4+s31+$0x0], vm3  }
0x352: {  	s0 =	simm.s32 $0x1B7B0;
	v17 =	vld [tilespmem:s23+$0x1C700];
	vm0 =	vlt.s32 v12, $0xC380  }
0x353: {  	v8 =	vld [tilespmem:s0+$0xFFFFFFF0]  }
0x354: {  	vm7 =	vlt.s32 v14, $0xC380;
	v7 =	vld [tilespmem:s0+$0xFFFFFFE0];
	v5 =	vsub.f32 v9, v5  }
0x355: {  	vm8 =	vmmov vm3;
	vm6 =	vmmov vm6;
	v9 =	vld [tilespmem:s0+$0x0];
	v15 =	vsub.f32 v15, v3  }
0x356: {  	p0 =	por !p0, !p0;
	s1 =	simm.s32 $0x1;
	vm5 =	vmmov vm5;
	v3 =	vld.idx.msk [tilespmem:v10+s31+$0x0], vm4;
	v16 =	vsub.f32 v16, v4;
	v10 =	vmul.f32 v5, v5  }
0x357: {  	s28 =	simm.s32 $0x80;
	s1 =	simm.s32 @!p0 $0x0;
	vm3 =	vmmov vm2;
	v13 =	vsub.f32 v17, v13;
	v5 =	vld.idx.msk [tilespmem:v11+s31+$0x0], vm1;
	v11 =	vmul.f32 v15, v15  }
0x358: {  	s2 =	sand.u32 $0xFC0, s28;
	s29 =	sshll.u32 s1, $0x6;
	vm2 =	vmmov vm7;
	v4 =	vld.idx.msk [tilespmem:v12+s31+$0x0], vm0;
	v15 =	vmul.f32 v16, v16;
	v12 =	vnsel vm6, $0x0, v10  }
0x359: {  	s1 =	simm.s32 $0x80;
	s4 =	sadd.s32 $0x80, s29;
	v10 =	vld [tilespmem:s2+$0x1B700];
	v63 =	vnsel vm5, $0x0, v11;
	v2 =	vadd.f32 v12, v2;
	v12 =	vmul.f32 v13, v13  }
0x35a: {  	s10 =	sor.u32 $0x80, s4;
	s7 =	sor.u32 $0x90, s4;
	vm4 =	vmmov vm4;
	s2 =	simm.s32 $0xC0;
	v11 =	vld.idx.msk [tilespmem:v14+s31+$0x0], vm7;
	v6 =	vadd.f32 v63, v6;
	v13 =	vnsel vm8, $0x0, v15  }
.LBB2_50:
0x35b: {  	p1 =	sne.s32 s2, $0xFC0;
	v14 =	vld [tilespmem:s10+$0x1C700];
	s10 =	sor.u32 $0xA0, s4;
	s4 =	sor.u32 $0xB0, s4;
	v0 =	vadd.f32 v13, v0;
	v12 =	vnsel vm3, $0x0, v12;
	vm5 =	vmmov vm1  }
0x35c: {  	vm6 =	vlt.s32 v7, $0xC380;
	vm3 =	vmmov vm0;
	v13 =	vld [tilespmem:s7+$0x1C700];
	v1 =	vadd.f32 v12, v1  }
0x35d: {  	vm1 =	vlt.s32 v8, $0xC380;
	v12 =	vld [tilespmem:s10+$0x1C700]  }
0x35e: {  	vm0 =	vlt.s32 v9, $0xC380;
	s0 =	sadd.s32 $0x40, s0;
	v15 =	vld [tilespmem:s4+$0x1C700];
	v16 =	vmov v10  }
0x35f: {  	v10 =	vld [tilespmem:s0+$0xFFFFFFE0]  }
0x360: {  	vm7 =	vlt.s32 v16, $0xC380;
	v17 =	vld [tilespmem:s0+$0xFFFFFFF0];
	v11 =	vsub.f32 v14, v11  }
0x361: {  	v14 =	vld [tilespmem:s0+$0x0];
	v13 =	vsub.f32 v13, v3  }
.Ltmp24:
0x362: {  	p0 =	por !p0, !p0;
	s4 =	simm.s32 $0x1;
	v3 =	vld.idx.msk [tilespmem:v7+s31+$0x0], vm6;
	v18 =	vmul.f32 v11, v11;
	v11 =	vsub.f32 v12, v5;
	(pc) =	sbr.rel @p1 .LBB2_50-.Ltmp24, $4  }
0x363: {  	s4 =	simm.s32 @!p0 $0x0;
	v5 =	vld.idx.msk [tilespmem:v8+s31+$0x0], vm1;
	v19 =	vmul.f32 v13, v13;
	v12 =	vsub.f32 v15, v4  }
0x364: {  	s1 =	sadd.s32 $0x80, s1;
	s7 =	sand.u32 $0xFC0, s2;
	s4 =	sshll.u32 s4, $0x6;
	v4 =	vld.idx.msk [tilespmem:v9+s31+$0x0], vm0;
	v18 =	vnsel vm2, $0x0, v18;
	v13 =	vmul.f32 v11, v11;
	v7 =	vmovc v10;
	vm2 =	vmmov vm7  }
0x365: {  	s4 =	sadd.s32 s4, s1;
	v10 =	vld [tilespmem:s7+$0x1B700];
	v2 =	vadd.f32 v18, v2;
	v15 =	vnsel vm4, $0x0, v19;
	v12 =	vmul.f32 v12, v12;
	v8 =	vmovc v17  }
0x366: {  	s2 =	sadd.s32 $0x40, s2;
	s10 =	sor.u32 $0x80, s4;
	s7 =	sor.u32 $0x90, s4;
	vm4 =	vmmov vm6;
	v11 =	vld.idx.msk [tilespmem:v16+s31+$0x0], vm7;
	v6 =	vadd.f32 v15, v6;
	v13 =	vnsel vm5, $0x0, v13;
	v9 =	vmovc v14  }
0x367: {  	vm7 =	vlt.s32 v7, $0xC380  }
0x368: {  	vm6 =	vlt.s32 v8, $0xC380  }
0x369: {  	v14 =	vld [tilespmem:s10+$0x1C700];
	vm5 =	vlt.s32 v9, $0xC380  }
0x36a: {  	s0 =	sor.u32 $0xA0, s4;
	v15 =	vld [tilespmem:s7+$0x1C700]  }
0x36b: {  	s2 =	sor.u32 $0xB0, s4;
	p0 =	por !p0, !p0;
	v16 =	vld [tilespmem:s0+$0x1C700];
	s0 =	simm.s32 $0x1  }
0x36c: {  	v17 =	vld [tilespmem:s2+$0x1C700];
	s0 =	simm.s32 @!p0 $0x0;
	vm8 =	vlt.s32 v10, $0xC380  }
0x36d: {  	s1 =	sadd.s32 $0x80, s1;
	s0 =	sshll.u32 s0, $0x6;
	v7 =	vld.idx.msk [tilespmem:v7+s31+$0x0], vm7  }
0x36e: {  	s0 =	sadd.s32 s0, s1;
	v8 =	vld.idx.msk [tilespmem:v8+s31+$0x0], vm6  }
0x36f: {  	s1 =	sor.u32 $0x80, s0;
	v9 =	vld.idx.msk [tilespmem:v9+s31+$0x0], vm5  }
0x370: {  	v12 =	vnsel vm3, $0x0, v12;
	s29 =	sor.u32 $0x90, s0;
	v55 =	vld [tilespmem:s1+$0x1C700]  }
0x371: {  	v0 =	vadd.f32 v13, v0;
	vm1 =	vmmov vm1;
	v1 =	vadd.f32 v12, v1;
	v56 =	vld [tilespmem:s29+$0x1C700]  }
0x372: {  	vm0 =	vmmov vm0;
	v11 =	vsub.f32 v14, v11;
	v5 =	vsub.f32 v16, v5;
	v10 =	vld.idx.msk [tilespmem:v10+s31+$0x0], vm8;
	s31 =	sor.u32 $0xA0, s0;
	s0 =	sor.u32 $0xB0, s0  }
0x373: {  	vm13 =	vmmov vm7;
	vm14 =	vmmov vm6;
	v4 =	vsub.f32 v17, v4;
	v58 =	vld [tilespmem:s0+$0x1C700]  }
0x374: {  	v3 =	vsub.f32 v15, v3;
	v11 =	vmul.f32 v11, v11;
	v5 =	vmul.f32 v5, v5;
	v57 =	vld [tilespmem:s31+$0x1C700]  }
0x375: {  	vm15 =	vmmov vm5;
	vm12 =	vmmov vm8;
	v4 =	vmul.f32 v4, v4  }
0x376: {  	v3 =	vmul.f32 v3, v3;
	v11 =	vnsel vm2, $0x0, v11;
	v5 =	vnsel vm1, $0x0, v5  }
0x377: {  	v5 =	vadd.f32 v5, v0;
	v0 =	vnsel vm0, $0x0, v4;
	v4 =	vsub.f32 v56, v7  }
0x378: {  	v3 =	vnsel vm4, $0x0, v3;
	v59 =	vsub.f32 v55, v10;
	v61 =	vsub.f32 v58, v9  }
0x379: {  	v62 =	vadd.f32 v0, v1;
	v1 =	vmul.f32 v4, v4;
	v60 =	vsub.f32 v57, v8  }
0x37a: {  	v3 =	vadd.f32 v3, v6;
	v6 =	vmul.f32 v59, v59;
	v63 =	vmul.f32 v61, v61  }
0x37b: {  	v2 =	vadd.f32 v11, v2;
	v1 =	vnsel vm13, $0x0, v1;
	v4 =	vmul.f32 v60, v60  }
0x37c: {  	v1 =	vadd.f32 v1, v3;
	v0 =	vnsel vm12, $0x0, v6;
	v3 =	vnsel vm15, $0x0, v63  }
0x37d: {  	s4 =	sadd.s32 $0x0, s12;
	v0 =	vadd.f32 v0, v2;
	v2 =	vnsel vm14, $0x0, v4;
	v3 =	vadd.f32 v3, v62  }
0x37e: {  	s2 =	simm.s32 $0x1C880;
	s1 =	simm.s32 $0x80;
	s0 =	simm.s32 $0x1C780;
	v2 =	vadd.f32 v2, v5  }
.LBB2_52:
0x37f: {  	[tilespmem:s0], [sflag:$0x5] =	stream.linear.gather [hbm4b:s4+s3], $0x80, $0x38;
	[tilespmem:$0x1E780] =	vst v63  }
0x380: {  	s4 =	smov.u32 s1;
	s0 =	smov.u32 s2;
	p0 =	sne.s32 s1, $0xF80  }
.Ltmp25:
0x381: {  	s1 =	sadd.s32 $0x80, s1;
	(pc) =	sbr.rel @p0 .LBB2_52-.Ltmp25, $2  }
0x382: {  	_ =	sdelay $0x2  }
0x383: {  	s2 =	sadd.s32 $0x100, s2;
	s4 =	sadd.s32 s4, s12  }
0x384: {  	[tilespmem:s0], [sflag:$0x5] =	stream.linear.gather [hbm4b:s4+s3], $0x80, $0x38;
	[tilespmem:$0x1E780] =	vst v63  }
0x385: {  	_ =	swait.ge [sflag:s26], $0xC380  }
0x386: {  	[sflag:s26] =	ssyncset.done $0x0  }
0x387: {  	[sflag:s26] =	ssyncadd.s32 $0xFFFF3C80  }
0x388: {  	s17 =	simm.s32 $0x0;
	s1 =	simm.s32 $0x18700;
	_ =	swait.ge [sflag:s24], $0x1000  }
0x389: {  	s18 =	sand.u32 $0x40, s17;
	s2 =	sand.u32 $0xF80, s17;
	[sflag:s24] =	ssyncset.done $0x0  }
0x38a: {  	s19 =	sadd.s32 $0x18700, s2;
	s7 =	sor.u32 $0x30, s18;
	[sflag:s24] =	ssyncadd.s32 $0xFFFFF000  }
0x38b: {  	s2 =	sor.u32 s7, s19;
	v4 =	vld [tilespmem:s1+$0x0]  }
0x38c: {  	v5 =	vld [tilespmem:s2+$0x0]  }
0x38d: {  	s10 =	sor.u32 $0x10, s18  }
0x38e: {  	s13 =	sor.u32 $0x20, s18;
	s20 =	sor.u32 s10, s19  }
0x38f: {  	s1 =	sor.u32 s13, s19;
	v6 =	vld [tilespmem:s20+$0x0]  }
0x390: {  	s22 =	simm.s32 $0x40;
	s16 =	simm.s32 $0x18740;
	s0 =	sand.u32 $0x1F00, s17;
	v7 =	vld [tilespmem:s1+$0x0];
	vm1 =	vgt.s32 v4, $0xC37F  }
0x391: {  	s29 =	sadd.s32 $0x1C700, s0;
	s2 =	sand.u32 $0x40, s22;
	s1 =	sand.u32 $0xF80, s22;
	v4 =	vadd.s32 $0xFFFF3C80, v4;
	vm4 =	vgt.s32 v5, $0xC37F  }
0x392: {  	s7 =	sor.u32 s7, s29;
	v9 =	vld [tilespmem:s16+$0x0];
	s20 =	sor.u32 $0x30, s2;
	s1 =	sadd.s32 $0x18700, s1;
	v8 =	vadd.s32 $0xFFFF3C80, v5  }
0x393: {  	v12 =	vld [tilespmem:s7+$0x0];
	s0 =	sor.u32 $0x10, s2;
	s23 =	sor.u32 s20, s1  }
0x394: {  	s17 =	sor.u32 s0, s1;
	v11 =	vld [tilespmem:s23+$0x0];
	vm0 =	vgt.s32 v6, $0xC37F  }
0x395: {  	v13 =	vld [tilespmem:s17+$0x0];
	vm3 =	vgt.s32 v7, $0xC37F;
	vm2 =	vmmov vm0  }
0x396: {  	s31 =	sor.u32 $0x20, s2;
	vm3 =	vmmov vm3;
	v5 =	vld.idx.msk [tilespmem:v4+s21+$0x0], vm1;
	v4 =	vadd.s32 $0xFFFF3C80, v6  }
0x397: {  	s1 =	sor.u32 s31, s1;
	v7 =	vadd.s32 $0xFFFF3C80, v7;
	v8 =	vld.idx.msk [tilespmem:v8+s21+$0x0], vm4  }
0x398: {  	v15 =	vld [tilespmem:s1+$0x0]  }
0x399: {  	s18 =	sor.u32 s18, s29  }
0x39a: {  	v10 =	vld [tilespmem:s18+$0x0];
	vm0 =	vgt.s32 v9, $0xC37F  }
0x39b: {  	v16 =	vadd.s32 $0xFFFF3C80, v9;
	vm6 =	vmmov vm2;
	v6 =	vld.idx.msk [tilespmem:v4+s21+$0x0], vm2  }
0x39c: {  	s19 =	sor.u32 s10, s29;
	vm7 =	vgt.s32 v11, $0xC37F;
	vm5 =	vgt.s32 v13, $0xC37F;
	v4 =	vld.idx.msk [tilespmem:v7+s21+$0x0], vm3;
	v7 =	vsub.f32 v12, v8  }
0x39d: {  	s22 =	simm.s32 $0x80;
	s23 =	sor.u32 s13, s29;
	v14 =	vadd.s32 $0xFFFF3C80, v11;
	v11 =	vld [tilespmem:s19+$0x0];
	vm8 =	vgt.s32 v15, $0xC37F;
	v9 =	vadd.s32 $0xFFFF3C80, v15  }
0x39e: {  	s7 =	simm.s32 $0x18780;
	s1 =	sand.u32 $0x40, s22;
	s29 =	sand.u32 $0xF80, s22;
	vm4 =	vmmov vm4;
	vm1 =	vmmov vm1;
	v12 =	vld [tilespmem:s23+$0x0];
	v15 =	vmul.f32 v7, v7  }
0x39f: {  	s28 =	simm.s32 $0x80;
	s13 =	sadd.s32 $0x18700, s29;
	s4 =	sor.u32 $0x30, s1;
	v8 =	vadd.s32 $0xFFFF3C80, v13;
	v13 =	vld [tilespmem:s7+$0x0];
	vm2 =	vmmov vm5;
	vm5 =	vmmov vm3  }
0x3a0: {  	s10 =	simm.s32 $0xC0;
	s16 =	sand.u32 $0x1F00, s28;
	s17 =	sor.u32 s4, s13;
	vm3 =	vmmov vm7;
	v7 =	vld.idx.msk [tilespmem:v16+s21+$0x0], vm0;
	v15 =	vnsel vm4, $0x0, v15;
	vm4 =	vmmov vm8  }
.LBB2_54:
0x3a1: {  	p0 =	sne.s32 s10, $0xFC0;
	s18 =	sor.u32 $0x10, s1;
	v16 =	vld [tilespmem:s17+$0x0];
	s16 =	sadd.s32 $0x1C700, s16;
	v5 =	vsub.f32 v10, v5;
	v3 =	vadd.f32 v15, v3  }
0x3a2: {  	s19 =	sor.u32 $0x20, s1;
	s17 =	sor.u32 s18, s13;
	s20 =	sor.u32 s20, s16;
	v14 =	vld.idx.msk [tilespmem:v14+s21+$0x0], vm7;
	v6 =	vsub.f32 v11, v6  }
0x3a3: {  	s13 =	sor.u32 s19, s13;
	s22 =	sor.u32 s2, s16;
	s23 =	sor.u32 s0, s16;
	v11 =	vld [tilespmem:s20+$0x0];
	v19 =	vmul.f32 v5, v5;
	v4 =	vsub.f32 v12, v4  }
0x3a4: {  	s16 =	sor.u32 s31, s16;
	s0 =	smov.u32 s18;
	s31 =	smov.u32 s19;
	v12 =	vld [tilespmem:s17+$0x0];
	v10 =	vmul.f32 v6, v6  }
0x3a5: {  	s2 =	smov.u32 s1;
	s20 =	smov.u32 s4;
	v15 =	vld [tilespmem:s13+$0x0];
	v18 =	vnsel vm1, $0x0, v19;
	v17 =	vmul.f32 v4, v4;
	vm1 =	vmmov vm0  }
0x3a6: {  	vm0 =	vgt.s32 v13, $0xC37F;
	v5 =	vmovc v7;
	v6 =	vld.idx.msk [tilespmem:v8+s21+$0x0], vm2;
	v0 =	vadd.f32 v18, v0;
	v8 =	vnsel vm6, $0x0, v10  }
0x3a7: {  	v7 =	vadd.s32 $0xFFFF3C80, v13;
	v4 =	vld.idx.msk [tilespmem:v9+s21+$0x0], vm4;
	v1 =	vadd.f32 v8, v1;
	v8 =	vnsel vm5, $0x0, v17  }
.Ltmp26:
0x3a8: {  	vm7 =	vgt.s32 v16, $0xC37F;
	v10 =	vld [tilespmem:s22+$0x0];
	v13 =	vsub.f32 v11, v14;
	v2 =	vadd.f32 v8, v2;
	(pc) =	sbr.rel @p0 .LBB2_54-.Ltmp26, $4  }
0x3a9: {  	v14 =	vadd.s32 $0xFFFF3C80, v16;
	vm5 =	vgt.s32 v12, $0xC37F;
	v8 =	vadd.s32 $0xFFFF3C80, v12;
	v11 =	vld [tilespmem:s23+$0x0]  }
0x3aa: {  	s7 =	sadd.s32 $0x40, s7;
	s1 =	sand.u32 $0x40, s10;
	s4 =	sand.u32 $0xF80, s10;
	vm8 =	vgt.s32 v15, $0xC37F;
	v9 =	vadd.s32 $0xFFFF3C80, v15;
	v12 =	vld [tilespmem:s16+$0x0];
	v15 =	vmul.f32 v13, v13  }
0x3ab: {  	s28 =	sadd.s32 $0x80, s28;
	s13 =	sadd.s32 $0x18700, s4;
	s4 =	sor.u32 $0x30, s1;
	vm6 =	vmmov vm2;
	vm2 =	vmmov vm5;
	vm5 =	vmmov vm4;
	v13 =	vld [tilespmem:s7+$0x0]  }
0x3ac: {  	s10 =	sadd.s32 $0x40, s10;
	s17 =	sor.u32 s4, s13;
	s16 =	sand.u32 $0x1F00, s28;
	vm4 =	vmmov vm8;
	v7 =	vld.idx.msk [tilespmem:v7+s21+$0x0], vm0;
	v15 =	vnsel vm3, $0x0, v15;
	vm3 =	vmmov vm7  }
0x3ad: {  	_ =	sdelay $0x3  }
0x3ae: {  	v16 =	vld [tilespmem:s17+$0x0]  }
0x3af: {  	v14 =	vld.idx.msk [tilespmem:v14+s21+$0x0], vm7  }
0x3b0: {  	s7 =	sor.u32 $0x10, s1;
	v8 =	vld.idx.msk [tilespmem:v8+s21+$0x0], vm2  }
0x3b1: {  	s17 =	sor.u32 $0x20, s1;
	v9 =	vld.idx.msk [tilespmem:v9+s21+$0x0], vm4;
	s10 =	sor.u32 s7, s13  }
0x3b2: {  	s19 =	sadd.s32 $0x1C700, s16;
	s18 =	sor.u32 s17, s13;
	v17 =	vld [tilespmem:s10+$0x0]  }
0x3b3: {  	s20 =	sor.u32 s20, s19;
	v18 =	vld [tilespmem:s18+$0x0]  }
0x3b4: {  	v5 =	vsub.f32 v10, v5;
	s23 =	sadd.s32 $0x80, s28;
	v3 =	vadd.f32 v15, v3;
	s0 =	sor.u32 s0, s19;
	v19 =	vld [tilespmem:s20+$0x0]  }
0x3b5: {  	s2 =	sor.u32 s2, s19;
	v6 =	vsub.f32 v11, v6;
	v58 =	vld [tilespmem:s0+$0x0];
	v4 =	vsub.f32 v12, v4;
	s0 =	sand.u32 $0x1F00, s23  }
0x3b6: {  	s22 =	sor.u32 s31, s19;
	v56 =	vld [tilespmem:s2+$0x0];
	v5 =	vmul.f32 v5, v5;
	vm15 =	vgt.s32 v13, $0xC37F;
	v55 =	vadd.s32 $0xFFFF3C80, v13;
	s0 =	sadd.s32 $0x1C700, s0  }
0x3b7: {  	v60 =	vld [tilespmem:s22+$0x0];
	v6 =	vmul.f32 v6, v6;
	s28 =	sor.u32 s4, s0;
	vm10 =	vgt.s32 v16, $0xC37F;
	vm8 =	vgt.s32 v17, $0xC37F  }
0x3b8: {  	s31 =	sor.u32 s7, s0;
	v16 =	vadd.s32 $0xFFFF3C80, v16;
	v20 =	vld [tilespmem:s28+$0x0];
	vm9 =	vgt.s32 v18, $0xC37F;
	vm8 =	vmmov vm8  }
0x3b9: {  	v4 =	vmul.f32 v4, v4;
	s29 =	sor.u32 s1, s0;
	s0 =	sor.u32 s17, s0;
	v61 =	vld [tilespmem:s31+$0x0];
	v57 =	vadd.s32 $0xFFFF3C80, v17;
	vm9 =	vmmov vm9  }
0x3ba: {  	v6 =	vnsel vm6, $0x0, v6;
	v62 =	vld [tilespmem:s0+$0x0];
	v59 =	vadd.s32 $0xFFFF3C80, v18;
	v14 =	vsub.f32 v19, v14  }
0x3bb: {  	v4 =	vnsel vm5, $0x0, v4;
	v1 =	vadd.f32 v6, v1;
	v6 =	vsub.f32 v56, v7;
	v7 =	vld [tilespmem:s29+$0x0]  }
0x3bc: {  	vm0 =	vmmov vm0;
	v2 =	vadd.f32 v4, v2;
	v13 =	vld.idx.msk [tilespmem:v55+s21+$0x0], vm15;
	v4 =	vmul.f32 v14, v14  }
0x3bd: {  	vm11 =	vmmov vm4;
	v5 =	vnsel vm1, $0x0, v5;
	v8 =	vsub.f32 v58, v8;
	v16 =	vld.idx.msk [tilespmem:v16+s21+$0x0], vm10  }
0x3be: {  	v9 =	vsub.f32 v60, v9;
	v6 =	vmul.f32 v6, v6;
	v4 =	vnsel vm3, $0x0, v4;
	v11 =	vld.idx.msk [tilespmem:v57+s21+$0x0], vm8  }
0x3bf: {  	v0 =	vadd.f32 v5, v0;
	v3 =	vadd.f32 v4, v3;
	v4 =	vmul.f32 v8, v8;
	v5 =	vld.idx.msk [tilespmem:v59+s21+$0x0], vm9  }
0x3c0: {  	vm6 =	vmmov vm2;
	v6 =	vnsel vm0, $0x0, v6;
	v8 =	vmul.f32 v9, v9  }
0x3c1: {  	v6 =	vadd.f32 v6, v0;
	v0 =	vnsel vm6, $0x0, v4;
	v7 =	vsub.f32 v7, v13  }
0x3c2: {  	v1 =	vadd.f32 v0, v1;
	v0 =	vnsel vm11, $0x0, v8;
	v4 =	vsub.f32 v20, v16  }
0x3c3: {  	vm13 =	vmmov vm15;
	v63 =	vadd.f32 v0, v2;
	v2 =	vmul.f32 v7, v7  }
0x3c4: {  	v4 =	vmul.f32 v4, v4;
	v8 =	vsub.f32 v61, v11;
	v5 =	vsub.f32 v62, v5  }
0x3c5: {  	vm12 =	vmmov vm10;
	v2 =	vnsel vm13, $0x0, v2  }
0x3c6: {  	v0 =	vnsel vm12, $0x0, v4;
	v4 =	vmul.f32 v8, v8;
	v5 =	vmul.f32 v5, v5  }
0x3c7: {  	vm14 =	vmmov vm8;
	vm15 =	vmmov vm9;
	v2 =	vadd.f32 v2, v6  }
0x3c8: {  	v0 =	vadd.f32 v0, v3;
	v3 =	vnsel vm14, $0x0, v4;
	v4 =	vnsel vm15, $0x0, v5  }
0x3c9: {  	s2 =	simm.s32 $0x1C800;
	v6 =	vadd.f32 v3, v1;
	v1 =	vadd.f32 v4, v63  }
0x3ca: {  	s1 =	simm.s32 $0x80;
	s4 =	sadd.s32 $0x0, s14;
	s0 =	simm.s32 $0x1C700  }
.LBB2_56:
0x3cb: {  	[tilespmem:s0], [sflag:$0x4] =	stream.linear.gather [hbm4b:s4+s3], $0x80, $0x38;
	[tilespmem:$0x1E780] =	vst v63  }
0x3cc: {  	s4 =	smov.u32 s1;
	s0 =	smov.u32 s2;
	p0 =	sne.s32 s1, $0xF80  }
.Ltmp27:
0x3cd: {  	s1 =	sadd.s32 $0x80, s1;
	(pc) =	sbr.rel @p0 .LBB2_56-.Ltmp27, $2  }
0x3ce: {  	_ =	sdelay $0x2  }
0x3cf: {  	s2 =	sadd.s32 $0x100, s2;
	s4 =	sadd.s32 s4, s14  }
0x3d0: {  	[tilespmem:s0], [sflag:$0x4] =	stream.linear.gather [hbm4b:s4+s3], $0x80, $0x38;
	[tilespmem:$0x1E780] =	vst v63  }
0x3d1: {  	_ =	swait.ge [sflag:s25], $0x1000  }
0x3d2: {  	[sflag:s25] =	ssyncset.done $0x0  }
0x3d3: {  	s17 =	simm.s32 $0x19730;
	[sflag:s25] =	ssyncadd.s32 $0xFFFFF000  }
0x3d4: {  	s1 =	simm.s32 $0x0;
	v5 =	vld [tilespmem:s17+$0x0]  }
0x3d5: {  	s18 =	sand.u32 $0xFC0, s1  }
0x3d6: {  	v7 =	vld [tilespmem:s18+$0x19700]  }
0x3d7: {  	p0 =	por $0x0, $0x0;
	s0 =	simm.s32 $0x1;
	v3 =	vld [tilespmem:s17+$0xFFFFFFE0]  }
0x3d8: {  	s19 =	simm.s32 $0x19770;
	s0 =	simm.s32 @!p0 $0x0;
	v4 =	vld [tilespmem:s17+$0xFFFFFFF0]  }
0x3d9: {  	s0 =	sshll.u32 s0, $0x6;
	v8 =	vld [tilespmem:s19+$0xFFFFFFE0];
	vm2 =	vgt.s32 v5, $0xC37F  }
0x3da: {  	s0 =	sadd.s32 $0x0, s0;
	v9 =	vld [tilespmem:s19+$0xFFFFFFF0];
	v5 =	vadd.s32 $0xFFFF3C80, v5  }
0x3db: {  	v10 =	vld [tilespmem:s19+$0x0];
	s22 =	sor.u32 $0x80, s0;
	vm6 =	vgt.s32 v7, $0xC37F  }
0x3dc: {  	s2 =	sor.u32 $0x90, s0;
	v12 =	vld [tilespmem:s22+$0x1C700];
	vm5 =	vgt.s32 v3, $0xC37F;
	v7 =	vadd.s32 $0xFFFF3C80, v7  }
0x3dd: {  	s23 =	sor.u32 $0xA0, s0;
	v13 =	vld [tilespmem:s2+$0x1C700];
	v3 =	vadd.s32 $0xFFFF3C80, v3;
	vm3 =	vgt.s32 v4, $0xC37F  }
0x3de: {  	s20 =	simm.s32 $0x40;
	v15 =	vld [tilespmem:s23+$0x1C700];
	v4 =	vadd.s32 $0xFFFF3C80, v4  }
0x3df: {  	s1 =	sand.u32 $0xFC0, s20;
	v11 =	vld.idx.msk [tilespmem:v5+s21+$0x0], vm2  }
0x3e0: {  	v5 =	vld [tilespmem:s1+$0x19700]  }
0x3e1: {  	v7 =	vld.idx.msk [tilespmem:v7+s21+$0x0], vm6  }
0x3e2: {  	vm4 =	vgt.s32 v8, $0xC37F;
	v3 =	vld.idx.msk [tilespmem:v3+s21+$0x0], vm5  }
0x3e3: {  	s28 =	sor.u32 $0xB0, s0;
	v14 =	vadd.s32 $0xFFFF3C80, v8;
	vm1 =	vgt.s32 v9, $0xC37F;
	v4 =	vld.idx.msk [tilespmem:v4+s21+$0x0], vm3  }
0x3e4: {  	s0 =	simm.s32 $0x197B0;
	v17 =	vld [tilespmem:s28+$0x1C700];
	v16 =	vadd.s32 $0xFFFF3C80, v9;
	vm0 =	vgt.s32 v10, $0xC37F  }
0x3e5: {  	v9 =	vld [tilespmem:s0+$0xFFFFFFE0];
	v10 =	vadd.s32 $0xFFFF3C80, v10  }
0x3e6: {  	v8 =	vld [tilespmem:s0+$0xFFFFFFF0];
	vm8 =	vmmov vm3;
	vm7 =	vgt.s32 v5, $0xC37F;
	v12 =	vsub.f32 v12, v7  }
0x3e7: {  	vm6 =	vmmov vm6;
	v7 =	vld [tilespmem:s0+$0x0];
	v18 =	vadd.s32 $0xFFFF3C80, v5;
	v13 =	vsub.f32 v13, v3  }
0x3e8: {  	p0 =	por !p0, !p0;
	vm5 =	vmmov vm5;
	s1 =	simm.s32 $0x1;
	v3 =	vld.idx.msk [tilespmem:v14+s21+$0x0], vm4;
	v14 =	vsub.f32 v15, v4;
	v12 =	vmul.f32 v12, v12  }
0x3e9: {  	s29 =	simm.s32 $0x80;
	vm3 =	vmmov vm2;
	s1 =	simm.s32 @!p0 $0x0;
	v5 =	vld.idx.msk [tilespmem:v16+s21+$0x0], vm1;
	v11 =	vsub.f32 v17, v11;
	v13 =	vmul.f32 v13, v13  }
0x3ea: {  	s2 =	sand.u32 $0xFC0, s29;
	s31 =	sshll.u32 s1, $0x6;
	v4 =	vld.idx.msk [tilespmem:v10+s21+$0x0], vm0;
	vm4 =	vmmov vm4;
	v14 =	vmul.f32 v14, v14;
	v12 =	vnsel vm6, $0x0, v12  }
0x3eb: {  	s23 =	simm.s32 $0x80;
	s1 =	simm.s32 $0x80;
	s4 =	sadd.s32 $0x80, s31;
	v10 =	vld [tilespmem:s2+$0x19700];
	v13 =	vnsel vm5, $0x0, v13;
	v2 =	vadd.f32 v12, v2;
	v12 =	vmul.f32 v11, v11  }
0x3ec: {  	s10 =	sor.u32 $0x80, s4;
	s7 =	sor.u32 $0x90, s4;
	s2 =	simm.s32 $0xC0;
	vm2 =	vmmov vm7;
	v6 =	vadd.f32 v13, v6;
	v13 =	vnsel vm8, $0x0, v14;
	v11 =	vld.idx.msk [tilespmem:v18+s21+$0x0], vm7  }
.LBB2_58:
0x3ed: {  	p1 =	sne.s32 s2, $0xFC0;
	v14 =	vld [tilespmem:s10+$0x1C700];
	s10 =	sor.u32 $0xA0, s4;
	s4 =	sor.u32 $0xB0, s4;
	v1 =	vadd.f32 v13, v1;
	v12 =	vnsel vm3, $0x0, v12;
	vm5 =	vmmov vm1  }
0x3ee: {  	vm6 =	vgt.s32 v9, $0xC37F;
	vm3 =	vmmov vm0;
	v13 =	vld [tilespmem:s7+$0x1C700];
	v0 =	vadd.f32 v12, v0  }
0x3ef: {  	vm1 =	vgt.s32 v8, $0xC37F;
	v12 =	vadd.s32 $0xFFFF3C80, v9;
	v15 =	vld [tilespmem:s10+$0x1C700]  }
0x3f0: {  	v16 =	vadd.s32 $0xFFFF3C80, v8;
	vm0 =	vgt.s32 v7, $0xC37F;
	s0 =	sadd.s32 $0x40, s0;
	v17 =	vld [tilespmem:s4+$0x1C700]  }
0x3f1: {  	v18 =	vadd.s32 $0xFFFF3C80, v7;
	v9 =	vld [tilespmem:s0+$0xFFFFFFE0]  }
0x3f2: {  	vm7 =	vgt.s32 v10, $0xC37F;
	v8 =	vld [tilespmem:s0+$0xFFFFFFF0];
	v11 =	vsub.f32 v14, v11  }
0x3f3: {  	v14 =	vadd.s32 $0xFFFF3C80, v10;
	v7 =	vld [tilespmem:s0+$0x0];
	v10 =	vsub.f32 v13, v3  }
.Ltmp28:
0x3f4: {  	p0 =	por !p0, !p0;
	s4 =	simm.s32 $0x1;
	v3 =	vld.idx.msk [tilespmem:v12+s21+$0x0], vm6;
	v11 =	vmul.f32 v11, v11;
	v12 =	vsub.f32 v15, v5;
	(pc) =	sbr.rel @p1 .LBB2_58-.Ltmp28, $4  }
0x3f5: {  	s4 =	simm.s32 @!p0 $0x0;
	v5 =	vld.idx.msk [tilespmem:v16+s21+$0x0], vm1;
	v13 =	vmul.f32 v10, v10;
	v15 =	vsub.f32 v17, v4  }
0x3f6: {  	s1 =	sadd.s32 $0x80, s1;
	s7 =	sand.u32 $0xFC0, s2;
	s4 =	sshll.u32 s4, $0x6;
	v4 =	vld.idx.msk [tilespmem:v18+s21+$0x0], vm0;
	v11 =	vnsel vm2, $0x0, v11;
	v16 =	vmul.f32 v12, v12;
	vm2 =	vmmov vm7  }
0x3f7: {  	s4 =	sadd.s32 s4, s1;
	v10 =	vld [tilespmem:s7+$0x19700];
	v2 =	vadd.f32 v11, v2;
	v13 =	vnsel vm4, $0x0, v13;
	v12 =	vmul.f32 v15, v15  }
0x3f8: {  	s2 =	sadd.s32 $0x40, s2;
	s10 =	sor.u32 $0x80, s4;
	s7 =	sor.u32 $0x90, s4;
	vm4 =	vmmov vm6;
	v11 =	vld.idx.msk [tilespmem:v14+s21+$0x0], vm7;
	v6 =	vadd.f32 v13, v6;
	v13 =	vnsel vm5, $0x0, v16  }
0x3f9: {  	vm7 =	vgt.s32 v9, $0xC37F  }
0x3fa: {  	v54 =	vadd.s32 $0xFFFF3C80, v9;
	vm6 =	vgt.s32 v8, $0xC37F  }
0x3fb: {  	v14 =	vld [tilespmem:s10+$0x1C700];
	v55 =	vadd.s32 $0xFFFF3C80, v8;
	vm5 =	vgt.s32 v7, $0xC37F  }
0x3fc: {  	s0 =	sor.u32 $0xA0, s4;
	v15 =	vld [tilespmem:s7+$0x1C700];
	v56 =	vadd.s32 $0xFFFF3C80, v7  }
0x3fd: {  	s2 =	sor.u32 $0xB0, s4;
	p0 =	por !p0, !p0;
	v16 =	vld [tilespmem:s0+$0x1C700];
	s0 =	simm.s32 $0x1  }
0x3fe: {  	v17 =	vld [tilespmem:s2+$0x1C700];
	s0 =	simm.s32 @!p0 $0x0  }
0x3ff: {  	s1 =	sadd.s32 $0x80, s1;
	vm8 =	vgt.s32 v10, $0xC37F;
	s0 =	sshll.u32 s0, $0x6;
	v9 =	vld.idx.msk [tilespmem:v54+s21+$0x0], vm7  }
0x400: {  	v57 =	vadd.s32 $0xFFFF3C80, v10;
	s0 =	sadd.s32 s0, s1;
	v8 =	vld.idx.msk [tilespmem:v55+s21+$0x0], vm6  }
0x401: {  	s1 =	sor.u32 $0x80, s0;
	v7 =	vld.idx.msk [tilespmem:v56+s21+$0x0], vm5  }
0x402: {  	v12 =	vnsel vm3, $0x0, v12;
	s29 =	sor.u32 $0x90, s0;
	v58 =	vld [tilespmem:s1+$0x1C700]  }
0x403: {  	v1 =	vadd.f32 v13, v1;
	vm1 =	vmmov vm1;
	v0 =	vadd.f32 v12, v0;
	s31 =	sor.u32 $0xA0, s0;
	v59 =	vld [tilespmem:s29+$0x1C700]  }
0x404: {  	vm0 =	vmmov vm0;
	v11 =	vsub.f32 v14, v11;
	v5 =	vsub.f32 v16, v5;
	v60 =	vld [tilespmem:s31+$0x1C700]  }
0x405: {  	vm13 =	vmmov vm7;
	vm14 =	vmmov vm6;
	v3 =	vsub.f32 v15, v3;
	s0 =	sor.u32 $0xB0, s0;
	v10 =	vld.idx.msk [tilespmem:v57+s21+$0x0], vm8  }
0x406: {  	v4 =	vsub.f32 v17, v4;
	v61 =	vld [tilespmem:s0+$0x1C700];
	v11 =	vmul.f32 v11, v11;
	v5 =	vmul.f32 v5, v5  }
0x407: {  	vm15 =	vmmov vm5;
	vm12 =	vmmov vm8;
	v3 =	vmul.f32 v3, v3  }
0x408: {  	v4 =	vmul.f32 v4, v4;
	v11 =	vnsel vm2, $0x0, v11;
	v5 =	vnsel vm1, $0x0, v5  }
0x409: {  	v3 =	vnsel vm4, $0x0, v3;
	v1 =	vadd.f32 v5, v1;
	v5 =	vsub.f32 v59, v9  }
0x40a: {  	v4 =	vnsel vm0, $0x0, v4;
	v8 =	vsub.f32 v60, v8;
	v62 =	vsub.f32 v58, v10  }
0x40b: {  	v7 =	vsub.f32 v61, v7;
	v0 =	vadd.f32 v4, v0;
	v4 =	vmul.f32 v5, v5  }
0x40c: {  	v3 =	vadd.f32 v3, v6;
	v63 =	vmul.f32 v8, v8;
	v6 =	vmul.f32 v62, v62  }
0x40d: {  	v2 =	vadd.f32 v11, v2;
	v7 =	vmul.f32 v7, v7;
	v4 =	vnsel vm13, $0x0, v4  }
0x40e: {  	v3 =	vadd.f32 v4, v3;
	v4 =	vnsel vm14, $0x0, v63;
	v5 =	vnsel vm12, $0x0, v6  }
0x40f: {  	s4 =	sadd.s32 $0x0, s15;
	v1 =	vadd.f32 v4, v1;
	v2 =	vadd.f32 v5, v2;
	v5 =	vnsel vm15, $0x0, v7  }
0x410: {  	s2 =	simm.s32 $0x1C880;
	s0 =	simm.s32 $0x1C780;
	s1 =	simm.s32 $0x80;
	v0 =	vadd.f32 v5, v0  }
.LBB2_60:
0x411: {  	[tilespmem:s0], [sflag:$0x5] =	stream.linear.gather [hbm4b:s4+s3], $0x80, $0x38;
	[tilespmem:$0x1E780] =	vst v63  }
0x412: {  	s4 =	smov.u32 s1;
	s0 =	smov.u32 s2;
	p0 =	sne.s32 s1, $0xF80  }
.Ltmp29:
0x413: {  	s1 =	sadd.s32 $0x80, s1;
	(pc) =	sbr.rel @p0 .LBB2_60-.Ltmp29, $2  }
0x414: {  	_ =	sdelay $0x2  }
0x415: {  	s2 =	sadd.s32 $0x100, s2;
	s4 =	sadd.s32 s4, s15  }
0x416: {  	[tilespmem:s0], [sflag:$0x5] =	stream.linear.gather [hbm4b:s4+s3], $0x80, $0x38;
	[tilespmem:$0x1E780] =	vst v63  }
0x417: {  	_ =	swait.ge [sflag:s24], $0x1000  }
0x418: {  	[sflag:s24] =	ssyncset.done $0x0  }
0x419: {  	s18 =	simm.s32 $0x1A730;
	[sflag:s24] =	ssyncadd.s32 $0xFFFFF000  }
0x41a: {  	s1 =	simm.s32 $0x0;
	v5 =	vld [tilespmem:s18+$0xFFFFFFF0]  }
0x41b: {  	s19 =	sand.u32 $0xFC0, s1  }
0x41c: {  	v7 =	vld [tilespmem:s19+$0x1A700]  }
0x41d: {  	v4 =	vld [tilespmem:s18+$0xFFFFFFE0]  }
0x41e: {  	s20 =	simm.s32 $0x1A770;
	v6 =	vld [tilespmem:s18+$0x0]  }
0x41f: {  	v8 =	vld [tilespmem:s20+$0xFFFFFFE0];
	vm3 =	vgt.s32 v5, $0xC37F  }
0x420: {  	s29 =	sand.u32 $0x40, s1;
	s1 =	sand.u32 $0x1F00, s1;
	v9 =	vld [tilespmem:s20+$0xFFFFFFF0];
	v5 =	vadd.s32 $0xFFFF3C80, v5  }
0x421: {  	s0 =	sor.u32 s29, s1;
	v10 =	vld [tilespmem:s20+$0x0];
	vm6 =	vgt.s32 v7, $0xC37F  }
0x422: {  	s1 =	sadd.s32 $0x1C700, s0;
	v12 =	vld [tilespmem:s0+$0x1C700];
	vm5 =	vgt.s32 v4, $0xC37F;
	v7 =	vadd.s32 $0xFFFF3C80, v7  }
0x423: {  	v13 =	vld [tilespmem:s1+$0x10];
	v4 =	vadd.s32 $0xFFFF3C80, v4  }
0x424: {  	s22 =	simm.s32 $0x40;
	v15 =	vld [tilespmem:s1+$0x20];
	vm2 =	vgt.s32 v6, $0xC37F  }
0x425: {  	s28 =	sand.u32 $0xFC0, s22;
	v6 =	vadd.s32 $0xFFFF3C80, v6;
	v11 =	vld.idx.msk [tilespmem:v5+s21+$0x0], vm3  }
0x426: {  	v5 =	vld [tilespmem:s28+$0x1A700]  }
0x427: {  	v7 =	vld.idx.msk [tilespmem:v7+s21+$0x0], vm6  }
0x428: {  	vm4 =	vgt.s32 v8, $0xC37F;
	v4 =	vld.idx.msk [tilespmem:v4+s21+$0x0], vm5  }
0x429: {  	v17 =	vld [tilespmem:s1+$0x30];
	v14 =	vadd.s32 $0xFFFF3C80, v8;
	vm1 =	vgt.s32 v9, $0xC37F  }
0x42a: {  	s0 =	simm.s32 $0x1A7B0;
	v16 =	vadd.s32 $0xFFFF3C80, v9;
	vm0 =	vgt.s32 v10, $0xC37F;
	v6 =	vld.idx.msk [tilespmem:v6+s21+$0x0], vm2  }
0x42b: {  	v9 =	vld [tilespmem:s0+$0xFFFFFFE0];
	v10 =	vadd.s32 $0xFFFF3C80, v10  }
0x42c: {  	v8 =	vld [tilespmem:s0+$0xFFFFFFF0];
	vm8 =	vmmov vm3;
	vm7 =	vgt.s32 v5, $0xC37F;
	v12 =	vsub.f32 v12, v7  }
0x42d: {  	vm6 =	vmmov vm6;
	v7 =	vld [tilespmem:s0+$0x0];
	v18 =	vadd.s32 $0xFFFF3C80, v5;
	v13 =	vsub.f32 v13, v4  }
0x42e: {  	vm5 =	vmmov vm5;
	v5 =	vld.idx.msk [tilespmem:v14+s21+$0x0], vm4;
	v11 =	vsub.f32 v15, v11;
	v12 =	vmul.f32 v12, v12  }
0x42f: {  	s1 =	simm.s32 $0x80;
	vm2 =	vmmov vm2;
	v4 =	vld.idx.msk [tilespmem:v16+s21+$0x0], vm1;
	v14 =	vsub.f32 v17, v6;
	v13 =	vmul.f32 v13, v13  }
0x430: {  	s2 =	simm.s32 $0x80;
	s7 =	sand.u32 $0xFC0, s1;
	v6 =	vld.idx.msk [tilespmem:v10+s21+$0x0], vm0;
	vm4 =	vmmov vm4;
	v15 =	vmul.f32 v11, v11;
	v12 =	vnsel vm6, $0x0, v12  }
0x431: {  	s31 =	sand.u32 $0x40, s22;
	s10 =	sand.u32 $0x1F00, s2;
	v10 =	vld [tilespmem:s7+$0x1A700];
	v13 =	vnsel vm5, $0x0, v13;
	v2 =	vadd.f32 v12, v2;
	v12 =	vmul.f32 v14, v14  }
0x432: {  	s4 =	simm.s32 $0xC0;
	s7 =	sor.u32 s31, s10;
	vm3 =	vmmov vm7;
	v3 =	vadd.f32 v13, v3;
	v13 =	vnsel vm8, $0x0, v15;
	v11 =	vld.idx.msk [tilespmem:v18+s21+$0x0], vm7  }
.LBB2_62:
0x433: {  	p0 =	sne.s32 s4, $0xFC0;
	s10 =	sadd.s32 $0x1C700, s7;
	v14 =	vld [tilespmem:s7+$0x1C700];
	v1 =	vadd.f32 v13, v1;
	v12 =	vnsel vm2, $0x0, v12;
	vm5 =	vmmov vm1  }
0x434: {  	vm6 =	vgt.s32 v9, $0xC37F;
	vm2 =	vmmov vm0;
	v13 =	vld [tilespmem:s10+$0x10];
	v0 =	vadd.f32 v12, v0  }
0x435: {  	vm1 =	vgt.s32 v8, $0xC37F;
	v12 =	vadd.s32 $0xFFFF3C80, v9;
	v15 =	vld [tilespmem:s10+$0x20]  }
0x436: {  	v16 =	vadd.s32 $0xFFFF3C80, v8;
	vm0 =	vgt.s32 v7, $0xC37F;
	s0 =	sadd.s32 $0x40, s0;
	v17 =	vld [tilespmem:s10+$0x30]  }
0x437: {  	v18 =	vadd.s32 $0xFFFF3C80, v7;
	v9 =	vld [tilespmem:s0+$0xFFFFFFE0]  }
0x438: {  	vm7 =	vgt.s32 v10, $0xC37F;
	v8 =	vld [tilespmem:s0+$0xFFFFFFF0];
	v11 =	vsub.f32 v14, v11  }
0x439: {  	v14 =	vadd.s32 $0xFFFF3C80, v10;
	v7 =	vld [tilespmem:s0+$0x0];
	v10 =	vsub.f32 v13, v5  }
.Ltmp30:
0x43a: {  	v5 =	vld.idx.msk [tilespmem:v12+s21+$0x0], vm6;
	v11 =	vmul.f32 v11, v11;
	v12 =	vsub.f32 v15, v4;
	(pc) =	sbr.rel @p0 .LBB2_62-.Ltmp30, $4  }
0x43b: {  	v4 =	vld.idx.msk [tilespmem:v16+s21+$0x0], vm1;
	v13 =	vmul.f32 v10, v10;
	v15 =	vsub.f32 v17, v6  }
0x43c: {  	s7 =	sand.u32 $0xFC0, s4;
	s2 =	sadd.s32 $0x80, s2;
	v6 =	vld.idx.msk [tilespmem:v18+s21+$0x0], vm0;
	v11 =	vnsel vm3, $0x0, v11;
	v16 =	vmul.f32 v12, v12;
	vm3 =	vmmov vm7  }
0x43d: {  	s10 =	sand.u32 $0x1F00, s2;
	v10 =	vld [tilespmem:s7+$0x1A700];
	s7 =	sand.u32 $0x40, s1;
	v2 =	vadd.f32 v11, v2;
	v13 =	vnsel vm4, $0x0, v13;
	v12 =	vmul.f32 v15, v15;
	s1 =	smov.u32 s4  }
0x43e: {  	s4 =	sadd.s32 $0x40, s4;
	vm4 =	vmmov vm6;
	s7 =	sor.u32 s7, s10;
	v11 =	vld.idx.msk [tilespmem:v14+s21+$0x0], vm7;
	v3 =	vadd.f32 v13, v3;
	v13 =	vnsel vm5, $0x0, v16  }
0x43f: {  	s0 =	sadd.s32 $0x1C700, s7  }
0x440: {  	v15 =	vld [tilespmem:s0+$0x10]  }
0x441: {  	s10 =	sadd.s32 $0x80, s2;
	v16 =	vld [tilespmem:s0+$0x20]  }
0x442: {  	vm6 =	vgt.s32 v9, $0xC37F;
	s1 =	sand.u32 $0x40, s1;
	v17 =	vld [tilespmem:s0+$0x30];
	s0 =	sand.u32 $0x1F00, s10  }
0x443: {  	v9 =	vadd.s32 $0xFFFF3C80, v9;
	vm7 =	vgt.s32 v8, $0xC37F;
	v14 =	vld [tilespmem:s7+$0x1C700];
	s0 =	sor.u32 s1, s0  }
0x444: {  	v8 =	vadd.s32 $0xFFFF3C80, v8;
	vm5 =	vgt.s32 v7, $0xC37F;
	s1 =	sadd.s32 $0x1C700, s0;
	v18 =	vld [tilespmem:s0+$0x1C700]  }
0x445: {  	v7 =	vadd.s32 $0xFFFF3C80, v7;
	vm9 =	vgt.s32 v10, $0xC37F;
	v19 =	vld [tilespmem:s1+$0x10]  }
0x446: {  	v10 =	vadd.s32 $0xFFFF3C80, v10;
	v20 =	vld [tilespmem:s1+$0x20]  }
0x447: {  	v21 =	vld [tilespmem:s1+$0x30]  }
0x448: {  	v9 =	vld.idx.msk [tilespmem:v9+s21+$0x0], vm6  }
0x449: {  	v1 =	vadd.f32 v13, v1;
	v11 =	vsub.f32 v14, v11;
	v8 =	vld.idx.msk [tilespmem:v8+s21+$0x0], vm7  }
0x44a: {  	v7 =	vld.idx.msk [tilespmem:v7+s21+$0x0], vm5;
	v5 =	vsub.f32 v15, v5;
	v4 =	vsub.f32 v16, v4  }
0x44b: {  	v12 =	vnsel vm2, $0x0, v12;
	v6 =	vsub.f32 v17, v6;
	v11 =	vmul.f32 v11, v11;
	v10 =	vld.idx.msk [tilespmem:v10+s21+$0x0], vm9;
	_ =	swait.ge [sflag:s25], $0x1000  }
0x44c: {  	vm1 =	vmmov vm1;
	v5 =	vmul.f32 v5, v5;
	v4 =	vmul.f32 v4, v4;
	[sflag:s25] =	ssyncset.done $0x0  }
0x44d: {  	s13 =	simm.s32 $0x1B730;
	s16 =	simm.s32 $0x0;
	vm0 =	vmmov vm0;
	v0 =	vadd.f32 v12, v0;
	v6 =	vmul.f32 v6, v6;
	[sflag:s25] =	ssyncadd.s32 $0xFFFFF000  }
0x44e: {  	s17 =	sand.u32 $0xFC0, s16;
	v11 =	vnsel vm3, $0x0, v11;
	v5 =	vnsel vm4, $0x0, v5;
	v4 =	vnsel vm1, $0x0, v4;
	v22 =	vld [tilespmem:s13+$0xFFFFFFE0]  }
0x44f: {  	v2 =	vadd.f32 v11, v2;
	v6 =	vnsel vm0, $0x0, v6;
	vm0 =	vmmov vm9;
	v13 =	vld [tilespmem:s17+$0x1B700]  }
0x450: {  	vm1 =	vmmov vm6;
	v1 =	vadd.f32 v4, v1;
	v4 =	vsub.f32 v19, v9;
	v14 =	vld [tilespmem:s13+$0xFFFFFFF0]  }
0x451: {  	s18 =	simm.s32 $0x1B770;
	p0 =	por $0x0, $0x0;
	s0 =	simm.s32 $0x1;
	vm6 =	vmmov vm7;
	v6 =	vadd.f32 v6, v0;
	v0 =	vsub.f32 v20, v8;
	v15 =	vld [tilespmem:s13+$0x0]  }
0x452: {  	s0 =	simm.s32 @!p0 $0x0;
	vm7 =	vmmov vm5;
	v7 =	vsub.f32 v21, v7;
	v12 =	vld [tilespmem:s18+$0xFFFFFFE0];
	v4 =	vmul.f32 v4, v4  }
0x453: {  	s19 =	simm.s32 $0x40;
	s0 =	sshll.u32 s0, $0x6;
	v3 =	vadd.f32 v5, v3;
	v60 =	vld [tilespmem:s18+$0xFFFFFFF0];
	v0 =	vmul.f32 v0, v0;
	v5 =	vsub.f32 v18, v10  }
0x454: {  	s1 =	sand.u32 $0xFC0, s19;
	s0 =	sadd.s32 $0x0, s0;
	v11 =	vld [tilespmem:s18+$0x0];
	v7 =	vmul.f32 v7, v7;
	v4 =	vnsel vm1, $0x0, v4;
	vm4 =	vgt.s32 v13, $0xC37F  }
0x455: {  	s29 =	sor.u32 $0xB0, s0;
	v61 =	vld [tilespmem:s1+$0x1B700];
	v5 =	vmul.f32 v5, v5;
	vm8 =	vgt.s32 v22, $0xC37F;
	v13 =	vadd.s32 $0xFFFF3C80, v13  }
0x456: {  	s22 =	sor.u32 $0x90, s0;
	v63 =	vld [tilespmem:s29+$0x1C700];
	v62 =	vadd.f32 v4, v3;
	v59 =	vadd.s32 $0xFFFF3C80, v22;
	vm3 =	vgt.s32 v14, $0xC37F  }
0x457: {  	s28 =	sor.u32 $0xA0, s0;
	v3 =	vld [tilespmem:s22+$0x1C700];
	v14 =	vadd.s32 $0xFFFF3C80, v14;
	vm2 =	vgt.s32 v15, $0xC37F;
	v15 =	vadd.s32 $0xFFFF3C80, v15  }
0x458: {  	s20 =	sor.u32 $0x80, s0;
	vm5 =	vgt.s32 v12, $0xC37F;
	v4 =	vadd.s32 $0xFFFF3C80, v12;
	v12 =	vld [tilespmem:s28+$0x1C700];
	v5 =	vnsel vm0, $0x0, v5  }
0x459: {  	v2 =	vadd.f32 v5, v2;
	v5 =	vld [tilespmem:s20+$0x1C700]  }
0x45a: {  	v0 =	vnsel vm6, $0x0, v0;
	v7 =	vnsel vm7, $0x0, v7;
	v13 =	vld.idx.msk [tilespmem:v13+s21+$0x0], vm4  }
0x45b: {  	v0 =	vadd.f32 v0, v1;
	v1 =	vadd.f32 v7, v6;
	vm6 =	vgt.s32 v61, $0xC37F;
	v10 =	vld.idx.msk [tilespmem:v59+s21+$0x0], vm8  }
0x45c: {  	v6 =	vadd.s32 $0xFFFF3C80, v11;
	vm0 =	vgt.s32 v11, $0xC37F;
	v11 =	vadd.s32 $0xFFFF3C80, v61;
	v14 =	vld.idx.msk [tilespmem:v14+s21+$0x0], vm3  }
0x45d: {  	s0 =	simm.s32 $0x1B7B0;
	v15 =	vld.idx.msk [tilespmem:v15+s21+$0x0], vm2  }
0x45e: {  	v9 =	vld [tilespmem:s0+$0xFFFFFFE0];
	vm1 =	vgt.s32 v60, $0xC37F  }
0x45f: {  	v8 =	vld [tilespmem:s0+$0xFFFFFFF0];
	v17 =	vadd.s32 $0xFFFF3C80, v60;
	v5 =	vsub.f32 v5, v13  }
0x460: {  	v7 =	vld [tilespmem:s0+$0x0];
	vm7 =	vmmov vm8;
	vm15 =	vmmov vm3;
	v10 =	vsub.f32 v3, v10  }
0x461: {  	p0 =	por !p0, !p0;
	s1 =	simm.s32 $0x1;
	vm4 =	vmmov vm4;
	v11 =	vld.idx.msk [tilespmem:v11+s21+$0x0], vm6;
	v12 =	vsub.f32 v12, v14;
	v13 =	vmul.f32 v5, v5  }
0x462: {  	s1 =	simm.s32 @!p0 $0x0;
	vm3 =	vmmov vm2;
	v3 =	vld.idx.msk [tilespmem:v4+s21+$0x0], vm5;
	v15 =	vsub.f32 v63, v15;
	v14 =	vmul.f32 v10, v10  }
0x463: {  	s31 =	simm.s32 $0x80;
	s4 =	sshll.u32 s1, $0x6;
	vm2 =	vmmov vm6;
	v4 =	vld.idx.msk [tilespmem:v6+s21+$0x0], vm0;
	v6 =	vnsel vm4, $0x0, v13;
	v13 =	vmul.f32 v12, v12  }
0x464: {  	s2 =	sand.u32 $0xFC0, s31;
	s1 =	simm.s32 $0x80;
	s4 =	sadd.s32 $0x80, s4;
	v5 =	vld.idx.msk [tilespmem:v17+s21+$0x0], vm1;
	v12 =	vmul.f32 v15, v15;
	v2 =	vadd.f32 v6, v2;
	v6 =	vnsel vm7, $0x0, v14  }
0x465: {  	s10 =	sor.u32 $0x80, s4;
	s7 =	sor.u32 $0x90, s4;
	v10 =	vld [tilespmem:s2+$0x1B700];
	s2 =	simm.s32 $0xC0;
	vm4 =	vmmov vm5;
	v6 =	vadd.f32 v6, v62;
	v13 =	vnsel vm15, $0x0, v13  }
.LBB2_64:
0x466: {  	p1 =	sne.s32 s2, $0xFC0;
	v14 =	vld [tilespmem:s10+$0x1C700];
	s10 =	sor.u32 $0xA0, s4;
	s4 =	sor.u32 $0xB0, s4;
	v0 =	vadd.f32 v13, v0;
	v12 =	vnsel vm3, $0x0, v12;
	vm5 =	vmmov vm1  }
0x467: {  	vm6 =	vgt.s32 v9, $0xC37F;
	vm3 =	vmmov vm0;
	v13 =	vld [tilespmem:s7+$0x1C700];
	v1 =	vadd.f32 v12, v1  }
0x468: {  	vm1 =	vgt.s32 v8, $0xC37F;
	v12 =	vadd.s32 $0xFFFF3C80, v9;
	v15 =	vld [tilespmem:s10+$0x1C700]  }
0x469: {  	v16 =	vadd.s32 $0xFFFF3C80, v8;
	vm0 =	vgt.s32 v7, $0xC37F;
	s0 =	sadd.s32 $0x40, s0;
	v17 =	vld [tilespmem:s4+$0x1C700]  }
0x46a: {  	v18 =	vadd.s32 $0xFFFF3C80, v7;
	v9 =	vld [tilespmem:s0+$0xFFFFFFE0]  }
0x46b: {  	vm7 =	vgt.s32 v10, $0xC37F;
	v8 =	vld [tilespmem:s0+$0xFFFFFFF0];
	v11 =	vsub.f32 v14, v11  }
0x46c: {  	v14 =	vadd.s32 $0xFFFF3C80, v10;
	v7 =	vld [tilespmem:s0+$0x0];
	v10 =	vsub.f32 v13, v3  }
.Ltmp31:
0x46d: {  	p0 =	por !p0, !p0;
	s4 =	simm.s32 $0x1;
	v3 =	vld.idx.msk [tilespmem:v12+s21+$0x0], vm6;
	v11 =	vmul.f32 v11, v11;
	v12 =	vsub.f32 v15, v5;
	(pc) =	sbr.rel @p1 .LBB2_64-.Ltmp31, $4  }
0x46e: {  	s4 =	simm.s32 @!p0 $0x0;
	v5 =	vld.idx.msk [tilespmem:v16+s21+$0x0], vm1;
	v13 =	vmul.f32 v10, v10;
	v15 =	vsub.f32 v17, v4  }
0x46f: {  	s1 =	sadd.s32 $0x80, s1;
	s7 =	sand.u32 $0xFC0, s2;
	s4 =	sshll.u32 s4, $0x6;
	v4 =	vld.idx.msk [tilespmem:v18+s21+$0x0], vm0;
	v11 =	vnsel vm2, $0x0, v11;
	v16 =	vmul.f32 v12, v12;
	vm2 =	vmmov vm7  }
0x470: {  	s4 =	sadd.s32 s4, s1;
	v10 =	vld [tilespmem:s7+$0x1B700];
	v2 =	vadd.f32 v11, v2;
	v13 =	vnsel vm4, $0x0, v13;
	v12 =	vmul.f32 v15, v15  }
0x471: {  	s2 =	sadd.s32 $0x40, s2;
	s10 =	sor.u32 $0x80, s4;
	s7 =	sor.u32 $0x90, s4;
	vm4 =	vmmov vm6;
	v11 =	vld.idx.msk [tilespmem:v14+s21+$0x0], vm7;
	v6 =	vadd.f32 v13, v6;
	v13 =	vnsel vm5, $0x0, v16  }
0x472: {  	vm7 =	vgt.s32 v9, $0xC37F  }
0x473: {  	v49 =	vadd.s32 $0xFFFF3C80, v9;
	vm6 =	vgt.s32 v8, $0xC37F  }
0x474: {  	v14 =	vld [tilespmem:s10+$0x1C700];
	v50 =	vadd.s32 $0xFFFF3C80, v8;
	vm5 =	vgt.s32 v7, $0xC37F  }
0x475: {  	s0 =	sor.u32 $0xA0, s4;
	v15 =	vld [tilespmem:s7+$0x1C700];
	v51 =	vadd.s32 $0xFFFF3C80, v7  }
0x476: {  	s2 =	sor.u32 $0xB0, s4;
	p0 =	por !p0, !p0;
	v16 =	vld [tilespmem:s0+$0x1C700];
	s0 =	simm.s32 $0x1  }
0x477: {  	v17 =	vld [tilespmem:s2+$0x1C700];
	s0 =	simm.s32 @!p0 $0x0  }
0x478: {  	s1 =	sadd.s32 $0x80, s1;
	s0 =	sshll.u32 s0, $0x6;
	v9 =	vld.idx.msk [tilespmem:v49+s21+$0x0], vm7  }
0x479: {  	vm8 =	vgt.s32 v10, $0xC37F;
	s0 =	sadd.s32 s0, s1;
	v8 =	vld.idx.msk [tilespmem:v50+s21+$0x0], vm6  }
0x47a: {  	v52 =	vadd.s32 $0xFFFF3C80, v10;
	s1 =	sor.u32 $0x80, s0;
	v7 =	vld.idx.msk [tilespmem:v51+s21+$0x0], vm5  }
0x47b: {  	s19 =	sor.u32 $0x90, s0;
	v53 =	vld [tilespmem:s1+$0x1C700]  }
0x47c: {  	v12 =	vnsel vm3, $0x0, v12;
	v0 =	vadd.f32 v13, v0;
	v11 =	vsub.f32 v14, v11;
	s20 =	sor.u32 $0xA0, s0;
	v54 =	vld [tilespmem:s19+$0x1C700]  }
0x47d: {  	vm1 =	vmmov vm1;
	vm0 =	vmmov vm0;
	v3 =	vsub.f32 v15, v3;
	s0 =	sor.u32 $0xB0, s0;
	v55 =	vld [tilespmem:s20+$0x1C700]  }
0x47e: {  	v1 =	vadd.f32 v12, v1;
	vm13 =	vmmov vm7;
	v56 =	vld [tilespmem:s0+$0x1C700];
	v11 =	vmul.f32 v11, v11  }
0x47f: {  	vm14 =	vmmov vm6;
	vm15 =	vmmov vm5;
	v3 =	vmul.f32 v3, v3;
	v10 =	vld.idx.msk [tilespmem:v52+s21+$0x0], vm8  }
0x480: {  	vm12 =	vmmov vm8;
	v5 =	vsub.f32 v16, v5;
	v11 =	vnsel vm2, $0x0, v11  }
0x481: {  	v4 =	vsub.f32 v17, v4;
	v3 =	vnsel vm4, $0x0, v3;
	v2 =	vadd.f32 v11, v2  }
0x482: {  	v5 =	vmul.f32 v5, v5;
	v3 =	vadd.f32 v3, v6;
	v58 =	vsub.f32 v54, v9  }
0x483: {  	v4 =	vmul.f32 v4, v4;
	v8 =	vsub.f32 v55, v8;
	v7 =	vsub.f32 v56, v7  }
0x484: {  	v5 =	vnsel vm1, $0x0, v5;
	v59 =	vmul.f32 v58, v58;
	v57 =	vsub.f32 v53, v10  }
0x485: {  	v4 =	vnsel vm0, $0x0, v4;
	v61 =	vmul.f32 v8, v8;
	v7 =	vmul.f32 v7, v7  }
0x486: {  	v0 =	vadd.f32 v5, v0;
	v1 =	vadd.f32 v4, v1;
	v6 =	vmul.f32 v57, v57  }
0x487: {  	v4 =	vnsel vm13, $0x0, v59;
	v62 =	vnsel vm14, $0x0, v61;
	v63 =	vnsel vm15, $0x0, v7  }
0x488: {  	v3 =	vadd.f32 v4, v3;
	v0 =	vadd.f32 v62, v0;
	v60 =	vnsel vm12, $0x0, v6  }
0x489: {  	v1 =	vadd.f32 v63, v1;
	v2 =	vadd.f32 v60, v2;
	_ =	sdelay $0x1  }
0x48a: {  	v0 =	vadd.f32 v1, v0;
	v2 =	vadd.f32 v3, v2;
	_ =	sdelay $0x1  }
0x48b: {  	v0 =	vadd.f32 v0, v2;
	_ =	sdelay $0x1  }
0x48c: {  	s22 =	rddreg [dreg:$0x9];
	s28 =	simm.s32 $0x1E700;
	s29 =	simm.s32 $0x6;
	[tilespmem:$0x1E700] =	vst v0  }
0x48d: {  	[hbm4b:s22+s3] =	stream.linear.scatter [tilespmem:s28], [sflag:$0x6], $0x80, $0x38;
	[tilespmem:$0x1E780] =	vst v63  }
0x48e: {  	_ =	swait.ge [sflag:s29], $0x80  }
0x48f: {  	s30 =	sadd.s32 $0x1, s30;
	s31 =	rddreg [dreg:$0xa]  }
0x490: {  	p0 =	sne.s32 s30, s31  }
.Ltmp32:
0x491: {  	_ = 	snop;
	(pc) =	sbr.rel @p0 .LBB2_1-.Ltmp32, $3  }
0x492: {  	_ =	sdelay $0x1  }
0x493: {  	[sflag:s29] =	ssyncset.done $0x0  }
0x494: {  	[sflag:s29] =	ssyncadd.s32 $0xFFFFFF80  }
0x495: {  	_ =	sfence.sel $0x180000  }
0x496: {  	[bflag:$0x0] =	sbarrier.arrive $0xFFFF  }
0x497: {  	_ =	strace $0x90000047  }
0x498: {  	s0 =	stileid.u32;
	[bflag:$0x2] =	sbarrier.arrive $0xFFFF  }
0x499: {  	p0 =	sne.s32 s0, $0x0;
	s0 =	rddreg [dreg:$0x4]  }
0x49a: {  	s0 =	sadd.s32 @!p0 $0x100000, s0  }
0x49b: {  	[sflag:s0] =	ssyncadd.tile.s32 @!p0 $0x1;
	_ =	shalt  }
.Lfunc_end2:
_tile_overlayer_lowered:
.L_overlay_start_2:
0x49c: {  	(tag) =	ssettag $0x2  }
0x49d: {  	s0 =	rddreg [dreg:$0x0];
	s2 =	stileid.u32  }
0x49e: {  	s1 =	rddreg [dreg:$0x1];
	p0 =	sne.s32 s2, $0x0  }
0x49f: {  	s3 =	rddreg [dreg:$0x2];
	[bflag:$0x3] =	sbarrier.arrive $0xFFFF;
	s2 =	simm.s32 @!p0 $0x1C06  }
0x4a0: {  	[timem:s3], [sflag:s2] =	dma.local @!p0 [hbm:s0], s1  }
0x4a1: {  	s0 =	simm.s32 @!p0 $0x6  }
0x4a2: {  	_ =	swait.ge @!p0 [sflag:s0], s1  }
0x4a3: {  	s1 =	ssub.s32 @!p0 $0x0, s1;
	[sflag:s0] =	ssyncset.done @!p0 $0x0  }
0x4a4: {  	[sflag:s0] =	ssyncadd.s32 @!p0 s1  }
0x4a5: {  	[bflag:$0x3] =	sbarrier.arrive $0xFFFF  }
0x4a6: {  	_ =	shalt  }

</sc_bundles>
